<compile_context>
chip_gen: v7x
topology: tpu7x:2x2x1
jax: 0.10.2.dev20260603
libtpu: 0.0.44.dev20260713+nightly
codegen_flags: <defaults>
</compile_context>

<pallas_src>
import functools
import math

import jax
import jax.numpy as jnp
from jax import lax
from jax.experimental import pallas as pl
from jax.experimental.pallas import tpu as pltpu
from jax.experimental.pallas import tpu_sc as plsc

EMB = 64
LANES = 16
NC = 2
NS = 16
NW = NC * NS
BLK = 128
NBUF = 5


def _pe_table(seq: int) -> jax.Array:
    den = jnp.exp(-jnp.arange(0, EMB, 2, dtype=jnp.float32)
                  * (math.log(10000.0) / EMB))
    pos = jnp.arange(0, seq, dtype=jnp.float32).reshape(seq, 1)
    pe = jnp.zeros((seq, EMB), dtype=jnp.float32)
    pe = pe.at[:, 0::2].set(jnp.sin(pos * den))
    pe = pe.at[:, 1::2].set(jnp.cos(pos * den))
    return pe


def _sc_body(nblk, nblk_w, batch, table_hbm, idx_hbm, pe_hbm, out_hbm,
             idx_v, pe_v, rin, rout, gsem, osem):
    wid = lax.axis_index("s") * NC + lax.axis_index("c")
    blk0 = wid * nblk_w
    row0 = blk0 * BLK

    pltpu.sync_copy(idx_hbm.at[wid], idx_v)
    pltpu.sync_copy(pe_hbm, pe_v)

    def gather(k, j):
        return pltpu.make_async_copy(
            table_hbm.at[idx_v.at[k]], rin[j], gsem[j])

    def put(k, j):
        return pltpu.make_async_copy(
            rout[j], out_hbm.at[pl.ds(row0 // 2 + k * (BLK // 2), BLK // 2)],
            osem[j])

    for j in range(NBUF):
        gather(j, j).start()

    def outer(kk, carry):
        for j in range(NBUF):
            k = kk * NBUF + j
            gather(k, j).wait()

            @pl.when(kk >= 1)
            def _():
                put(k, j).wait()

            s = (row0 + k * BLK) // batch
            pbase = 64 * (s % 2)
            pvec = [pe_v[s // 2, pl.ds(pbase + LANES * t, LANES)]
                    for t in range(EMB // LANES)]

            @plsc.parallel_loop(0, BLK // 2, unroll=4)
            def _(rr):
                for u in range(2 * EMB // LANES):
                    t = u % (EMB // LANES)
                    r = 2 * rr + u // (EMB // LANES)
                    rout[j][rr, pl.ds(LANES * u, LANES)] = (
                        rin[j][r, pl.ds(LANES * t, LANES)] * 8.0 + pvec[t])

            put(k, j).start()

            @pl.when(kk < nblk_w // NBUF - 1)
            def _():
                gather(k + NBUF, j).start()
        return carry

    lax.fori_loop(0, nblk_w // NBUF, outer, 0)

    for j in range(NBUF):
        put(0, j).wait()


def kernel(x, table):
    seq, batch = x.shape
    vocab, emb = table.shape
    assert emb == EMB
    n = seq * batch
    assert n % (NW * BLK * NBUF) == 0 and batch % BLK == 0
    nblk = n // BLK
    nblk_w = nblk // NW

    pe = _pe_table(seq).reshape(seq // 2, 2 * EMB)
    idx = x.reshape(NW, nblk_w, BLK)

    mesh = plsc.VectorSubcoreMesh(core_axis_name="c", subcore_axis_name="s")
    run = pl.kernel(
        functools.partial(_sc_body, nblk, nblk_w, batch),
        out_type=jax.ShapeDtypeStruct((n * EMB // 128, 128), jnp.float32),
        mesh=mesh,
        compiler_params=pltpu.CompilerParams(use_tc_tiling_on_sc=False),
        scratch_types=[
            pltpu.VMEM((nblk_w, BLK), jnp.int32),
            pltpu.VMEM((seq // 2, 2 * EMB), jnp.float32),
            [pltpu.VMEM((BLK, EMB), jnp.float32)] * NBUF,
            [pltpu.VMEM((BLK // 2, 128), jnp.float32)] * NBUF,
            [pltpu.SemaphoreType.DMA] * NBUF,
            [pltpu.SemaphoreType.DMA] * NBUF,
        ],
    )
    out = run(table, idx, pe)
    return out.reshape(seq, batch, EMB)

# --- scband reference (transcript-rebuilt; emitter-appended) ---
"""Pipeline reference for scband-positional-encoding-51067161149884 (READ-ONLY COPY).

The authoritative reference and input builder live on the scoring server;
editing this copy changes nothing except your own understanding.
"""

import jax, jax.numpy as jnp
import numpy as np
import math

EMB_SIZE = 64
VOCAB = 1000000
MAX_LEN = 2000
SEQ = 200
BATCH = 1024


def _pos_embedding():
    den = jnp.exp(-jnp.arange(0, EMB_SIZE, 2, dtype=jnp.float32) * (math.log(10000.0) / EMB_SIZE))
    pos = jnp.arange(0, MAX_LEN, dtype=jnp.float32).reshape(MAX_LEN, 1)
    pe = jnp.zeros((MAX_LEN, EMB_SIZE), dtype=jnp.float32)
    pe = pe.at[:, 0::2].set(jnp.sin(pos * den))
    pe = pe.at[:, 1::2].set(jnp.cos(pos * den))
    return pe[:, None, :]


def setup_inputs(seed: int = 0) -> dict:
    key = jax.random.key(seed)
    k1, k2 = jax.random.split(key)
    x = jax.random.randint(k1, (SEQ, BATCH), 0, VOCAB, dtype=jnp.int32)
    table = jax.random.normal(k2, (VOCAB, EMB_SIZE), dtype=jnp.float32)
    return {"x": x, "table": table}


def reference(x, table):
    # TokenEmbedding: lookup * sqrt(emb_size)
    emb = jnp.take(table, x, axis=0) * math.sqrt(EMB_SIZE)
    # add positional encoding buffer (broadcast over batch dim); dropout p=0.0 -> identity
    pe = _pos_embedding()
    return emb + pe[: x.shape[0]]

if __name__ == "__main__":
    import jax
    _d = setup_inputs()
    print(jax.jit(kernel)(*tuple(_d.values())))

</pallas_src>

<mosaic_0001>
#map = affine_map<(d0, d1) -> (0, 0)>
#map1 = affine_map<(d0, d1) -> (0, 0, 0)>
module attributes {stable_mosaic.version = 14 : i64} {
  func.func @_sc_body(%arg0: i32, %arg1: i32, %arg2: memref<1000000x64xf32, #tpu.memory_space<hbm>>, %arg3: memref<32x50x128xi32, #tpu.memory_space<hbm>>, %arg4: memref<100x128xf32, #tpu.memory_space<hbm>>, %arg5: memref<102400x128xf32, #tpu.memory_space<hbm>>, %arg6: memref<50x128xi32, #tpu.memory_space<vmem>>, %arg7: memref<100x128xf32, #tpu.memory_space<vmem>>, %arg8: memref<128x64xf32, #tpu.memory_space<vmem>>, %arg9: memref<128x64xf32, #tpu.memory_space<vmem>>, %arg10: memref<128x64xf32, #tpu.memory_space<vmem>>, %arg11: memref<128x64xf32, #tpu.memory_space<vmem>>, %arg12: memref<128x64xf32, #tpu.memory_space<vmem>>, %arg13: memref<64x128xf32, #tpu.memory_space<vmem>>, %arg14: memref<64x128xf32, #tpu.memory_space<vmem>>, %arg15: memref<64x128xf32, #tpu.memory_space<vmem>>, %arg16: memref<64x128xf32, #tpu.memory_space<vmem>>, %arg17: memref<64x128xf32, #tpu.memory_space<vmem>>, %arg18: memref<!tpu.dma_semaphore, #tpu.memory_space<semaphore_mem>>, %arg19: memref<!tpu.dma_semaphore, #tpu.memory_space<semaphore_mem>>, %arg20: memref<!tpu.dma_semaphore, #tpu.memory_space<semaphore_mem>>, %arg21: memref<!tpu.dma_semaphore, #tpu.memory_space<semaphore_mem>>, %arg22: memref<!tpu.dma_semaphore, #tpu.memory_space<semaphore_mem>>, %arg23: memref<!tpu.dma_semaphore, #tpu.memory_space<semaphore_mem>>, %arg24: memref<!tpu.dma_semaphore, #tpu.memory_space<semaphore_mem>>, %arg25: memref<!tpu.dma_semaphore, #tpu.memory_space<semaphore_mem>>, %arg26: memref<!tpu.dma_semaphore, #tpu.memory_space<semaphore_mem>>, %arg27: memref<!tpu.dma_semaphore, #tpu.memory_space<semaphore_mem>>) attributes {dimension_semantics = [#tpu.dimension_semantics<core_parallel>, #tpu.dimension_semantics<subcore_parallel>], iteration_bounds = array<i64: 2, 16>, scalar_prefetch = 0 : i64, scratch_operands = 22 : i64, tpu.core_type = #tpu.core_type<sc_vector_subcore>, window_params = [{transform_indices = #map}, {transform_indices = #map1}, {transform_indices = #map}, {transform_indices = #map}]} {
    %mul3A = arith.constant 2 : i32
    %mul3A_0 = arith.muli %arg1, %mul3A : i32
    %add3A = arith.addi %mul3A_0, %arg0 : i32
    %mul3A_1 = arith.constant 50 : i32
    %mul3A_2 = arith.muli %add3A, %mul3A_1 : i32
    %mul3A_3 = arith.constant 128 : i32
    %mul3A_4 = arith.muli %mul3A_2, %mul3A_3 : i32
    "tpu.region"() ({
      %run_scoped3A = tpu.sem_alloc : memref<!tpu.dma_semaphore, #tpu.memory_space<semaphore_mem>>
      %dma_start3A_185 = arith.constant 0 : i32
      %dma_start3A_186 = arith.constant 0 : i32
      %dma_start3A_187 = tpu.memref_slice %arg3[%add3A, %dma_start3A_185, %dma_start3A_186] : memref<32x50x128xi32, #tpu.memory_space<hbm>> -> memref<1x50x128xi32, #tpu.memory_space<hbm>>
      %dma_start3A_188 = tpu.memref_squeeze %dma_start3A_187 : memref<1x50x128xi32, #tpu.memory_space<hbm>> -> memref<50x128xi32, #tpu.memory_space<hbm>>
      %dma_start3A_189 = arith.constant 0 : i32
      %dma_start3A_190 = arith.constant 0 : i32
      %dma_start3A_191 = tpu.memref_slice %arg3[%add3A, %dma_start3A_189, %dma_start3A_190] : memref<32x50x128xi32, #tpu.memory_space<hbm>> -> memref<1x50x128xi32, #tpu.memory_space<hbm>>
      %dma_start3A_192 = tpu.memref_squeeze %dma_start3A_191 : memref<1x50x128xi32, #tpu.memory_space<hbm>> -> memref<50x128xi32, #tpu.memory_space<hbm>>
      tpu.enqueue_dma source(%dma_start3A_192 : memref<50x128xi32, #tpu.memory_space<hbm>>) target(%arg6 : memref<50x128xi32, #tpu.memory_space<vmem>>) target_semaphore(%run_scoped3A : memref<!tpu.dma_semaphore, #tpu.memory_space<semaphore_mem>>)
      %dma_wait3A_193 = arith.constant 0 : i32
      %dma_wait3A_194 = arith.constant 0 : i32
      %dma_wait3A_195 = tpu.memref_slice %arg3[%add3A, %dma_wait3A_193, %dma_wait3A_194] : memref<32x50x128xi32, #tpu.memory_space<hbm>> -> memref<1x50x128xi32, #tpu.memory_space<hbm>>
      %dma_wait3A_196 = tpu.memref_squeeze %dma_wait3A_195 : memref<1x50x128xi32, #tpu.memory_space<hbm>> -> memref<50x128xi32, #tpu.memory_space<hbm>>
      %dma_wait3A_197 = arith.constant 0 : i32
      %dma_wait3A_198 = arith.constant 0 : i32
      %dma_wait3A_199 = tpu.memref_slice %arg3[%add3A, %dma_wait3A_197, %dma_wait3A_198] : memref<32x50x128xi32, #tpu.memory_space<hbm>> -> memref<1x50x128xi32, #tpu.memory_space<hbm>>
      %dma_wait3A_200 = tpu.memref_squeeze %dma_wait3A_199 : memref<1x50x128xi32, #tpu.memory_space<hbm>> -> memref<50x128xi32, #tpu.memory_space<hbm>>
      tpu.wait_dma2 semaphore(%run_scoped3A : memref<!tpu.dma_semaphore, #tpu.memory_space<semaphore_mem>>) src(%dma_wait3A_200 : memref<50x128xi32, #tpu.memory_space<hbm>>) dst(%arg6 : memref<50x128xi32, #tpu.memory_space<vmem>>)
      tpu.yield
    }) : () -> ()
    "tpu.region"() ({
      %run_scoped3A = tpu.sem_alloc : memref<!tpu.dma_semaphore, #tpu.memory_space<semaphore_mem>>
      tpu.enqueue_dma source(%arg4 : memref<100x128xf32, #tpu.memory_space<hbm>>) target(%arg7 : memref<100x128xf32, #tpu.memory_space<vmem>>) target_semaphore(%run_scoped3A : memref<!tpu.dma_semaphore, #tpu.memory_space<semaphore_mem>>)
      tpu.wait_dma2 semaphore(%run_scoped3A : memref<!tpu.dma_semaphore, #tpu.memory_space<semaphore_mem>>) src(%arg4 : memref<100x128xf32, #tpu.memory_space<hbm>>) dst(%arg7 : memref<100x128xf32, #tpu.memory_space<vmem>>)
      tpu.yield
    }) : () -> ()
    %dma_start3A = arith.constant 0 : i32
    %dma_start3A_5 = arith.constant 0 : i32
    %dma_start3A_6 = tpu.memref_slice %arg6[%dma_start3A, %dma_start3A_5] : memref<50x128xi32, #tpu.memory_space<vmem>> -> memref<1x128xi32, #tpu.memory_space<vmem>>
    %dma_start3A_7 = tpu.memref_squeeze %dma_start3A_6 : memref<1x128xi32, #tpu.memory_space<vmem>> -> memref<128xi32, #tpu.memory_space<vmem>>
    %dma_start3A_8 = arith.constant 0 : i32
    %dma_start3A_9 = arith.constant 0 : i32
    %dma_start3A_10 = tpu.memref_slice %arg2[%dma_start3A_8, %dma_start3A_9] : memref<1000000x64xf32, #tpu.memory_space<hbm>> -> memref<1000000x64xf32, #tpu.memory_space<hbm>>
    tpu.enqueue_indirect_dma source(%dma_start3A_10 : memref<1000000x64xf32, #tpu.memory_space<hbm>>) target(%arg8 : memref<128x64xf32, #tpu.memory_space<vmem>>) offsets(%dma_start3A_7 : memref<128xi32, #tpu.memory_space<vmem>>) semaphore(%arg18 : memref<!tpu.dma_semaphore, #tpu.memory_space<semaphore_mem>>)
    %dma_start3A_11 = arith.constant 1 : i32
    %dma_start3A_12 = arith.constant 0 : i32
    %dma_start3A_13 = tpu.memref_slice %arg6[%dma_start3A_11, %dma_start3A_12] : memref<50x128xi32, #tpu.memory_space<vmem>> -> memref<1x128xi32, #tpu.memory_space<vmem>>
    %dma_start3A_14 = tpu.memref_squeeze %dma_start3A_13 : memref<1x128xi32, #tpu.memory_space<vmem>> -> memref<128xi32, #tpu.memory_space<vmem>>
    %dma_start3A_15 = arith.constant 0 : i32
    %dma_start3A_16 = arith.constant 0 : i32
    %dma_start3A_17 = tpu.memref_slice %arg2[%dma_start3A_15, %dma_start3A_16] : memref<1000000x64xf32, #tpu.memory_space<hbm>> -> memref<1000000x64xf32, #tpu.memory_space<hbm>>
    tpu.enqueue_indirect_dma source(%dma_start3A_17 : memref<1000000x64xf32, #tpu.memory_space<hbm>>) target(%arg9 : memref<128x64xf32, #tpu.memory_space<vmem>>) offsets(%dma_start3A_14 : memref<128xi32, #tpu.memory_space<vmem>>) semaphore(%arg19 : memref<!tpu.dma_semaphore, #tpu.memory_space<semaphore_mem>>)
    %dma_start3A_18 = arith.constant 2 : i32
    %dma_start3A_19 = arith.constant 0 : i32
    %dma_start3A_20 = tpu.memref_slice %arg6[%dma_start3A_18, %dma_start3A_19] : memref<50x128xi32, #tpu.memory_space<vmem>> -> memref<1x128xi32, #tpu.memory_space<vmem>>
    %dma_start3A_21 = tpu.memref_squeeze %dma_start3A_20 : memref<1x128xi32, #tpu.memory_space<vmem>> -> memref<128xi32, #tpu.memory_space<vmem>>
    %dma_start3A_22 = arith.constant 0 : i32
    %dma_start3A_23 = arith.constant 0 : i32
    %dma_start3A_24 = tpu.memref_slice %arg2[%dma_start3A_22, %dma_start3A_23] : memref<1000000x64xf32, #tpu.memory_space<hbm>> -> memref<1000000x64xf32, #tpu.memory_space<hbm>>
    tpu.enqueue_indirect_dma source(%dma_start3A_24 : memref<1000000x64xf32, #tpu.memory_space<hbm>>) target(%arg10 : memref<128x64xf32, #tpu.memory_space<vmem>>) offsets(%dma_start3A_21 : memref<128xi32, #tpu.memory_space<vmem>>) semaphore(%arg20 : memref<!tpu.dma_semaphore, #tpu.memory_space<semaphore_mem>>)
    %dma_start3A_25 = arith.constant 3 : i32
    %dma_start3A_26 = arith.constant 0 : i32
    %dma_start3A_27 = tpu.memref_slice %arg6[%dma_start3A_25, %dma_start3A_26] : memref<50x128xi32, #tpu.memory_space<vmem>> -> memref<1x128xi32, #tpu.memory_space<vmem>>
    %dma_start3A_28 = tpu.memref_squeeze %dma_start3A_27 : memref<1x128xi32, #tpu.memory_space<vmem>> -> memref<128xi32, #tpu.memory_space<vmem>>
    %dma_start3A_29 = arith.constant 0 : i32
    %dma_start3A_30 = arith.constant 0 : i32
    %dma_start3A_31 = tpu.memref_slice %arg2[%dma_start3A_29, %dma_start3A_30] : memref<1000000x64xf32, #tpu.memory_space<hbm>> -> memref<1000000x64xf32, #tpu.memory_space<hbm>>
    tpu.enqueue_indirect_dma source(%dma_start3A_31 : memref<1000000x64xf32, #tpu.memory_space<hbm>>) target(%arg11 : memref<128x64xf32, #tpu.memory_space<vmem>>) offsets(%dma_start3A_28 : memref<128xi32, #tpu.memory_space<vmem>>) semaphore(%arg21 : memref<!tpu.dma_semaphore, #tpu.memory_space<semaphore_mem>>)
    %dma_start3A_32 = arith.constant 4 : i32
    %dma_start3A_33 = arith.constant 0 : i32
    %dma_start3A_34 = tpu.memref_slice %arg6[%dma_start3A_32, %dma_start3A_33] : memref<50x128xi32, #tpu.memory_space<vmem>> -> memref<1x128xi32, #tpu.memory_space<vmem>>
    %dma_start3A_35 = tpu.memref_squeeze %dma_start3A_34 : memref<1x128xi32, #tpu.memory_space<vmem>> -> memref<128xi32, #tpu.memory_space<vmem>>
    %dma_start3A_36 = arith.constant 0 : i32
    %dma_start3A_37 = arith.constant 0 : i32
    %dma_start3A_38 = tpu.memref_slice %arg2[%dma_start3A_36, %dma_start3A_37] : memref<1000000x64xf32, #tpu.memory_space<hbm>> -> memref<1000000x64xf32, #tpu.memory_space<hbm>>
    tpu.enqueue_indirect_dma source(%dma_start3A_38 : memref<1000000x64xf32, #tpu.memory_space<hbm>>) target(%arg12 : memref<128x64xf32, #tpu.memory_space<vmem>>) offsets(%dma_start3A_35 : memref<128xi32, #tpu.memory_space<vmem>>) semaphore(%arg22 : memref<!tpu.dma_semaphore, #tpu.memory_space<semaphore_mem>>)
    %scan3A = arith.constant 0 : i32
    %scan3A_39 = arith.constant 0 : i32
    %scan3A_40 = arith.constant 10 : i32
    %scan3A_41 = arith.addi %scan3A_39, %scan3A_40 : i32
    %scan3A_42 = arith.constant 1 : i32
    scf.for %scan3A_185 = %scan3A_39 to %scan3A_41 step %scan3A_42  : i32 {
      %mul3A_186 = arith.constant 5 : i32
      %mul3A_187 = arith.muli %scan3A_185, %mul3A_186 : i32
      %add3A_188 = arith.constant 0 : i32
      %add3A_189 = arith.addi %mul3A_187, %add3A_188 : i32
      %dma_wait3A_190 = arith.constant 0 : i32
      %dma_wait3A_191 = tpu.memref_slice %arg6[%add3A_189, %dma_wait3A_190] : memref<50x128xi32, #tpu.memory_space<vmem>> -> memref<1x128xi32, #tpu.memory_space<vmem>>
      %dma_wait3A_192 = tpu.memref_squeeze %dma_wait3A_191 : memref<1x128xi32, #tpu.memory_space<vmem>> -> memref<128xi32, #tpu.memory_space<vmem>>
      %dma_wait3A_193 = arith.constant 0 : i32
      %dma_wait3A_194 = arith.constant 0 : i32
      %dma_wait3A_195 = tpu.memref_slice %arg2[%dma_wait3A_193, %dma_wait3A_194] : memref<1000000x64xf32, #tpu.memory_space<hbm>> -> memref<1000000x64xf32, #tpu.memory_space<hbm>>
      tpu.wait_indirect_dma semaphore(%arg18 : memref<!tpu.dma_semaphore, #tpu.memory_space<semaphore_mem>>) src(%dma_wait3A_195 : memref<1000000x64xf32, #tpu.memory_space<hbm>>) dst(%arg8 : memref<128x64xf32, #tpu.memory_space<vmem>>)
      %ge3A = arith.constant 1 : i32
      %ge3A_196 = arith.cmpi sge, %scan3A_185, %ge3A : i32
      %convert_element_type3A = arith.extui %ge3A_196 : i1 to i32
      %cond3A = arith.constant 0 : i32
      %cond3A_197 = arith.cmpi ne, %convert_element_type3A, %cond3A : i32
      scf.if %cond3A_197 {
        %jit3A_1274 = arith.constant 2 : i32
        %div3A_1275 = arith.divsi %mul3A_4, %jit3A_1274 : i32
        %sign3A_1276 = arith.constant 0 : i32
        %sign3A_1277 = arith.cmpi sgt, %mul3A_4, %sign3A_1276 : i32
        %sign3A_1278 = arith.extui %sign3A_1277 : i1 to i32
        %sign3A_1279 = arith.constant 0 : i32
        %sign3A_1280 = arith.cmpi slt, %mul3A_4, %sign3A_1279 : i32
        %sign3A_1281 = arith.extui %sign3A_1280 : i1 to i32
        %sign3A_1282 = arith.subi %sign3A_1278, %sign3A_1281 : i32
        %sign3A_1283 = arith.constant 0 : i32
        %sign3A_1284 = arith.cmpi sgt, %jit3A_1274, %sign3A_1283 : i32
        %sign3A_1285 = arith.extui %sign3A_1284 : i1 to i32
        %sign3A_1286 = arith.constant 0 : i32
        %sign3A_1287 = arith.cmpi slt, %jit3A_1274, %sign3A_1286 : i32
        %sign3A_1288 = arith.extui %sign3A_1287 : i1 to i32
        %sign3A_1289 = arith.subi %sign3A_1285, %sign3A_1288 : i32
        %ne3A_1290 = arith.cmpi ne, %sign3A_1282, %sign3A_1289 : i32
        %rem3A_1291 = arith.remsi %mul3A_4, %jit3A_1274 : i32
        %ne3A_1292 = arith.constant 0 : i32
        %ne3A_1293 = arith.cmpi ne, %rem3A_1291, %ne3A_1292 : i32
        %and3A_1294 = arith.andi %ne3A_1290, %ne3A_1293 : i1
        %sub3A_1295 = arith.constant 1 : i32
        %sub3A_1296 = arith.subi %div3A_1275, %sub3A_1295 : i32
        %select_n3A_1297 = arith.select %and3A_1294, %sub3A_1296, %div3A_1275 : i32
        %mul3A_1298 = arith.constant 64 : i32
        %mul3A_1299 = arith.muli %add3A_189, %mul3A_1298 : i32
        %add3A_1300 = arith.addi %select_n3A_1297, %mul3A_1299 : i32
        %dma_wait3A_1301 = arith.constant 0 : i32
        %dma_wait3A_1302 = tpu.memref_slice %arg5[%add3A_1300, %dma_wait3A_1301] : memref<102400x128xf32, #tpu.memory_space<hbm>> -> memref<64x128xf32, #tpu.memory_space<hbm>>
        %dma_wait3A_1303 = arith.constant 0 : i32
        %dma_wait3A_1304 = tpu.memref_slice %arg5[%add3A_1300, %dma_wait3A_1303] : memref<102400x128xf32, #tpu.memory_space<hbm>> -> memref<64x128xf32, #tpu.memory_space<hbm>>
        tpu.wait_dma2 semaphore(%arg23 : memref<!tpu.dma_semaphore, #tpu.memory_space<semaphore_mem>>) src(%arg13 : memref<64x128xf32, #tpu.memory_space<vmem>>) dst(%dma_wait3A_1304 : memref<64x128xf32, #tpu.memory_space<hbm>>)
      } else {
      }
      %mul3A_198 = arith.constant 128 : i32
      %mul3A_199 = arith.muli %add3A_189, %mul3A_198 : i32
      %add3A_200 = arith.addi %mul3A_4, %mul3A_199 : i32
      %jit3A_201 = arith.constant 1024 : i32
      %div3A_202 = arith.divsi %add3A_200, %jit3A_201 : i32
      %sign3A_203 = arith.constant 0 : i32
      %sign3A_204 = arith.cmpi sgt, %add3A_200, %sign3A_203 : i32
      %sign3A_205 = arith.extui %sign3A_204 : i1 to i32
      %sign3A_206 = arith.constant 0 : i32
      %sign3A_207 = arith.cmpi slt, %add3A_200, %sign3A_206 : i32
      %sign3A_208 = arith.extui %sign3A_207 : i1 to i32
      %sign3A_209 = arith.subi %sign3A_205, %sign3A_208 : i32
      %sign3A_210 = arith.constant 0 : i32
      %sign3A_211 = arith.cmpi sgt, %jit3A_201, %sign3A_210 : i32
      %sign3A_212 = arith.extui %sign3A_211 : i1 to i32
      %sign3A_213 = arith.constant 0 : i32
      %sign3A_214 = arith.cmpi slt, %jit3A_201, %sign3A_213 : i32
      %sign3A_215 = arith.extui %sign3A_214 : i1 to i32
      %sign3A_216 = arith.subi %sign3A_212, %sign3A_215 : i32
      %ne3A_217 = arith.cmpi ne, %sign3A_209, %sign3A_216 : i32
      %rem3A_218 = arith.remsi %add3A_200, %jit3A_201 : i32
      %ne3A_219 = arith.constant 0 : i32
      %ne3A_220 = arith.cmpi ne, %rem3A_218, %ne3A_219 : i32
      %and3A_221 = arith.andi %ne3A_217, %ne3A_220 : i1
      %sub3A_222 = arith.constant 1 : i32
      %sub3A_223 = arith.subi %div3A_202, %sub3A_222 : i32
      %select_n3A_224 = arith.select %and3A_221, %sub3A_223, %div3A_202 : i32
      %jit3A_225 = arith.constant 2 : i32
      %eq3A = arith.constant 0 : i32
      %eq3A_226 = arith.cmpi eq, %jit3A_225, %eq3A : i32
      %jit3A_227 = arith.constant 1 : i32
      %select_n3A_228 = arith.select %eq3A_226, %jit3A_227, %jit3A_225 : i32
      %rem3A_229 = arith.remsi %select_n3A_224, %select_n3A_228 : i32
      %ne3A_230 = arith.constant 0 : i32
      %ne3A_231 = arith.cmpi ne, %rem3A_229, %ne3A_230 : i32
      %lt3A = arith.constant 0 : i32
      %lt3A_232 = arith.cmpi slt, %rem3A_229, %lt3A : i32
      %lt3A_233 = arith.constant 0 : i32
      %lt3A_234 = arith.cmpi slt, %select_n3A_228, %lt3A_233 : i32
      %ne3A_235 = arith.xori %lt3A_232, %lt3A_234 : i1
      %and3A_236 = arith.andi %ne3A_235, %ne3A_231 : i1
      %add3A_237 = arith.addi %rem3A_229, %select_n3A_228 : i32
      %select_n3A_238 = arith.select %and3A_236, %add3A_237, %rem3A_229 : i32
      %mul3A_239 = arith.constant 64 : i32
      %mul3A_240 = arith.muli %mul3A_239, %select_n3A_238 : i32
      %jit3A_241 = arith.constant 2 : i32
      %div3A_242 = arith.divsi %select_n3A_224, %jit3A_241 : i32
      %sign3A_243 = arith.constant 0 : i32
      %sign3A_244 = arith.cmpi sgt, %select_n3A_224, %sign3A_243 : i32
      %sign3A_245 = arith.extui %sign3A_244 : i1 to i32
      %sign3A_246 = arith.constant 0 : i32
      %sign3A_247 = arith.cmpi slt, %select_n3A_224, %sign3A_246 : i32
      %sign3A_248 = arith.extui %sign3A_247 : i1 to i32
      %sign3A_249 = arith.subi %sign3A_245, %sign3A_248 : i32
      %sign3A_250 = arith.constant 0 : i32
      %sign3A_251 = arith.cmpi sgt, %jit3A_241, %sign3A_250 : i32
      %sign3A_252 = arith.extui %sign3A_251 : i1 to i32
      %sign3A_253 = arith.constant 0 : i32
      %sign3A_254 = arith.cmpi slt, %jit3A_241, %sign3A_253 : i32
      %sign3A_255 = arith.extui %sign3A_254 : i1 to i32
      %sign3A_256 = arith.subi %sign3A_252, %sign3A_255 : i32
      %ne3A_257 = arith.cmpi ne, %sign3A_249, %sign3A_256 : i32
      %rem3A_258 = arith.remsi %select_n3A_224, %jit3A_241 : i32
      %ne3A_259 = arith.constant 0 : i32
      %ne3A_260 = arith.cmpi ne, %rem3A_258, %ne3A_259 : i32
      %and3A_261 = arith.andi %ne3A_257, %ne3A_260 : i1
      %sub3A_262 = arith.constant 1 : i32
      %sub3A_263 = arith.subi %div3A_242, %sub3A_262 : i32
      %select_n3A_264 = arith.select %and3A_261, %sub3A_263, %div3A_242 : i32
      %add3A_265 = arith.constant 0 : i32
      %add3A_266 = arith.addi %mul3A_240, %add3A_265 : i32
      %get3A = arith.index_cast %select_n3A_264 : i32 to index
      %get3A_267 = arith.index_cast %add3A_266 : i32 to index
      %get3A_268 = tpu.vector_load %arg7[%get3A, %get3A_267] {strides = array<i32>} : memref<100x128xf32, #tpu.memory_space<vmem>>, vector<1x16xf32>,
      %get3A_269 = vector.shape_cast %get3A_268 : vector<1x16xf32> to vector<16xf32>
      %jit3A_270 = arith.constant 2 : i32
      %div3A_271 = arith.divsi %select_n3A_224, %jit3A_270 : i32
      %sign3A_272 = arith.constant 0 : i32
      %sign3A_273 = arith.cmpi sgt, %select_n3A_224, %sign3A_272 : i32
      %sign3A_274 = arith.extui %sign3A_273 : i1 to i32
      %sign3A_275 = arith.constant 0 : i32
      %sign3A_276 = arith.cmpi slt, %select_n3A_224, %sign3A_275 : i32
      %sign3A_277 = arith.extui %sign3A_276 : i1 to i32
      %sign3A_278 = arith.subi %sign3A_274, %sign3A_277 : i32
      %sign3A_279 = arith.constant 0 : i32
      %sign3A_280 = arith.cmpi sgt, %jit3A_270, %sign3A_279 : i32
      %sign3A_281 = arith.extui %sign3A_280 : i1 to i32
      %sign3A_282 = arith.constant 0 : i32
      %sign3A_283 = arith.cmpi slt, %jit3A_270, %sign3A_282 : i32
      %sign3A_284 = arith.extui %sign3A_283 : i1 to i32
      %sign3A_285 = arith.subi %sign3A_281, %sign3A_284 : i32
      %ne3A_286 = arith.cmpi ne, %sign3A_278, %sign3A_285 : i32
      %rem3A_287 = arith.remsi %select_n3A_224, %jit3A_270 : i32
      %ne3A_288 = arith.constant 0 : i32
      %ne3A_289 = arith.cmpi ne, %rem3A_287, %ne3A_288 : i32
      %and3A_290 = arith.andi %ne3A_286, %ne3A_289 : i1
      %sub3A_291 = arith.constant 1 : i32
      %sub3A_292 = arith.subi %div3A_271, %sub3A_291 : i32
      %select_n3A_293 = arith.select %and3A_290, %sub3A_292, %div3A_271 : i32
      %add3A_294 = arith.constant 16 : i32
      %add3A_295 = arith.addi %mul3A_240, %add3A_294 : i32
      %get3A_296 = arith.index_cast %select_n3A_293 : i32 to index
      %get3A_297 = arith.index_cast %add3A_295 : i32 to index
      %get3A_298 = tpu.vector_load %arg7[%get3A_296, %get3A_297] {strides = array<i32>} : memref<100x128xf32, #tpu.memory_space<vmem>>, vector<1x16xf32>,
      %get3A_299 = vector.shape_cast %get3A_298 : vector<1x16xf32> to vector<16xf32>
      %jit3A_300 = arith.constant 2 : i32
      %div3A_301 = arith.divsi %select_n3A_224, %jit3A_300 : i32
      %sign3A_302 = arith.constant 0 : i32
      %sign3A_303 = arith.cmpi sgt, %select_n3A_224, %sign3A_302 : i32
      %sign3A_304 = arith.extui %sign3A_303 : i1 to i32
      %sign3A_305 = arith.constant 0 : i32
      %sign3A_306 = arith.cmpi slt, %select_n3A_224, %sign3A_305 : i32
      %sign3A_307 = arith.extui %sign3A_306 : i1 to i32
      %sign3A_308 = arith.subi %sign3A_304, %sign3A_307 : i32
      %sign3A_309 = arith.constant 0 : i32
      %sign3A_310 = arith.cmpi sgt, %jit3A_300, %sign3A_309 : i32
      %sign3A_311 = arith.extui %sign3A_310 : i1 to i32
      %sign3A_312 = arith.constant 0 : i32
      %sign3A_313 = arith.cmpi slt, %jit3A_300, %sign3A_312 : i32
      %sign3A_314 = arith.extui %sign3A_313 : i1 to i32
      %sign3A_315 = arith.subi %sign3A_311, %sign3A_314 : i32
      %ne3A_316 = arith.cmpi ne, %sign3A_308, %sign3A_315 : i32
      %rem3A_317 = arith.remsi %select_n3A_224, %jit3A_300 : i32
      %ne3A_318 = arith.constant 0 : i32
      %ne3A_319 = arith.cmpi ne, %rem3A_317, %ne3A_318 : i32
      %and3A_320 = arith.andi %ne3A_316, %ne3A_319 : i1
      %sub3A_321 = arith.constant 1 : i32
      %sub3A_322 = arith.subi %div3A_301, %sub3A_321 : i32
      %select_n3A_323 = arith.select %and3A_320, %sub3A_322, %div3A_301 : i32
      %add3A_324 = arith.constant 32 : i32
      %add3A_325 = arith.addi %mul3A_240, %add3A_324 : i32
      %get3A_326 = arith.index_cast %select_n3A_323 : i32 to index
      %get3A_327 = arith.index_cast %add3A_325 : i32 to index
      %get3A_328 = tpu.vector_load %arg7[%get3A_326, %get3A_327] {strides = array<i32>} : memref<100x128xf32, #tpu.memory_space<vmem>>, vector<1x16xf32>,
      %get3A_329 = vector.shape_cast %get3A_328 : vector<1x16xf32> to vector<16xf32>
      %jit3A_330 = arith.constant 2 : i32
      %div3A_331 = arith.divsi %select_n3A_224, %jit3A_330 : i32
      %sign3A_332 = arith.constant 0 : i32
      %sign3A_333 = arith.cmpi sgt, %select_n3A_224, %sign3A_332 : i32
      %sign3A_334 = arith.extui %sign3A_333 : i1 to i32
      %sign3A_335 = arith.constant 0 : i32
      %sign3A_336 = arith.cmpi slt, %select_n3A_224, %sign3A_335 : i32
      %sign3A_337 = arith.extui %sign3A_336 : i1 to i32
      %sign3A_338 = arith.subi %sign3A_334, %sign3A_337 : i32
      %sign3A_339 = arith.constant 0 : i32
      %sign3A_340 = arith.cmpi sgt, %jit3A_330, %sign3A_339 : i32
      %sign3A_341 = arith.extui %sign3A_340 : i1 to i32
      %sign3A_342 = arith.constant 0 : i32
      %sign3A_343 = arith.cmpi slt, %jit3A_330, %sign3A_342 : i32
      %sign3A_344 = arith.extui %sign3A_343 : i1 to i32
      %sign3A_345 = arith.subi %sign3A_341, %sign3A_344 : i32
      %ne3A_346 = arith.cmpi ne, %sign3A_338, %sign3A_345 : i32
      %rem3A_347 = arith.remsi %select_n3A_224, %jit3A_330 : i32
      %ne3A_348 = arith.constant 0 : i32
      %ne3A_349 = arith.cmpi ne, %rem3A_347, %ne3A_348 : i32
      %and3A_350 = arith.andi %ne3A_346, %ne3A_349 : i1
      %sub3A_351 = arith.constant 1 : i32
      %sub3A_352 = arith.subi %div3A_331, %sub3A_351 : i32
      %select_n3A_353 = arith.select %and3A_350, %sub3A_352, %div3A_331 : i32
      %add3A_354 = arith.constant 48 : i32
      %add3A_355 = arith.addi %mul3A_240, %add3A_354 : i32
      %get3A_356 = arith.index_cast %select_n3A_353 : i32 to index
      %get3A_357 = arith.index_cast %add3A_355 : i32 to index
      %get3A_358 = tpu.vector_load %arg7[%get3A_356, %get3A_357] {strides = array<i32>} : memref<100x128xf32, #tpu.memory_space<vmem>>, vector<1x16xf32>,
      %get3A_359 = vector.shape_cast %get3A_358 : vector<1x16xf32> to vector<16xf32>
      %parallel_loop3A = arith.constant 0 : i32
      %parallel_loop3A_360 = arith.constant 64 : i32
      %parallel_loop3A_361 = arith.constant 1 : i32
      scf.for %parallel_loop3A_1274 = %parallel_loop3A to %parallel_loop3A_360 step %parallel_loop3A_361  : i32 {
        %parallel_loop3A_1275 = arith.constant 2 : i32
        %parallel_loop3A_1276 = arith.muli %parallel_loop3A_1275, %parallel_loop3A_1274 : i32
        %parallel_loop3A_1277 = arith.constant 0 : i32
        %parallel_loop3A_1278 = arith.addi %parallel_loop3A_1276, %parallel_loop3A_1277 : i32
        %parallel_loop3A_1279 = arith.index_cast %parallel_loop3A_1278 : i32 to index
        %parallel_loop3A_1280 = arith.constant 0 : index
        %parallel_loop3A_1281 = tpu.vector_load %arg8[%parallel_loop3A_1279, %parallel_loop3A_1280] {strides = array<i32>} : memref<128x64xf32, #tpu.memory_space<vmem>>, vector<1x16xf32>,
        %parallel_loop3A_1282 = vector.shape_cast %parallel_loop3A_1281 : vector<1x16xf32> to vector<16xf32>
        %parallel_loop3A_1283 = arith.constant 8.000000e+00 : f32
        %parallel_loop3A_1284 = vector.broadcast %parallel_loop3A_1283 : f32 to vector<16xf32>
        %parallel_loop3A_1285 = arith.mulf %parallel_loop3A_1282, %parallel_loop3A_1284 : vector<16xf32>
        %parallel_loop3A_1286 = arith.addf %parallel_loop3A_1285, %get3A_269 : vector<16xf32>
        %parallel_loop3A_1287 = arith.index_cast %parallel_loop3A_1274 : i32 to index
        %parallel_loop3A_1288 = arith.constant 0 : index
        %parallel_loop3A_1289 = tpu.vector_load %arg13[%parallel_loop3A_1287, %parallel_loop3A_1288] {strides = array<i32>} : memref<64x128xf32, #tpu.memory_space<vmem>>, vector<1x16xf32>,
        %parallel_loop3A_1290 = vector.shape_cast %parallel_loop3A_1289 : vector<1x16xf32> to vector<16xf32>
        %parallel_loop3A_1291 = vector.shape_cast %parallel_loop3A_1286 : vector<16xf32> to vector<1x16xf32>
        tpu.vector_store %arg13[%parallel_loop3A_1287, %parallel_loop3A_1288], %parallel_loop3A_1291 {strides = array<i32>} : memref<64x128xf32, #tpu.memory_space<vmem>>, vector<1x16xf32>,
        %parallel_loop3A_1292 = arith.constant 2 : i32
        %parallel_loop3A_1293 = arith.muli %parallel_loop3A_1292, %parallel_loop3A_1274 : i32
        %parallel_loop3A_1294 = arith.constant 0 : i32
        %parallel_loop3A_1295 = arith.addi %parallel_loop3A_1293, %parallel_loop3A_1294 : i32
        %parallel_loop3A_1296 = arith.index_cast %parallel_loop3A_1295 : i32 to index
        %parallel_loop3A_1297 = arith.constant 16 : index
        %parallel_loop3A_1298 = tpu.vector_load %arg8[%parallel_loop3A_1296, %parallel_loop3A_1297] {strides = array<i32>} : memref<128x64xf32, #tpu.memory_space<vmem>>, vector<1x16xf32>,
        %parallel_loop3A_1299 = vector.shape_cast %parallel_loop3A_1298 : vector<1x16xf32> to vector<16xf32>
        %parallel_loop3A_1300 = arith.constant 8.000000e+00 : f32
        %parallel_loop3A_1301 = vector.broadcast %parallel_loop3A_1300 : f32 to vector<16xf32>
        %parallel_loop3A_1302 = arith.mulf %parallel_loop3A_1299, %parallel_loop3A_1301 : vector<16xf32>
        %parallel_loop3A_1303 = arith.addf %parallel_loop3A_1302, %get3A_299 : vector<16xf32>
        %parallel_loop3A_1304 = arith.index_cast %parallel_loop3A_1274 : i32 to index
        %parallel_loop3A_1305 = arith.constant 16 : index
        %parallel_loop3A_1306 = tpu.vector_load %arg13[%parallel_loop3A_1304, %parallel_loop3A_1305] {strides = array<i32>} : memref<64x128xf32, #tpu.memory_space<vmem>>, vector<1x16xf32>,
        %parallel_loop3A_1307 = vector.shape_cast %parallel_loop3A_1306 : vector<1x16xf32> to vector<16xf32>
        %parallel_loop3A_1308 = vector.shape_cast %parallel_loop3A_1303 : vector<16xf32> to vector<1x16xf32>
        tpu.vector_store %arg13[%parallel_loop3A_1304, %parallel_loop3A_1305], %parallel_loop3A_1308 {strides = array<i32>} : memref<64x128xf32, #tpu.memory_space<vmem>>, vector<1x16xf32>,
        %parallel_loop3A_1309 = arith.constant 2 : i32
        %parallel_loop3A_1310 = arith.muli %parallel_loop3A_1309, %parallel_loop3A_1274 : i32
        %parallel_loop3A_1311 = arith.constant 0 : i32
        %parallel_loop3A_1312 = arith.addi %parallel_loop3A_1310, %parallel_loop3A_1311 : i32
        %parallel_loop3A_1313 = arith.index_cast %parallel_loop3A_1312 : i32 to index
        %parallel_loop3A_1314 = arith.constant 32 : index
        %parallel_loop3A_1315 = tpu.vector_load %arg8[%parallel_loop3A_1313, %parallel_loop3A_1314] {strides = array<i32>} : memref<128x64xf32, #tpu.memory_space<vmem>>, vector<1x16xf32>,
        %parallel_loop3A_1316 = vector.shape_cast %parallel_loop3A_1315 : vector<1x16xf32> to vector<16xf32>
        %parallel_loop3A_1317 = arith.constant 8.000000e+00 : f32
        %parallel_loop3A_1318 = vector.broadcast %parallel_loop3A_1317 : f32 to vector<16xf32>
        %parallel_loop3A_1319 = arith.mulf %parallel_loop3A_1316, %parallel_loop3A_1318 : vector<16xf32>
        %parallel_loop3A_1320 = arith.addf %parallel_loop3A_1319, %get3A_329 : vector<16xf32>
        %parallel_loop3A_1321 = arith.index_cast %parallel_loop3A_1274 : i32 to index
        %parallel_loop3A_1322 = arith.constant 32 : index
        %parallel_loop3A_1323 = tpu.vector_load %arg13[%parallel_loop3A_1321, %parallel_loop3A_1322] {strides = array<i32>} : memref<64x128xf32, #tpu.memory_space<vmem>>, vector<1x16xf32>,
        %parallel_loop3A_1324 = vector.shape_cast %parallel_loop3A_1323 : vector<1x16xf32> to vector<16xf32>
        %parallel_loop3A_1325 = vector.shape_cast %parallel_loop3A_1320 : vector<16xf32> to vector<1x16xf32>
        tpu.vector_store %arg13[%parallel_loop3A_1321, %parallel_loop3A_1322], %parallel_loop3A_1325 {strides = array<i32>} : memref<64x128xf32, #tpu.memory_space<vmem>>, vector<1x16xf32>,
        %parallel_loop3A_1326 = arith.constant 2 : i32
        %parallel_loop3A_1327 = arith.muli %parallel_loop3A_1326, %parallel_loop3A_1274 : i32
        %parallel_loop3A_1328 = arith.constant 0 : i32
        %parallel_loop3A_1329 = arith.addi %parallel_loop3A_1327, %parallel_loop3A_1328 : i32
        %parallel_loop3A_1330 = arith.index_cast %parallel_loop3A_1329 : i32 to index
        %parallel_loop3A_1331 = arith.constant 48 : index
        %parallel_loop3A_1332 = tpu.vector_load %arg8[%parallel_loop3A_1330, %parallel_loop3A_1331] {strides = array<i32>} : memref<128x64xf32, #tpu.memory_space<vmem>>, vector<1x16xf32>,
        %parallel_loop3A_1333 = vector.shape_cast %parallel_loop3A_1332 : vector<1x16xf32> to vector<16xf32>
        %parallel_loop3A_1334 = arith.constant 8.000000e+00 : f32
        %parallel_loop3A_1335 = vector.broadcast %parallel_loop3A_1334 : f32 to vector<16xf32>
        %parallel_loop3A_1336 = arith.mulf %parallel_loop3A_1333, %parallel_loop3A_1335 : vector<16xf32>
        %parallel_loop3A_1337 = arith.addf %parallel_loop3A_1336, %get3A_359 : vector<16xf32>
        %parallel_loop3A_1338 = arith.index_cast %parallel_loop3A_1274 : i32 to index
        %parallel_loop3A_1339 = arith.constant 48 : index
        %parallel_loop3A_1340 = tpu.vector_load %arg13[%parallel_loop3A_1338, %parallel_loop3A_1339] {strides = array<i32>} : memref<64x128xf32, #tpu.memory_space<vmem>>, vector<1x16xf32>,
        %parallel_loop3A_1341 = vector.shape_cast %parallel_loop3A_1340 : vector<1x16xf32> to vector<16xf32>
        %parallel_loop3A_1342 = vector.shape_cast %parallel_loop3A_1337 : vector<16xf32> to vector<1x16xf32>
        tpu.vector_store %arg13[%parallel_loop3A_1338, %parallel_loop3A_1339], %parallel_loop3A_1342 {strides = array<i32>} : memref<64x128xf32, #tpu.memory_space<vmem>>, vector<1x16xf32>,
        %parallel_loop3A_1343 = arith.constant 2 : i32
        %parallel_loop3A_1344 = arith.muli %parallel_loop3A_1343, %parallel_loop3A_1274 : i32
        %parallel_loop3A_1345 = arith.constant 1 : i32
        %parallel_loop3A_1346 = arith.addi %parallel_loop3A_1344, %parallel_loop3A_1345 : i32
        %parallel_loop3A_1347 = arith.index_cast %parallel_loop3A_1346 : i32 to index
        %parallel_loop3A_1348 = arith.constant 0 : index
        %parallel_loop3A_1349 = tpu.vector_load %arg8[%parallel_loop3A_1347, %parallel_loop3A_1348] {strides = array<i32>} : memref<128x64xf32, #tpu.memory_space<vmem>>, vector<1x16xf32>,
        %parallel_loop3A_1350 = vector.shape_cast %parallel_loop3A_1349 : vector<1x16xf32> to vector<16xf32>
        %parallel_loop3A_1351 = arith.constant 8.000000e+00 : f32
        %parallel_loop3A_1352 = vector.broadcast %parallel_loop3A_1351 : f32 to vector<16xf32>
        %parallel_loop3A_1353 = arith.mulf %parallel_loop3A_1350, %parallel_loop3A_1352 : vector<16xf32>
        %parallel_loop3A_1354 = arith.addf %parallel_loop3A_1353, %get3A_269 : vector<16xf32>
        %parallel_loop3A_1355 = arith.index_cast %parallel_loop3A_1274 : i32 to index
        %parallel_loop3A_1356 = arith.constant 64 : index
        %parallel_loop3A_1357 = tpu.vector_load %arg13[%parallel_loop3A_1355, %parallel_loop3A_1356] {strides = array<i32>} : memref<64x128xf32, #tpu.memory_space<vmem>>, vector<1x16xf32>,
        %parallel_loop3A_1358 = vector.shape_cast %parallel_loop3A_1357 : vector<1x16xf32> to vector<16xf32>
        %parallel_loop3A_1359 = vector.shape_cast %parallel_loop3A_1354 : vector<16xf32> to vector<1x16xf32>
        tpu.vector_store %arg13[%parallel_loop3A_1355, %parallel_loop3A_1356], %parallel_loop3A_1359 {strides = array<i32>} : memref<64x128xf32, #tpu.memory_space<vmem>>, vector<1x16xf32>,
        %parallel_loop3A_1360 = arith.constant 2 : i32
        %parallel_loop3A_1361 = arith.muli %parallel_loop3A_1360, %parallel_loop3A_1274 : i32
        %parallel_loop3A_1362 = arith.constant 1 : i32
        %parallel_loop3A_1363 = arith.addi %parallel_loop3A_1361, %parallel_loop3A_1362 : i32
        %parallel_loop3A_1364 = arith.index_cast %parallel_loop3A_1363 : i32 to index
        %parallel_loop3A_1365 = arith.constant 16 : index
        %parallel_loop3A_1366 = tpu.vector_load %arg8[%parallel_loop3A_1364, %parallel_loop3A_1365] {strides = array<i32>} : memref<128x64xf32, #tpu.memory_space<vmem>>, vector<1x16xf32>,
        %parallel_loop3A_1367 = vector.shape_cast %parallel_loop3A_1366 : vector<1x16xf32> to vector<16xf32>
        %parallel_loop3A_1368 = arith.constant 8.000000e+00 : f32
        %parallel_loop3A_1369 = vector.broadcast %parallel_loop3A_1368 : f32 to vector<16xf32>
        %parallel_loop3A_1370 = arith.mulf %parallel_loop3A_1367, %parallel_loop3A_1369 : vector<16xf32>
        %parallel_loop3A_1371 = arith.addf %parallel_loop3A_1370, %get3A_299 : vector<16xf32>
        %parallel_loop3A_1372 = arith.index_cast %parallel_loop3A_1274 : i32 to index
        %parallel_loop3A_1373 = arith.constant 80 : index
        %parallel_loop3A_1374 = tpu.vector_load %arg13[%parallel_loop3A_1372, %parallel_loop3A_1373] {strides = array<i32>} : memref<64x128xf32, #tpu.memory_space<vmem>>, vector<1x16xf32>,
        %parallel_loop3A_1375 = vector.shape_cast %parallel_loop3A_1374 : vector<1x16xf32> to vector<16xf32>
        %parallel_loop3A_1376 = vector.shape_cast %parallel_loop3A_1371 : vector<16xf32> to vector<1x16xf32>
        tpu.vector_store %arg13[%parallel_loop3A_1372, %parallel_loop3A_1373], %parallel_loop3A_1376 {strides = array<i32>} : memref<64x128xf32, #tpu.memory_space<vmem>>, vector<1x16xf32>,
        %parallel_loop3A_1377 = arith.constant 2 : i32
        %parallel_loop3A_1378 = arith.muli %parallel_loop3A_1377, %parallel_loop3A_1274 : i32
        %parallel_loop3A_1379 = arith.constant 1 : i32
        %parallel_loop3A_1380 = arith.addi %parallel_loop3A_1378, %parallel_loop3A_1379 : i32
        %parallel_loop3A_1381 = arith.index_cast %parallel_loop3A_1380 : i32 to index
        %parallel_loop3A_1382 = arith.constant 32 : index
        %parallel_loop3A_1383 = tpu.vector_load %arg8[%parallel_loop3A_1381, %parallel_loop3A_1382] {strides = array<i32>} : memref<128x64xf32, #tpu.memory_space<vmem>>, vector<1x16xf32>,
        %parallel_loop3A_1384 = vector.shape_cast %parallel_loop3A_1383 : vector<1x16xf32> to vector<16xf32>
        %parallel_loop3A_1385 = arith.constant 8.000000e+00 : f32
        %parallel_loop3A_1386 = vector.broadcast %parallel_loop3A_1385 : f32 to vector<16xf32>
        %parallel_loop3A_1387 = arith.mulf %parallel_loop3A_1384, %parallel_loop3A_1386 : vector<16xf32>
        %parallel_loop3A_1388 = arith.addf %parallel_loop3A_1387, %get3A_329 : vector<16xf32>
        %parallel_loop3A_1389 = arith.index_cast %parallel_loop3A_1274 : i32 to index
        %parallel_loop3A_1390 = arith.constant 96 : index
        %parallel_loop3A_1391 = tpu.vector_load %arg13[%parallel_loop3A_1389, %parallel_loop3A_1390] {strides = array<i32>} : memref<64x128xf32, #tpu.memory_space<vmem>>, vector<1x16xf32>,
        %parallel_loop3A_1392 = vector.shape_cast %parallel_loop3A_1391 : vector<1x16xf32> to vector<16xf32>
        %parallel_loop3A_1393 = vector.shape_cast %parallel_loop3A_1388 : vector<16xf32> to vector<1x16xf32>
        tpu.vector_store %arg13[%parallel_loop3A_1389, %parallel_loop3A_1390], %parallel_loop3A_1393 {strides = array<i32>} : memref<64x128xf32, #tpu.memory_space<vmem>>, vector<1x16xf32>,
        %parallel_loop3A_1394 = arith.constant 2 : i32
        %parallel_loop3A_1395 = arith.muli %parallel_loop3A_1394, %parallel_loop3A_1274 : i32
        %parallel_loop3A_1396 = arith.constant 1 : i32
        %parallel_loop3A_1397 = arith.addi %parallel_loop3A_1395, %parallel_loop3A_1396 : i32
        %parallel_loop3A_1398 = arith.index_cast %parallel_loop3A_1397 : i32 to index
        %parallel_loop3A_1399 = arith.constant 48 : index
        %parallel_loop3A_1400 = tpu.vector_load %arg8[%parallel_loop3A_1398, %parallel_loop3A_1399] {strides = array<i32>} : memref<128x64xf32, #tpu.memory_space<vmem>>, vector<1x16xf32>,
        %parallel_loop3A_1401 = vector.shape_cast %parallel_loop3A_1400 : vector<1x16xf32> to vector<16xf32>
        %parallel_loop3A_1402 = arith.constant 8.000000e+00 : f32
        %parallel_loop3A_1403 = vector.broadcast %parallel_loop3A_1402 : f32 to vector<16xf32>
        %parallel_loop3A_1404 = arith.mulf %parallel_loop3A_1401, %parallel_loop3A_1403 : vector<16xf32>
        %parallel_loop3A_1405 = arith.addf %parallel_loop3A_1404, %get3A_359 : vector<16xf32>
        %parallel_loop3A_1406 = arith.index_cast %parallel_loop3A_1274 : i32 to index
        %parallel_loop3A_1407 = arith.constant 112 : index
        %parallel_loop3A_1408 = tpu.vector_load %arg13[%parallel_loop3A_1406, %parallel_loop3A_1407] {strides = array<i32>} : memref<64x128xf32, #tpu.memory_space<vmem>>, vector<1x16xf32>,
        %parallel_loop3A_1409 = vector.shape_cast %parallel_loop3A_1408 : vector<1x16xf32> to vector<16xf32>
        %parallel_loop3A_1410 = vector.shape_cast %parallel_loop3A_1405 : vector<16xf32> to vector<1x16xf32>
        tpu.vector_store %arg13[%parallel_loop3A_1406, %parallel_loop3A_1407], %parallel_loop3A_1410 {strides = array<i32>} : memref<64x128xf32, #tpu.memory_space<vmem>>, vector<1x16xf32>,
      } {sc.loop_unroll_factor = 4 : i64, sc.parallel_access}
      %jit3A_362 = arith.constant 2 : i32
      %div3A_363 = arith.divsi %mul3A_4, %jit3A_362 : i32
      %sign3A_364 = arith.constant 0 : i32
      %sign3A_365 = arith.cmpi sgt, %mul3A_4, %sign3A_364 : i32
      %sign3A_366 = arith.extui %sign3A_365 : i1 to i32
      %sign3A_367 = arith.constant 0 : i32
      %sign3A_368 = arith.cmpi slt, %mul3A_4, %sign3A_367 : i32
      %sign3A_369 = arith.extui %sign3A_368 : i1 to i32
      %sign3A_370 = arith.subi %sign3A_366, %sign3A_369 : i32
      %sign3A_371 = arith.constant 0 : i32
      %sign3A_372 = arith.cmpi sgt, %jit3A_362, %sign3A_371 : i32
      %sign3A_373 = arith.extui %sign3A_372 : i1 to i32
      %sign3A_374 = arith.constant 0 : i32
      %sign3A_375 = arith.cmpi slt, %jit3A_362, %sign3A_374 : i32
      %sign3A_376 = arith.extui %sign3A_375 : i1 to i32
      %sign3A_377 = arith.subi %sign3A_373, %sign3A_376 : i32
      %ne3A_378 = arith.cmpi ne, %sign3A_370, %sign3A_377 : i32
      %rem3A_379 = arith.remsi %mul3A_4, %jit3A_362 : i32
      %ne3A_380 = arith.constant 0 : i32
      %ne3A_381 = arith.cmpi ne, %rem3A_379, %ne3A_380 : i32
      %and3A_382 = arith.andi %ne3A_378, %ne3A_381 : i1
      %sub3A_383 = arith.constant 1 : i32
      %sub3A_384 = arith.subi %div3A_363, %sub3A_383 : i32
      %select_n3A_385 = arith.select %and3A_382, %sub3A_384, %div3A_363 : i32
      %mul3A_386 = arith.constant 64 : i32
      %mul3A_387 = arith.muli %add3A_189, %mul3A_386 : i32
      %add3A_388 = arith.addi %select_n3A_385, %mul3A_387 : i32
      %dma_start3A_389 = arith.constant 0 : i32
      %dma_start3A_390 = tpu.memref_slice %arg5[%add3A_388, %dma_start3A_389] : memref<102400x128xf32, #tpu.memory_space<hbm>> -> memref<64x128xf32, #tpu.memory_space<hbm>>
      %dma_start3A_391 = arith.constant 0 : i32
      %dma_start3A_392 = tpu.memref_slice %arg5[%add3A_388, %dma_start3A_391] : memref<102400x128xf32, #tpu.memory_space<hbm>> -> memref<64x128xf32, #tpu.memory_space<hbm>>
      tpu.enqueue_dma source(%arg13 : memref<64x128xf32, #tpu.memory_space<vmem>>) target(%dma_start3A_392 : memref<64x128xf32, #tpu.memory_space<hbm>>) target_semaphore(%arg23 : memref<!tpu.dma_semaphore, #tpu.memory_space<semaphore_mem>>)
      %lt3A_393 = arith.constant 9 : i32
      %lt3A_394 = arith.cmpi slt, %scan3A_185, %lt3A_393 : i32
      %convert_element_type3A_395 = arith.extui %lt3A_394 : i1 to i32
      %cond3A_396 = arith.constant 0 : i32
      %cond3A_397 = arith.cmpi ne, %convert_element_type3A_395, %cond3A_396 : i32
      scf.if %cond3A_397 {
        %add3A_1274 = arith.constant 5 : i32
        %add3A_1275 = arith.addi %add3A_189, %add3A_1274 : i32
        %dma_start3A_1276 = arith.constant 0 : i32
        %dma_start3A_1277 = tpu.memref_slice %arg6[%add3A_1275, %dma_start3A_1276] : memref<50x128xi32, #tpu.memory_space<vmem>> -> memref<1x128xi32, #tpu.memory_space<vmem>>
        %dma_start3A_1278 = tpu.memref_squeeze %dma_start3A_1277 : memref<1x128xi32, #tpu.memory_space<vmem>> -> memref<128xi32, #tpu.memory_space<vmem>>
        %dma_start3A_1279 = arith.constant 0 : i32
        %dma_start3A_1280 = arith.constant 0 : i32
        %dma_start3A_1281 = tpu.memref_slice %arg2[%dma_start3A_1279, %dma_start3A_1280] : memref<1000000x64xf32, #tpu.memory_space<hbm>> -> memref<1000000x64xf32, #tpu.memory_space<hbm>>
        tpu.enqueue_indirect_dma source(%dma_start3A_1281 : memref<1000000x64xf32, #tpu.memory_space<hbm>>) target(%arg8 : memref<128x64xf32, #tpu.memory_space<vmem>>) offsets(%dma_start3A_1278 : memref<128xi32, #tpu.memory_space<vmem>>) semaphore(%arg18 : memref<!tpu.dma_semaphore, #tpu.memory_space<semaphore_mem>>)
      } else {
      }
      %mul3A_398 = arith.constant 5 : i32
      %mul3A_399 = arith.muli %scan3A_185, %mul3A_398 : i32
      %add3A_400 = arith.constant 1 : i32
      %add3A_401 = arith.addi %mul3A_399, %add3A_400 : i32
      %dma_wait3A_402 = arith.constant 0 : i32
      %dma_wait3A_403 = tpu.memref_slice %arg6[%add3A_401, %dma_wait3A_402] : memref<50x128xi32, #tpu.memory_space<vmem>> -> memref<1x128xi32, #tpu.memory_space<vmem>>
      %dma_wait3A_404 = tpu.memref_squeeze %dma_wait3A_403 : memref<1x128xi32, #tpu.memory_space<vmem>> -> memref<128xi32, #tpu.memory_space<vmem>>
      %dma_wait3A_405 = arith.constant 0 : i32
      %dma_wait3A_406 = arith.constant 0 : i32
      %dma_wait3A_407 = tpu.memref_slice %arg2[%dma_wait3A_405, %dma_wait3A_406] : memref<1000000x64xf32, #tpu.memory_space<hbm>> -> memref<1000000x64xf32, #tpu.memory_space<hbm>>
      tpu.wait_indirect_dma semaphore(%arg19 : memref<!tpu.dma_semaphore, #tpu.memory_space<semaphore_mem>>) src(%dma_wait3A_407 : memref<1000000x64xf32, #tpu.memory_space<hbm>>) dst(%arg9 : memref<128x64xf32, #tpu.memory_space<vmem>>)
      %ge3A_408 = arith.constant 1 : i32
      %ge3A_409 = arith.cmpi sge, %scan3A_185, %ge3A_408 : i32
      %convert_element_type3A_410 = arith.extui %ge3A_409 : i1 to i32
      %cond3A_411 = arith.constant 0 : i32
      %cond3A_412 = arith.cmpi ne, %convert_element_type3A_410, %cond3A_411 : i32
      scf.if %cond3A_412 {
        %jit3A_1274 = arith.constant 2 : i32
        %div3A_1275 = arith.divsi %mul3A_4, %jit3A_1274 : i32
        %sign3A_1276 = arith.constant 0 : i32
        %sign3A_1277 = arith.cmpi sgt, %mul3A_4, %sign3A_1276 : i32
        %sign3A_1278 = arith.extui %sign3A_1277 : i1 to i32
        %sign3A_1279 = arith.constant 0 : i32
        %sign3A_1280 = arith.cmpi slt, %mul3A_4, %sign3A_1279 : i32
        %sign3A_1281 = arith.extui %sign3A_1280 : i1 to i32
        %sign3A_1282 = arith.subi %sign3A_1278, %sign3A_1281 : i32
        %sign3A_1283 = arith.constant 0 : i32
        %sign3A_1284 = arith.cmpi sgt, %jit3A_1274, %sign3A_1283 : i32
        %sign3A_1285 = arith.extui %sign3A_1284 : i1 to i32
        %sign3A_1286 = arith.constant 0 : i32
        %sign3A_1287 = arith.cmpi slt, %jit3A_1274, %sign3A_1286 : i32
        %sign3A_1288 = arith.extui %sign3A_1287 : i1 to i32
        %sign3A_1289 = arith.subi %sign3A_1285, %sign3A_1288 : i32
        %ne3A_1290 = arith.cmpi ne, %sign3A_1282, %sign3A_1289 : i32
        %rem3A_1291 = arith.remsi %mul3A_4, %jit3A_1274 : i32
        %ne3A_1292 = arith.constant 0 : i32
        %ne3A_1293 = arith.cmpi ne, %rem3A_1291, %ne3A_1292 : i32
        %and3A_1294 = arith.andi %ne3A_1290, %ne3A_1293 : i1
        %sub3A_1295 = arith.constant 1 : i32
        %sub3A_1296 = arith.subi %div3A_1275, %sub3A_1295 : i32
        %select_n3A_1297 = arith.select %and3A_1294, %sub3A_1296, %div3A_1275 : i32
        %mul3A_1298 = arith.constant 64 : i32
        %mul3A_1299 = arith.muli %add3A_401, %mul3A_1298 : i32
        %add3A_1300 = arith.addi %select_n3A_1297, %mul3A_1299 : i32
        %dma_wait3A_1301 = arith.constant 0 : i32
        %dma_wait3A_1302 = tpu.memref_slice %arg5[%add3A_1300, %dma_wait3A_1301] : memref<102400x128xf32, #tpu.memory_space<hbm>> -> memref<64x128xf32, #tpu.memory_space<hbm>>
        %dma_wait3A_1303 = arith.constant 0 : i32
        %dma_wait3A_1304 = tpu.memref_slice %arg5[%add3A_1300, %dma_wait3A_1303] : memref<102400x128xf32, #tpu.memory_space<hbm>> -> memref<64x128xf32, #tpu.memory_space<hbm>>
        tpu.wait_dma2 semaphore(%arg24 : memref<!tpu.dma_semaphore, #tpu.memory_space<semaphore_mem>>) src(%arg14 : memref<64x128xf32, #tpu.memory_space<vmem>>) dst(%dma_wait3A_1304 : memref<64x128xf32, #tpu.memory_space<hbm>>)
      } else {
      }
      %mul3A_413 = arith.constant 128 : i32
      %mul3A_414 = arith.muli %add3A_401, %mul3A_413 : i32
      %add3A_415 = arith.addi %mul3A_4, %mul3A_414 : i32
      %jit3A_416 = arith.constant 1024 : i32
      %div3A_417 = arith.divsi %add3A_415, %jit3A_416 : i32
      %sign3A_418 = arith.constant 0 : i32
      %sign3A_419 = arith.cmpi sgt, %add3A_415, %sign3A_418 : i32
      %sign3A_420 = arith.extui %sign3A_419 : i1 to i32
      %sign3A_421 = arith.constant 0 : i32
      %sign3A_422 = arith.cmpi slt, %add3A_415, %sign3A_421 : i32
      %sign3A_423 = arith.extui %sign3A_422 : i1 to i32
      %sign3A_424 = arith.subi %sign3A_420, %sign3A_423 : i32
      %sign3A_425 = arith.constant 0 : i32
      %sign3A_426 = arith.cmpi sgt, %jit3A_416, %sign3A_425 : i32
      %sign3A_427 = arith.extui %sign3A_426 : i1 to i32
      %sign3A_428 = arith.constant 0 : i32
      %sign3A_429 = arith.cmpi slt, %jit3A_416, %sign3A_428 : i32
      %sign3A_430 = arith.extui %sign3A_429 : i1 to i32
      %sign3A_431 = arith.subi %sign3A_427, %sign3A_430 : i32
      %ne3A_432 = arith.cmpi ne, %sign3A_424, %sign3A_431 : i32
      %rem3A_433 = arith.remsi %add3A_415, %jit3A_416 : i32
      %ne3A_434 = arith.constant 0 : i32
      %ne3A_435 = arith.cmpi ne, %rem3A_433, %ne3A_434 : i32
      %and3A_436 = arith.andi %ne3A_432, %ne3A_435 : i1
      %sub3A_437 = arith.constant 1 : i32
      %sub3A_438 = arith.subi %div3A_417, %sub3A_437 : i32
      %select_n3A_439 = arith.select %and3A_436, %sub3A_438, %div3A_417 : i32
      %jit3A_440 = arith.constant 2 : i32
      %eq3A_441 = arith.constant 0 : i32
      %eq3A_442 = arith.cmpi eq, %jit3A_440, %eq3A_441 : i32
      %jit3A_443 = arith.constant 1 : i32
      %select_n3A_444 = arith.select %eq3A_442, %jit3A_443, %jit3A_440 : i32
      %rem3A_445 = arith.remsi %select_n3A_439, %select_n3A_444 : i32
      %ne3A_446 = arith.constant 0 : i32
      %ne3A_447 = arith.cmpi ne, %rem3A_445, %ne3A_446 : i32
      %lt3A_448 = arith.constant 0 : i32
      %lt3A_449 = arith.cmpi slt, %rem3A_445, %lt3A_448 : i32
      %lt3A_450 = arith.constant 0 : i32
      %lt3A_451 = arith.cmpi slt, %select_n3A_444, %lt3A_450 : i32
      %ne3A_452 = arith.xori %lt3A_449, %lt3A_451 : i1
      %and3A_453 = arith.andi %ne3A_452, %ne3A_447 : i1
      %add3A_454 = arith.addi %rem3A_445, %select_n3A_444 : i32
      %select_n3A_455 = arith.select %and3A_453, %add3A_454, %rem3A_445 : i32
      %mul3A_456 = arith.constant 64 : i32
      %mul3A_457 = arith.muli %mul3A_456, %select_n3A_455 : i32
      %jit3A_458 = arith.constant 2 : i32
      %div3A_459 = arith.divsi %select_n3A_439, %jit3A_458 : i32
      %sign3A_460 = arith.constant 0 : i32
      %sign3A_461 = arith.cmpi sgt, %select_n3A_439, %sign3A_460 : i32
      %sign3A_462 = arith.extui %sign3A_461 : i1 to i32
      %sign3A_463 = arith.constant 0 : i32
      %sign3A_464 = arith.cmpi slt, %select_n3A_439, %sign3A_463 : i32
      %sign3A_465 = arith.extui %sign3A_464 : i1 to i32
      %sign3A_466 = arith.subi %sign3A_462, %sign3A_465 : i32
      %sign3A_467 = arith.constant 0 : i32
      %sign3A_468 = arith.cmpi sgt, %jit3A_458, %sign3A_467 : i32
      %sign3A_469 = arith.extui %sign3A_468 : i1 to i32
      %sign3A_470 = arith.constant 0 : i32
      %sign3A_471 = arith.cmpi slt, %jit3A_458, %sign3A_470 : i32
      %sign3A_472 = arith.extui %sign3A_471 : i1 to i32
      %sign3A_473 = arith.subi %sign3A_469, %sign3A_472 : i32
      %ne3A_474 = arith.cmpi ne, %sign3A_466, %sign3A_473 : i32
      %rem3A_475 = arith.remsi %select_n3A_439, %jit3A_458 : i32
      %ne3A_476 = arith.constant 0 : i32
      %ne3A_477 = arith.cmpi ne, %rem3A_475, %ne3A_476 : i32
      %and3A_478 = arith.andi %ne3A_474, %ne3A_477 : i1
      %sub3A_479 = arith.constant 1 : i32
      %sub3A_480 = arith.subi %div3A_459, %sub3A_479 : i32
      %select_n3A_481 = arith.select %and3A_478, %sub3A_480, %div3A_459 : i32
      %add3A_482 = arith.constant 0 : i32
      %add3A_483 = arith.addi %mul3A_457, %add3A_482 : i32
      %get3A_484 = arith.index_cast %select_n3A_481 : i32 to index
      %get3A_485 = arith.index_cast %add3A_483 : i32 to index
      %get3A_486 = tpu.vector_load %arg7[%get3A_484, %get3A_485] {strides = array<i32>} : memref<100x128xf32, #tpu.memory_space<vmem>>, vector<1x16xf32>,
      %get3A_487 = vector.shape_cast %get3A_486 : vector<1x16xf32> to vector<16xf32>
      %jit3A_488 = arith.constant 2 : i32
      %div3A_489 = arith.divsi %select_n3A_439, %jit3A_488 : i32
      %sign3A_490 = arith.constant 0 : i32
      %sign3A_491 = arith.cmpi sgt, %select_n3A_439, %sign3A_490 : i32
      %sign3A_492 = arith.extui %sign3A_491 : i1 to i32
      %sign3A_493 = arith.constant 0 : i32
      %sign3A_494 = arith.cmpi slt, %select_n3A_439, %sign3A_493 : i32
      %sign3A_495 = arith.extui %sign3A_494 : i1 to i32
      %sign3A_496 = arith.subi %sign3A_492, %sign3A_495 : i32
      %sign3A_497 = arith.constant 0 : i32
      %sign3A_498 = arith.cmpi sgt, %jit3A_488, %sign3A_497 : i32
      %sign3A_499 = arith.extui %sign3A_498 : i1 to i32
      %sign3A_500 = arith.constant 0 : i32
      %sign3A_501 = arith.cmpi slt, %jit3A_488, %sign3A_500 : i32
      %sign3A_502 = arith.extui %sign3A_501 : i1 to i32
      %sign3A_503 = arith.subi %sign3A_499, %sign3A_502 : i32
      %ne3A_504 = arith.cmpi ne, %sign3A_496, %sign3A_503 : i32
      %rem3A_505 = arith.remsi %select_n3A_439, %jit3A_488 : i32
      %ne3A_506 = arith.constant 0 : i32
      %ne3A_507 = arith.cmpi ne, %rem3A_505, %ne3A_506 : i32
      %and3A_508 = arith.andi %ne3A_504, %ne3A_507 : i1
      %sub3A_509 = arith.constant 1 : i32
      %sub3A_510 = arith.subi %div3A_489, %sub3A_509 : i32
      %select_n3A_511 = arith.select %and3A_508, %sub3A_510, %div3A_489 : i32
      %add3A_512 = arith.constant 16 : i32
      %add3A_513 = arith.addi %mul3A_457, %add3A_512 : i32
      %get3A_514 = arith.index_cast %select_n3A_511 : i32 to index
      %get3A_515 = arith.index_cast %add3A_513 : i32 to index
      %get3A_516 = tpu.vector_load %arg7[%get3A_514, %get3A_515] {strides = array<i32>} : memref<100x128xf32, #tpu.memory_space<vmem>>, vector<1x16xf32>,
      %get3A_517 = vector.shape_cast %get3A_516 : vector<1x16xf32> to vector<16xf32>
      %jit3A_518 = arith.constant 2 : i32
      %div3A_519 = arith.divsi %select_n3A_439, %jit3A_518 : i32
      %sign3A_520 = arith.constant 0 : i32
      %sign3A_521 = arith.cmpi sgt, %select_n3A_439, %sign3A_520 : i32
      %sign3A_522 = arith.extui %sign3A_521 : i1 to i32
      %sign3A_523 = arith.constant 0 : i32
      %sign3A_524 = arith.cmpi slt, %select_n3A_439, %sign3A_523 : i32
      %sign3A_525 = arith.extui %sign3A_524 : i1 to i32
      %sign3A_526 = arith.subi %sign3A_522, %sign3A_525 : i32
      %sign3A_527 = arith.constant 0 : i32
      %sign3A_528 = arith.cmpi sgt, %jit3A_518, %sign3A_527 : i32
      %sign3A_529 = arith.extui %sign3A_528 : i1 to i32
      %sign3A_530 = arith.constant 0 : i32
      %sign3A_531 = arith.cmpi slt, %jit3A_518, %sign3A_530 : i32
      %sign3A_532 = arith.extui %sign3A_531 : i1 to i32
      %sign3A_533 = arith.subi %sign3A_529, %sign3A_532 : i32
      %ne3A_534 = arith.cmpi ne, %sign3A_526, %sign3A_533 : i32
      %rem3A_535 = arith.remsi %select_n3A_439, %jit3A_518 : i32
      %ne3A_536 = arith.constant 0 : i32
      %ne3A_537 = arith.cmpi ne, %rem3A_535, %ne3A_536 : i32
      %and3A_538 = arith.andi %ne3A_534, %ne3A_537 : i1
      %sub3A_539 = arith.constant 1 : i32
      %sub3A_540 = arith.subi %div3A_519, %sub3A_539 : i32
      %select_n3A_541 = arith.select %and3A_538, %sub3A_540, %div3A_519 : i32
      %add3A_542 = arith.constant 32 : i32
      %add3A_543 = arith.addi %mul3A_457, %add3A_542 : i32
      %get3A_544 = arith.index_cast %select_n3A_541 : i32 to index
      %get3A_545 = arith.index_cast %add3A_543 : i32 to index
      %get3A_546 = tpu.vector_load %arg7[%get3A_544, %get3A_545] {strides = array<i32>} : memref<100x128xf32, #tpu.memory_space<vmem>>, vector<1x16xf32>,
      %get3A_547 = vector.shape_cast %get3A_546 : vector<1x16xf32> to vector<16xf32>
      %jit3A_548 = arith.constant 2 : i32
      %div3A_549 = arith.divsi %select_n3A_439, %jit3A_548 : i32
      %sign3A_550 = arith.constant 0 : i32
      %sign3A_551 = arith.cmpi sgt, %select_n3A_439, %sign3A_550 : i32
      %sign3A_552 = arith.extui %sign3A_551 : i1 to i32
      %sign3A_553 = arith.constant 0 : i32
      %sign3A_554 = arith.cmpi slt, %select_n3A_439, %sign3A_553 : i32
      %sign3A_555 = arith.extui %sign3A_554 : i1 to i32
      %sign3A_556 = arith.subi %sign3A_552, %sign3A_555 : i32
      %sign3A_557 = arith.constant 0 : i32
      %sign3A_558 = arith.cmpi sgt, %jit3A_548, %sign3A_557 : i32
      %sign3A_559 = arith.extui %sign3A_558 : i1 to i32
      %sign3A_560 = arith.constant 0 : i32
      %sign3A_561 = arith.cmpi slt, %jit3A_548, %sign3A_560 : i32
      %sign3A_562 = arith.extui %sign3A_561 : i1 to i32
      %sign3A_563 = arith.subi %sign3A_559, %sign3A_562 : i32
      %ne3A_564 = arith.cmpi ne, %sign3A_556, %sign3A_563 : i32
      %rem3A_565 = arith.remsi %select_n3A_439, %jit3A_548 : i32
      %ne3A_566 = arith.constant 0 : i32
      %ne3A_567 = arith.cmpi ne, %rem3A_565, %ne3A_566 : i32
      %and3A_568 = arith.andi %ne3A_564, %ne3A_567 : i1
      %sub3A_569 = arith.constant 1 : i32
      %sub3A_570 = arith.subi %div3A_549, %sub3A_569 : i32
      %select_n3A_571 = arith.select %and3A_568, %sub3A_570, %div3A_549 : i32
      %add3A_572 = arith.constant 48 : i32
      %add3A_573 = arith.addi %mul3A_457, %add3A_572 : i32
      %get3A_574 = arith.index_cast %select_n3A_571 : i32 to index
      %get3A_575 = arith.index_cast %add3A_573 : i32 to index
      %get3A_576 = tpu.vector_load %arg7[%get3A_574, %get3A_575] {strides = array<i32>} : memref<100x128xf32, #tpu.memory_space<vmem>>, vector<1x16xf32>,
      %get3A_577 = vector.shape_cast %get3A_576 : vector<1x16xf32> to vector<16xf32>
      %parallel_loop3A_578 = arith.constant 0 : i32
      %parallel_loop3A_579 = arith.constant 64 : i32
      %parallel_loop3A_580 = arith.constant 1 : i32
      scf.for %parallel_loop3A_1274 = %parallel_loop3A_578 to %parallel_loop3A_579 step %parallel_loop3A_580  : i32 {
        %parallel_loop3A_1275 = arith.constant 2 : i32
        %parallel_loop3A_1276 = arith.muli %parallel_loop3A_1275, %parallel_loop3A_1274 : i32
        %parallel_loop3A_1277 = arith.constant 0 : i32
        %parallel_loop3A_1278 = arith.addi %parallel_loop3A_1276, %parallel_loop3A_1277 : i32
        %parallel_loop3A_1279 = arith.index_cast %parallel_loop3A_1278 : i32 to index
        %parallel_loop3A_1280 = arith.constant 0 : index
        %parallel_loop3A_1281 = tpu.vector_load %arg9[%parallel_loop3A_1279, %parallel_loop3A_1280] {strides = array<i32>} : memref<128x64xf32, #tpu.memory_space<vmem>>, vector<1x16xf32>,
        %parallel_loop3A_1282 = vector.shape_cast %parallel_loop3A_1281 : vector<1x16xf32> to vector<16xf32>
        %parallel_loop3A_1283 = arith.constant 8.000000e+00 : f32
        %parallel_loop3A_1284 = vector.broadcast %parallel_loop3A_1283 : f32 to vector<16xf32>
        %parallel_loop3A_1285 = arith.mulf %parallel_loop3A_1282, %parallel_loop3A_1284 : vector<16xf32>
        %parallel_loop3A_1286 = arith.addf %parallel_loop3A_1285, %get3A_487 : vector<16xf32>
        %parallel_loop3A_1287 = arith.index_cast %parallel_loop3A_1274 : i32 to index
        %parallel_loop3A_1288 = arith.constant 0 : index
        %parallel_loop3A_1289 = tpu.vector_load %arg14[%parallel_loop3A_1287, %parallel_loop3A_1288] {strides = array<i32>} : memref<64x128xf32, #tpu.memory_space<vmem>>, vector<1x16xf32>,
        %parallel_loop3A_1290 = vector.shape_cast %parallel_loop3A_1289 : vector<1x16xf32> to vector<16xf32>
        %parallel_loop3A_1291 = vector.shape_cast %parallel_loop3A_1286 : vector<16xf32> to vector<1x16xf32>
        tpu.vector_store %arg14[%parallel_loop3A_1287, %parallel_loop3A_1288], %parallel_loop3A_1291 {strides = array<i32>} : memref<64x128xf32, #tpu.memory_space<vmem>>, vector<1x16xf32>,
        %parallel_loop3A_1292 = arith.constant 2 : i32
        %parallel_loop3A_1293 = arith.muli %parallel_loop3A_1292, %parallel_loop3A_1274 : i32
        %parallel_loop3A_1294 = arith.constant 0 : i32
        %parallel_loop3A_1295 = arith.addi %parallel_loop3A_1293, %parallel_loop3A_1294 : i32
        %parallel_loop3A_1296 = arith.index_cast %parallel_loop3A_1295 : i32 to index
        %parallel_loop3A_1297 = arith.constant 16 : index
        %parallel_loop3A_1298 = tpu.vector_load %arg9[%parallel_loop3A_1296, %parallel_loop3A_1297] {strides = array<i32>} : memref<128x64xf32, #tpu.memory_space<vmem>>, vector<1x16xf32>,
        %parallel_loop3A_1299 = vector.shape_cast %parallel_loop3A_1298 : vector<1x16xf32> to vector<16xf32>
        %parallel_loop3A_1300 = arith.constant 8.000000e+00 : f32
        %parallel_loop3A_1301 = vector.broadcast %parallel_loop3A_1300 : f32 to vector<16xf32>
        %parallel_loop3A_1302 = arith.mulf %parallel_loop3A_1299, %parallel_loop3A_1301 : vector<16xf32>
        %parallel_loop3A_1303 = arith.addf %parallel_loop3A_1302, %get3A_517 : vector<16xf32>
        %parallel_loop3A_1304 = arith.index_cast %parallel_loop3A_1274 : i32 to index
        %parallel_loop3A_1305 = arith.constant 16 : index
        %parallel_loop3A_1306 = tpu.vector_load %arg14[%parallel_loop3A_1304, %parallel_loop3A_1305] {strides = array<i32>} : memref<64x128xf32, #tpu.memory_space<vmem>>, vector<1x16xf32>,
        %parallel_loop3A_1307 = vector.shape_cast %parallel_loop3A_1306 : vector<1x16xf32> to vector<16xf32>
        %parallel_loop3A_1308 = vector.shape_cast %parallel_loop3A_1303 : vector<16xf32> to vector<1x16xf32>
        tpu.vector_store %arg14[%parallel_loop3A_1304, %parallel_loop3A_1305], %parallel_loop3A_1308 {strides = array<i32>} : memref<64x128xf32, #tpu.memory_space<vmem>>, vector<1x16xf32>,
        %parallel_loop3A_1309 = arith.constant 2 : i32
        %parallel_loop3A_1310 = arith.muli %parallel_loop3A_1309, %parallel_loop3A_1274 : i32
        %parallel_loop3A_1311 = arith.constant 0 : i32
        %parallel_loop3A_1312 = arith.addi %parallel_loop3A_1310, %parallel_loop3A_1311 : i32
        %parallel_loop3A_1313 = arith.index_cast %parallel_loop3A_1312 : i32 to index
        %parallel_loop3A_1314 = arith.constant 32 : index
        %parallel_loop3A_1315 = tpu.vector_load %arg9[%parallel_loop3A_1313, %parallel_loop3A_1314] {strides = array<i32>} : memref<128x64xf32, #tpu.memory_space<vmem>>, vector<1x16xf32>,
        %parallel_loop3A_1316 = vector.shape_cast %parallel_loop3A_1315 : vector<1x16xf32> to vector<16xf32>
        %parallel_loop3A_1317 = arith.constant 8.000000e+00 : f32
        %parallel_loop3A_1318 = vector.broadcast %parallel_loop3A_1317 : f32 to vector<16xf32>
        %parallel_loop3A_1319 = arith.mulf %parallel_loop3A_1316, %parallel_loop3A_1318 : vector<16xf32>
        %parallel_loop3A_1320 = arith.addf %parallel_loop3A_1319, %get3A_547 : vector<16xf32>
        %parallel_loop3A_1321 = arith.index_cast %parallel_loop3A_1274 : i32 to index
        %parallel_loop3A_1322 = arith.constant 32 : index
        %parallel_loop3A_1323 = tpu.vector_load %arg14[%parallel_loop3A_1321, %parallel_loop3A_1322] {strides = array<i32>} : memref<64x128xf32, #tpu.memory_space<vmem>>, vector<1x16xf32>,
        %parallel_loop3A_1324 = vector.shape_cast %parallel_loop3A_1323 : vector<1x16xf32> to vector<16xf32>
        %parallel_loop3A_1325 = vector.shape_cast %parallel_loop3A_1320 : vector<16xf32> to vector<1x16xf32>
        tpu.vector_store %arg14[%parallel_loop3A_1321, %parallel_loop3A_1322], %parallel_loop3A_1325 {strides = array<i32>} : memref<64x128xf32, #tpu.memory_space<vmem>>, vector<1x16xf32>,
        %parallel_loop3A_1326 = arith.constant 2 : i32
        %parallel_loop3A_1327 = arith.muli %parallel_loop3A_1326, %parallel_loop3A_1274 : i32
        %parallel_loop3A_1328 = arith.constant 0 : i32
        %parallel_loop3A_1329 = arith.addi %parallel_loop3A_1327, %parallel_loop3A_1328 : i32
        %parallel_loop3A_1330 = arith.index_cast %parallel_loop3A_1329 : i32 to index
        %parallel_loop3A_1331 = arith.constant 48 : index
        %parallel_loop3A_1332 = tpu.vector_load %arg9[%parallel_loop3A_1330, %parallel_loop3A_1331] {strides = array<i32>} : memref<128x64xf32, #tpu.memory_space<vmem>>, vector<1x16xf32>,
        %parallel_loop3A_1333 = vector.shape_cast %parallel_loop3A_1332 : vector<1x16xf32> to vector<16xf32>
        %parallel_loop3A_1334 = arith.constant 8.000000e+00 : f32
        %parallel_loop3A_1335 = vector.broadcast %parallel_loop3A_1334 : f32 to vector<16xf32>
        %parallel_loop3A_1336 = arith.mulf %parallel_loop3A_1333, %parallel_loop3A_1335 : vector<16xf32>
        %parallel_loop3A_1337 = arith.addf %parallel_loop3A_1336, %get3A_577 : vector<16xf32>
        %parallel_loop3A_1338 = arith.index_cast %parallel_loop3A_1274 : i32 to index
        %parallel_loop3A_1339 = arith.constant 48 : index
        %parallel_loop3A_1340 = tpu.vector_load %arg14[%parallel_loop3A_1338, %parallel_loop3A_1339] {strides = array<i32>} : memref<64x128xf32, #tpu.memory_space<vmem>>, vector<1x16xf32>,
        %parallel_loop3A_1341 = vector.shape_cast %parallel_loop3A_1340 : vector<1x16xf32> to vector<16xf32>
        %parallel_loop3A_1342 = vector.shape_cast %parallel_loop3A_1337 : vector<16xf32> to vector<1x16xf32>
        tpu.vector_store %arg14[%parallel_loop3A_1338, %parallel_loop3A_1339], %parallel_loop3A_1342 {strides = array<i32>} : memref<64x128xf32, #tpu.memory_space<vmem>>, vector<1x16xf32>,
        %parallel_loop3A_1343 = arith.constant 2 : i32
        %parallel_loop3A_1344 = arith.muli %parallel_loop3A_1343, %parallel_loop3A_1274 : i32
        %parallel_loop3A_1345 = arith.constant 1 : i32
        %parallel_loop3A_1346 = arith.addi %parallel_loop3A_1344, %parallel_loop3A_1345 : i32
        %parallel_loop3A_1347 = arith.index_cast %parallel_loop3A_1346 : i32 to index
        %parallel_loop3A_1348 = arith.constant 0 : index
        %parallel_loop3A_1349 = tpu.vector_load %arg9[%parallel_loop3A_1347, %parallel_loop3A_1348] {strides = array<i32>} : memref<128x64xf32, #tpu.memory_space<vmem>>, vector<1x16xf32>,
        %parallel_loop3A_1350 = vector.shape_cast %parallel_loop3A_1349 : vector<1x16xf32> to vector<16xf32>
        %parallel_loop3A_1351 = arith.constant 8.000000e+00 : f32
        %parallel_loop3A_1352 = vector.broadcast %parallel_loop3A_1351 : f32 to vector<16xf32>
        %parallel_loop3A_1353 = arith.mulf %parallel_loop3A_1350, %parallel_loop3A_1352 : vector<16xf32>
        %parallel_loop3A_1354 = arith.addf %parallel_loop3A_1353, %get3A_487 : vector<16xf32>
        %parallel_loop3A_1355 = arith.index_cast %parallel_loop3A_1274 : i32 to index
        %parallel_loop3A_1356 = arith.constant 64 : index
        %parallel_loop3A_1357 = tpu.vector_load %arg14[%parallel_loop3A_1355, %parallel_loop3A_1356] {strides = array<i32>} : memref<64x128xf32, #tpu.memory_space<vmem>>, vector<1x16xf32>,
        %parallel_loop3A_1358 = vector.shape_cast %parallel_loop3A_1357 : vector<1x16xf32> to vector<16xf32>
        %parallel_loop3A_1359 = vector.shape_cast %parallel_loop3A_1354 : vector<16xf32> to vector<1x16xf32>
        tpu.vector_store %arg14[%parallel_loop3A_1355, %parallel_loop3A_1356], %parallel_loop3A_1359 {strides = array<i32>} : memref<64x128xf32, #tpu.memory_space<vmem>>, vector<1x16xf32>,
        %parallel_loop3A_1360 = arith.constant 2 : i32
        %parallel_loop3A_1361 = arith.muli %parallel_loop3A_1360, %parallel_loop3A_1274 : i32
        %parallel_loop3A_1362 = arith.constant 1 : i32
        %parallel_loop3A_1363 = arith.addi %parallel_loop3A_1361, %parallel_loop3A_1362 : i32
        %parallel_loop3A_1364 = arith.index_cast %parallel_loop3A_1363 : i32 to index
        %parallel_loop3A_1365 = arith.constant 16 : index
        %parallel_loop3A_1366 = tpu.vector_load %arg9[%parallel_loop3A_1364, %parallel_loop3A_1365] {strides = array<i32>} : memref<128x64xf32, #tpu.memory_space<vmem>>, vector<1x16xf32>,
        %parallel_loop3A_1367 = vector.shape_cast %parallel_loop3A_1366 : vector<1x16xf32> to vector<16xf32>
        %parallel_loop3A_1368 = arith.constant 8.000000e+00 : f32
        %parallel_loop3A_1369 = vector.broadcast %parallel_loop3A_1368 : f32 to vector<16xf32>
        %parallel_loop3A_1370 = arith.mulf %parallel_loop3A_1367, %parallel_loop3A_1369 : vector<16xf32>
        %parallel_loop3A_1371 = arith.addf %parallel_loop3A_1370, %get3A_517 : vector<16xf32>
        %parallel_loop3A_1372 = arith.index_cast %parallel_loop3A_1274 : i32 to index
        %parallel_loop3A_1373 = arith.constant 80 : index
        %parallel_loop3A_1374 = tpu.vector_load %arg14[%parallel_loop3A_1372, %parallel_loop3A_1373] {strides = array<i32>} : memref<64x128xf32, #tpu.memory_space<vmem>>, vector<1x16xf32>,
        %parallel_loop3A_1375 = vector.shape_cast %parallel_loop3A_1374 : vector<1x16xf32> to vector<16xf32>
        %parallel_loop3A_1376 = vector.shape_cast %parallel_loop3A_1371 : vector<16xf32> to vector<1x16xf32>
        tpu.vector_store %arg14[%parallel_loop3A_1372, %parallel_loop3A_1373], %parallel_loop3A_1376 {strides = array<i32>} : memref<64x128xf32, #tpu.memory_space<vmem>>, vector<1x16xf32>,
        %parallel_loop3A_1377 = arith.constant 2 : i32
        %parallel_loop3A_1378 = arith.muli %parallel_loop3A_1377, %parallel_loop3A_1274 : i32
        %parallel_loop3A_1379 = arith.constant 1 : i32
        %parallel_loop3A_1380 = arith.addi %parallel_loop3A_1378, %parallel_loop3A_1379 : i32
        %parallel_loop3A_1381 = arith.index_cast %parallel_loop3A_1380 : i32 to index
        %parallel_loop3A_1382 = arith.constant 32 : index
        %parallel_loop3A_1383 = tpu.vector_load %arg9[%parallel_loop3A_1381, %parallel_loop3A_1382] {strides = array<i32>} : memref<128x64xf32, #tpu.memory_space<vmem>>, vector<1x16xf32>,
        %parallel_loop3A_1384 = vector.shape_cast %parallel_loop3A_1383 : vector<1x16xf32> to vector<16xf32>
        %parallel_loop3A_1385 = arith.constant 8.000000e+00 : f32
        %parallel_loop3A_1386 = vector.broadcast %parallel_loop3A_1385 : f32 to vector<16xf32>
        %parallel_loop3A_1387 = arith.mulf %parallel_loop3A_1384, %parallel_loop3A_1386 : vector<16xf32>
        %parallel_loop3A_1388 = arith.addf %parallel_loop3A_1387, %get3A_547 : vector<16xf32>
        %parallel_loop3A_1389 = arith.index_cast %parallel_loop3A_1274 : i32 to index
        %parallel_loop3A_1390 = arith.constant 96 : index
        %parallel_loop3A_1391 = tpu.vector_load %arg14[%parallel_loop3A_1389, %parallel_loop3A_1390] {strides = array<i32>} : memref<64x128xf32, #tpu.memory_space<vmem>>, vector<1x16xf32>,
        %parallel_loop3A_1392 = vector.shape_cast %parallel_loop3A_1391 : vector<1x16xf32> to vector<16xf32>
        %parallel_loop3A_1393 = vector.shape_cast %parallel_loop3A_1388 : vector<16xf32> to vector<1x16xf32>
        tpu.vector_store %arg14[%parallel_loop3A_1389, %parallel_loop3A_1390], %parallel_loop3A_1393 {strides = array<i32>} : memref<64x128xf32, #tpu.memory_space<vmem>>, vector<1x16xf32>,
        %parallel_loop3A_1394 = arith.constant 2 : i32
        %parallel_loop3A_1395 = arith.muli %parallel_loop3A_1394, %parallel_loop3A_1274 : i32
        %parallel_loop3A_1396 = arith.constant 1 : i32
        %parallel_loop3A_1397 = arith.addi %parallel_loop3A_1395, %parallel_loop3A_1396 : i32
        %parallel_loop3A_1398 = arith.index_cast %parallel_loop3A_1397 : i32 to index
        %parallel_loop3A_1399 = arith.constant 48 : index
        %parallel_loop3A_1400 = tpu.vector_load %arg9[%parallel_loop3A_1398, %parallel_loop3A_1399] {strides = array<i32>} : memref<128x64xf32, #tpu.memory_space<vmem>>, vector<1x16xf32>,
        %parallel_loop3A_1401 = vector.shape_cast %parallel_loop3A_1400 : vector<1x16xf32> to vector<16xf32>
        %parallel_loop3A_1402 = arith.constant 8.000000e+00 : f32
        %parallel_loop3A_1403 = vector.broadcast %parallel_loop3A_1402 : f32 to vector<16xf32>
        %parallel_loop3A_1404 = arith.mulf %parallel_loop3A_1401, %parallel_loop3A_1403 : vector<16xf32>
        %parallel_loop3A_1405 = arith.addf %parallel_loop3A_1404, %get3A_577 : vector<16xf32>
        %parallel_loop3A_1406 = arith.index_cast %parallel_loop3A_1274 : i32 to index
        %parallel_loop3A_1407 = arith.constant 112 : index
        %parallel_loop3A_1408 = tpu.vector_load %arg14[%parallel_loop3A_1406, %parallel_loop3A_1407] {strides = array<i32>} : memref<64x128xf32, #tpu.memory_space<vmem>>, vector<1x16xf32>,
        %parallel_loop3A_1409 = vector.shape_cast %parallel_loop3A_1408 : vector<1x16xf32> to vector<16xf32>
        %parallel_loop3A_1410 = vector.shape_cast %parallel_loop3A_1405 : vector<16xf32> to vector<1x16xf32>
        tpu.vector_store %arg14[%parallel_loop3A_1406, %parallel_loop3A_1407], %parallel_loop3A_1410 {strides = array<i32>} : memref<64x128xf32, #tpu.memory_space<vmem>>, vector<1x16xf32>,
      } {sc.loop_unroll_factor = 4 : i64, sc.parallel_access}
      %jit3A_581 = arith.constant 2 : i32
      %div3A_582 = arith.divsi %mul3A_4, %jit3A_581 : i32
      %sign3A_583 = arith.constant 0 : i32
      %sign3A_584 = arith.cmpi sgt, %mul3A_4, %sign3A_583 : i32
      %sign3A_585 = arith.extui %sign3A_584 : i1 to i32
      %sign3A_586 = arith.constant 0 : i32
      %sign3A_587 = arith.cmpi slt, %mul3A_4, %sign3A_586 : i32
      %sign3A_588 = arith.extui %sign3A_587 : i1 to i32
      %sign3A_589 = arith.subi %sign3A_585, %sign3A_588 : i32
      %sign3A_590 = arith.constant 0 : i32
      %sign3A_591 = arith.cmpi sgt, %jit3A_581, %sign3A_590 : i32
      %sign3A_592 = arith.extui %sign3A_591 : i1 to i32
      %sign3A_593 = arith.constant 0 : i32
      %sign3A_594 = arith.cmpi slt, %jit3A_581, %sign3A_593 : i32
      %sign3A_595 = arith.extui %sign3A_594 : i1 to i32
      %sign3A_596 = arith.subi %sign3A_592, %sign3A_595 : i32
      %ne3A_597 = arith.cmpi ne, %sign3A_589, %sign3A_596 : i32
      %rem3A_598 = arith.remsi %mul3A_4, %jit3A_581 : i32
      %ne3A_599 = arith.constant 0 : i32
      %ne3A_600 = arith.cmpi ne, %rem3A_598, %ne3A_599 : i32
      %and3A_601 = arith.andi %ne3A_597, %ne3A_600 : i1
      %sub3A_602 = arith.constant 1 : i32
      %sub3A_603 = arith.subi %div3A_582, %sub3A_602 : i32
      %select_n3A_604 = arith.select %and3A_601, %sub3A_603, %div3A_582 : i32
      %mul3A_605 = arith.constant 64 : i32
      %mul3A_606 = arith.muli %add3A_401, %mul3A_605 : i32
      %add3A_607 = arith.addi %select_n3A_604, %mul3A_606 : i32
      %dma_start3A_608 = arith.constant 0 : i32
      %dma_start3A_609 = tpu.memref_slice %arg5[%add3A_607, %dma_start3A_608] : memref<102400x128xf32, #tpu.memory_space<hbm>> -> memref<64x128xf32, #tpu.memory_space<hbm>>
      %dma_start3A_610 = arith.constant 0 : i32
      %dma_start3A_611 = tpu.memref_slice %arg5[%add3A_607, %dma_start3A_610] : memref<102400x128xf32, #tpu.memory_space<hbm>> -> memref<64x128xf32, #tpu.memory_space<hbm>>
      tpu.enqueue_dma source(%arg14 : memref<64x128xf32, #tpu.memory_space<vmem>>) target(%dma_start3A_611 : memref<64x128xf32, #tpu.memory_space<hbm>>) target_semaphore(%arg24 : memref<!tpu.dma_semaphore, #tpu.memory_space<semaphore_mem>>)
      %lt3A_612 = arith.constant 9 : i32
      %lt3A_613 = arith.cmpi slt, %scan3A_185, %lt3A_612 : i32
      %convert_element_type3A_614 = arith.extui %lt3A_613 : i1 to i32
      %cond3A_615 = arith.constant 0 : i32
      %cond3A_616 = arith.cmpi ne, %convert_element_type3A_614, %cond3A_615 : i32
      scf.if %cond3A_616 {
        %add3A_1274 = arith.constant 5 : i32
        %add3A_1275 = arith.addi %add3A_401, %add3A_1274 : i32
        %dma_start3A_1276 = arith.constant 0 : i32
        %dma_start3A_1277 = tpu.memref_slice %arg6[%add3A_1275, %dma_start3A_1276] : memref<50x128xi32, #tpu.memory_space<vmem>> -> memref<1x128xi32, #tpu.memory_space<vmem>>
        %dma_start3A_1278 = tpu.memref_squeeze %dma_start3A_1277 : memref<1x128xi32, #tpu.memory_space<vmem>> -> memref<128xi32, #tpu.memory_space<vmem>>
        %dma_start3A_1279 = arith.constant 0 : i32
        %dma_start3A_1280 = arith.constant 0 : i32
        %dma_start3A_1281 = tpu.memref_slice %arg2[%dma_start3A_1279, %dma_start3A_1280] : memref<1000000x64xf32, #tpu.memory_space<hbm>> -> memref<1000000x64xf32, #tpu.memory_space<hbm>>
        tpu.enqueue_indirect_dma source(%dma_start3A_1281 : memref<1000000x64xf32, #tpu.memory_space<hbm>>) target(%arg9 : memref<128x64xf32, #tpu.memory_space<vmem>>) offsets(%dma_start3A_1278 : memref<128xi32, #tpu.memory_space<vmem>>) semaphore(%arg19 : memref<!tpu.dma_semaphore, #tpu.memory_space<semaphore_mem>>)
      } else {
      }
      %mul3A_617 = arith.constant 5 : i32
      %mul3A_618 = arith.muli %scan3A_185, %mul3A_617 : i32
      %add3A_619 = arith.constant 2 : i32
      %add3A_620 = arith.addi %mul3A_618, %add3A_619 : i32
      %dma_wait3A_621 = arith.constant 0 : i32
      %dma_wait3A_622 = tpu.memref_slice %arg6[%add3A_620, %dma_wait3A_621] : memref<50x128xi32, #tpu.memory_space<vmem>> -> memref<1x128xi32, #tpu.memory_space<vmem>>
      %dma_wait3A_623 = tpu.memref_squeeze %dma_wait3A_622 : memref<1x128xi32, #tpu.memory_space<vmem>> -> memref<128xi32, #tpu.memory_space<vmem>>
      %dma_wait3A_624 = arith.constant 0 : i32
      %dma_wait3A_625 = arith.constant 0 : i32
      %dma_wait3A_626 = tpu.memref_slice %arg2[%dma_wait3A_624, %dma_wait3A_625] : memref<1000000x64xf32, #tpu.memory_space<hbm>> -> memref<1000000x64xf32, #tpu.memory_space<hbm>>
      tpu.wait_indirect_dma semaphore(%arg20 : memref<!tpu.dma_semaphore, #tpu.memory_space<semaphore_mem>>) src(%dma_wait3A_626 : memref<1000000x64xf32, #tpu.memory_space<hbm>>) dst(%arg10 : memref<128x64xf32, #tpu.memory_space<vmem>>)
      %ge3A_627 = arith.constant 1 : i32
      %ge3A_628 = arith.cmpi sge, %scan3A_185, %ge3A_627 : i32
      %convert_element_type3A_629 = arith.extui %ge3A_628 : i1 to i32
      %cond3A_630 = arith.constant 0 : i32
      %cond3A_631 = arith.cmpi ne, %convert_element_type3A_629, %cond3A_630 : i32
      scf.if %cond3A_631 {
        %jit3A_1274 = arith.constant 2 : i32
        %div3A_1275 = arith.divsi %mul3A_4, %jit3A_1274 : i32
        %sign3A_1276 = arith.constant 0 : i32
        %sign3A_1277 = arith.cmpi sgt, %mul3A_4, %sign3A_1276 : i32
        %sign3A_1278 = arith.extui %sign3A_1277 : i1 to i32
        %sign3A_1279 = arith.constant 0 : i32
        %sign3A_1280 = arith.cmpi slt, %mul3A_4, %sign3A_1279 : i32
        %sign3A_1281 = arith.extui %sign3A_1280 : i1 to i32
        %sign3A_1282 = arith.subi %sign3A_1278, %sign3A_1281 : i32
        %sign3A_1283 = arith.constant 0 : i32
        %sign3A_1284 = arith.cmpi sgt, %jit3A_1274, %sign3A_1283 : i32
        %sign3A_1285 = arith.extui %sign3A_1284 : i1 to i32
        %sign3A_1286 = arith.constant 0 : i32
        %sign3A_1287 = arith.cmpi slt, %jit3A_1274, %sign3A_1286 : i32
        %sign3A_1288 = arith.extui %sign3A_1287 : i1 to i32
        %sign3A_1289 = arith.subi %sign3A_1285, %sign3A_1288 : i32
        %ne3A_1290 = arith.cmpi ne, %sign3A_1282, %sign3A_1289 : i32
        %rem3A_1291 = arith.remsi %mul3A_4, %jit3A_1274 : i32
        %ne3A_1292 = arith.constant 0 : i32
        %ne3A_1293 = arith.cmpi ne, %rem3A_1291, %ne3A_1292 : i32
        %and3A_1294 = arith.andi %ne3A_1290, %ne3A_1293 : i1
        %sub3A_1295 = arith.constant 1 : i32
        %sub3A_1296 = arith.subi %div3A_1275, %sub3A_1295 : i32
        %select_n3A_1297 = arith.select %and3A_1294, %sub3A_1296, %div3A_1275 : i32
        %mul3A_1298 = arith.constant 64 : i32
        %mul3A_1299 = arith.muli %add3A_620, %mul3A_1298 : i32
        %add3A_1300 = arith.addi %select_n3A_1297, %mul3A_1299 : i32
        %dma_wait3A_1301 = arith.constant 0 : i32
        %dma_wait3A_1302 = tpu.memref_slice %arg5[%add3A_1300, %dma_wait3A_1301] : memref<102400x128xf32, #tpu.memory_space<hbm>> -> memref<64x128xf32, #tpu.memory_space<hbm>>
        %dma_wait3A_1303 = arith.constant 0 : i32
        %dma_wait3A_1304 = tpu.memref_slice %arg5[%add3A_1300, %dma_wait3A_1303] : memref<102400x128xf32, #tpu.memory_space<hbm>> -> memref<64x128xf32, #tpu.memory_space<hbm>>
        tpu.wait_dma2 semaphore(%arg25 : memref<!tpu.dma_semaphore, #tpu.memory_space<semaphore_mem>>) src(%arg15 : memref<64x128xf32, #tpu.memory_space<vmem>>) dst(%dma_wait3A_1304 : memref<64x128xf32, #tpu.memory_space<hbm>>)
      } else {
      }
      %mul3A_632 = arith.constant 128 : i32
      %mul3A_633 = arith.muli %add3A_620, %mul3A_632 : i32
      %add3A_634 = arith.addi %mul3A_4, %mul3A_633 : i32
      %jit3A_635 = arith.constant 1024 : i32
      %div3A_636 = arith.divsi %add3A_634, %jit3A_635 : i32
      %sign3A_637 = arith.constant 0 : i32
      %sign3A_638 = arith.cmpi sgt, %add3A_634, %sign3A_637 : i32
      %sign3A_639 = arith.extui %sign3A_638 : i1 to i32
      %sign3A_640 = arith.constant 0 : i32
      %sign3A_641 = arith.cmpi slt, %add3A_634, %sign3A_640 : i32
      %sign3A_642 = arith.extui %sign3A_641 : i1 to i32
      %sign3A_643 = arith.subi %sign3A_639, %sign3A_642 : i32
      %sign3A_644 = arith.constant 0 : i32
      %sign3A_645 = arith.cmpi sgt, %jit3A_635, %sign3A_644 : i32
      %sign3A_646 = arith.extui %sign3A_645 : i1 to i32
      %sign3A_647 = arith.constant 0 : i32
      %sign3A_648 = arith.cmpi slt, %jit3A_635, %sign3A_647 : i32
      %sign3A_649 = arith.extui %sign3A_648 : i1 to i32
      %sign3A_650 = arith.subi %sign3A_646, %sign3A_649 : i32
      %ne3A_651 = arith.cmpi ne, %sign3A_643, %sign3A_650 : i32
      %rem3A_652 = arith.remsi %add3A_634, %jit3A_635 : i32
      %ne3A_653 = arith.constant 0 : i32
      %ne3A_654 = arith.cmpi ne, %rem3A_652, %ne3A_653 : i32
      %and3A_655 = arith.andi %ne3A_651, %ne3A_654 : i1
      %sub3A_656 = arith.constant 1 : i32
      %sub3A_657 = arith.subi %div3A_636, %sub3A_656 : i32
      %select_n3A_658 = arith.select %and3A_655, %sub3A_657, %div3A_636 : i32
      %jit3A_659 = arith.constant 2 : i32
      %eq3A_660 = arith.constant 0 : i32
      %eq3A_661 = arith.cmpi eq, %jit3A_659, %eq3A_660 : i32
      %jit3A_662 = arith.constant 1 : i32
      %select_n3A_663 = arith.select %eq3A_661, %jit3A_662, %jit3A_659 : i32
      %rem3A_664 = arith.remsi %select_n3A_658, %select_n3A_663 : i32
      %ne3A_665 = arith.constant 0 : i32
      %ne3A_666 = arith.cmpi ne, %rem3A_664, %ne3A_665 : i32
      %lt3A_667 = arith.constant 0 : i32
      %lt3A_668 = arith.cmpi slt, %rem3A_664, %lt3A_667 : i32
      %lt3A_669 = arith.constant 0 : i32
      %lt3A_670 = arith.cmpi slt, %select_n3A_663, %lt3A_669 : i32
      %ne3A_671 = arith.xori %lt3A_668, %lt3A_670 : i1
      %and3A_672 = arith.andi %ne3A_671, %ne3A_666 : i1
      %add3A_673 = arith.addi %rem3A_664, %select_n3A_663 : i32
      %select_n3A_674 = arith.select %and3A_672, %add3A_673, %rem3A_664 : i32
      %mul3A_675 = arith.constant 64 : i32
      %mul3A_676 = arith.muli %mul3A_675, %select_n3A_674 : i32
      %jit3A_677 = arith.constant 2 : i32
      %div3A_678 = arith.divsi %select_n3A_658, %jit3A_677 : i32
      %sign3A_679 = arith.constant 0 : i32
      %sign3A_680 = arith.cmpi sgt, %select_n3A_658, %sign3A_679 : i32
      %sign3A_681 = arith.extui %sign3A_680 : i1 to i32
      %sign3A_682 = arith.constant 0 : i32
      %sign3A_683 = arith.cmpi slt, %select_n3A_658, %sign3A_682 : i32
      %sign3A_684 = arith.extui %sign3A_683 : i1 to i32
      %sign3A_685 = arith.subi %sign3A_681, %sign3A_684 : i32
      %sign3A_686 = arith.constant 0 : i32
      %sign3A_687 = arith.cmpi sgt, %jit3A_677, %sign3A_686 : i32
      %sign3A_688 = arith.extui %sign3A_687 : i1 to i32
      %sign3A_689 = arith.constant 0 : i32
      %sign3A_690 = arith.cmpi slt, %jit3A_677, %sign3A_689 : i32
      %sign3A_691 = arith.extui %sign3A_690 : i1 to i32
      %sign3A_692 = arith.subi %sign3A_688, %sign3A_691 : i32
      %ne3A_693 = arith.cmpi ne, %sign3A_685, %sign3A_692 : i32
      %rem3A_694 = arith.remsi %select_n3A_658, %jit3A_677 : i32
      %ne3A_695 = arith.constant 0 : i32
      %ne3A_696 = arith.cmpi ne, %rem3A_694, %ne3A_695 : i32
      %and3A_697 = arith.andi %ne3A_693, %ne3A_696 : i1
      %sub3A_698 = arith.constant 1 : i32
      %sub3A_699 = arith.subi %div3A_678, %sub3A_698 : i32
      %select_n3A_700 = arith.select %and3A_697, %sub3A_699, %div3A_678 : i32
      %add3A_701 = arith.constant 0 : i32
      %add3A_702 = arith.addi %mul3A_676, %add3A_701 : i32
      %get3A_703 = arith.index_cast %select_n3A_700 : i32 to index
      %get3A_704 = arith.index_cast %add3A_702 : i32 to index
      %get3A_705 = tpu.vector_load %arg7[%get3A_703, %get3A_704] {strides = array<i32>} : memref<100x128xf32, #tpu.memory_space<vmem>>, vector<1x16xf32>,
      %get3A_706 = vector.shape_cast %get3A_705 : vector<1x16xf32> to vector<16xf32>
      %jit3A_707 = arith.constant 2 : i32
      %div3A_708 = arith.divsi %select_n3A_658, %jit3A_707 : i32
      %sign3A_709 = arith.constant 0 : i32
      %sign3A_710 = arith.cmpi sgt, %select_n3A_658, %sign3A_709 : i32
      %sign3A_711 = arith.extui %sign3A_710 : i1 to i32
      %sign3A_712 = arith.constant 0 : i32
      %sign3A_713 = arith.cmpi slt, %select_n3A_658, %sign3A_712 : i32
      %sign3A_714 = arith.extui %sign3A_713 : i1 to i32
      %sign3A_715 = arith.subi %sign3A_711, %sign3A_714 : i32
      %sign3A_716 = arith.constant 0 : i32
      %sign3A_717 = arith.cmpi sgt, %jit3A_707, %sign3A_716 : i32
      %sign3A_718 = arith.extui %sign3A_717 : i1 to i32
      %sign3A_719 = arith.constant 0 : i32
      %sign3A_720 = arith.cmpi slt, %jit3A_707, %sign3A_719 : i32
      %sign3A_721 = arith.extui %sign3A_720 : i1 to i32
      %sign3A_722 = arith.subi %sign3A_718, %sign3A_721 : i32
      %ne3A_723 = arith.cmpi ne, %sign3A_715, %sign3A_722 : i32
      %rem3A_724 = arith.remsi %select_n3A_658, %jit3A_707 : i32
      %ne3A_725 = arith.constant 0 : i32
      %ne3A_726 = arith.cmpi ne, %rem3A_724, %ne3A_725 : i32
      %and3A_727 = arith.andi %ne3A_723, %ne3A_726 : i1
      %sub3A_728 = arith.constant 1 : i32
      %sub3A_729 = arith.subi %div3A_708, %sub3A_728 : i32
      %select_n3A_730 = arith.select %and3A_727, %sub3A_729, %div3A_708 : i32
      %add3A_731 = arith.constant 16 : i32
      %add3A_732 = arith.addi %mul3A_676, %add3A_731 : i32
      %get3A_733 = arith.index_cast %select_n3A_730 : i32 to index
      %get3A_734 = arith.index_cast %add3A_732 : i32 to index
      %get3A_735 = tpu.vector_load %arg7[%get3A_733, %get3A_734] {strides = array<i32>} : memref<100x128xf32, #tpu.memory_space<vmem>>, vector<1x16xf32>,
      %get3A_736 = vector.shape_cast %get3A_735 : vector<1x16xf32> to vector<16xf32>
      %jit3A_737 = arith.constant 2 : i32
      %div3A_738 = arith.divsi %select_n3A_658, %jit3A_737 : i32
      %sign3A_739 = arith.constant 0 : i32
      %sign3A_740 = arith.cmpi sgt, %select_n3A_658, %sign3A_739 : i32
      %sign3A_741 = arith.extui %sign3A_740 : i1 to i32
      %sign3A_742 = arith.constant 0 : i32
      %sign3A_743 = arith.cmpi slt, %select_n3A_658, %sign3A_742 : i32
      %sign3A_744 = arith.extui %sign3A_743 : i1 to i32
      %sign3A_745 = arith.subi %sign3A_741, %sign3A_744 : i32
      %sign3A_746 = arith.constant 0 : i32
      %sign3A_747 = arith.cmpi sgt, %jit3A_737, %sign3A_746 : i32
      %sign3A_748 = arith.extui %sign3A_747 : i1 to i32
      %sign3A_749 = arith.constant 0 : i32
      %sign3A_750 = arith.cmpi slt, %jit3A_737, %sign3A_749 : i32
      %sign3A_751 = arith.extui %sign3A_750 : i1 to i32
      %sign3A_752 = arith.subi %sign3A_748, %sign3A_751 : i32
      %ne3A_753 = arith.cmpi ne, %sign3A_745, %sign3A_752 : i32
      %rem3A_754 = arith.remsi %select_n3A_658, %jit3A_737 : i32
      %ne3A_755 = arith.constant 0 : i32
      %ne3A_756 = arith.cmpi ne, %rem3A_754, %ne3A_755 : i32
      %and3A_757 = arith.andi %ne3A_753, %ne3A_756 : i1
      %sub3A_758 = arith.constant 1 : i32
      %sub3A_759 = arith.subi %div3A_738, %sub3A_758 : i32
      %select_n3A_760 = arith.select %and3A_757, %sub3A_759, %div3A_738 : i32
      %add3A_761 = arith.constant 32 : i32
      %add3A_762 = arith.addi %mul3A_676, %add3A_761 : i32
      %get3A_763 = arith.index_cast %select_n3A_760 : i32 to index
      %get3A_764 = arith.index_cast %add3A_762 : i32 to index
      %get3A_765 = tpu.vector_load %arg7[%get3A_763, %get3A_764] {strides = array<i32>} : memref<100x128xf32, #tpu.memory_space<vmem>>, vector<1x16xf32>,
      %get3A_766 = vector.shape_cast %get3A_765 : vector<1x16xf32> to vector<16xf32>
      %jit3A_767 = arith.constant 2 : i32
      %div3A_768 = arith.divsi %select_n3A_658, %jit3A_767 : i32
      %sign3A_769 = arith.constant 0 : i32
      %sign3A_770 = arith.cmpi sgt, %select_n3A_658, %sign3A_769 : i32
      %sign3A_771 = arith.extui %sign3A_770 : i1 to i32
      %sign3A_772 = arith.constant 0 : i32
      %sign3A_773 = arith.cmpi slt, %select_n3A_658, %sign3A_772 : i32
      %sign3A_774 = arith.extui %sign3A_773 : i1 to i32
      %sign3A_775 = arith.subi %sign3A_771, %sign3A_774 : i32
      %sign3A_776 = arith.constant 0 : i32
      %sign3A_777 = arith.cmpi sgt, %jit3A_767, %sign3A_776 : i32
      %sign3A_778 = arith.extui %sign3A_777 : i1 to i32
      %sign3A_779 = arith.constant 0 : i32
      %sign3A_780 = arith.cmpi slt, %jit3A_767, %sign3A_779 : i32
      %sign3A_781 = arith.extui %sign3A_780 : i1 to i32
      %sign3A_782 = arith.subi %sign3A_778, %sign3A_781 : i32
      %ne3A_783 = arith.cmpi ne, %sign3A_775, %sign3A_782 : i32
      %rem3A_784 = arith.remsi %select_n3A_658, %jit3A_767 : i32
      %ne3A_785 = arith.constant 0 : i32
      %ne3A_786 = arith.cmpi ne, %rem3A_784, %ne3A_785 : i32
      %and3A_787 = arith.andi %ne3A_783, %ne3A_786 : i1
      %sub3A_788 = arith.constant 1 : i32
      %sub3A_789 = arith.subi %div3A_768, %sub3A_788 : i32
      %select_n3A_790 = arith.select %and3A_787, %sub3A_789, %div3A_768 : i32
      %add3A_791 = arith.constant 48 : i32
      %add3A_792 = arith.addi %mul3A_676, %add3A_791 : i32
      %get3A_793 = arith.index_cast %select_n3A_790 : i32 to index
      %get3A_794 = arith.index_cast %add3A_792 : i32 to index
      %get3A_795 = tpu.vector_load %arg7[%get3A_793, %get3A_794] {strides = array<i32>} : memref<100x128xf32, #tpu.memory_space<vmem>>, vector<1x16xf32>,
      %get3A_796 = vector.shape_cast %get3A_795 : vector<1x16xf32> to vector<16xf32>
      %parallel_loop3A_797 = arith.constant 0 : i32
      %parallel_loop3A_798 = arith.constant 64 : i32
      %parallel_loop3A_799 = arith.constant 1 : i32
      scf.for %parallel_loop3A_1274 = %parallel_loop3A_797 to %parallel_loop3A_798 step %parallel_loop3A_799  : i32 {
        %parallel_loop3A_1275 = arith.constant 2 : i32
        %parallel_loop3A_1276 = arith.muli %parallel_loop3A_1275, %parallel_loop3A_1274 : i32
        %parallel_loop3A_1277 = arith.constant 0 : i32
        %parallel_loop3A_1278 = arith.addi %parallel_loop3A_1276, %parallel_loop3A_1277 : i32
        %parallel_loop3A_1279 = arith.index_cast %parallel_loop3A_1278 : i32 to index
        %parallel_loop3A_1280 = arith.constant 0 : index
        %parallel_loop3A_1281 = tpu.vector_load %arg10[%parallel_loop3A_1279, %parallel_loop3A_1280] {strides = array<i32>} : memref<128x64xf32, #tpu.memory_space<vmem>>, vector<1x16xf32>,
        %parallel_loop3A_1282 = vector.shape_cast %parallel_loop3A_1281 : vector<1x16xf32> to vector<16xf32>
        %parallel_loop3A_1283 = arith.constant 8.000000e+00 : f32
        %parallel_loop3A_1284 = vector.broadcast %parallel_loop3A_1283 : f32 to vector<16xf32>
        %parallel_loop3A_1285 = arith.mulf %parallel_loop3A_1282, %parallel_loop3A_1284 : vector<16xf32>
        %parallel_loop3A_1286 = arith.addf %parallel_loop3A_1285, %get3A_706 : vector<16xf32>
        %parallel_loop3A_1287 = arith.index_cast %parallel_loop3A_1274 : i32 to index
        %parallel_loop3A_1288 = arith.constant 0 : index
        %parallel_loop3A_1289 = tpu.vector_load %arg15[%parallel_loop3A_1287, %parallel_loop3A_1288] {strides = array<i32>} : memref<64x128xf32, #tpu.memory_space<vmem>>, vector<1x16xf32>,
        %parallel_loop3A_1290 = vector.shape_cast %parallel_loop3A_1289 : vector<1x16xf32> to vector<16xf32>
        %parallel_loop3A_1291 = vector.shape_cast %parallel_loop3A_1286 : vector<16xf32> to vector<1x16xf32>
        tpu.vector_store %arg15[%parallel_loop3A_1287, %parallel_loop3A_1288], %parallel_loop3A_1291 {strides = array<i32>} : memref<64x128xf32, #tpu.memory_space<vmem>>, vector<1x16xf32>,
        %parallel_loop3A_1292 = arith.constant 2 : i32
        %parallel_loop3A_1293 = arith.muli %parallel_loop3A_1292, %parallel_loop3A_1274 : i32
        %parallel_loop3A_1294 = arith.constant 0 : i32
        %parallel_loop3A_1295 = arith.addi %parallel_loop3A_1293, %parallel_loop3A_1294 : i32
        %parallel_loop3A_1296 = arith.index_cast %parallel_loop3A_1295 : i32 to index
        %parallel_loop3A_1297 = arith.constant 16 : index
        %parallel_loop3A_1298 = tpu.vector_load %arg10[%parallel_loop3A_1296, %parallel_loop3A_1297] {strides = array<i32>} : memref<128x64xf32, #tpu.memory_space<vmem>>, vector<1x16xf32>,
        %parallel_loop3A_1299 = vector.shape_cast %parallel_loop3A_1298 : vector<1x16xf32> to vector<16xf32>
        %parallel_loop3A_1300 = arith.constant 8.000000e+00 : f32
        %parallel_loop3A_1301 = vector.broadcast %parallel_loop3A_1300 : f32 to vector<16xf32>
        %parallel_loop3A_1302 = arith.mulf %parallel_loop3A_1299, %parallel_loop3A_1301 : vector<16xf32>
        %parallel_loop3A_1303 = arith.addf %parallel_loop3A_1302, %get3A_736 : vector<16xf32>
        %parallel_loop3A_1304 = arith.index_cast %parallel_loop3A_1274 : i32 to index
        %parallel_loop3A_1305 = arith.constant 16 : index
        %parallel_loop3A_1306 = tpu.vector_load %arg15[%parallel_loop3A_1304, %parallel_loop3A_1305] {strides = array<i32>} : memref<64x128xf32, #tpu.memory_space<vmem>>, vector<1x16xf32>,
        %parallel_loop3A_1307 = vector.shape_cast %parallel_loop3A_1306 : vector<1x16xf32> to vector<16xf32>
        %parallel_loop3A_1308 = vector.shape_cast %parallel_loop3A_1303 : vector<16xf32> to vector<1x16xf32>
        tpu.vector_store %arg15[%parallel_loop3A_1304, %parallel_loop3A_1305], %parallel_loop3A_1308 {strides = array<i32>} : memref<64x128xf32, #tpu.memory_space<vmem>>, vector<1x16xf32>,
        %parallel_loop3A_1309 = arith.constant 2 : i32
        %parallel_loop3A_1310 = arith.muli %parallel_loop3A_1309, %parallel_loop3A_1274 : i32
        %parallel_loop3A_1311 = arith.constant 0 : i32
        %parallel_loop3A_1312 = arith.addi %parallel_loop3A_1310, %parallel_loop3A_1311 : i32
        %parallel_loop3A_1313 = arith.index_cast %parallel_loop3A_1312 : i32 to index
        %parallel_loop3A_1314 = arith.constant 32 : index
        %parallel_loop3A_1315 = tpu.vector_load %arg10[%parallel_loop3A_1313, %parallel_loop3A_1314] {strides = array<i32>} : memref<128x64xf32, #tpu.memory_space<vmem>>, vector<1x16xf32>,
        %parallel_loop3A_1316 = vector.shape_cast %parallel_loop3A_1315 : vector<1x16xf32> to vector<16xf32>
        %parallel_loop3A_1317 = arith.constant 8.000000e+00 : f32
        %parallel_loop3A_1318 = vector.broadcast %parallel_loop3A_1317 : f32 to vector<16xf32>
        %parallel_loop3A_1319 = arith.mulf %parallel_loop3A_1316, %parallel_loop3A_1318 : vector<16xf32>
        %parallel_loop3A_1320 = arith.addf %parallel_loop3A_1319, %get3A_766 : vector<16xf32>
        %parallel_loop3A_1321 = arith.index_cast %parallel_loop3A_1274 : i32 to index
        %parallel_loop3A_1322 = arith.constant 32 : index
        %parallel_loop3A_1323 = tpu.vector_load %arg15[%parallel_loop3A_1321, %parallel_loop3A_1322] {strides = array<i32>} : memref<64x128xf32, #tpu.memory_space<vmem>>, vector<1x16xf32>,
        %parallel_loop3A_1324 = vector.shape_cast %parallel_loop3A_1323 : vector<1x16xf32> to vector<16xf32>
        %parallel_loop3A_1325 = vector.shape_cast %parallel_loop3A_1320 : vector<16xf32> to vector<1x16xf32>
        tpu.vector_store %arg15[%parallel_loop3A_1321, %parallel_loop3A_1322], %parallel_loop3A_1325 {strides = array<i32>} : memref<64x128xf32, #tpu.memory_space<vmem>>, vector<1x16xf32>,
        %parallel_loop3A_1326 = arith.constant 2 : i32
        %parallel_loop3A_1327 = arith.muli %parallel_loop3A_1326, %parallel_loop3A_1274 : i32
        %parallel_loop3A_1328 = arith.constant 0 : i32
        %parallel_loop3A_1329 = arith.addi %parallel_loop3A_1327, %parallel_loop3A_1328 : i32
        %parallel_loop3A_1330 = arith.index_cast %parallel_loop3A_1329 : i32 to index
        %parallel_loop3A_1331 = arith.constant 48 : index
        %parallel_loop3A_1332 = tpu.vector_load %arg10[%parallel_loop3A_1330, %parallel_loop3A_1331] {strides = array<i32>} : memref<128x64xf32, #tpu.memory_space<vmem>>, vector<1x16xf32>,
        %parallel_loop3A_1333 = vector.shape_cast %parallel_loop3A_1332 : vector<1x16xf32> to vector<16xf32>
        %parallel_loop3A_1334 = arith.constant 8.000000e+00 : f32
        %parallel_loop3A_1335 = vector.broadcast %parallel_loop3A_1334 : f32 to vector<16xf32>
        %parallel_loop3A_1336 = arith.mulf %parallel_loop3A_1333, %parallel_loop3A_1335 : vector<16xf32>
        %parallel_loop3A_1337 = arith.addf %parallel_loop3A_1336, %get3A_796 : vector<16xf32>
        %parallel_loop3A_1338 = arith.index_cast %parallel_loop3A_1274 : i32 to index
        %parallel_loop3A_1339 = arith.constant 48 : index
        %parallel_loop3A_1340 = tpu.vector_load %arg15[%parallel_loop3A_1338, %parallel_loop3A_1339] {strides = array<i32>} : memref<64x128xf32, #tpu.memory_space<vmem>>, vector<1x16xf32>,
        %parallel_loop3A_1341 = vector.shape_cast %parallel_loop3A_1340 : vector<1x16xf32> to vector<16xf32>
        %parallel_loop3A_1342 = vector.shape_cast %parallel_loop3A_1337 : vector<16xf32> to vector<1x16xf32>
        tpu.vector_store %arg15[%parallel_loop3A_1338, %parallel_loop3A_1339], %parallel_loop3A_1342 {strides = array<i32>} : memref<64x128xf32, #tpu.memory_space<vmem>>, vector<1x16xf32>,
        %parallel_loop3A_1343 = arith.constant 2 : i32
        %parallel_loop3A_1344 = arith.muli %parallel_loop3A_1343, %parallel_loop3A_1274 : i32
        %parallel_loop3A_1345 = arith.constant 1 : i32
        %parallel_loop3A_1346 = arith.addi %parallel_loop3A_1344, %parallel_loop3A_1345 : i32
        %parallel_loop3A_1347 = arith.index_cast %parallel_loop3A_1346 : i32 to index
        %parallel_loop3A_1348 = arith.constant 0 : index
        %parallel_loop3A_1349 = tpu.vector_load %arg10[%parallel_loop3A_1347, %parallel_loop3A_1348] {strides = array<i32>} : memref<128x64xf32, #tpu.memory_space<vmem>>, vector<1x16xf32>,
        %parallel_loop3A_1350 = vector.shape_cast %parallel_loop3A_1349 : vector<1x16xf32> to vector<16xf32>
        %parallel_loop3A_1351 = arith.constant 8.000000e+00 : f32
        %parallel_loop3A_1352 = vector.broadcast %parallel_loop3A_1351 : f32 to vector<16xf32>
        %parallel_loop3A_1353 = arith.mulf %parallel_loop3A_1350, %parallel_loop3A_1352 : vector<16xf32>
        %parallel_loop3A_1354 = arith.addf %parallel_loop3A_1353, %get3A_706 : vector<16xf32>
        %parallel_loop3A_1355 = arith.index_cast %parallel_loop3A_1274 : i32 to index
        %parallel_loop3A_1356 = arith.constant 64 : index
        %parallel_loop3A_1357 = tpu.vector_load %arg15[%parallel_loop3A_1355, %parallel_loop3A_1356] {strides = array<i32>} : memref<64x128xf32, #tpu.memory_space<vmem>>, vector<1x16xf32>,
        %parallel_loop3A_1358 = vector.shape_cast %parallel_loop3A_1357 : vector<1x16xf32> to vector<16xf32>
        %parallel_loop3A_1359 = vector.shape_cast %parallel_loop3A_1354 : vector<16xf32> to vector<1x16xf32>
        tpu.vector_store %arg15[%parallel_loop3A_1355, %parallel_loop3A_1356], %parallel_loop3A_1359 {strides = array<i32>} : memref<64x128xf32, #tpu.memory_space<vmem>>, vector<1x16xf32>,
        %parallel_loop3A_1360 = arith.constant 2 : i32
        %parallel_loop3A_1361 = arith.muli %parallel_loop3A_1360, %parallel_loop3A_1274 : i32
        %parallel_loop3A_1362 = arith.constant 1 : i32
        %parallel_loop3A_1363 = arith.addi %parallel_loop3A_1361, %parallel_loop3A_1362 : i32
        %parallel_loop3A_1364 = arith.index_cast %parallel_loop3A_1363 : i32 to index
        %parallel_loop3A_1365 = arith.constant 16 : index
        %parallel_loop3A_1366 = tpu.vector_load %arg10[%parallel_loop3A_1364, %parallel_loop3A_1365] {strides = array<i32>} : memref<128x64xf32, #tpu.memory_space<vmem>>, vector<1x16xf32>,
        %parallel_loop3A_1367 = vector.shape_cast %parallel_loop3A_1366 : vector<1x16xf32> to vector<16xf32>
        %parallel_loop3A_1368 = arith.constant 8.000000e+00 : f32
        %parallel_loop3A_1369 = vector.broadcast %parallel_loop3A_1368 : f32 to vector<16xf32>
        %parallel_loop3A_1370 = arith.mulf %parallel_loop3A_1367, %parallel_loop3A_1369 : vector<16xf32>
        %parallel_loop3A_1371 = arith.addf %parallel_loop3A_1370, %get3A_736 : vector<16xf32>
        %parallel_loop3A_1372 = arith.index_cast %parallel_loop3A_1274 : i32 to index
        %parallel_loop3A_1373 = arith.constant 80 : index
        %parallel_loop3A_1374 = tpu.vector_load %arg15[%parallel_loop3A_1372, %parallel_loop3A_1373] {strides = array<i32>} : memref<64x128xf32, #tpu.memory_space<vmem>>, vector<1x16xf32>,
        %parallel_loop3A_1375 = vector.shape_cast %parallel_loop3A_1374 : vector<1x16xf32> to vector<16xf32>
        %parallel_loop3A_1376 = vector.shape_cast %parallel_loop3A_1371 : vector<16xf32> to vector<1x16xf32>
        tpu.vector_store %arg15[%parallel_loop3A_1372, %parallel_loop3A_1373], %parallel_loop3A_1376 {strides = array<i32>} : memref<64x128xf32, #tpu.memory_space<vmem>>, vector<1x16xf32>,
        %parallel_loop3A_1377 = arith.constant 2 : i32
        %parallel_loop3A_1378 = arith.muli %parallel_loop3A_1377, %parallel_loop3A_1274 : i32
        %parallel_loop3A_1379 = arith.constant 1 : i32
        %parallel_loop3A_1380 = arith.addi %parallel_loop3A_1378, %parallel_loop3A_1379 : i32
        %parallel_loop3A_1381 = arith.index_cast %parallel_loop3A_1380 : i32 to index
        %parallel_loop3A_1382 = arith.constant 32 : index
        %parallel_loop3A_1383 = tpu.vector_load %arg10[%parallel_loop3A_1381, %parallel_loop3A_1382] {strides = array<i32>} : memref<128x64xf32, #tpu.memory_space<vmem>>, vector<1x16xf32>,
        %parallel_loop3A_1384 = vector.shape_cast %parallel_loop3A_1383 : vector<1x16xf32> to vector<16xf32>
        %parallel_loop3A_1385 = arith.constant 8.000000e+00 : f32
        %parallel_loop3A_1386 = vector.broadcast %parallel_loop3A_1385 : f32 to vector<16xf32>
        %parallel_loop3A_1387 = arith.mulf %parallel_loop3A_1384, %parallel_loop3A_1386 : vector<16xf32>
        %parallel_loop3A_1388 = arith.addf %parallel_loop3A_1387, %get3A_766 : vector<16xf32>
        %parallel_loop3A_1389 = arith.index_cast %parallel_loop3A_1274 : i32 to index
        %parallel_loop3A_1390 = arith.constant 96 : index
        %parallel_loop3A_1391 = tpu.vector_load %arg15[%parallel_loop3A_1389, %parallel_loop3A_1390] {strides = array<i32>} : memref<64x128xf32, #tpu.memory_space<vmem>>, vector<1x16xf32>,
        %parallel_loop3A_1392 = vector.shape_cast %parallel_loop3A_1391 : vector<1x16xf32> to vector<16xf32>
        %parallel_loop3A_1393 = vector.shape_cast %parallel_loop3A_1388 : vector<16xf32> to vector<1x16xf32>
        tpu.vector_store %arg15[%parallel_loop3A_1389, %parallel_loop3A_1390], %parallel_loop3A_1393 {strides = array<i32>} : memref<64x128xf32, #tpu.memory_space<vmem>>, vector<1x16xf32>,
        %parallel_loop3A_1394 = arith.constant 2 : i32
        %parallel_loop3A_1395 = arith.muli %parallel_loop3A_1394, %parallel_loop3A_1274 : i32
        %parallel_loop3A_1396 = arith.constant 1 : i32
        %parallel_loop3A_1397 = arith.addi %parallel_loop3A_1395, %parallel_loop3A_1396 : i32
        %parallel_loop3A_1398 = arith.index_cast %parallel_loop3A_1397 : i32 to index
        %parallel_loop3A_1399 = arith.constant 48 : index
        %parallel_loop3A_1400 = tpu.vector_load %arg10[%parallel_loop3A_1398, %parallel_loop3A_1399] {strides = array<i32>} : memref<128x64xf32, #tpu.memory_space<vmem>>, vector<1x16xf32>,
        %parallel_loop3A_1401 = vector.shape_cast %parallel_loop3A_1400 : vector<1x16xf32> to vector<16xf32>
        %parallel_loop3A_1402 = arith.constant 8.000000e+00 : f32
        %parallel_loop3A_1403 = vector.broadcast %parallel_loop3A_1402 : f32 to vector<16xf32>
        %parallel_loop3A_1404 = arith.mulf %parallel_loop3A_1401, %parallel_loop3A_1403 : vector<16xf32>
        %parallel_loop3A_1405 = arith.addf %parallel_loop3A_1404, %get3A_796 : vector<16xf32>
        %parallel_loop3A_1406 = arith.index_cast %parallel_loop3A_1274 : i32 to index
        %parallel_loop3A_1407 = arith.constant 112 : index
        %parallel_loop3A_1408 = tpu.vector_load %arg15[%parallel_loop3A_1406, %parallel_loop3A_1407] {strides = array<i32>} : memref<64x128xf32, #tpu.memory_space<vmem>>, vector<1x16xf32>,
        %parallel_loop3A_1409 = vector.shape_cast %parallel_loop3A_1408 : vector<1x16xf32> to vector<16xf32>
        %parallel_loop3A_1410 = vector.shape_cast %parallel_loop3A_1405 : vector<16xf32> to vector<1x16xf32>
        tpu.vector_store %arg15[%parallel_loop3A_1406, %parallel_loop3A_1407], %parallel_loop3A_1410 {strides = array<i32>} : memref<64x128xf32, #tpu.memory_space<vmem>>, vector<1x16xf32>,
      } {sc.loop_unroll_factor = 4 : i64, sc.parallel_access}
      %jit3A_800 = arith.constant 2 : i32
      %div3A_801 = arith.divsi %mul3A_4, %jit3A_800 : i32
      %sign3A_802 = arith.constant 0 : i32
      %sign3A_803 = arith.cmpi sgt, %mul3A_4, %sign3A_802 : i32
      %sign3A_804 = arith.extui %sign3A_803 : i1 to i32
      %sign3A_805 = arith.constant 0 : i32
      %sign3A_806 = arith.cmpi slt, %mul3A_4, %sign3A_805 : i32
      %sign3A_807 = arith.extui %sign3A_806 : i1 to i32
      %sign3A_808 = arith.subi %sign3A_804, %sign3A_807 : i32
      %sign3A_809 = arith.constant 0 : i32
      %sign3A_810 = arith.cmpi sgt, %jit3A_800, %sign3A_809 : i32
      %sign3A_811 = arith.extui %sign3A_810 : i1 to i32
      %sign3A_812 = arith.constant 0 : i32
      %sign3A_813 = arith.cmpi slt, %jit3A_800, %sign3A_812 : i32
      %sign3A_814 = arith.extui %sign3A_813 : i1 to i32
      %sign3A_815 = arith.subi %sign3A_811, %sign3A_814 : i32
      %ne3A_816 = arith.cmpi ne, %sign3A_808, %sign3A_815 : i32
      %rem3A_817 = arith.remsi %mul3A_4, %jit3A_800 : i32
      %ne3A_818 = arith.constant 0 : i32
      %ne3A_819 = arith.cmpi ne, %rem3A_817, %ne3A_818 : i32
      %and3A_820 = arith.andi %ne3A_816, %ne3A_819 : i1
      %sub3A_821 = arith.constant 1 : i32
      %sub3A_822 = arith.subi %div3A_801, %sub3A_821 : i32
      %select_n3A_823 = arith.select %and3A_820, %sub3A_822, %div3A_801 : i32
      %mul3A_824 = arith.constant 64 : i32
      %mul3A_825 = arith.muli %add3A_620, %mul3A_824 : i32
      %add3A_826 = arith.addi %select_n3A_823, %mul3A_825 : i32
      %dma_start3A_827 = arith.constant 0 : i32
      %dma_start3A_828 = tpu.memref_slice %arg5[%add3A_826, %dma_start3A_827] : memref<102400x128xf32, #tpu.memory_space<hbm>> -> memref<64x128xf32, #tpu.memory_space<hbm>>
      %dma_start3A_829 = arith.constant 0 : i32
      %dma_start3A_830 = tpu.memref_slice %arg5[%add3A_826, %dma_start3A_829] : memref<102400x128xf32, #tpu.memory_space<hbm>> -> memref<64x128xf32, #tpu.memory_space<hbm>>
      tpu.enqueue_dma source(%arg15 : memref<64x128xf32, #tpu.memory_space<vmem>>) target(%dma_start3A_830 : memref<64x128xf32, #tpu.memory_space<hbm>>) target_semaphore(%arg25 : memref<!tpu.dma_semaphore, #tpu.memory_space<semaphore_mem>>)
      %lt3A_831 = arith.constant 9 : i32
      %lt3A_832 = arith.cmpi slt, %scan3A_185, %lt3A_831 : i32
      %convert_element_type3A_833 = arith.extui %lt3A_832 : i1 to i32
      %cond3A_834 = arith.constant 0 : i32
      %cond3A_835 = arith.cmpi ne, %convert_element_type3A_833, %cond3A_834 : i32
      scf.if %cond3A_835 {
        %add3A_1274 = arith.constant 5 : i32
        %add3A_1275 = arith.addi %add3A_620, %add3A_1274 : i32
        %dma_start3A_1276 = arith.constant 0 : i32
        %dma_start3A_1277 = tpu.memref_slice %arg6[%add3A_1275, %dma_start3A_1276] : memref<50x128xi32, #tpu.memory_space<vmem>> -> memref<1x128xi32, #tpu.memory_space<vmem>>
        %dma_start3A_1278 = tpu.memref_squeeze %dma_start3A_1277 : memref<1x128xi32, #tpu.memory_space<vmem>> -> memref<128xi32, #tpu.memory_space<vmem>>
        %dma_start3A_1279 = arith.constant 0 : i32
        %dma_start3A_1280 = arith.constant 0 : i32
        %dma_start3A_1281 = tpu.memref_slice %arg2[%dma_start3A_1279, %dma_start3A_1280] : memref<1000000x64xf32, #tpu.memory_space<hbm>> -> memref<1000000x64xf32, #tpu.memory_space<hbm>>
        tpu.enqueue_indirect_dma source(%dma_start3A_1281 : memref<1000000x64xf32, #tpu.memory_space<hbm>>) target(%arg10 : memref<128x64xf32, #tpu.memory_space<vmem>>) offsets(%dma_start3A_1278 : memref<128xi32, #tpu.memory_space<vmem>>) semaphore(%arg20 : memref<!tpu.dma_semaphore, #tpu.memory_space<semaphore_mem>>)
      } else {
      }
      %mul3A_836 = arith.constant 5 : i32
      %mul3A_837 = arith.muli %scan3A_185, %mul3A_836 : i32
      %add3A_838 = arith.constant 3 : i32
      %add3A_839 = arith.addi %mul3A_837, %add3A_838 : i32
      %dma_wait3A_840 = arith.constant 0 : i32
      %dma_wait3A_841 = tpu.memref_slice %arg6[%add3A_839, %dma_wait3A_840] : memref<50x128xi32, #tpu.memory_space<vmem>> -> memref<1x128xi32, #tpu.memory_space<vmem>>
      %dma_wait3A_842 = tpu.memref_squeeze %dma_wait3A_841 : memref<1x128xi32, #tpu.memory_space<vmem>> -> memref<128xi32, #tpu.memory_space<vmem>>
      %dma_wait3A_843 = arith.constant 0 : i32
      %dma_wait3A_844 = arith.constant 0 : i32
      %dma_wait3A_845 = tpu.memref_slice %arg2[%dma_wait3A_843, %dma_wait3A_844] : memref<1000000x64xf32, #tpu.memory_space<hbm>> -> memref<1000000x64xf32, #tpu.memory_space<hbm>>
      tpu.wait_indirect_dma semaphore(%arg21 : memref<!tpu.dma_semaphore, #tpu.memory_space<semaphore_mem>>) src(%dma_wait3A_845 : memref<1000000x64xf32, #tpu.memory_space<hbm>>) dst(%arg11 : memref<128x64xf32, #tpu.memory_space<vmem>>)
      %ge3A_846 = arith.constant 1 : i32
      %ge3A_847 = arith.cmpi sge, %scan3A_185, %ge3A_846 : i32
      %convert_element_type3A_848 = arith.extui %ge3A_847 : i1 to i32
      %cond3A_849 = arith.constant 0 : i32
      %cond3A_850 = arith.cmpi ne, %convert_element_type3A_848, %cond3A_849 : i32
      scf.if %cond3A_850 {
        %jit3A_1274 = arith.constant 2 : i32
        %div3A_1275 = arith.divsi %mul3A_4, %jit3A_1274 : i32
        %sign3A_1276 = arith.constant 0 : i32
        %sign3A_1277 = arith.cmpi sgt, %mul3A_4, %sign3A_1276 : i32
        %sign3A_1278 = arith.extui %sign3A_1277 : i1 to i32
        %sign3A_1279 = arith.constant 0 : i32
        %sign3A_1280 = arith.cmpi slt, %mul3A_4, %sign3A_1279 : i32
        %sign3A_1281 = arith.extui %sign3A_1280 : i1 to i32
        %sign3A_1282 = arith.subi %sign3A_1278, %sign3A_1281 : i32
        %sign3A_1283 = arith.constant 0 : i32
        %sign3A_1284 = arith.cmpi sgt, %jit3A_1274, %sign3A_1283 : i32
        %sign3A_1285 = arith.extui %sign3A_1284 : i1 to i32
        %sign3A_1286 = arith.constant 0 : i32
        %sign3A_1287 = arith.cmpi slt, %jit3A_1274, %sign3A_1286 : i32
        %sign3A_1288 = arith.extui %sign3A_1287 : i1 to i32
        %sign3A_1289 = arith.subi %sign3A_1285, %sign3A_1288 : i32
        %ne3A_1290 = arith.cmpi ne, %sign3A_1282, %sign3A_1289 : i32
        %rem3A_1291 = arith.remsi %mul3A_4, %jit3A_1274 : i32
        %ne3A_1292 = arith.constant 0 : i32
        %ne3A_1293 = arith.cmpi ne, %rem3A_1291, %ne3A_1292 : i32
        %and3A_1294 = arith.andi %ne3A_1290, %ne3A_1293 : i1
        %sub3A_1295 = arith.constant 1 : i32
        %sub3A_1296 = arith.subi %div3A_1275, %sub3A_1295 : i32
        %select_n3A_1297 = arith.select %and3A_1294, %sub3A_1296, %div3A_1275 : i32
        %mul3A_1298 = arith.constant 64 : i32
        %mul3A_1299 = arith.muli %add3A_839, %mul3A_1298 : i32
        %add3A_1300 = arith.addi %select_n3A_1297, %mul3A_1299 : i32
        %dma_wait3A_1301 = arith.constant 0 : i32
        %dma_wait3A_1302 = tpu.memref_slice %arg5[%add3A_1300, %dma_wait3A_1301] : memref<102400x128xf32, #tpu.memory_space<hbm>> -> memref<64x128xf32, #tpu.memory_space<hbm>>
        %dma_wait3A_1303 = arith.constant 0 : i32
        %dma_wait3A_1304 = tpu.memref_slice %arg5[%add3A_1300, %dma_wait3A_1303] : memref<102400x128xf32, #tpu.memory_space<hbm>> -> memref<64x128xf32, #tpu.memory_space<hbm>>
        tpu.wait_dma2 semaphore(%arg26 : memref<!tpu.dma_semaphore, #tpu.memory_space<semaphore_mem>>) src(%arg16 : memref<64x128xf32, #tpu.memory_space<vmem>>) dst(%dma_wait3A_1304 : memref<64x128xf32, #tpu.memory_space<hbm>>)
      } else {
      }
      %mul3A_851 = arith.constant 128 : i32
      %mul3A_852 = arith.muli %add3A_839, %mul3A_851 : i32
      %add3A_853 = arith.addi %mul3A_4, %mul3A_852 : i32
      %jit3A_854 = arith.constant 1024 : i32
      %div3A_855 = arith.divsi %add3A_853, %jit3A_854 : i32
      %sign3A_856 = arith.constant 0 : i32
      %sign3A_857 = arith.cmpi sgt, %add3A_853, %sign3A_856 : i32
      %sign3A_858 = arith.extui %sign3A_857 : i1 to i32
      %sign3A_859 = arith.constant 0 : i32
      %sign3A_860 = arith.cmpi slt, %add3A_853, %sign3A_859 : i32
      %sign3A_861 = arith.extui %sign3A_860 : i1 to i32
      %sign3A_862 = arith.subi %sign3A_858, %sign3A_861 : i32
      %sign3A_863 = arith.constant 0 : i32
      %sign3A_864 = arith.cmpi sgt, %jit3A_854, %sign3A_863 : i32
      %sign3A_865 = arith.extui %sign3A_864 : i1 to i32
      %sign3A_866 = arith.constant 0 : i32
      %sign3A_867 = arith.cmpi slt, %jit3A_854, %sign3A_866 : i32
      %sign3A_868 = arith.extui %sign3A_867 : i1 to i32
      %sign3A_869 = arith.subi %sign3A_865, %sign3A_868 : i32
      %ne3A_870 = arith.cmpi ne, %sign3A_862, %sign3A_869 : i32
      %rem3A_871 = arith.remsi %add3A_853, %jit3A_854 : i32
      %ne3A_872 = arith.constant 0 : i32
      %ne3A_873 = arith.cmpi ne, %rem3A_871, %ne3A_872 : i32
      %and3A_874 = arith.andi %ne3A_870, %ne3A_873 : i1
      %sub3A_875 = arith.constant 1 : i32
      %sub3A_876 = arith.subi %div3A_855, %sub3A_875 : i32
      %select_n3A_877 = arith.select %and3A_874, %sub3A_876, %div3A_855 : i32
      %jit3A_878 = arith.constant 2 : i32
      %eq3A_879 = arith.constant 0 : i32
      %eq3A_880 = arith.cmpi eq, %jit3A_878, %eq3A_879 : i32
      %jit3A_881 = arith.constant 1 : i32
      %select_n3A_882 = arith.select %eq3A_880, %jit3A_881, %jit3A_878 : i32
      %rem3A_883 = arith.remsi %select_n3A_877, %select_n3A_882 : i32
      %ne3A_884 = arith.constant 0 : i32
      %ne3A_885 = arith.cmpi ne, %rem3A_883, %ne3A_884 : i32
      %lt3A_886 = arith.constant 0 : i32
      %lt3A_887 = arith.cmpi slt, %rem3A_883, %lt3A_886 : i32
      %lt3A_888 = arith.constant 0 : i32
      %lt3A_889 = arith.cmpi slt, %select_n3A_882, %lt3A_888 : i32
      %ne3A_890 = arith.xori %lt3A_887, %lt3A_889 : i1
      %and3A_891 = arith.andi %ne3A_890, %ne3A_885 : i1
      %add3A_892 = arith.addi %rem3A_883, %select_n3A_882 : i32
      %select_n3A_893 = arith.select %and3A_891, %add3A_892, %rem3A_883 : i32
      %mul3A_894 = arith.constant 64 : i32
      %mul3A_895 = arith.muli %mul3A_894, %select_n3A_893 : i32
      %jit3A_896 = arith.constant 2 : i32
      %div3A_897 = arith.divsi %select_n3A_877, %jit3A_896 : i32
      %sign3A_898 = arith.constant 0 : i32
      %sign3A_899 = arith.cmpi sgt, %select_n3A_877, %sign3A_898 : i32
      %sign3A_900 = arith.extui %sign3A_899 : i1 to i32
      %sign3A_901 = arith.constant 0 : i32
      %sign3A_902 = arith.cmpi slt, %select_n3A_877, %sign3A_901 : i32
      %sign3A_903 = arith.extui %sign3A_902 : i1 to i32
      %sign3A_904 = arith.subi %sign3A_900, %sign3A_903 : i32
      %sign3A_905 = arith.constant 0 : i32
      %sign3A_906 = arith.cmpi sgt, %jit3A_896, %sign3A_905 : i32
      %sign3A_907 = arith.extui %sign3A_906 : i1 to i32
      %sign3A_908 = arith.constant 0 : i32
      %sign3A_909 = arith.cmpi slt, %jit3A_896, %sign3A_908 : i32
      %sign3A_910 = arith.extui %sign3A_909 : i1 to i32
      %sign3A_911 = arith.subi %sign3A_907, %sign3A_910 : i32
      %ne3A_912 = arith.cmpi ne, %sign3A_904, %sign3A_911 : i32
      %rem3A_913 = arith.remsi %select_n3A_877, %jit3A_896 : i32
      %ne3A_914 = arith.constant 0 : i32
      %ne3A_915 = arith.cmpi ne, %rem3A_913, %ne3A_914 : i32
      %and3A_916 = arith.andi %ne3A_912, %ne3A_915 : i1
      %sub3A_917 = arith.constant 1 : i32
      %sub3A_918 = arith.subi %div3A_897, %sub3A_917 : i32
      %select_n3A_919 = arith.select %and3A_916, %sub3A_918, %div3A_897 : i32
      %add3A_920 = arith.constant 0 : i32
      %add3A_921 = arith.addi %mul3A_895, %add3A_920 : i32
      %get3A_922 = arith.index_cast %select_n3A_919 : i32 to index
      %get3A_923 = arith.index_cast %add3A_921 : i32 to index
      %get3A_924 = tpu.vector_load %arg7[%get3A_922, %get3A_923] {strides = array<i32>} : memref<100x128xf32, #tpu.memory_space<vmem>>, vector<1x16xf32>,
      %get3A_925 = vector.shape_cast %get3A_924 : vector<1x16xf32> to vector<16xf32>
      %jit3A_926 = arith.constant 2 : i32
      %div3A_927 = arith.divsi %select_n3A_877, %jit3A_926 : i32
      %sign3A_928 = arith.constant 0 : i32
      %sign3A_929 = arith.cmpi sgt, %select_n3A_877, %sign3A_928 : i32
      %sign3A_930 = arith.extui %sign3A_929 : i1 to i32
      %sign3A_931 = arith.constant 0 : i32
      %sign3A_932 = arith.cmpi slt, %select_n3A_877, %sign3A_931 : i32
      %sign3A_933 = arith.extui %sign3A_932 : i1 to i32
      %sign3A_934 = arith.subi %sign3A_930, %sign3A_933 : i32
      %sign3A_935 = arith.constant 0 : i32
      %sign3A_936 = arith.cmpi sgt, %jit3A_926, %sign3A_935 : i32
      %sign3A_937 = arith.extui %sign3A_936 : i1 to i32
      %sign3A_938 = arith.constant 0 : i32
      %sign3A_939 = arith.cmpi slt, %jit3A_926, %sign3A_938 : i32
      %sign3A_940 = arith.extui %sign3A_939 : i1 to i32
      %sign3A_941 = arith.subi %sign3A_937, %sign3A_940 : i32
      %ne3A_942 = arith.cmpi ne, %sign3A_934, %sign3A_941 : i32
      %rem3A_943 = arith.remsi %select_n3A_877, %jit3A_926 : i32
      %ne3A_944 = arith.constant 0 : i32
      %ne3A_945 = arith.cmpi ne, %rem3A_943, %ne3A_944 : i32
      %and3A_946 = arith.andi %ne3A_942, %ne3A_945 : i1
      %sub3A_947 = arith.constant 1 : i32
      %sub3A_948 = arith.subi %div3A_927, %sub3A_947 : i32
      %select_n3A_949 = arith.select %and3A_946, %sub3A_948, %div3A_927 : i32
      %add3A_950 = arith.constant 16 : i32
      %add3A_951 = arith.addi %mul3A_895, %add3A_950 : i32
      %get3A_952 = arith.index_cast %select_n3A_949 : i32 to index
      %get3A_953 = arith.index_cast %add3A_951 : i32 to index
      %get3A_954 = tpu.vector_load %arg7[%get3A_952, %get3A_953] {strides = array<i32>} : memref<100x128xf32, #tpu.memory_space<vmem>>, vector<1x16xf32>,
      %get3A_955 = vector.shape_cast %get3A_954 : vector<1x16xf32> to vector<16xf32>
      %jit3A_956 = arith.constant 2 : i32
      %div3A_957 = arith.divsi %select_n3A_877, %jit3A_956 : i32
      %sign3A_958 = arith.constant 0 : i32
      %sign3A_959 = arith.cmpi sgt, %select_n3A_877, %sign3A_958 : i32
      %sign3A_960 = arith.extui %sign3A_959 : i1 to i32
      %sign3A_961 = arith.constant 0 : i32
      %sign3A_962 = arith.cmpi slt, %select_n3A_877, %sign3A_961 : i32
      %sign3A_963 = arith.extui %sign3A_962 : i1 to i32
      %sign3A_964 = arith.subi %sign3A_960, %sign3A_963 : i32
      %sign3A_965 = arith.constant 0 : i32
      %sign3A_966 = arith.cmpi sgt, %jit3A_956, %sign3A_965 : i32
      %sign3A_967 = arith.extui %sign3A_966 : i1 to i32
      %sign3A_968 = arith.constant 0 : i32
      %sign3A_969 = arith.cmpi slt, %jit3A_956, %sign3A_968 : i32
      %sign3A_970 = arith.extui %sign3A_969 : i1 to i32
      %sign3A_971 = arith.subi %sign3A_967, %sign3A_970 : i32
      %ne3A_972 = arith.cmpi ne, %sign3A_964, %sign3A_971 : i32
      %rem3A_973 = arith.remsi %select_n3A_877, %jit3A_956 : i32
      %ne3A_974 = arith.constant 0 : i32
      %ne3A_975 = arith.cmpi ne, %rem3A_973, %ne3A_974 : i32
      %and3A_976 = arith.andi %ne3A_972, %ne3A_975 : i1
      %sub3A_977 = arith.constant 1 : i32
      %sub3A_978 = arith.subi %div3A_957, %sub3A_977 : i32
      %select_n3A_979 = arith.select %and3A_976, %sub3A_978, %div3A_957 : i32
      %add3A_980 = arith.constant 32 : i32
      %add3A_981 = arith.addi %mul3A_895, %add3A_980 : i32
      %get3A_982 = arith.index_cast %select_n3A_979 : i32 to index
      %get3A_983 = arith.index_cast %add3A_981 : i32 to index
      %get3A_984 = tpu.vector_load %arg7[%get3A_982, %get3A_983] {strides = array<i32>} : memref<100x128xf32, #tpu.memory_space<vmem>>, vector<1x16xf32>,
      %get3A_985 = vector.shape_cast %get3A_984 : vector<1x16xf32> to vector<16xf32>
      %jit3A_986 = arith.constant 2 : i32
      %div3A_987 = arith.divsi %select_n3A_877, %jit3A_986 : i32
      %sign3A_988 = arith.constant 0 : i32
      %sign3A_989 = arith.cmpi sgt, %select_n3A_877, %sign3A_988 : i32
      %sign3A_990 = arith.extui %sign3A_989 : i1 to i32
      %sign3A_991 = arith.constant 0 : i32
      %sign3A_992 = arith.cmpi slt, %select_n3A_877, %sign3A_991 : i32
      %sign3A_993 = arith.extui %sign3A_992 : i1 to i32
      %sign3A_994 = arith.subi %sign3A_990, %sign3A_993 : i32
      %sign3A_995 = arith.constant 0 : i32
      %sign3A_996 = arith.cmpi sgt, %jit3A_986, %sign3A_995 : i32
      %sign3A_997 = arith.extui %sign3A_996 : i1 to i32
      %sign3A_998 = arith.constant 0 : i32
      %sign3A_999 = arith.cmpi slt, %jit3A_986, %sign3A_998 : i32
      %sign3A_1000 = arith.extui %sign3A_999 : i1 to i32
      %sign3A_1001 = arith.subi %sign3A_997, %sign3A_1000 : i32
      %ne3A_1002 = arith.cmpi ne, %sign3A_994, %sign3A_1001 : i32
      %rem3A_1003 = arith.remsi %select_n3A_877, %jit3A_986 : i32
      %ne3A_1004 = arith.constant 0 : i32
      %ne3A_1005 = arith.cmpi ne, %rem3A_1003, %ne3A_1004 : i32
      %and3A_1006 = arith.andi %ne3A_1002, %ne3A_1005 : i1
      %sub3A_1007 = arith.constant 1 : i32
      %sub3A_1008 = arith.subi %div3A_987, %sub3A_1007 : i32
      %select_n3A_1009 = arith.select %and3A_1006, %sub3A_1008, %div3A_987 : i32
      %add3A_1010 = arith.constant 48 : i32
      %add3A_1011 = arith.addi %mul3A_895, %add3A_1010 : i32
      %get3A_1012 = arith.index_cast %select_n3A_1009 : i32 to index
      %get3A_1013 = arith.index_cast %add3A_1011 : i32 to index
      %get3A_1014 = tpu.vector_load %arg7[%get3A_1012, %get3A_1013] {strides = array<i32>} : memref<100x128xf32, #tpu.memory_space<vmem>>, vector<1x16xf32>,
      %get3A_1015 = vector.shape_cast %get3A_1014 : vector<1x16xf32> to vector<16xf32>
      %parallel_loop3A_1016 = arith.constant 0 : i32
      %parallel_loop3A_1017 = arith.constant 64 : i32
      %parallel_loop3A_1018 = arith.constant 1 : i32
      scf.for %parallel_loop3A_1274 = %parallel_loop3A_1016 to %parallel_loop3A_1017 step %parallel_loop3A_1018  : i32 {
        %parallel_loop3A_1275 = arith.constant 2 : i32
        %parallel_loop3A_1276 = arith.muli %parallel_loop3A_1275, %parallel_loop3A_1274 : i32
        %parallel_loop3A_1277 = arith.constant 0 : i32
        %parallel_loop3A_1278 = arith.addi %parallel_loop3A_1276, %parallel_loop3A_1277 : i32
        %parallel_loop3A_1279 = arith.index_cast %parallel_loop3A_1278 : i32 to index
        %parallel_loop3A_1280 = arith.constant 0 : index
        %parallel_loop3A_1281 = tpu.vector_load %arg11[%parallel_loop3A_1279, %parallel_loop3A_1280] {strides = array<i32>} : memref<128x64xf32, #tpu.memory_space<vmem>>, vector<1x16xf32>,
        %parallel_loop3A_1282 = vector.shape_cast %parallel_loop3A_1281 : vector<1x16xf32> to vector<16xf32>
        %parallel_loop3A_1283 = arith.constant 8.000000e+00 : f32
        %parallel_loop3A_1284 = vector.broadcast %parallel_loop3A_1283 : f32 to vector<16xf32>
        %parallel_loop3A_1285 = arith.mulf %parallel_loop3A_1282, %parallel_loop3A_1284 : vector<16xf32>
        %parallel_loop3A_1286 = arith.addf %parallel_loop3A_1285, %get3A_925 : vector<16xf32>
        %parallel_loop3A_1287 = arith.index_cast %parallel_loop3A_1274 : i32 to index
        %parallel_loop3A_1288 = arith.constant 0 : index
        %parallel_loop3A_1289 = tpu.vector_load %arg16[%parallel_loop3A_1287, %parallel_loop3A_1288] {strides = array<i32>} : memref<64x128xf32, #tpu.memory_space<vmem>>, vector<1x16xf32>,
        %parallel_loop3A_1290 = vector.shape_cast %parallel_loop3A_1289 : vector<1x16xf32> to vector<16xf32>
        %parallel_loop3A_1291 = vector.shape_cast %parallel_loop3A_1286 : vector<16xf32> to vector<1x16xf32>
        tpu.vector_store %arg16[%parallel_loop3A_1287, %parallel_loop3A_1288], %parallel_loop3A_1291 {strides = array<i32>} : memref<64x128xf32, #tpu.memory_space<vmem>>, vector<1x16xf32>,
        %parallel_loop3A_1292 = arith.constant 2 : i32
        %parallel_loop3A_1293 = arith.muli %parallel_loop3A_1292, %parallel_loop3A_1274 : i32
        %parallel_loop3A_1294 = arith.constant 0 : i32
        %parallel_loop3A_1295 = arith.addi %parallel_loop3A_1293, %parallel_loop3A_1294 : i32
        %parallel_loop3A_1296 = arith.index_cast %parallel_loop3A_1295 : i32 to index
        %parallel_loop3A_1297 = arith.constant 16 : index
        %parallel_loop3A_1298 = tpu.vector_load %arg11[%parallel_loop3A_1296, %parallel_loop3A_1297] {strides = array<i32>} : memref<128x64xf32, #tpu.memory_space<vmem>>, vector<1x16xf32>,
        %parallel_loop3A_1299 = vector.shape_cast %parallel_loop3A_1298 : vector<1x16xf32> to vector<16xf32>
        %parallel_loop3A_1300 = arith.constant 8.000000e+00 : f32
        %parallel_loop3A_1301 = vector.broadcast %parallel_loop3A_1300 : f32 to vector<16xf32>
        %parallel_loop3A_1302 = arith.mulf %parallel_loop3A_1299, %parallel_loop3A_1301 : vector<16xf32>
        %parallel_loop3A_1303 = arith.addf %parallel_loop3A_1302, %get3A_955 : vector<16xf32>
        %parallel_loop3A_1304 = arith.index_cast %parallel_loop3A_1274 : i32 to index
        %parallel_loop3A_1305 = arith.constant 16 : index
        %parallel_loop3A_1306 = tpu.vector_load %arg16[%parallel_loop3A_1304, %parallel_loop3A_1305] {strides = array<i32>} : memref<64x128xf32, #tpu.memory_space<vmem>>, vector<1x16xf32>,
        %parallel_loop3A_1307 = vector.shape_cast %parallel_loop3A_1306 : vector<1x16xf32> to vector<16xf32>
        %parallel_loop3A_1308 = vector.shape_cast %parallel_loop3A_1303 : vector<16xf32> to vector<1x16xf32>
        tpu.vector_store %arg16[%parallel_loop3A_1304, %parallel_loop3A_1305], %parallel_loop3A_1308 {strides = array<i32>} : memref<64x128xf32, #tpu.memory_space<vmem>>, vector<1x16xf32>,
        %parallel_loop3A_1309 = arith.constant 2 : i32
        %parallel_loop3A_1310 = arith.muli %parallel_loop3A_1309, %parallel_loop3A_1274 : i32
        %parallel_loop3A_1311 = arith.constant 0 : i32
        %parallel_loop3A_1312 = arith.addi %parallel_loop3A_1310, %parallel_loop3A_1311 : i32
        %parallel_loop3A_1313 = arith.index_cast %parallel_loop3A_1312 : i32 to index
        %parallel_loop3A_1314 = arith.constant 32 : index
        %parallel_loop3A_1315 = tpu.vector_load %arg11[%parallel_loop3A_1313, %parallel_loop3A_1314] {strides = array<i32>} : memref<128x64xf32, #tpu.memory_space<vmem>>, vector<1x16xf32>,
        %parallel_loop3A_1316 = vector.shape_cast %parallel_loop3A_1315 : vector<1x16xf32> to vector<16xf32>
        %parallel_loop3A_1317 = arith.constant 8.000000e+00 : f32
        %parallel_loop3A_1318 = vector.broadcast %parallel_loop3A_1317 : f32 to vector<16xf32>
        %parallel_loop3A_1319 = arith.mulf %parallel_loop3A_1316, %parallel_loop3A_1318 : vector<16xf32>
        %parallel_loop3A_1320 = arith.addf %parallel_loop3A_1319, %get3A_985 : vector<16xf32>
        %parallel_loop3A_1321 = arith.index_cast %parallel_loop3A_1274 : i32 to index
        %parallel_loop3A_1322 = arith.constant 32 : index
        %parallel_loop3A_1323 = tpu.vector_load %arg16[%parallel_loop3A_1321, %parallel_loop3A_1322] {strides = array<i32>} : memref<64x128xf32, #tpu.memory_space<vmem>>, vector<1x16xf32>,
        %parallel_loop3A_1324 = vector.shape_cast %parallel_loop3A_1323 : vector<1x16xf32> to vector<16xf32>
        %parallel_loop3A_1325 = vector.shape_cast %parallel_loop3A_1320 : vector<16xf32> to vector<1x16xf32>
        tpu.vector_store %arg16[%parallel_loop3A_1321, %parallel_loop3A_1322], %parallel_loop3A_1325 {strides = array<i32>} : memref<64x128xf32, #tpu.memory_space<vmem>>, vector<1x16xf32>,
        %parallel_loop3A_1326 = arith.constant 2 : i32
        %parallel_loop3A_1327 = arith.muli %parallel_loop3A_1326, %parallel_loop3A_1274 : i32
        %parallel_loop3A_1328 = arith.constant 0 : i32
        %parallel_loop3A_1329 = arith.addi %parallel_loop3A_1327, %parallel_loop3A_1328 : i32
        %parallel_loop3A_1330 = arith.index_cast %parallel_loop3A_1329 : i32 to index
        %parallel_loop3A_1331 = arith.constant 48 : index
        %parallel_loop3A_1332 = tpu.vector_load %arg11[%parallel_loop3A_1330, %parallel_loop3A_1331] {strides = array<i32>} : memref<128x64xf32, #tpu.memory_space<vmem>>, vector<1x16xf32>,
        %parallel_loop3A_1333 = vector.shape_cast %parallel_loop3A_1332 : vector<1x16xf32> to vector<16xf32>
        %parallel_loop3A_1334 = arith.constant 8.000000e+00 : f32
        %parallel_loop3A_1335 = vector.broadcast %parallel_loop3A_1334 : f32 to vector<16xf32>
        %parallel_loop3A_1336 = arith.mulf %parallel_loop3A_1333, %parallel_loop3A_1335 : vector<16xf32>
        %parallel_loop3A_1337 = arith.addf %parallel_loop3A_1336, %get3A_1015 : vector<16xf32>
        %parallel_loop3A_1338 = arith.index_cast %parallel_loop3A_1274 : i32 to index
        %parallel_loop3A_1339 = arith.constant 48 : index
        %parallel_loop3A_1340 = tpu.vector_load %arg16[%parallel_loop3A_1338, %parallel_loop3A_1339] {strides = array<i32>} : memref<64x128xf32, #tpu.memory_space<vmem>>, vector<1x16xf32>,
        %parallel_loop3A_1341 = vector.shape_cast %parallel_loop3A_1340 : vector<1x16xf32> to vector<16xf32>
        %parallel_loop3A_1342 = vector.shape_cast %parallel_loop3A_1337 : vector<16xf32> to vector<1x16xf32>
        tpu.vector_store %arg16[%parallel_loop3A_1338, %parallel_loop3A_1339], %parallel_loop3A_1342 {strides = array<i32>} : memref<64x128xf32, #tpu.memory_space<vmem>>, vector<1x16xf32>,
        %parallel_loop3A_1343 = arith.constant 2 : i32
        %parallel_loop3A_1344 = arith.muli %parallel_loop3A_1343, %parallel_loop3A_1274 : i32
        %parallel_loop3A_1345 = arith.constant 1 : i32
        %parallel_loop3A_1346 = arith.addi %parallel_loop3A_1344, %parallel_loop3A_1345 : i32
        %parallel_loop3A_1347 = arith.index_cast %parallel_loop3A_1346 : i32 to index
        %parallel_loop3A_1348 = arith.constant 0 : index
        %parallel_loop3A_1349 = tpu.vector_load %arg11[%parallel_loop3A_1347, %parallel_loop3A_1348] {strides = array<i32>} : memref<128x64xf32, #tpu.memory_space<vmem>>, vector<1x16xf32>,
        %parallel_loop3A_1350 = vector.shape_cast %parallel_loop3A_1349 : vector<1x16xf32> to vector<16xf32>
        %parallel_loop3A_1351 = arith.constant 8.000000e+00 : f32
        %parallel_loop3A_1352 = vector.broadcast %parallel_loop3A_1351 : f32 to vector<16xf32>
        %parallel_loop3A_1353 = arith.mulf %parallel_loop3A_1350, %parallel_loop3A_1352 : vector<16xf32>
        %parallel_loop3A_1354 = arith.addf %parallel_loop3A_1353, %get3A_925 : vector<16xf32>
        %parallel_loop3A_1355 = arith.index_cast %parallel_loop3A_1274 : i32 to index
        %parallel_loop3A_1356 = arith.constant 64 : index
        %parallel_loop3A_1357 = tpu.vector_load %arg16[%parallel_loop3A_1355, %parallel_loop3A_1356] {strides = array<i32>} : memref<64x128xf32, #tpu.memory_space<vmem>>, vector<1x16xf32>,
        %parallel_loop3A_1358 = vector.shape_cast %parallel_loop3A_1357 : vector<1x16xf32> to vector<16xf32>
        %parallel_loop3A_1359 = vector.shape_cast %parallel_loop3A_1354 : vector<16xf32> to vector<1x16xf32>
        tpu.vector_store %arg16[%parallel_loop3A_1355, %parallel_loop3A_1356], %parallel_loop3A_1359 {strides = array<i32>} : memref<64x128xf32, #tpu.memory_space<vmem>>, vector<1x16xf32>,
        %parallel_loop3A_1360 = arith.constant 2 : i32
        %parallel_loop3A_1361 = arith.muli %parallel_loop3A_1360, %parallel_loop3A_1274 : i32
        %parallel_loop3A_1362 = arith.constant 1 : i32
        %parallel_loop3A_1363 = arith.addi %parallel_loop3A_1361, %parallel_loop3A_1362 : i32
        %parallel_loop3A_1364 = arith.index_cast %parallel_loop3A_1363 : i32 to index
        %parallel_loop3A_1365 = arith.constant 16 : index
        %parallel_loop3A_1366 = tpu.vector_load %arg11[%parallel_loop3A_1364, %parallel_loop3A_1365] {strides = array<i32>} : memref<128x64xf32, #tpu.memory_space<vmem>>, vector<1x16xf32>,
        %parallel_loop3A_1367 = vector.shape_cast %parallel_loop3A_1366 : vector<1x16xf32> to vector<16xf32>
        %parallel_loop3A_1368 = arith.constant 8.000000e+00 : f32
        %parallel_loop3A_1369 = vector.broadcast %parallel_loop3A_1368 : f32 to vector<16xf32>
        %parallel_loop3A_1370 = arith.mulf %parallel_loop3A_1367, %parallel_loop3A_1369 : vector<16xf32>
        %parallel_loop3A_1371 = arith.addf %parallel_loop3A_1370, %get3A_955 : vector<16xf32>
        %parallel_loop3A_1372 = arith.index_cast %parallel_loop3A_1274 : i32 to index
        %parallel_loop3A_1373 = arith.constant 80 : index
        %parallel_loop3A_1374 = tpu.vector_load %arg16[%parallel_loop3A_1372, %parallel_loop3A_1373] {strides = array<i32>} : memref<64x128xf32, #tpu.memory_space<vmem>>, vector<1x16xf32>,
        %parallel_loop3A_1375 = vector.shape_cast %parallel_loop3A_1374 : vector<1x16xf32> to vector<16xf32>
        %parallel_loop3A_1376 = vector.shape_cast %parallel_loop3A_1371 : vector<16xf32> to vector<1x16xf32>
        tpu.vector_store %arg16[%parallel_loop3A_1372, %parallel_loop3A_1373], %parallel_loop3A_1376 {strides = array<i32>} : memref<64x128xf32, #tpu.memory_space<vmem>>, vector<1x16xf32>,
        %parallel_loop3A_1377 = arith.constant 2 : i32
        %parallel_loop3A_1378 = arith.muli %parallel_loop3A_1377, %parallel_loop3A_1274 : i32
        %parallel_loop3A_1379 = arith.constant 1 : i32
        %parallel_loop3A_1380 = arith.addi %parallel_loop3A_1378, %parallel_loop3A_1379 : i32
        %parallel_loop3A_1381 = arith.index_cast %parallel_loop3A_1380 : i32 to index
        %parallel_loop3A_1382 = arith.constant 32 : index
        %parallel_loop3A_1383 = tpu.vector_load %arg11[%parallel_loop3A_1381, %parallel_loop3A_1382] {strides = array<i32>} : memref<128x64xf32, #tpu.memory_space<vmem>>, vector<1x16xf32>,
        %parallel_loop3A_1384 = vector.shape_cast %parallel_loop3A_1383 : vector<1x16xf32> to vector<16xf32>
        %parallel_loop3A_1385 = arith.constant 8.000000e+00 : f32
        %parallel_loop3A_1386 = vector.broadcast %parallel_loop3A_1385 : f32 to vector<16xf32>
        %parallel_loop3A_1387 = arith.mulf %parallel_loop3A_1384, %parallel_loop3A_1386 : vector<16xf32>
        %parallel_loop3A_1388 = arith.addf %parallel_loop3A_1387, %get3A_985 : vector<16xf32>
        %parallel_loop3A_1389 = arith.index_cast %parallel_loop3A_1274 : i32 to index
        %parallel_loop3A_1390 = arith.constant 96 : index
        %parallel_loop3A_1391 = tpu.vector_load %arg16[%parallel_loop3A_1389, %parallel_loop3A_1390] {strides = array<i32>} : memref<64x128xf32, #tpu.memory_space<vmem>>, vector<1x16xf32>,
        %parallel_loop3A_1392 = vector.shape_cast %parallel_loop3A_1391 : vector<1x16xf32> to vector<16xf32>
        %parallel_loop3A_1393 = vector.shape_cast %parallel_loop3A_1388 : vector<16xf32> to vector<1x16xf32>
        tpu.vector_store %arg16[%parallel_loop3A_1389, %parallel_loop3A_1390], %parallel_loop3A_1393 {strides = array<i32>} : memref<64x128xf32, #tpu.memory_space<vmem>>, vector<1x16xf32>,
        %parallel_loop3A_1394 = arith.constant 2 : i32
        %parallel_loop3A_1395 = arith.muli %parallel_loop3A_1394, %parallel_loop3A_1274 : i32
        %parallel_loop3A_1396 = arith.constant 1 : i32
        %parallel_loop3A_1397 = arith.addi %parallel_loop3A_1395, %parallel_loop3A_1396 : i32
        %parallel_loop3A_1398 = arith.index_cast %parallel_loop3A_1397 : i32 to index
        %parallel_loop3A_1399 = arith.constant 48 : index
        %parallel_loop3A_1400 = tpu.vector_load %arg11[%parallel_loop3A_1398, %parallel_loop3A_1399] {strides = array<i32>} : memref<128x64xf32, #tpu.memory_space<vmem>>, vector<1x16xf32>,
        %parallel_loop3A_1401 = vector.shape_cast %parallel_loop3A_1400 : vector<1x16xf32> to vector<16xf32>
        %parallel_loop3A_1402 = arith.constant 8.000000e+00 : f32
        %parallel_loop3A_1403 = vector.broadcast %parallel_loop3A_1402 : f32 to vector<16xf32>
        %parallel_loop3A_1404 = arith.mulf %parallel_loop3A_1401, %parallel_loop3A_1403 : vector<16xf32>
        %parallel_loop3A_1405 = arith.addf %parallel_loop3A_1404, %get3A_1015 : vector<16xf32>
        %parallel_loop3A_1406 = arith.index_cast %parallel_loop3A_1274 : i32 to index
        %parallel_loop3A_1407 = arith.constant 112 : index
        %parallel_loop3A_1408 = tpu.vector_load %arg16[%parallel_loop3A_1406, %parallel_loop3A_1407] {strides = array<i32>} : memref<64x128xf32, #tpu.memory_space<vmem>>, vector<1x16xf32>,
        %parallel_loop3A_1409 = vector.shape_cast %parallel_loop3A_1408 : vector<1x16xf32> to vector<16xf32>
        %parallel_loop3A_1410 = vector.shape_cast %parallel_loop3A_1405 : vector<16xf32> to vector<1x16xf32>
        tpu.vector_store %arg16[%parallel_loop3A_1406, %parallel_loop3A_1407], %parallel_loop3A_1410 {strides = array<i32>} : memref<64x128xf32, #tpu.memory_space<vmem>>, vector<1x16xf32>,
      } {sc.loop_unroll_factor = 4 : i64, sc.parallel_access}
      %jit3A_1019 = arith.constant 2 : i32
      %div3A_1020 = arith.divsi %mul3A_4, %jit3A_1019 : i32
      %sign3A_1021 = arith.constant 0 : i32
      %sign3A_1022 = arith.cmpi sgt, %mul3A_4, %sign3A_1021 : i32
      %sign3A_1023 = arith.extui %sign3A_1022 : i1 to i32
      %sign3A_1024 = arith.constant 0 : i32
      %sign3A_1025 = arith.cmpi slt, %mul3A_4, %sign3A_1024 : i32
      %sign3A_1026 = arith.extui %sign3A_1025 : i1 to i32
      %sign3A_1027 = arith.subi %sign3A_1023, %sign3A_1026 : i32
      %sign3A_1028 = arith.constant 0 : i32
      %sign3A_1029 = arith.cmpi sgt, %jit3A_1019, %sign3A_1028 : i32
      %sign3A_1030 = arith.extui %sign3A_1029 : i1 to i32
      %sign3A_1031 = arith.constant 0 : i32
      %sign3A_1032 = arith.cmpi slt, %jit3A_1019, %sign3A_1031 : i32
      %sign3A_1033 = arith.extui %sign3A_1032 : i1 to i32
      %sign3A_1034 = arith.subi %sign3A_1030, %sign3A_1033 : i32
      %ne3A_1035 = arith.cmpi ne, %sign3A_1027, %sign3A_1034 : i32
      %rem3A_1036 = arith.remsi %mul3A_4, %jit3A_1019 : i32
      %ne3A_1037 = arith.constant 0 : i32
      %ne3A_1038 = arith.cmpi ne, %rem3A_1036, %ne3A_1037 : i32
      %and3A_1039 = arith.andi %ne3A_1035, %ne3A_1038 : i1
      %sub3A_1040 = arith.constant 1 : i32
      %sub3A_1041 = arith.subi %div3A_1020, %sub3A_1040 : i32
      %select_n3A_1042 = arith.select %and3A_1039, %sub3A_1041, %div3A_1020 : i32
      %mul3A_1043 = arith.constant 64 : i32
      %mul3A_1044 = arith.muli %add3A_839, %mul3A_1043 : i32
      %add3A_1045 = arith.addi %select_n3A_1042, %mul3A_1044 : i32
      %dma_start3A_1046 = arith.constant 0 : i32
      %dma_start3A_1047 = tpu.memref_slice %arg5[%add3A_1045, %dma_start3A_1046] : memref<102400x128xf32, #tpu.memory_space<hbm>> -> memref<64x128xf32, #tpu.memory_space<hbm>>
      %dma_start3A_1048 = arith.constant 0 : i32
      %dma_start3A_1049 = tpu.memref_slice %arg5[%add3A_1045, %dma_start3A_1048] : memref<102400x128xf32, #tpu.memory_space<hbm>> -> memref<64x128xf32, #tpu.memory_space<hbm>>
      tpu.enqueue_dma source(%arg16 : memref<64x128xf32, #tpu.memory_space<vmem>>) target(%dma_start3A_1049 : memref<64x128xf32, #tpu.memory_space<hbm>>) target_semaphore(%arg26 : memref<!tpu.dma_semaphore, #tpu.memory_space<semaphore_mem>>)
      %lt3A_1050 = arith.constant 9 : i32
      %lt3A_1051 = arith.cmpi slt, %scan3A_185, %lt3A_1050 : i32
      %convert_element_type3A_1052 = arith.extui %lt3A_1051 : i1 to i32
      %cond3A_1053 = arith.constant 0 : i32
      %cond3A_1054 = arith.cmpi ne, %convert_element_type3A_1052, %cond3A_1053 : i32
      scf.if %cond3A_1054 {
        %add3A_1274 = arith.constant 5 : i32
        %add3A_1275 = arith.addi %add3A_839, %add3A_1274 : i32
        %dma_start3A_1276 = arith.constant 0 : i32
        %dma_start3A_1277 = tpu.memref_slice %arg6[%add3A_1275, %dma_start3A_1276] : memref<50x128xi32, #tpu.memory_space<vmem>> -> memref<1x128xi32, #tpu.memory_space<vmem>>
        %dma_start3A_1278 = tpu.memref_squeeze %dma_start3A_1277 : memref<1x128xi32, #tpu.memory_space<vmem>> -> memref<128xi32, #tpu.memory_space<vmem>>
        %dma_start3A_1279 = arith.constant 0 : i32
        %dma_start3A_1280 = arith.constant 0 : i32
        %dma_start3A_1281 = tpu.memref_slice %arg2[%dma_start3A_1279, %dma_start3A_1280] : memref<1000000x64xf32, #tpu.memory_space<hbm>> -> memref<1000000x64xf32, #tpu.memory_space<hbm>>
        tpu.enqueue_indirect_dma source(%dma_start3A_1281 : memref<1000000x64xf32, #tpu.memory_space<hbm>>) target(%arg11 : memref<128x64xf32, #tpu.memory_space<vmem>>) offsets(%dma_start3A_1278 : memref<128xi32, #tpu.memory_space<vmem>>) semaphore(%arg21 : memref<!tpu.dma_semaphore, #tpu.memory_space<semaphore_mem>>)
      } else {
      }
      %mul3A_1055 = arith.constant 5 : i32
      %mul3A_1056 = arith.muli %scan3A_185, %mul3A_1055 : i32
      %add3A_1057 = arith.constant 4 : i32
      %add3A_1058 = arith.addi %mul3A_1056, %add3A_1057 : i32
      %dma_wait3A_1059 = arith.constant 0 : i32
      %dma_wait3A_1060 = tpu.memref_slice %arg6[%add3A_1058, %dma_wait3A_1059] : memref<50x128xi32, #tpu.memory_space<vmem>> -> memref<1x128xi32, #tpu.memory_space<vmem>>
      %dma_wait3A_1061 = tpu.memref_squeeze %dma_wait3A_1060 : memref<1x128xi32, #tpu.memory_space<vmem>> -> memref<128xi32, #tpu.memory_space<vmem>>
      %dma_wait3A_1062 = arith.constant 0 : i32
      %dma_wait3A_1063 = arith.constant 0 : i32
      %dma_wait3A_1064 = tpu.memref_slice %arg2[%dma_wait3A_1062, %dma_wait3A_1063] : memref<1000000x64xf32, #tpu.memory_space<hbm>> -> memref<1000000x64xf32, #tpu.memory_space<hbm>>
      tpu.wait_indirect_dma semaphore(%arg22 : memref<!tpu.dma_semaphore, #tpu.memory_space<semaphore_mem>>) src(%dma_wait3A_1064 : memref<1000000x64xf32, #tpu.memory_space<hbm>>) dst(%arg12 : memref<128x64xf32, #tpu.memory_space<vmem>>)
      %ge3A_1065 = arith.constant 1 : i32
      %ge3A_1066 = arith.cmpi sge, %scan3A_185, %ge3A_1065 : i32
      %convert_element_type3A_1067 = arith.extui %ge3A_1066 : i1 to i32
      %cond3A_1068 = arith.constant 0 : i32
      %cond3A_1069 = arith.cmpi ne, %convert_element_type3A_1067, %cond3A_1068 : i32
      scf.if %cond3A_1069 {
        %jit3A_1274 = arith.constant 2 : i32
        %div3A_1275 = arith.divsi %mul3A_4, %jit3A_1274 : i32
        %sign3A_1276 = arith.constant 0 : i32
        %sign3A_1277 = arith.cmpi sgt, %mul3A_4, %sign3A_1276 : i32
        %sign3A_1278 = arith.extui %sign3A_1277 : i1 to i32
        %sign3A_1279 = arith.constant 0 : i32
        %sign3A_1280 = arith.cmpi slt, %mul3A_4, %sign3A_1279 : i32
        %sign3A_1281 = arith.extui %sign3A_1280 : i1 to i32
        %sign3A_1282 = arith.subi %sign3A_1278, %sign3A_1281 : i32
        %sign3A_1283 = arith.constant 0 : i32
        %sign3A_1284 = arith.cmpi sgt, %jit3A_1274, %sign3A_1283 : i32
        %sign3A_1285 = arith.extui %sign3A_1284 : i1 to i32
        %sign3A_1286 = arith.constant 0 : i32
        %sign3A_1287 = arith.cmpi slt, %jit3A_1274, %sign3A_1286 : i32
        %sign3A_1288 = arith.extui %sign3A_1287 : i1 to i32
        %sign3A_1289 = arith.subi %sign3A_1285, %sign3A_1288 : i32
        %ne3A_1290 = arith.cmpi ne, %sign3A_1282, %sign3A_1289 : i32
        %rem3A_1291 = arith.remsi %mul3A_4, %jit3A_1274 : i32
        %ne3A_1292 = arith.constant 0 : i32
        %ne3A_1293 = arith.cmpi ne, %rem3A_1291, %ne3A_1292 : i32
        %and3A_1294 = arith.andi %ne3A_1290, %ne3A_1293 : i1
        %sub3A_1295 = arith.constant 1 : i32
        %sub3A_1296 = arith.subi %div3A_1275, %sub3A_1295 : i32
        %select_n3A_1297 = arith.select %and3A_1294, %sub3A_1296, %div3A_1275 : i32
        %mul3A_1298 = arith.constant 64 : i32
        %mul3A_1299 = arith.muli %add3A_1058, %mul3A_1298 : i32
        %add3A_1300 = arith.addi %select_n3A_1297, %mul3A_1299 : i32
        %dma_wait3A_1301 = arith.constant 0 : i32
        %dma_wait3A_1302 = tpu.memref_slice %arg5[%add3A_1300, %dma_wait3A_1301] : memref<102400x128xf32, #tpu.memory_space<hbm>> -> memref<64x128xf32, #tpu.memory_space<hbm>>
        %dma_wait3A_1303 = arith.constant 0 : i32
        %dma_wait3A_1304 = tpu.memref_slice %arg5[%add3A_1300, %dma_wait3A_1303] : memref<102400x128xf32, #tpu.memory_space<hbm>> -> memref<64x128xf32, #tpu.memory_space<hbm>>
        tpu.wait_dma2 semaphore(%arg27 : memref<!tpu.dma_semaphore, #tpu.memory_space<semaphore_mem>>) src(%arg17 : memref<64x128xf32, #tpu.memory_space<vmem>>) dst(%dma_wait3A_1304 : memref<64x128xf32, #tpu.memory_space<hbm>>)
      } else {
      }
      %mul3A_1070 = arith.constant 128 : i32
      %mul3A_1071 = arith.muli %add3A_1058, %mul3A_1070 : i32
      %add3A_1072 = arith.addi %mul3A_4, %mul3A_1071 : i32
      %jit3A_1073 = arith.constant 1024 : i32
      %div3A_1074 = arith.divsi %add3A_1072, %jit3A_1073 : i32
      %sign3A_1075 = arith.constant 0 : i32
      %sign3A_1076 = arith.cmpi sgt, %add3A_1072, %sign3A_1075 : i32
      %sign3A_1077 = arith.extui %sign3A_1076 : i1 to i32
      %sign3A_1078 = arith.constant 0 : i32
      %sign3A_1079 = arith.cmpi slt, %add3A_1072, %sign3A_1078 : i32
      %sign3A_1080 = arith.extui %sign3A_1079 : i1 to i32
      %sign3A_1081 = arith.subi %sign3A_1077, %sign3A_1080 : i32
      %sign3A_1082 = arith.constant 0 : i32
      %sign3A_1083 = arith.cmpi sgt, %jit3A_1073, %sign3A_1082 : i32
      %sign3A_1084 = arith.extui %sign3A_1083 : i1 to i32
      %sign3A_1085 = arith.constant 0 : i32
      %sign3A_1086 = arith.cmpi slt, %jit3A_1073, %sign3A_1085 : i32
      %sign3A_1087 = arith.extui %sign3A_1086 : i1 to i32
      %sign3A_1088 = arith.subi %sign3A_1084, %sign3A_1087 : i32
      %ne3A_1089 = arith.cmpi ne, %sign3A_1081, %sign3A_1088 : i32
      %rem3A_1090 = arith.remsi %add3A_1072, %jit3A_1073 : i32
      %ne3A_1091 = arith.constant 0 : i32
      %ne3A_1092 = arith.cmpi ne, %rem3A_1090, %ne3A_1091 : i32
      %and3A_1093 = arith.andi %ne3A_1089, %ne3A_1092 : i1
      %sub3A_1094 = arith.constant 1 : i32
      %sub3A_1095 = arith.subi %div3A_1074, %sub3A_1094 : i32
      %select_n3A_1096 = arith.select %and3A_1093, %sub3A_1095, %div3A_1074 : i32
      %jit3A_1097 = arith.constant 2 : i32
      %eq3A_1098 = arith.constant 0 : i32
      %eq3A_1099 = arith.cmpi eq, %jit3A_1097, %eq3A_1098 : i32
      %jit3A_1100 = arith.constant 1 : i32
      %select_n3A_1101 = arith.select %eq3A_1099, %jit3A_1100, %jit3A_1097 : i32
      %rem3A_1102 = arith.remsi %select_n3A_1096, %select_n3A_1101 : i32
      %ne3A_1103 = arith.constant 0 : i32
      %ne3A_1104 = arith.cmpi ne, %rem3A_1102, %ne3A_1103 : i32
      %lt3A_1105 = arith.constant 0 : i32
      %lt3A_1106 = arith.cmpi slt, %rem3A_1102, %lt3A_1105 : i32
      %lt3A_1107 = arith.constant 0 : i32
      %lt3A_1108 = arith.cmpi slt, %select_n3A_1101, %lt3A_1107 : i32
      %ne3A_1109 = arith.xori %lt3A_1106, %lt3A_1108 : i1
      %and3A_1110 = arith.andi %ne3A_1109, %ne3A_1104 : i1
      %add3A_1111 = arith.addi %rem3A_1102, %select_n3A_1101 : i32
      %select_n3A_1112 = arith.select %and3A_1110, %add3A_1111, %rem3A_1102 : i32
      %mul3A_1113 = arith.constant 64 : i32
      %mul3A_1114 = arith.muli %mul3A_1113, %select_n3A_1112 : i32
      %jit3A_1115 = arith.constant 2 : i32
      %div3A_1116 = arith.divsi %select_n3A_1096, %jit3A_1115 : i32
      %sign3A_1117 = arith.constant 0 : i32
      %sign3A_1118 = arith.cmpi sgt, %select_n3A_1096, %sign3A_1117 : i32
      %sign3A_1119 = arith.extui %sign3A_1118 : i1 to i32
      %sign3A_1120 = arith.constant 0 : i32
      %sign3A_1121 = arith.cmpi slt, %select_n3A_1096, %sign3A_1120 : i32
      %sign3A_1122 = arith.extui %sign3A_1121 : i1 to i32
      %sign3A_1123 = arith.subi %sign3A_1119, %sign3A_1122 : i32
      %sign3A_1124 = arith.constant 0 : i32
      %sign3A_1125 = arith.cmpi sgt, %jit3A_1115, %sign3A_1124 : i32
      %sign3A_1126 = arith.extui %sign3A_1125 : i1 to i32
      %sign3A_1127 = arith.constant 0 : i32
      %sign3A_1128 = arith.cmpi slt, %jit3A_1115, %sign3A_1127 : i32
      %sign3A_1129 = arith.extui %sign3A_1128 : i1 to i32
      %sign3A_1130 = arith.subi %sign3A_1126, %sign3A_1129 : i32
      %ne3A_1131 = arith.cmpi ne, %sign3A_1123, %sign3A_1130 : i32
      %rem3A_1132 = arith.remsi %select_n3A_1096, %jit3A_1115 : i32
      %ne3A_1133 = arith.constant 0 : i32
      %ne3A_1134 = arith.cmpi ne, %rem3A_1132, %ne3A_1133 : i32
      %and3A_1135 = arith.andi %ne3A_1131, %ne3A_1134 : i1
      %sub3A_1136 = arith.constant 1 : i32
      %sub3A_1137 = arith.subi %div3A_1116, %sub3A_1136 : i32
      %select_n3A_1138 = arith.select %and3A_1135, %sub3A_1137, %div3A_1116 : i32
      %add3A_1139 = arith.constant 0 : i32
      %add3A_1140 = arith.addi %mul3A_1114, %add3A_1139 : i32
      %get3A_1141 = arith.index_cast %select_n3A_1138 : i32 to index
      %get3A_1142 = arith.index_cast %add3A_1140 : i32 to index
      %get3A_1143 = tpu.vector_load %arg7[%get3A_1141, %get3A_1142] {strides = array<i32>} : memref<100x128xf32, #tpu.memory_space<vmem>>, vector<1x16xf32>,
      %get3A_1144 = vector.shape_cast %get3A_1143 : vector<1x16xf32> to vector<16xf32>
      %jit3A_1145 = arith.constant 2 : i32
      %div3A_1146 = arith.divsi %select_n3A_1096, %jit3A_1145 : i32
      %sign3A_1147 = arith.constant 0 : i32
      %sign3A_1148 = arith.cmpi sgt, %select_n3A_1096, %sign3A_1147 : i32
      %sign3A_1149 = arith.extui %sign3A_1148 : i1 to i32
      %sign3A_1150 = arith.constant 0 : i32
      %sign3A_1151 = arith.cmpi slt, %select_n3A_1096, %sign3A_1150 : i32
      %sign3A_1152 = arith.extui %sign3A_1151 : i1 to i32
      %sign3A_1153 = arith.subi %sign3A_1149, %sign3A_1152 : i32
      %sign3A_1154 = arith.constant 0 : i32
      %sign3A_1155 = arith.cmpi sgt, %jit3A_1145, %sign3A_1154 : i32
      %sign3A_1156 = arith.extui %sign3A_1155 : i1 to i32
      %sign3A_1157 = arith.constant 0 : i32
      %sign3A_1158 = arith.cmpi slt, %jit3A_1145, %sign3A_1157 : i32
      %sign3A_1159 = arith.extui %sign3A_1158 : i1 to i32
      %sign3A_1160 = arith.subi %sign3A_1156, %sign3A_1159 : i32
      %ne3A_1161 = arith.cmpi ne, %sign3A_1153, %sign3A_1160 : i32
      %rem3A_1162 = arith.remsi %select_n3A_1096, %jit3A_1145 : i32
      %ne3A_1163 = arith.constant 0 : i32
      %ne3A_1164 = arith.cmpi ne, %rem3A_1162, %ne3A_1163 : i32
      %and3A_1165 = arith.andi %ne3A_1161, %ne3A_1164 : i1
      %sub3A_1166 = arith.constant 1 : i32
      %sub3A_1167 = arith.subi %div3A_1146, %sub3A_1166 : i32
      %select_n3A_1168 = arith.select %and3A_1165, %sub3A_1167, %div3A_1146 : i32
      %add3A_1169 = arith.constant 16 : i32
      %add3A_1170 = arith.addi %mul3A_1114, %add3A_1169 : i32
      %get3A_1171 = arith.index_cast %select_n3A_1168 : i32 to index
      %get3A_1172 = arith.index_cast %add3A_1170 : i32 to index
      %get3A_1173 = tpu.vector_load %arg7[%get3A_1171, %get3A_1172] {strides = array<i32>} : memref<100x128xf32, #tpu.memory_space<vmem>>, vector<1x16xf32>,
      %get3A_1174 = vector.shape_cast %get3A_1173 : vector<1x16xf32> to vector<16xf32>
      %jit3A_1175 = arith.constant 2 : i32
      %div3A_1176 = arith.divsi %select_n3A_1096, %jit3A_1175 : i32
      %sign3A_1177 = arith.constant 0 : i32
      %sign3A_1178 = arith.cmpi sgt, %select_n3A_1096, %sign3A_1177 : i32
      %sign3A_1179 = arith.extui %sign3A_1178 : i1 to i32
      %sign3A_1180 = arith.constant 0 : i32
      %sign3A_1181 = arith.cmpi slt, %select_n3A_1096, %sign3A_1180 : i32
      %sign3A_1182 = arith.extui %sign3A_1181 : i1 to i32
      %sign3A_1183 = arith.subi %sign3A_1179, %sign3A_1182 : i32
      %sign3A_1184 = arith.constant 0 : i32
      %sign3A_1185 = arith.cmpi sgt, %jit3A_1175, %sign3A_1184 : i32
      %sign3A_1186 = arith.extui %sign3A_1185 : i1 to i32
      %sign3A_1187 = arith.constant 0 : i32
      %sign3A_1188 = arith.cmpi slt, %jit3A_1175, %sign3A_1187 : i32
      %sign3A_1189 = arith.extui %sign3A_1188 : i1 to i32
      %sign3A_1190 = arith.subi %sign3A_1186, %sign3A_1189 : i32
      %ne3A_1191 = arith.cmpi ne, %sign3A_1183, %sign3A_1190 : i32
      %rem3A_1192 = arith.remsi %select_n3A_1096, %jit3A_1175 : i32
      %ne3A_1193 = arith.constant 0 : i32
      %ne3A_1194 = arith.cmpi ne, %rem3A_1192, %ne3A_1193 : i32
      %and3A_1195 = arith.andi %ne3A_1191, %ne3A_1194 : i1
      %sub3A_1196 = arith.constant 1 : i32
      %sub3A_1197 = arith.subi %div3A_1176, %sub3A_1196 : i32
      %select_n3A_1198 = arith.select %and3A_1195, %sub3A_1197, %div3A_1176 : i32
      %add3A_1199 = arith.constant 32 : i32
      %add3A_1200 = arith.addi %mul3A_1114, %add3A_1199 : i32
      %get3A_1201 = arith.index_cast %select_n3A_1198 : i32 to index
      %get3A_1202 = arith.index_cast %add3A_1200 : i32 to index
      %get3A_1203 = tpu.vector_load %arg7[%get3A_1201, %get3A_1202] {strides = array<i32>} : memref<100x128xf32, #tpu.memory_space<vmem>>, vector<1x16xf32>,
      %get3A_1204 = vector.shape_cast %get3A_1203 : vector<1x16xf32> to vector<16xf32>
      %jit3A_1205 = arith.constant 2 : i32
      %div3A_1206 = arith.divsi %select_n3A_1096, %jit3A_1205 : i32
      %sign3A_1207 = arith.constant 0 : i32
      %sign3A_1208 = arith.cmpi sgt, %select_n3A_1096, %sign3A_1207 : i32
      %sign3A_1209 = arith.extui %sign3A_1208 : i1 to i32
      %sign3A_1210 = arith.constant 0 : i32
      %sign3A_1211 = arith.cmpi slt, %select_n3A_1096, %sign3A_1210 : i32
      %sign3A_1212 = arith.extui %sign3A_1211 : i1 to i32
      %sign3A_1213 = arith.subi %sign3A_1209, %sign3A_1212 : i32
      %sign3A_1214 = arith.constant 0 : i32
      %sign3A_1215 = arith.cmpi sgt, %jit3A_1205, %sign3A_1214 : i32
      %sign3A_1216 = arith.extui %sign3A_1215 : i1 to i32
      %sign3A_1217 = arith.constant 0 : i32
      %sign3A_1218 = arith.cmpi slt, %jit3A_1205, %sign3A_1217 : i32
      %sign3A_1219 = arith.extui %sign3A_1218 : i1 to i32
      %sign3A_1220 = arith.subi %sign3A_1216, %sign3A_1219 : i32
      %ne3A_1221 = arith.cmpi ne, %sign3A_1213, %sign3A_1220 : i32
      %rem3A_1222 = arith.remsi %select_n3A_1096, %jit3A_1205 : i32
      %ne3A_1223 = arith.constant 0 : i32
      %ne3A_1224 = arith.cmpi ne, %rem3A_1222, %ne3A_1223 : i32
      %and3A_1225 = arith.andi %ne3A_1221, %ne3A_1224 : i1
      %sub3A_1226 = arith.constant 1 : i32
      %sub3A_1227 = arith.subi %div3A_1206, %sub3A_1226 : i32
      %select_n3A_1228 = arith.select %and3A_1225, %sub3A_1227, %div3A_1206 : i32
      %add3A_1229 = arith.constant 48 : i32
      %add3A_1230 = arith.addi %mul3A_1114, %add3A_1229 : i32
      %get3A_1231 = arith.index_cast %select_n3A_1228 : i32 to index
      %get3A_1232 = arith.index_cast %add3A_1230 : i32 to index
      %get3A_1233 = tpu.vector_load %arg7[%get3A_1231, %get3A_1232] {strides = array<i32>} : memref<100x128xf32, #tpu.memory_space<vmem>>, vector<1x16xf32>,
      %get3A_1234 = vector.shape_cast %get3A_1233 : vector<1x16xf32> to vector<16xf32>
      %parallel_loop3A_1235 = arith.constant 0 : i32
      %parallel_loop3A_1236 = arith.constant 64 : i32
      %parallel_loop3A_1237 = arith.constant 1 : i32
      scf.for %parallel_loop3A_1274 = %parallel_loop3A_1235 to %parallel_loop3A_1236 step %parallel_loop3A_1237  : i32 {
        %parallel_loop3A_1275 = arith.constant 2 : i32
        %parallel_loop3A_1276 = arith.muli %parallel_loop3A_1275, %parallel_loop3A_1274 : i32
        %parallel_loop3A_1277 = arith.constant 0 : i32
        %parallel_loop3A_1278 = arith.addi %parallel_loop3A_1276, %parallel_loop3A_1277 : i32
        %parallel_loop3A_1279 = arith.index_cast %parallel_loop3A_1278 : i32 to index
        %parallel_loop3A_1280 = arith.constant 0 : index
        %parallel_loop3A_1281 = tpu.vector_load %arg12[%parallel_loop3A_1279, %parallel_loop3A_1280] {strides = array<i32>} : memref<128x64xf32, #tpu.memory_space<vmem>>, vector<1x16xf32>,
        %parallel_loop3A_1282 = vector.shape_cast %parallel_loop3A_1281 : vector<1x16xf32> to vector<16xf32>
        %parallel_loop3A_1283 = arith.constant 8.000000e+00 : f32
        %parallel_loop3A_1284 = vector.broadcast %parallel_loop3A_1283 : f32 to vector<16xf32>
        %parallel_loop3A_1285 = arith.mulf %parallel_loop3A_1282, %parallel_loop3A_1284 : vector<16xf32>
        %parallel_loop3A_1286 = arith.addf %parallel_loop3A_1285, %get3A_1144 : vector<16xf32>
        %parallel_loop3A_1287 = arith.index_cast %parallel_loop3A_1274 : i32 to index
        %parallel_loop3A_1288 = arith.constant 0 : index
        %parallel_loop3A_1289 = tpu.vector_load %arg17[%parallel_loop3A_1287, %parallel_loop3A_1288] {strides = array<i32>} : memref<64x128xf32, #tpu.memory_space<vmem>>, vector<1x16xf32>,
        %parallel_loop3A_1290 = vector.shape_cast %parallel_loop3A_1289 : vector<1x16xf32> to vector<16xf32>
        %parallel_loop3A_1291 = vector.shape_cast %parallel_loop3A_1286 : vector<16xf32> to vector<1x16xf32>
        tpu.vector_store %arg17[%parallel_loop3A_1287, %parallel_loop3A_1288], %parallel_loop3A_1291 {strides = array<i32>} : memref<64x128xf32, #tpu.memory_space<vmem>>, vector<1x16xf32>,
        %parallel_loop3A_1292 = arith.constant 2 : i32
        %parallel_loop3A_1293 = arith.muli %parallel_loop3A_1292, %parallel_loop3A_1274 : i32
        %parallel_loop3A_1294 = arith.constant 0 : i32
        %parallel_loop3A_1295 = arith.addi %parallel_loop3A_1293, %parallel_loop3A_1294 : i32
        %parallel_loop3A_1296 = arith.index_cast %parallel_loop3A_1295 : i32 to index
        %parallel_loop3A_1297 = arith.constant 16 : index
        %parallel_loop3A_1298 = tpu.vector_load %arg12[%parallel_loop3A_1296, %parallel_loop3A_1297] {strides = array<i32>} : memref<128x64xf32, #tpu.memory_space<vmem>>, vector<1x16xf32>,
        %parallel_loop3A_1299 = vector.shape_cast %parallel_loop3A_1298 : vector<1x16xf32> to vector<16xf32>
        %parallel_loop3A_1300 = arith.constant 8.000000e+00 : f32
        %parallel_loop3A_1301 = vector.broadcast %parallel_loop3A_1300 : f32 to vector<16xf32>
        %parallel_loop3A_1302 = arith.mulf %parallel_loop3A_1299, %parallel_loop3A_1301 : vector<16xf32>
        %parallel_loop3A_1303 = arith.addf %parallel_loop3A_1302, %get3A_1174 : vector<16xf32>
        %parallel_loop3A_1304 = arith.index_cast %parallel_loop3A_1274 : i32 to index
        %parallel_loop3A_1305 = arith.constant 16 : index
        %parallel_loop3A_1306 = tpu.vector_load %arg17[%parallel_loop3A_1304, %parallel_loop3A_1305] {strides = array<i32>} : memref<64x128xf32, #tpu.memory_space<vmem>>, vector<1x16xf32>,
        %parallel_loop3A_1307 = vector.shape_cast %parallel_loop3A_1306 : vector<1x16xf32> to vector<16xf32>
        %parallel_loop3A_1308 = vector.shape_cast %parallel_loop3A_1303 : vector<16xf32> to vector<1x16xf32>
        tpu.vector_store %arg17[%parallel_loop3A_1304, %parallel_loop3A_1305], %parallel_loop3A_1308 {strides = array<i32>} : memref<64x128xf32, #tpu.memory_space<vmem>>, vector<1x16xf32>,
        %parallel_loop3A_1309 = arith.constant 2 : i32
        %parallel_loop3A_1310 = arith.muli %parallel_loop3A_1309, %parallel_loop3A_1274 : i32
        %parallel_loop3A_1311 = arith.constant 0 : i32
        %parallel_loop3A_1312 = arith.addi %parallel_loop3A_1310, %parallel_loop3A_1311 : i32
        %parallel_loop3A_1313 = arith.index_cast %parallel_loop3A_1312 : i32 to index
        %parallel_loop3A_1314 = arith.constant 32 : index
        %parallel_loop3A_1315 = tpu.vector_load %arg12[%parallel_loop3A_1313, %parallel_loop3A_1314] {strides = array<i32>} : memref<128x64xf32, #tpu.memory_space<vmem>>, vector<1x16xf32>,
        %parallel_loop3A_1316 = vector.shape_cast %parallel_loop3A_1315 : vector<1x16xf32> to vector<16xf32>
        %parallel_loop3A_1317 = arith.constant 8.000000e+00 : f32
        %parallel_loop3A_1318 = vector.broadcast %parallel_loop3A_1317 : f32 to vector<16xf32>
        %parallel_loop3A_1319 = arith.mulf %parallel_loop3A_1316, %parallel_loop3A_1318 : vector<16xf32>
        %parallel_loop3A_1320 = arith.addf %parallel_loop3A_1319, %get3A_1204 : vector<16xf32>
        %parallel_loop3A_1321 = arith.index_cast %parallel_loop3A_1274 : i32 to index
        %parallel_loop3A_1322 = arith.constant 32 : index
        %parallel_loop3A_1323 = tpu.vector_load %arg17[%parallel_loop3A_1321, %parallel_loop3A_1322] {strides = array<i32>} : memref<64x128xf32, #tpu.memory_space<vmem>>, vector<1x16xf32>,
        %parallel_loop3A_1324 = vector.shape_cast %parallel_loop3A_1323 : vector<1x16xf32> to vector<16xf32>
        %parallel_loop3A_1325 = vector.shape_cast %parallel_loop3A_1320 : vector<16xf32> to vector<1x16xf32>
        tpu.vector_store %arg17[%parallel_loop3A_1321, %parallel_loop3A_1322], %parallel_loop3A_1325 {strides = array<i32>} : memref<64x128xf32, #tpu.memory_space<vmem>>, vector<1x16xf32>,
        %parallel_loop3A_1326 = arith.constant 2 : i32
        %parallel_loop3A_1327 = arith.muli %parallel_loop3A_1326, %parallel_loop3A_1274 : i32
        %parallel_loop3A_1328 = arith.constant 0 : i32
        %parallel_loop3A_1329 = arith.addi %parallel_loop3A_1327, %parallel_loop3A_1328 : i32
        %parallel_loop3A_1330 = arith.index_cast %parallel_loop3A_1329 : i32 to index
        %parallel_loop3A_1331 = arith.constant 48 : index
        %parallel_loop3A_1332 = tpu.vector_load %arg12[%parallel_loop3A_1330, %parallel_loop3A_1331] {strides = array<i32>} : memref<128x64xf32, #tpu.memory_space<vmem>>, vector<1x16xf32>,
        %parallel_loop3A_1333 = vector.shape_cast %parallel_loop3A_1332 : vector<1x16xf32> to vector<16xf32>
        %parallel_loop3A_1334 = arith.constant 8.000000e+00 : f32
        %parallel_loop3A_1335 = vector.broadcast %parallel_loop3A_1334 : f32 to vector<16xf32>
        %parallel_loop3A_1336 = arith.mulf %parallel_loop3A_1333, %parallel_loop3A_1335 : vector<16xf32>
        %parallel_loop3A_1337 = arith.addf %parallel_loop3A_1336, %get3A_1234 : vector<16xf32>
        %parallel_loop3A_1338 = arith.index_cast %parallel_loop3A_1274 : i32 to index
        %parallel_loop3A_1339 = arith.constant 48 : index
        %parallel_loop3A_1340 = tpu.vector_load %arg17[%parallel_loop3A_1338, %parallel_loop3A_1339] {strides = array<i32>} : memref<64x128xf32, #tpu.memory_space<vmem>>, vector<1x16xf32>,
        %parallel_loop3A_1341 = vector.shape_cast %parallel_loop3A_1340 : vector<1x16xf32> to vector<16xf32>
        %parallel_loop3A_1342 = vector.shape_cast %parallel_loop3A_1337 : vector<16xf32> to vector<1x16xf32>
        tpu.vector_store %arg17[%parallel_loop3A_1338, %parallel_loop3A_1339], %parallel_loop3A_1342 {strides = array<i32>} : memref<64x128xf32, #tpu.memory_space<vmem>>, vector<1x16xf32>,
        %parallel_loop3A_1343 = arith.constant 2 : i32
        %parallel_loop3A_1344 = arith.muli %parallel_loop3A_1343, %parallel_loop3A_1274 : i32
        %parallel_loop3A_1345 = arith.constant 1 : i32
        %parallel_loop3A_1346 = arith.addi %parallel_loop3A_1344, %parallel_loop3A_1345 : i32
        %parallel_loop3A_1347 = arith.index_cast %parallel_loop3A_1346 : i32 to index
        %parallel_loop3A_1348 = arith.constant 0 : index
        %parallel_loop3A_1349 = tpu.vector_load %arg12[%parallel_loop3A_1347, %parallel_loop3A_1348] {strides = array<i32>} : memref<128x64xf32, #tpu.memory_space<vmem>>, vector<1x16xf32>,
        %parallel_loop3A_1350 = vector.shape_cast %parallel_loop3A_1349 : vector<1x16xf32> to vector<16xf32>
        %parallel_loop3A_1351 = arith.constant 8.000000e+00 : f32
        %parallel_loop3A_1352 = vector.broadcast %parallel_loop3A_1351 : f32 to vector<16xf32>
        %parallel_loop3A_1353 = arith.mulf %parallel_loop3A_1350, %parallel_loop3A_1352 : vector<16xf32>
        %parallel_loop3A_1354 = arith.addf %parallel_loop3A_1353, %get3A_1144 : vector<16xf32>
        %parallel_loop3A_1355 = arith.index_cast %parallel_loop3A_1274 : i32 to index
        %parallel_loop3A_1356 = arith.constant 64 : index
        %parallel_loop3A_1357 = tpu.vector_load %arg17[%parallel_loop3A_1355, %parallel_loop3A_1356] {strides = array<i32>} : memref<64x128xf32, #tpu.memory_space<vmem>>, vector<1x16xf32>,
        %parallel_loop3A_1358 = vector.shape_cast %parallel_loop3A_1357 : vector<1x16xf32> to vector<16xf32>
        %parallel_loop3A_1359 = vector.shape_cast %parallel_loop3A_1354 : vector<16xf32> to vector<1x16xf32>
        tpu.vector_store %arg17[%parallel_loop3A_1355, %parallel_loop3A_1356], %parallel_loop3A_1359 {strides = array<i32>} : memref<64x128xf32, #tpu.memory_space<vmem>>, vector<1x16xf32>,
        %parallel_loop3A_1360 = arith.constant 2 : i32
        %parallel_loop3A_1361 = arith.muli %parallel_loop3A_1360, %parallel_loop3A_1274 : i32
        %parallel_loop3A_1362 = arith.constant 1 : i32
        %parallel_loop3A_1363 = arith.addi %parallel_loop3A_1361, %parallel_loop3A_1362 : i32
        %parallel_loop3A_1364 = arith.index_cast %parallel_loop3A_1363 : i32 to index
        %parallel_loop3A_1365 = arith.constant 16 : index
        %parallel_loop3A_1366 = tpu.vector_load %arg12[%parallel_loop3A_1364, %parallel_loop3A_1365] {strides = array<i32>} : memref<128x64xf32, #tpu.memory_space<vmem>>, vector<1x16xf32>,
        %parallel_loop3A_1367 = vector.shape_cast %parallel_loop3A_1366 : vector<1x16xf32> to vector<16xf32>
        %parallel_loop3A_1368 = arith.constant 8.000000e+00 : f32
        %parallel_loop3A_1369 = vector.broadcast %parallel_loop3A_1368 : f32 to vector<16xf32>
        %parallel_loop3A_1370 = arith.mulf %parallel_loop3A_1367, %parallel_loop3A_1369 : vector<16xf32>
        %parallel_loop3A_1371 = arith.addf %parallel_loop3A_1370, %get3A_1174 : vector<16xf32>
        %parallel_loop3A_1372 = arith.index_cast %parallel_loop3A_1274 : i32 to index
        %parallel_loop3A_1373 = arith.constant 80 : index
        %parallel_loop3A_1374 = tpu.vector_load %arg17[%parallel_loop3A_1372, %parallel_loop3A_1373] {strides = array<i32>} : memref<64x128xf32, #tpu.memory_space<vmem>>, vector<1x16xf32>,
        %parallel_loop3A_1375 = vector.shape_cast %parallel_loop3A_1374 : vector<1x16xf32> to vector<16xf32>
        %parallel_loop3A_1376 = vector.shape_cast %parallel_loop3A_1371 : vector<16xf32> to vector<1x16xf32>
        tpu.vector_store %arg17[%parallel_loop3A_1372, %parallel_loop3A_1373], %parallel_loop3A_1376 {strides = array<i32>} : memref<64x128xf32, #tpu.memory_space<vmem>>, vector<1x16xf32>,
        %parallel_loop3A_1377 = arith.constant 2 : i32
        %parallel_loop3A_1378 = arith.muli %parallel_loop3A_1377, %parallel_loop3A_1274 : i32
        %parallel_loop3A_1379 = arith.constant 1 : i32
        %parallel_loop3A_1380 = arith.addi %parallel_loop3A_1378, %parallel_loop3A_1379 : i32
        %parallel_loop3A_1381 = arith.index_cast %parallel_loop3A_1380 : i32 to index
        %parallel_loop3A_1382 = arith.constant 32 : index
        %parallel_loop3A_1383 = tpu.vector_load %arg12[%parallel_loop3A_1381, %parallel_loop3A_1382] {strides = array<i32>} : memref<128x64xf32, #tpu.memory_space<vmem>>, vector<1x16xf32>,
        %parallel_loop3A_1384 = vector.shape_cast %parallel_loop3A_1383 : vector<1x16xf32> to vector<16xf32>
        %parallel_loop3A_1385 = arith.constant 8.000000e+00 : f32
        %parallel_loop3A_1386 = vector.broadcast %parallel_loop3A_1385 : f32 to vector<16xf32>
        %parallel_loop3A_1387 = arith.mulf %parallel_loop3A_1384, %parallel_loop3A_1386 : vector<16xf32>
        %parallel_loop3A_1388 = arith.addf %parallel_loop3A_1387, %get3A_1204 : vector<16xf32>
        %parallel_loop3A_1389 = arith.index_cast %parallel_loop3A_1274 : i32 to index
        %parallel_loop3A_1390 = arith.constant 96 : index
        %parallel_loop3A_1391 = tpu.vector_load %arg17[%parallel_loop3A_1389, %parallel_loop3A_1390] {strides = array<i32>} : memref<64x128xf32, #tpu.memory_space<vmem>>, vector<1x16xf32>,
        %parallel_loop3A_1392 = vector.shape_cast %parallel_loop3A_1391 : vector<1x16xf32> to vector<16xf32>
        %parallel_loop3A_1393 = vector.shape_cast %parallel_loop3A_1388 : vector<16xf32> to vector<1x16xf32>
        tpu.vector_store %arg17[%parallel_loop3A_1389, %parallel_loop3A_1390], %parallel_loop3A_1393 {strides = array<i32>} : memref<64x128xf32, #tpu.memory_space<vmem>>, vector<1x16xf32>,
        %parallel_loop3A_1394 = arith.constant 2 : i32
        %parallel_loop3A_1395 = arith.muli %parallel_loop3A_1394, %parallel_loop3A_1274 : i32
        %parallel_loop3A_1396 = arith.constant 1 : i32
        %parallel_loop3A_1397 = arith.addi %parallel_loop3A_1395, %parallel_loop3A_1396 : i32
        %parallel_loop3A_1398 = arith.index_cast %parallel_loop3A_1397 : i32 to index
        %parallel_loop3A_1399 = arith.constant 48 : index
        %parallel_loop3A_1400 = tpu.vector_load %arg12[%parallel_loop3A_1398, %parallel_loop3A_1399] {strides = array<i32>} : memref<128x64xf32, #tpu.memory_space<vmem>>, vector<1x16xf32>,
        %parallel_loop3A_1401 = vector.shape_cast %parallel_loop3A_1400 : vector<1x16xf32> to vector<16xf32>
        %parallel_loop3A_1402 = arith.constant 8.000000e+00 : f32
        %parallel_loop3A_1403 = vector.broadcast %parallel_loop3A_1402 : f32 to vector<16xf32>
        %parallel_loop3A_1404 = arith.mulf %parallel_loop3A_1401, %parallel_loop3A_1403 : vector<16xf32>
        %parallel_loop3A_1405 = arith.addf %parallel_loop3A_1404, %get3A_1234 : vector<16xf32>
        %parallel_loop3A_1406 = arith.index_cast %parallel_loop3A_1274 : i32 to index
        %parallel_loop3A_1407 = arith.constant 112 : index
        %parallel_loop3A_1408 = tpu.vector_load %arg17[%parallel_loop3A_1406, %parallel_loop3A_1407] {strides = array<i32>} : memref<64x128xf32, #tpu.memory_space<vmem>>, vector<1x16xf32>,
        %parallel_loop3A_1409 = vector.shape_cast %parallel_loop3A_1408 : vector<1x16xf32> to vector<16xf32>
        %parallel_loop3A_1410 = vector.shape_cast %parallel_loop3A_1405 : vector<16xf32> to vector<1x16xf32>
        tpu.vector_store %arg17[%parallel_loop3A_1406, %parallel_loop3A_1407], %parallel_loop3A_1410 {strides = array<i32>} : memref<64x128xf32, #tpu.memory_space<vmem>>, vector<1x16xf32>,
      } {sc.loop_unroll_factor = 4 : i64, sc.parallel_access}
      %jit3A_1238 = arith.constant 2 : i32
      %div3A_1239 = arith.divsi %mul3A_4, %jit3A_1238 : i32
      %sign3A_1240 = arith.constant 0 : i32
      %sign3A_1241 = arith.cmpi sgt, %mul3A_4, %sign3A_1240 : i32
      %sign3A_1242 = arith.extui %sign3A_1241 : i1 to i32
      %sign3A_1243 = arith.constant 0 : i32
      %sign3A_1244 = arith.cmpi slt, %mul3A_4, %sign3A_1243 : i32
      %sign3A_1245 = arith.extui %sign3A_1244 : i1 to i32
      %sign3A_1246 = arith.subi %sign3A_1242, %sign3A_1245 : i32
      %sign3A_1247 = arith.constant 0 : i32
      %sign3A_1248 = arith.cmpi sgt, %jit3A_1238, %sign3A_1247 : i32
      %sign3A_1249 = arith.extui %sign3A_1248 : i1 to i32
      %sign3A_1250 = arith.constant 0 : i32
      %sign3A_1251 = arith.cmpi slt, %jit3A_1238, %sign3A_1250 : i32
      %sign3A_1252 = arith.extui %sign3A_1251 : i1 to i32
      %sign3A_1253 = arith.subi %sign3A_1249, %sign3A_1252 : i32
      %ne3A_1254 = arith.cmpi ne, %sign3A_1246, %sign3A_1253 : i32
      %rem3A_1255 = arith.remsi %mul3A_4, %jit3A_1238 : i32
      %ne3A_1256 = arith.constant 0 : i32
      %ne3A_1257 = arith.cmpi ne, %rem3A_1255, %ne3A_1256 : i32
      %and3A_1258 = arith.andi %ne3A_1254, %ne3A_1257 : i1
      %sub3A_1259 = arith.constant 1 : i32
      %sub3A_1260 = arith.subi %div3A_1239, %sub3A_1259 : i32
      %select_n3A_1261 = arith.select %and3A_1258, %sub3A_1260, %div3A_1239 : i32
      %mul3A_1262 = arith.constant 64 : i32
      %mul3A_1263 = arith.muli %add3A_1058, %mul3A_1262 : i32
      %add3A_1264 = arith.addi %select_n3A_1261, %mul3A_1263 : i32
      %dma_start3A_1265 = arith.constant 0 : i32
      %dma_start3A_1266 = tpu.memref_slice %arg5[%add3A_1264, %dma_start3A_1265] : memref<102400x128xf32, #tpu.memory_space<hbm>> -> memref<64x128xf32, #tpu.memory_space<hbm>>
      %dma_start3A_1267 = arith.constant 0 : i32
      %dma_start3A_1268 = tpu.memref_slice %arg5[%add3A_1264, %dma_start3A_1267] : memref<102400x128xf32, #tpu.memory_space<hbm>> -> memref<64x128xf32, #tpu.memory_space<hbm>>
      tpu.enqueue_dma source(%arg17 : memref<64x128xf32, #tpu.memory_space<vmem>>) target(%dma_start3A_1268 : memref<64x128xf32, #tpu.memory_space<hbm>>) target_semaphore(%arg27 : memref<!tpu.dma_semaphore, #tpu.memory_space<semaphore_mem>>)
      %lt3A_1269 = arith.constant 9 : i32
      %lt3A_1270 = arith.cmpi slt, %scan3A_185, %lt3A_1269 : i32
      %convert_element_type3A_1271 = arith.extui %lt3A_1270 : i1 to i32
      %cond3A_1272 = arith.constant 0 : i32
      %cond3A_1273 = arith.cmpi ne, %convert_element_type3A_1271, %cond3A_1272 : i32
      scf.if %cond3A_1273 {
        %add3A_1274 = arith.constant 5 : i32
        %add3A_1275 = arith.addi %add3A_1058, %add3A_1274 : i32
        %dma_start3A_1276 = arith.constant 0 : i32
        %dma_start3A_1277 = tpu.memref_slice %arg6[%add3A_1275, %dma_start3A_1276] : memref<50x128xi32, #tpu.memory_space<vmem>> -> memref<1x128xi32, #tpu.memory_space<vmem>>
        %dma_start3A_1278 = tpu.memref_squeeze %dma_start3A_1277 : memref<1x128xi32, #tpu.memory_space<vmem>> -> memref<128xi32, #tpu.memory_space<vmem>>
        %dma_start3A_1279 = arith.constant 0 : i32
        %dma_start3A_1280 = arith.constant 0 : i32
        %dma_start3A_1281 = tpu.memref_slice %arg2[%dma_start3A_1279, %dma_start3A_1280] : memref<1000000x64xf32, #tpu.memory_space<hbm>> -> memref<1000000x64xf32, #tpu.memory_space<hbm>>
        tpu.enqueue_indirect_dma source(%dma_start3A_1281 : memref<1000000x64xf32, #tpu.memory_space<hbm>>) target(%arg12 : memref<128x64xf32, #tpu.memory_space<vmem>>) offsets(%dma_start3A_1278 : memref<128xi32, #tpu.memory_space<vmem>>) semaphore(%arg22 : memref<!tpu.dma_semaphore, #tpu.memory_space<semaphore_mem>>)
      } else {
      }
    }
    %scan3A_43 = arith.constant 10 : i32
    %jit3A = arith.constant 2 : i32
    %div3A = arith.divsi %mul3A_4, %jit3A : i32
    %sign3A = arith.constant 0 : i32
    %sign3A_44 = arith.cmpi sgt, %mul3A_4, %sign3A : i32
    %sign3A_45 = arith.extui %sign3A_44 : i1 to i32
    %sign3A_46 = arith.constant 0 : i32
    %sign3A_47 = arith.cmpi slt, %mul3A_4, %sign3A_46 : i32
    %sign3A_48 = arith.extui %sign3A_47 : i1 to i32
    %sign3A_49 = arith.subi %sign3A_45, %sign3A_48 : i32
    %sign3A_50 = arith.constant 0 : i32
    %sign3A_51 = arith.cmpi sgt, %jit3A, %sign3A_50 : i32
    %sign3A_52 = arith.extui %sign3A_51 : i1 to i32
    %sign3A_53 = arith.constant 0 : i32
    %sign3A_54 = arith.cmpi slt, %jit3A, %sign3A_53 : i32
    %sign3A_55 = arith.extui %sign3A_54 : i1 to i32
    %sign3A_56 = arith.subi %sign3A_52, %sign3A_55 : i32
    %ne3A = arith.cmpi ne, %sign3A_49, %sign3A_56 : i32
    %rem3A = arith.remsi %mul3A_4, %jit3A : i32
    %ne3A_57 = arith.constant 0 : i32
    %ne3A_58 = arith.cmpi ne, %rem3A, %ne3A_57 : i32
    %and3A = arith.andi %ne3A, %ne3A_58 : i1
    %sub3A = arith.constant 1 : i32
    %sub3A_59 = arith.subi %div3A, %sub3A : i32
    %select_n3A = arith.select %and3A, %sub3A_59, %div3A : i32
    %add3A_60 = arith.constant 0 : i32
    %add3A_61 = arith.addi %select_n3A, %add3A_60 : i32
    %dma_wait3A = arith.constant 0 : i32
    %dma_wait3A_62 = tpu.memref_slice %arg5[%add3A_61, %dma_wait3A] : memref<102400x128xf32, #tpu.memory_space<hbm>> -> memref<64x128xf32, #tpu.memory_space<hbm>>
    %dma_wait3A_63 = arith.constant 0 : i32
    %dma_wait3A_64 = tpu.memref_slice %arg5[%add3A_61, %dma_wait3A_63] : memref<102400x128xf32, #tpu.memory_space<hbm>> -> memref<64x128xf32, #tpu.memory_space<hbm>>
    tpu.wait_dma2 semaphore(%arg23 : memref<!tpu.dma_semaphore, #tpu.memory_space<semaphore_mem>>) src(%arg13 : memref<64x128xf32, #tpu.memory_space<vmem>>) dst(%dma_wait3A_64 : memref<64x128xf32, #tpu.memory_space<hbm>>)
    %jit3A_65 = arith.constant 2 : i32
    %div3A_66 = arith.divsi %mul3A_4, %jit3A_65 : i32
    %sign3A_67 = arith.constant 0 : i32
    %sign3A_68 = arith.cmpi sgt, %mul3A_4, %sign3A_67 : i32
    %sign3A_69 = arith.extui %sign3A_68 : i1 to i32
    %sign3A_70 = arith.constant 0 : i32
    %sign3A_71 = arith.cmpi slt, %mul3A_4, %sign3A_70 : i32
    %sign3A_72 = arith.extui %sign3A_71 : i1 to i32
    %sign3A_73 = arith.subi %sign3A_69, %sign3A_72 : i32
    %sign3A_74 = arith.constant 0 : i32
    %sign3A_75 = arith.cmpi sgt, %jit3A_65, %sign3A_74 : i32
    %sign3A_76 = arith.extui %sign3A_75 : i1 to i32
    %sign3A_77 = arith.constant 0 : i32
    %sign3A_78 = arith.cmpi slt, %jit3A_65, %sign3A_77 : i32
    %sign3A_79 = arith.extui %sign3A_78 : i1 to i32
    %sign3A_80 = arith.subi %sign3A_76, %sign3A_79 : i32
    %ne3A_81 = arith.cmpi ne, %sign3A_73, %sign3A_80 : i32
    %rem3A_82 = arith.remsi %mul3A_4, %jit3A_65 : i32
    %ne3A_83 = arith.constant 0 : i32
    %ne3A_84 = arith.cmpi ne, %rem3A_82, %ne3A_83 : i32
    %and3A_85 = arith.andi %ne3A_81, %ne3A_84 : i1
    %sub3A_86 = arith.constant 1 : i32
    %sub3A_87 = arith.subi %div3A_66, %sub3A_86 : i32
    %select_n3A_88 = arith.select %and3A_85, %sub3A_87, %div3A_66 : i32
    %add3A_89 = arith.constant 0 : i32
    %add3A_90 = arith.addi %select_n3A_88, %add3A_89 : i32
    %dma_wait3A_91 = arith.constant 0 : i32
    %dma_wait3A_92 = tpu.memref_slice %arg5[%add3A_90, %dma_wait3A_91] : memref<102400x128xf32, #tpu.memory_space<hbm>> -> memref<64x128xf32, #tpu.memory_space<hbm>>
    %dma_wait3A_93 = arith.constant 0 : i32
    %dma_wait3A_94 = tpu.memref_slice %arg5[%add3A_90, %dma_wait3A_93] : memref<102400x128xf32, #tpu.memory_space<hbm>> -> memref<64x128xf32, #tpu.memory_space<hbm>>
    tpu.wait_dma2 semaphore(%arg24 : memref<!tpu.dma_semaphore, #tpu.memory_space<semaphore_mem>>) src(%arg14 : memref<64x128xf32, #tpu.memory_space<vmem>>) dst(%dma_wait3A_94 : memref<64x128xf32, #tpu.memory_space<hbm>>)
    %jit3A_95 = arith.constant 2 : i32
    %div3A_96 = arith.divsi %mul3A_4, %jit3A_95 : i32
    %sign3A_97 = arith.constant 0 : i32
    %sign3A_98 = arith.cmpi sgt, %mul3A_4, %sign3A_97 : i32
    %sign3A_99 = arith.extui %sign3A_98 : i1 to i32
    %sign3A_100 = arith.constant 0 : i32
    %sign3A_101 = arith.cmpi slt, %mul3A_4, %sign3A_100 : i32
    %sign3A_102 = arith.extui %sign3A_101 : i1 to i32
    %sign3A_103 = arith.subi %sign3A_99, %sign3A_102 : i32
    %sign3A_104 = arith.constant 0 : i32
    %sign3A_105 = arith.cmpi sgt, %jit3A_95, %sign3A_104 : i32
    %sign3A_106 = arith.extui %sign3A_105 : i1 to i32
    %sign3A_107 = arith.constant 0 : i32
    %sign3A_108 = arith.cmpi slt, %jit3A_95, %sign3A_107 : i32
    %sign3A_109 = arith.extui %sign3A_108 : i1 to i32
    %sign3A_110 = arith.subi %sign3A_106, %sign3A_109 : i32
    %ne3A_111 = arith.cmpi ne, %sign3A_103, %sign3A_110 : i32
    %rem3A_112 = arith.remsi %mul3A_4, %jit3A_95 : i32
    %ne3A_113 = arith.constant 0 : i32
    %ne3A_114 = arith.cmpi ne, %rem3A_112, %ne3A_113 : i32
    %and3A_115 = arith.andi %ne3A_111, %ne3A_114 : i1
    %sub3A_116 = arith.constant 1 : i32
    %sub3A_117 = arith.subi %div3A_96, %sub3A_116 : i32
    %select_n3A_118 = arith.select %and3A_115, %sub3A_117, %div3A_96 : i32
    %add3A_119 = arith.constant 0 : i32
    %add3A_120 = arith.addi %select_n3A_118, %add3A_119 : i32
    %dma_wait3A_121 = arith.constant 0 : i32
    %dma_wait3A_122 = tpu.memref_slice %arg5[%add3A_120, %dma_wait3A_121] : memref<102400x128xf32, #tpu.memory_space<hbm>> -> memref<64x128xf32, #tpu.memory_space<hbm>>
    %dma_wait3A_123 = arith.constant 0 : i32
    %dma_wait3A_124 = tpu.memref_slice %arg5[%add3A_120, %dma_wait3A_123] : memref<102400x128xf32, #tpu.memory_space<hbm>> -> memref<64x128xf32, #tpu.memory_space<hbm>>
    tpu.wait_dma2 semaphore(%arg25 : memref<!tpu.dma_semaphore, #tpu.memory_space<semaphore_mem>>) src(%arg15 : memref<64x128xf32, #tpu.memory_space<vmem>>) dst(%dma_wait3A_124 : memref<64x128xf32, #tpu.memory_space<hbm>>)
    %jit3A_125 = arith.constant 2 : i32
    %div3A_126 = arith.divsi %mul3A_4, %jit3A_125 : i32
    %sign3A_127 = arith.constant 0 : i32
    %sign3A_128 = arith.cmpi sgt, %mul3A_4, %sign3A_127 : i32
    %sign3A_129 = arith.extui %sign3A_128 : i1 to i32
    %sign3A_130 = arith.constant 0 : i32
    %sign3A_131 = arith.cmpi slt, %mul3A_4, %sign3A_130 : i32
    %sign3A_132 = arith.extui %sign3A_131 : i1 to i32
    %sign3A_133 = arith.subi %sign3A_129, %sign3A_132 : i32
    %sign3A_134 = arith.constant 0 : i32
    %sign3A_135 = arith.cmpi sgt, %jit3A_125, %sign3A_134 : i32
    %sign3A_136 = arith.extui %sign3A_135 : i1 to i32
    %sign3A_137 = arith.constant 0 : i32
    %sign3A_138 = arith.cmpi slt, %jit3A_125, %sign3A_137 : i32
    %sign3A_139 = arith.extui %sign3A_138 : i1 to i32
    %sign3A_140 = arith.subi %sign3A_136, %sign3A_139 : i32
    %ne3A_141 = arith.cmpi ne, %sign3A_133, %sign3A_140 : i32
    %rem3A_142 = arith.remsi %mul3A_4, %jit3A_125 : i32
    %ne3A_143 = arith.constant 0 : i32
    %ne3A_144 = arith.cmpi ne, %rem3A_142, %ne3A_143 : i32
    %and3A_145 = arith.andi %ne3A_141, %ne3A_144 : i1
    %sub3A_146 = arith.constant 1 : i32
    %sub3A_147 = arith.subi %div3A_126, %sub3A_146 : i32
    %select_n3A_148 = arith.select %and3A_145, %sub3A_147, %div3A_126 : i32
    %add3A_149 = arith.constant 0 : i32
    %add3A_150 = arith.addi %select_n3A_148, %add3A_149 : i32
    %dma_wait3A_151 = arith.constant 0 : i32
    %dma_wait3A_152 = tpu.memref_slice %arg5[%add3A_150, %dma_wait3A_151] : memref<102400x128xf32, #tpu.memory_space<hbm>> -> memref<64x128xf32, #tpu.memory_space<hbm>>
    %dma_wait3A_153 = arith.constant 0 : i32
    %dma_wait3A_154 = tpu.memref_slice %arg5[%add3A_150, %dma_wait3A_153] : memref<102400x128xf32, #tpu.memory_space<hbm>> -> memref<64x128xf32, #tpu.memory_space<hbm>>
    tpu.wait_dma2 semaphore(%arg26 : memref<!tpu.dma_semaphore, #tpu.memory_space<semaphore_mem>>) src(%arg16 : memref<64x128xf32, #tpu.memory_space<vmem>>) dst(%dma_wait3A_154 : memref<64x128xf32, #tpu.memory_space<hbm>>)
    %jit3A_155 = arith.constant 2 : i32
    %div3A_156 = arith.divsi %mul3A_4, %jit3A_155 : i32
    %sign3A_157 = arith.constant 0 : i32
    %sign3A_158 = arith.cmpi sgt, %mul3A_4, %sign3A_157 : i32
    %sign3A_159 = arith.extui %sign3A_158 : i1 to i32
    %sign3A_160 = arith.constant 0 : i32
    %sign3A_161 = arith.cmpi slt, %mul3A_4, %sign3A_160 : i32
    %sign3A_162 = arith.extui %sign3A_161 : i1 to i32
    %sign3A_163 = arith.subi %sign3A_159, %sign3A_162 : i32
    %sign3A_164 = arith.constant 0 : i32
    %sign3A_165 = arith.cmpi sgt, %jit3A_155, %sign3A_164 : i32
    %sign3A_166 = arith.extui %sign3A_165 : i1 to i32
    %sign3A_167 = arith.constant 0 : i32
    %sign3A_168 = arith.cmpi slt, %jit3A_155, %sign3A_167 : i32
    %sign3A_169 = arith.extui %sign3A_168 : i1 to i32
    %sign3A_170 = arith.subi %sign3A_166, %sign3A_169 : i32
    %ne3A_171 = arith.cmpi ne, %sign3A_163, %sign3A_170 : i32
    %rem3A_172 = arith.remsi %mul3A_4, %jit3A_155 : i32
    %ne3A_173 = arith.constant 0 : i32
    %ne3A_174 = arith.cmpi ne, %rem3A_172, %ne3A_173 : i32
    %and3A_175 = arith.andi %ne3A_171, %ne3A_174 : i1
    %sub3A_176 = arith.constant 1 : i32
    %sub3A_177 = arith.subi %div3A_156, %sub3A_176 : i32
    %select_n3A_178 = arith.select %and3A_175, %sub3A_177, %div3A_156 : i32
    %add3A_179 = arith.constant 0 : i32
    %add3A_180 = arith.addi %select_n3A_178, %add3A_179 : i32
    %dma_wait3A_181 = arith.constant 0 : i32
    %dma_wait3A_182 = tpu.memref_slice %arg5[%add3A_180, %dma_wait3A_181] : memref<102400x128xf32, #tpu.memory_space<hbm>> -> memref<64x128xf32, #tpu.memory_space<hbm>>
    %dma_wait3A_183 = arith.constant 0 : i32
    %dma_wait3A_184 = tpu.memref_slice %arg5[%add3A_180, %dma_wait3A_183] : memref<102400x128xf32, #tpu.memory_space<hbm>> -> memref<64x128xf32, #tpu.memory_space<hbm>>
    tpu.wait_dma2 semaphore(%arg27 : memref<!tpu.dma_semaphore, #tpu.memory_space<semaphore_mem>>) src(%arg17 : memref<64x128xf32, #tpu.memory_space<vmem>>) dst(%dma_wait3A_184 : memref<64x128xf32, #tpu.memory_space<hbm>>)
    return
  }
}

</mosaic_0001>

<sc_bundles>
// kernel: kernel.3.cloned.1.call-start
scs
__scs_entry_jumppad:
0x0: {  	(pc) =	sbr.rel $0x88, $3  }
0x1: {  	(tag) =	ssettag $0x0;
	lr =	simm.s32 $0x1  }
0x2: {  	[smem:$0x3F9F] =	sst lr;
	_ =	strace $0xD0000000  }
0x3: {  	_ = 	snop  }
0x4: {  	_ = 	snop  }
0x5: {  	_ = 	snop  }
0x6: {  	_ = 	snop  }
0x7: {  	_ = 	snop  }
__scs_overlays_trampoline_lowered:
0x8: {  	[smem:$0x3FAE] =	sst s0  }
0x9: {  	[smem:$0x3FAF] =	sst s1  }
0xa: {  	[smem:$0x3FB0] =	sst s2  }
0xb: {  	[smem:$0x3FB1] =	sst s3  }
0xc: {  	[smem:$0x3FB2] =	sst s4  }
0xd: {  	[smem:$0x3FB3] =	sst s5  }
0xe: {  	[smem:$0x3FB4] =	sst s6  }
0xf: {  	[smem:$0x3FB5] =	sst s7  }
0x10: {  	[smem:$0x3FB6] =	sst s8  }
0x11: {  	[smem:$0x3FB7] =	sst s9;
	s0 =	simm.s32 @!p0 $0x0  }
0x12: {  	s1 =	sld [smem:$0x3F9D];
	s0 =	simm.s32 @p0 $0x1  }
0x13: {  	[smem:$0x3FB8] =	sst s0;
	s0 =	simm.s32 @!p1 $0x0  }
0x14: {  	s2 =	sld [smem:$0x3F9C];
	s0 =	simm.s32 @p1 $0x1  }
0x15: {  	[smem:$0x3FB9] =	sst s0;
	s0 =	simm.s32 @!p2 $0x0  }
0x16: {  	s3 =	sld [smem:$0x3FDB];
	s0 =	simm.s32 @p2 $0x1  }
0x17: {  	s4 =	simm.s32 $0x1BF5;
	[smem:$0x3FBB] =	sst s0  }
0x18: {  	s0 =	sld [smem:$0x3F9E];
	_ =	swait.ge [sflag:s4], $0x0  }
0x19: {  	s7 =	sld [smem:$0x3F9F]  }
0x1a: {  	s8 =	sadd.s32 $0xFFFFE003, lr  }
0x1b: {  	s9 =	sadd.s32 $0xFFFFFEF7, lr;
	s5 =	simm.s32 $0xFFFFFFFF;
	p2 =	slt.u32 s8, $0xFFFFF086  }
0x1c: {  	p1 =	slt.u32 s9, $0xF7A;
	s5 =	simm.s32 @!p2 $0x0  }
0x1d: {  	s5 =	simm.s32 @p1 $0x1;
	p0 =	seq.s32 s7, s2  }
0x1e: {  	s7 =	smul.u32 @!p0 $0xF7A, s2;
	p2 =	seq.s32 @!p0 s5, $0x0  }
0x1f: {  	s9 =	smul.u32 $0xF7A, s1;
	s8 =	simm.s32 @!p0 $0x1BF5;
	p2 =	por !p2, p0  }
0x20: {  	[sflag:s8] =	ssyncset.s32 @!p0 $0xFFFFF086;
	s6 =	sadd.s32 @!p0 s3, s7;
	s7 =	simm.s32 @!p0 $0x108  }
0x21: {  	s3 =	sadd.s32 s3, s9;
	s6 =	sadd.s32 @!p0 $0x88, s6;
	s7 =	simm.s32 @p2 $0x1082  }
0x22: {  	[simem:s7], [sflag:s8] =	dma.local @!p0 [hbm:s6], $0xF7A  }
0x23: {  	s9 =	sor.u32 $0xD0000000, s2;
	s6 =	simm.s32 $0x108;
	_ =	swait.ge @!p0 [sflag:s8], $0x0  }
0x24: {  	s3 =	sadd.s32 $0x88, s3;
	s6 =	simm.s32 @!p1 $0x1082;
	[sflag:s4] =	ssyncset.s32 $0xFFFFF086  }
0x25: {  	[simem:s6], [sflag:s4] =	dma.local [hbm:s3], $0xF7A  }
0x26: {  	[smem:$0x3F9F] =	sst s1;
	(tag) =	ssettag s2;
	_ =	strace s9  }
0x27: {  	s1 =	sld [smem:$0x3FAF]  }
0x28: {  	s2 =	sld [smem:$0x3FB0]  }
0x29: {  	s4 =	sld [smem:$0x3FB2]  }
0x2a: {  	p0 =	seq.s32 s5, $0x0;
	s5 =	sld [smem:$0x3FB3]  }
0x2b: {  	s6 =	sld [smem:$0x3FB4]  }
0x2c: {  	s7 =	sld [smem:$0x3FB5]  }
0x2d: {  	s3 =	simm.s32 $0x108;
	s8 =	sld [smem:$0x3FB6]  }
0x2e: {  	s3 =	simm.s32 @!p0 $0x1082;
	s9 =	sld [smem:$0x3FB7]  }
0x2f: {  	lr =	sadd.s32 s0, s3;
	s0 =	sld [smem:$0x3FAE]  }
0x30: {  	s3 =	sld [smem:$0x3FB1]  }
0x31: {  	[smem:$0x3FBA] =	sst s10  }
0x32: {  	s10 =	sld [smem:$0x3FB8];
	_ =	sdelay $0x3  }
0x33: {  	p0 =	seq.s32 s10, $0x1;
	s10 =	sld [smem:$0x3FBA];
	_ =	sdelay $0x3  }
0x34: {  	[smem:$0x3FBA] =	sst s10  }
0x35: {  	s10 =	sld [smem:$0x3FB9];
	_ =	sdelay $0x3  }
0x36: {  	p1 =	seq.s32 s10, $0x1;
	s10 =	sld [smem:$0x3FBA];
	_ =	sdelay $0x3  }
0x37: {  	[smem:$0x3FBA] =	sst s10  }
0x38: {  	s10 =	sld [smem:$0x3FBB]  }
0x39: {  	_ = 	snop;
	(pc) =	sbr.ind lr, $3  }
0x3a: {  	_ = 	snop  }
0x3b: {  	_ = 	snop  }
0x3c: {  	p2 =	seq.s32 s10, $0x1;
	s10 =	sld [smem:$0x3FBA]  }
0x3d: {  	_ =	shalt  }
0x3e: {  	_ =	shalt  }
0x3f: {  	_ =	shalt  }
0x40: {  	_ =	shalt  }
0x41: {  	_ =	shalt  }
0x42: {  	_ =	shalt  }
0x43: {  	_ =	shalt  }
0x44: {  	_ =	shalt  }
0x45: {  	_ =	shalt  }
0x46: {  	_ =	shalt  }
0x47: {  	_ =	shalt  }
0x48: {  	_ =	shalt  }
0x49: {  	_ =	shalt  }
0x4a: {  	_ =	shalt  }
0x4b: {  	_ =	shalt  }
0x4c: {  	_ =	shalt  }
0x4d: {  	_ =	shalt  }
0x4e: {  	_ =	shalt  }
0x4f: {  	_ =	shalt  }
0x50: {  	_ =	shalt  }
0x51: {  	_ =	shalt  }
0x52: {  	_ =	shalt  }
0x53: {  	_ =	shalt  }
0x54: {  	_ =	shalt  }
0x55: {  	_ =	shalt  }
0x56: {  	_ =	shalt  }
0x57: {  	_ =	shalt  }
0x58: {  	_ =	shalt  }
0x59: {  	_ =	shalt  }
0x5a: {  	_ =	shalt  }
0x5b: {  	_ =	shalt  }
0x5c: {  	_ =	shalt  }
0x5d: {  	_ =	shalt  }
0x5e: {  	_ =	shalt  }
0x5f: {  	_ =	shalt  }
0x60: {  	_ =	shalt  }
0x61: {  	_ =	shalt  }
0x62: {  	_ =	shalt  }
0x63: {  	_ =	shalt  }
0x64: {  	_ =	shalt  }
0x65: {  	_ =	shalt  }
0x66: {  	_ =	shalt  }
0x67: {  	_ =	shalt  }
0x68: {  	_ =	shalt  }
0x69: {  	_ =	shalt  }
0x6a: {  	_ =	shalt  }
0x6b: {  	_ =	shalt  }
0x6c: {  	_ =	shalt  }
0x6d: {  	_ =	shalt  }
0x6e: {  	_ =	shalt  }
0x6f: {  	_ =	shalt  }
0x70: {  	_ =	shalt  }
0x71: {  	_ =	shalt  }
0x72: {  	_ =	shalt  }
0x73: {  	_ =	shalt  }
0x74: {  	_ =	shalt  }
0x75: {  	_ =	shalt  }
0x76: {  	_ =	shalt  }
0x77: {  	_ =	shalt  }
0x78: {  	_ =	shalt  }
0x79: {  	_ =	shalt  }
0x7a: {  	_ =	shalt  }
0x7b: {  	_ =	shalt  }
0x7c: {  	_ =	shalt  }
0x7d: {  	_ =	shalt  }
0x7e: {  	_ =	shalt  }
0x7f: {  	_ =	shalt  }
0x80: {  	_ =	shalt  }
0x81: {  	_ =	shalt  }
0x82: {  	_ =	shalt  }
0x83: {  	_ =	shalt  }
0x84: {  	_ =	shalt  }
0x85: {  	_ =	shalt  }
0x86: {  	_ =	shalt  }
0x87: {  	_ =	shalt  }
.Lfunc_end0:
.L_simem_size_0:
called_computation.1_lowered:
.L_overlay_start_0:
0x88: {  	s2 =	sld [smem:$0x3FD9]  }
0x89: {  	s3 =	sld [smem:$0x3FFE];
	_ =	sdelay $0x1  }
0x8a: {  	s1 =	srdreg.scid  }
0x8b: {  	s0 =	sand.u32 $0x1, s1  }
0x8c: {  	s17 =	sshll.u32 s0, $0xA;
	s2 =	sadd.s32 s3, s2  }
0x8d: {  	s2 =	sadd.s32 s2, s17  }
0x8e: {  	[smem:$0x3FC6] =	sst s2  }
0x8f: {  	_ = 	snop  }
0x90: {  	s2 =	sld [smem:$0x3FD0];
	(tm) =	ssettm $0x1  }
0x91: {  	s18 =	sld [smem:$0x3FFB];
	_ =	sdelay $0x3  }
0x92: {  	_ =	strace s18  }
0x93: {  	s3 =	sld [smem:$0x3FFC];
	_ =	sdelay $0x3  }
0x94: {  	_ =	strace s3  }
0x95: {  	s3 =	sld [smem:$0x3FFD];
	_ =	sdelay $0x3  }
0x96: {  	_ =	strace s3  }
0x97: {  	_ =	strace $0x8FFFFFFF  }
0x98: {  	s19 =	sld [smem:$0x3FDB];
	_ =	sdelay $0x1  }
0x99: {  	s4 =	simm.s32 $_scs_section_size  }
0x9a: {  	s5 =	simm.s32 $_size__tile_overlayer_lowered;
	s6 =	simm.s32 $_tile_overlayer_lowered  }
0x9b: {  	s22 =	simm.s32 $0x1BFF;
	s21 =	sshll.u32 s6, $0x1;
	s3 =	sadd.s32 s4, s19  }
0x9c: {  	s7 =	simm.s32 $0x0;
	s20 =	sshll.u32 s5, $0x1;
	s5 =	sadd.s32 s21, s3  }
0x9d: {  	[timem:s7], [sflag:s22] =	dma.local [hbm:s5], s20  }
0x9e: {  	_ =	swait.ge [sflag:s22], s20  }
0x9f: {  	s4 =	ssub.s32 $0x0, s20;
	[sflag:s22] =	ssyncset.done $0x0  }
0xa0: {  	[sflag:s22] =	ssyncadd.s32 s4;
	_ =	sdelay $0x1  }
0xa1: {  	s23 =	simm.s32 $0x1B8B  }
0xa2: {  	_ =	swait.ge [sflag:s23], $0x1  }
0xa3: {  	[sflag:s23] =	ssyncset.done $0x0  }
0xa4: {  	s25 =	simm.s32 $0x1B8E;
	s24 =	sld [smem:$0x3FFE];
	[sflag:s23] =	ssyncadd.s32 $0xFFFFFFFF  }
0xa5: {  	s26 =	simm.s32 $execute0_lowered;
	[smem:$0x3FD2] =	sst s25  }
0xa6: {  	s5 =	sshll.u32 s26, $0x1;
	_ =	strace $0x80000046;
	[dreg:$0x1] =	wrdreg $0xFFFFFFFF  }
0xa7: {  	s28 =	simm.s32 $_size_execute0_lowered;
	s3 =	sadd.s32 s3, s5;
	[dreg:$0x0] =	wrdreg $0x0  }
0xa8: {  	s5 =	sshll.u32 s28, $0x1;
	[dreg:$0x2] =	wrdreg s3  }
0xa9: {  	[dreg:$0x3] =	wrdreg s5  }
0xaa: {  	[dreg:$0x4] =	wrdreg $0xC0  }
0xab: {  	_ =	task [dreg:s7], $0x5FFFF  }
0xac: {  	[dreg:$0x1] =	wrdreg $0xFFFFFFFF  }
0xad: {  	[dreg:$0x0] =	wrdreg $0x60  }
0xae: {  	[dreg:$0x2] =	wrdreg s24  }
0xaf: {  	[dreg:$0x3] =	wrdreg s2  }
0xb0: {  	[dreg:$0x4] =	wrdreg $0x9  }
0xb1: {  	_ =	task.clear_ibuf [dreg:s7], $0x5FFFF;
	_ =	strace $0x90000046  }
0xb2: {  	s29 =	simm.s32 $0x9;
	_ =	strace $0x80000048  }
0xb3: {  	_ =	swait.ge [sflag:s29], $0x1  }
0xb4: {  	[sflag:s29] =	ssyncadd.s32 $0xFFFFFFFF  }
0xb5: {  	_ =	strace $0x90000048  }
0xb6: {  	_ =	sfence  }
0xb7: {  	s30 =	sld [smem:$0x0];
	_ =	sdelay $0x2  }
0xb8: {  	s31 =	sshll.u32 s1, $0xD;
	s1 =	sshrl.u32 s1, $0x2  }
0xb9: {  	s3 =	sand.u32 $0x4000, s31;
	s1 =	sadd.s32 s1, s30  }
0xba: {  	s0 =	sor.u32 s3, s0;
	s1 =	sshll.u32 s1, $0x11  }
0xbb: {  	s0 =	sor.u32 s1, s0  }
0xbc: {  	s0 =	sadd.s32 $0x8F2B, s0  }
0xbd: {  	[sflag:s0] =	ssyncadd.remote.s32 $0x1  }
0xbe: {  	_ =	sfence.sel $0xFFFF  }
0xbf: {  	[dreg:$0x0] =	wrdreg $0xFFFFFFFF;
	(pc) =	sbr.abs _section_cstart, $3  }
0xc0: {  	[dreg:$0x1] =	wrdreg $0xFFFFFFFF  }
0xc1: {  	_ =	task.clear_ibuf [dreg:s7], $0x2FFFF;
	_ =	strace $0x9FFFFFFF  }
0xc2: {  	(tm) =	ssettm $0x7FFFFFFF  }
0xc3: {  	_ =	shalt  }
tec
execute0_lowered:
.L_overlay_start_1:
0x0: {  	(tag) =	ssettag $0x1  }
0x1: {  	s0 =	srdreg.scid  }
0x2: {  	s2 =	stileid.u32;
	s1 =	rddreg [dreg:$0x0];
	s11 =	simm.s32 $0xB  }
0x3: {  	s13 =	simm.s32 $0x80;
	s21 =	simm.s32 $0xCB00;
	s22 =	simm.s32 $0x1  }
0x4: {  	s23 =	simm.s32 $0xEB00;
	s24 =	simm.s32 $0x2;
	s25 =	simm.s32 $0x10B00  }
0x5: {  	s28 =	simm.s32 $0x12B00;
	s29 =	simm.s32 $0x4;
	s30 =	simm.s32 $0x14B00  }
0x6: {  	s31 =	simm.s32 $0x5;
	s0 =	sand.u32 $0x1, s0;
	s3 =	sshll.u32 s2, $0x1  }
0x7: {  	s17 =	simm.s32 $0x0;
	s2 =	rddreg [dreg:$0x1];
	s6 =	sor.u32 s0, s3  }
0x8: {  	s5 =	sadd.s32 $0xF42E00, s1;
	s0 =	ssub.s32 $0x2, s0;
	s4 =	smul.u32 $0x1900, s6  }
0x9: {  	s3 =	simm.s32 $0x0;
	s8 =	sshrl.u32 s0, $0x1;
	s9 =	smul.u32 $0x64000, s6  }
.Ltmp0:
0xa: {  	[smem:$0x7FF] =	sst s3;
	s0 =	ssub.s32 s0, s8;
	(pc) =	sbr.rel .LBB2_1-.Ltmp0, $4  }
0xb: {  	_ =	strace $0x80000047;
	s7 =	sshrl.u32 s4, $0x3;
	s0 =	smax.u32 s0, $0x1  }
0xc: {  	s7 =	sadd.s32 s7, s1;
	s1 =	sadd.s32 $0x6E00, s1;
	[dreg:$0x5] =	wrdreg s0  }
0xd: {  	s8 =	sshrl.u32 s4, $0x1;
	[dreg:$0x3] =	wrdreg s1;
	s26 =	sadd.s32 $0xA00, s7  }
0xe: {  	s1 =	simm.s32 $0x16B00;
	[dreg:$0x4] =	wrdreg s26;
	s26 =	simm.s32 $0x3  }
.LBB2_14:
0xf: {  	s0 =	simm.s32 $0x6  }
0x10: {  	_ =	swait.ge [sflag:s0], $0x2000  }
0x11: {  	[sflag:s0] =	ssyncset.done $0x0  }
0x12: {  	s16 =	simm.s32 $0x7;
	[sflag:s0] =	ssyncadd.s32 $0xFFFFE000  }
0x13: {  	_ =	swait.ge [sflag:s16], $0x2000  }
0x14: {  	[sflag:s16] =	ssyncset.done $0x0  }
0x15: {  	s18 =	simm.s32 $0x8;
	[sflag:s16] =	ssyncadd.s32 $0xFFFFE000  }
0x16: {  	_ =	swait.ge [sflag:s18], $0x2000  }
0x17: {  	[sflag:s18] =	ssyncset.done $0x0  }
0x18: {  	s19 =	simm.s32 $0x9;
	[sflag:s18] =	ssyncadd.s32 $0xFFFFE000  }
0x19: {  	_ =	swait.ge [sflag:s19], $0x2000  }
0x1a: {  	[sflag:s19] =	ssyncset.done $0x0  }
0x1b: {  	s6 =	simm.s32 $0xA;
	[sflag:s19] =	ssyncadd.s32 $0xFFFFE000  }
0x1c: {  	_ =	swait.ge [sflag:s6], $0x2000  }
0x1d: {  	s17 =	sadd.s32 $0x1, s17;
	s20 =	rddreg [dreg:$0x5]  }
0x1e: {  	p0 =	sne.s32 s17, s20  }
.Ltmp1:
0x1f: {  	_ = 	snop;
	(pc) =	sbr.rel @!p0 .LBB2_15-.Ltmp1, $3  }
0x20: {  	_ =	sdelay $0x1  }
0x21: {  	[sflag:s6] =	ssyncset.done $0x0  }
0x22: {  	[sflag:s6] =	ssyncadd.s32 $0xFFFFE000  }
.LBB2_1:
0x23: {  	s0 =	rddreg [dreg:$0x4]  }
0x24: {  	[tilespmem:s3], [sflag:$0xB] =	stream.linear.gather [hbm4b:s0+s3], $0x1900, $0x38;
	[tilespmem:$0x18B00] =	vst v63  }
0x25: {  	_ =	swait.ge [sflag:s11], $0x1900  }
0x26: {  	[sflag:s11] =	ssyncset.done $0x0  }
0x27: {  	s6 =	simm.s32 $0x1900;
	s10 =	rddreg [dreg:$0x3];
	[sflag:s11] =	ssyncadd.s32 $0xFFFFE700  }
0x28: {  	[tilespmem:s6], [sflag:$0xB] =	stream.linear.gather [hbm4b:s10+s3], $0x3200, $0x38;
	[tilespmem:$0x18B00] =	vst v63  }
0x29: {  	_ =	swait.ge [sflag:s11], $0x3200  }
0x2a: {  	[sflag:s11] =	ssyncset.done $0x0  }
0x2b: {  	s12 =	simm.s32 $0x4B00;
	[sflag:s11] =	ssyncadd.s32 $0xFFFFCE00  }
0x2c: {  	[tilespmem:s12], [sflag:$0x1] =	stream.indirect.gather [hbm4b:s5+s13], $0x40, s3, s13, $0xb8;
	[tilespmem:$0x18B00] =	vst v63  }
0x2d: {  	s14 =	simm.s32 $0x6B00  }
0x2e: {  	[tilespmem:s14], [sflag:$0x2] =	stream.indirect.gather [hbm4b:s5+s13], $0x40, s13, s13, $0xb8;
	[tilespmem:$0x18B00] =	vst v63  }
0x2f: {  	s15 =	simm.s32 $0x100;
	s16 =	simm.s32 $0x8B00  }
0x30: {  	[tilespmem:s16], [sflag:$0x3] =	stream.indirect.gather [hbm4b:s5+s13], $0x40, s15, s13, $0xb8;
	[tilespmem:$0x18B00] =	vst v63  }
0x31: {  	s18 =	simm.s32 $0x180;
	s19 =	simm.s32 $0xAB00  }
0x32: {  	[tilespmem:s19], [sflag:$0x4] =	stream.indirect.gather [hbm4b:s5+s13], $0x40, s18, s13, $0xb8;
	[tilespmem:$0x18B00] =	vst v63  }
0x33: {  	s20 =	simm.s32 $0x200;
	s18 =	simm.s32 $0x0  }
0x34: {  	[tilespmem:s21], [sflag:$0x5] =	stream.indirect.gather [hbm4b:s5+s13], $0x40, s20, s13, $0xb8;
	[tilespmem:$0x18B00] =	vst v63  }
.LBB2_2:
0x35: {  	_ =	swait.ge [sflag:s22], $0x2000  }
0x36: {  	p0 =	seq.s32 s18, $0x0;
	[sflag:s22] =	ssyncset.done $0x0  }
0x37: {  	s0 =	simm.s32 @!p0 $0x6;
	[sflag:s22] =	ssyncadd.s32 $0xFFFFE000  }
0x38: {  	s6 =	smul.u32 $0x280, s18;
	_ =	swait.ge @!p0 [sflag:s0], $0x2000  }
0x39: {  	[sflag:s0] =	ssyncset.done @!p0 $0x0  }
0x3a: {  	s14 =	simm.s32 $0x4C00;
	s20 =	sadd.s32 s4, s6;
	[sflag:s0] =	ssyncadd.s32 @!p0 $0xFFFFE000  }
0x3b: {  	s0 =	sshrl.u32 s20, $0x4;
	v0 =	vld [tilespmem:s14+$0x80]  }
0x3c: {  	s0 =	sand.u32 $0x7FFFFC0, s0;
	v4 =	vld [tilespmem:s14+$0xFFFFFF80]  }
0x3d: {  	v3 =	vld [tilespmem:s0+$0x1900];
	_ =	sdelay $0x2  }
0x3e: {  	v6 =	vld [tilespmem:s14+$0xFFFFFF00];
	v5 =	vmul.f32 $8.000000000e+00, v0  }
0x3f: {  	v7 =	vld [tilespmem:s14+$0x0];
	v4 =	vmul.f32 $8.000000000e+00, v4  }
0x40: {  	v2 =	vld [tilespmem:s0+$0x1910];
	v5 =	vadd.f32 v5, v3  }
0x41: {  	s6 =	simm.s32 $0xEC00;
	v1 =	vld [tilespmem:s0+$0x1920];
	v4 =	vadd.f32 v4, v3  }
0x42: {  	v0 =	vld [tilespmem:s0+$0x1930];
	[tilespmem:s6+$0x80] =	vst v5  }
0x43: {  	[tilespmem:s6+$0xFFFFFF80] =	vst v4;
	v4 =	vld [tilespmem:s14+$0x90]  }
0x44: {  	v5 =	vld [tilespmem:s14+$0xFFFFFF90];
	_ =	sdelay $0x1  }
0x45: {  	v6 =	vmul.f32 $8.000000000e+00, v6  }
0x46: {  	v7 =	vmul.f32 $8.000000000e+00, v7  }
0x47: {  	v6 =	vadd.f32 v6, v3;
	v4 =	vmul.f32 $8.000000000e+00, v4  }
0x48: {  	v7 =	vadd.f32 v7, v3;
	v5 =	vmul.f32 $8.000000000e+00, v5  }
0x49: {  	[tilespmem:s6+$0xFFFFFF00] =	vst v6;
	v4 =	vadd.f32 v4, v2  }
0x4a: {  	[tilespmem:s6+$0x0] =	vst v7;
	v6 =	vld [tilespmem:s14+$0xFFFFFF10];
	v5 =	vadd.f32 v5, v2  }
0x4b: {  	v7 =	vld [tilespmem:s14+$0x10];
	[tilespmem:s6+$0x90] =	vst v4  }
0x4c: {  	[tilespmem:s6+$0xFFFFFF90] =	vst v5;
	v4 =	vld [tilespmem:s14+$0xA0]  }
0x4d: {  	v5 =	vld [tilespmem:s14+$0xFFFFFFA0];
	_ =	sdelay $0x1  }
0x4e: {  	v6 =	vmul.f32 $8.000000000e+00, v6  }
0x4f: {  	v7 =	vmul.f32 $8.000000000e+00, v7  }
0x50: {  	v6 =	vadd.f32 v6, v2;
	v4 =	vmul.f32 $8.000000000e+00, v4  }
0x51: {  	v7 =	vadd.f32 v7, v2;
	v5 =	vmul.f32 $8.000000000e+00, v5  }
0x52: {  	[tilespmem:s6+$0xFFFFFF10] =	vst v6;
	v4 =	vadd.f32 v4, v1  }
0x53: {  	[tilespmem:s6+$0x10] =	vst v7;
	v6 =	vld [tilespmem:s14+$0xFFFFFF20];
	v5 =	vadd.f32 v5, v1  }
0x54: {  	v7 =	vld [tilespmem:s14+$0x20];
	[tilespmem:s6+$0xA0] =	vst v4  }
0x55: {  	[tilespmem:s6+$0xFFFFFFA0] =	vst v5;
	v4 =	vld [tilespmem:s14+$0xB0]  }
0x56: {  	s10 =	simm.s32 $0x4E00;
	v5 =	vld [tilespmem:s14+$0xFFFFFFB0]  }
0x57: {  	v8 =	vld [tilespmem:s10+$0x80]  }
0x58: {  	v9 =	vld [tilespmem:s10+$0xFFFFFF80];
	v6 =	vmul.f32 $8.000000000e+00, v6  }
0x59: {  	v7 =	vmul.f32 $8.000000000e+00, v7  }
0x5a: {  	v6 =	vadd.f32 v6, v1;
	v4 =	vmul.f32 $8.000000000e+00, v4  }
0x5b: {  	v10 =	vld [tilespmem:s10+$0x0];
	v7 =	vadd.f32 v7, v1;
	v5 =	vmul.f32 $8.000000000e+00, v5  }
0x5c: {  	v8 =	vmul.f32 $8.000000000e+00, v8;
	[tilespmem:s6+$0xFFFFFF20] =	vst v6;
	v6 =	vld [tilespmem:s10+$0xFFFFFF00];
	v4 =	vadd.f32 v4, v0  }
0x5d: {  	v9 =	vmul.f32 $8.000000000e+00, v9;
	[tilespmem:s6+$0x20] =	vst v7;
	v7 =	vld [tilespmem:s14+$0xFFFFFF30];
	v5 =	vadd.f32 v5, v0  }
0x5e: {  	v8 =	vadd.f32 v8, v3;
	v11 =	vld [tilespmem:s14+$0x30];
	[tilespmem:s6+$0xB0] =	vst v4  }
0x5f: {  	s7 =	simm.s32 $0xEE00;
	v4 =	vadd.f32 v9, v3;
	[tilespmem:s6+$0xFFFFFFB0] =	vst v5;
	v5 =	vld [tilespmem:s14+$0xC0]  }
0x60: {  	[tilespmem:s7+$0x80] =	vst v8;
	v9 =	vmul.f32 $8.000000000e+00, v10;
	v8 =	vld [tilespmem:s14+$0xFFFFFFC0]  }
0x61: {  	v6 =	vmul.f32 $8.000000000e+00, v6;
	[tilespmem:s7+$0xFFFFFF80] =	vst v4;
	v4 =	vld [tilespmem:s10+$0x90]  }
0x62: {  	v7 =	vmul.f32 $8.000000000e+00, v7;
	v9 =	vadd.f32 v9, v3;
	v10 =	vld [tilespmem:s10+$0xFFFFFF90]  }
0x63: {  	v11 =	vmul.f32 $8.000000000e+00, v11;
	v6 =	vadd.f32 v6, v3  }
0x64: {  	v7 =	vadd.f32 v7, v0;
	[tilespmem:s7+$0x0] =	vst v9;
	v5 =	vmul.f32 $8.000000000e+00, v5  }
0x65: {  	[tilespmem:s7+$0xFFFFFF00] =	vst v6;
	v9 =	vadd.f32 v11, v0;
	v6 =	vld [tilespmem:s10+$0x10];
	v8 =	vmul.f32 $8.000000000e+00, v8  }
0x66: {  	[tilespmem:s6+$0xFFFFFF30] =	vst v7;
	v11 =	vld [tilespmem:s10+$0xFFFFFF10];
	v4 =	vmul.f32 $8.000000000e+00, v4;
	v5 =	vadd.f32 v5, v3  }
0x67: {  	v7 =	vld [tilespmem:s14+$0xFFFFFF40];
	[tilespmem:s6+$0x30] =	vst v9;
	v9 =	vmul.f32 $8.000000000e+00, v10;
	v8 =	vadd.f32 v8, v3  }
0x68: {  	v10 =	vld [tilespmem:s14+$0x40];
	v4 =	vadd.f32 v4, v2;
	[tilespmem:s6+$0xC0] =	vst v5  }
0x69: {  	v5 =	vadd.f32 v9, v2;
	[tilespmem:s6+$0xFFFFFFC0] =	vst v8;
	v8 =	vld [tilespmem:s14+$0xD0]  }
0x6a: {  	v6 =	vmul.f32 $8.000000000e+00, v6;
	[tilespmem:s7+$0x90] =	vst v4;
	v4 =	vld [tilespmem:s14+$0xFFFFFFD0]  }
0x6b: {  	v9 =	vmul.f32 $8.000000000e+00, v11;
	[tilespmem:s7+$0xFFFFFF90] =	vst v5;
	v5 =	vld [tilespmem:s10+$0xA0]  }
0x6c: {  	v7 =	vmul.f32 $8.000000000e+00, v7;
	v6 =	vadd.f32 v6, v2;
	v11 =	vld [tilespmem:s10+$0xFFFFFFA0]  }
0x6d: {  	v9 =	vadd.f32 v9, v2;
	v10 =	vmul.f32 $8.000000000e+00, v10  }
0x6e: {  	[tilespmem:s7+$0x10] =	vst v6;
	v6 =	vadd.f32 v7, v3;
	v7 =	vmul.f32 $8.000000000e+00, v8  }
0x6f: {  	[tilespmem:s7+$0xFFFFFF10] =	vst v9;
	v9 =	vadd.f32 v10, v3;
	v8 =	vld [tilespmem:s10+$0x20];
	v4 =	vmul.f32 $8.000000000e+00, v4  }
0x70: {  	v10 =	vld [tilespmem:s10+$0xFFFFFF20];
	[tilespmem:s6+$0xFFFFFF40] =	vst v6;
	v5 =	vmul.f32 $8.000000000e+00, v5;
	v6 =	vadd.f32 v7, v2  }
0x71: {  	[tilespmem:s6+$0x40] =	vst v9;
	v7 =	vld [tilespmem:s14+$0xFFFFFF50];
	v9 =	vmul.f32 $8.000000000e+00, v11;
	v4 =	vadd.f32 v4, v2  }
0x72: {  	v11 =	vld [tilespmem:s14+$0x50];
	v5 =	vadd.f32 v5, v1;
	[tilespmem:s6+$0xD0] =	vst v6  }
0x73: {  	v6 =	vadd.f32 v9, v1;
	[tilespmem:s6+$0xFFFFFFD0] =	vst v4;
	v4 =	vld [tilespmem:s14+$0xE0]  }
0x74: {  	v8 =	vmul.f32 $8.000000000e+00, v8;
	[tilespmem:s7+$0xA0] =	vst v5;
	v5 =	vld [tilespmem:s14+$0xFFFFFFE0]  }
0x75: {  	v9 =	vmul.f32 $8.000000000e+00, v10;
	[tilespmem:s7+$0xFFFFFFA0] =	vst v6;
	v6 =	vld [tilespmem:s10+$0xB0]  }
0x76: {  	s0 =	simm.s32 $0x5000;
	v8 =	vadd.f32 v8, v1;
	v7 =	vmul.f32 $8.000000000e+00, v7;
	v10 =	vld [tilespmem:s10+$0xFFFFFFB0]  }
0x77: {  	v12 =	vld [tilespmem:s0+$0x80];
	v9 =	vadd.f32 v9, v1;
	v11 =	vmul.f32 $8.000000000e+00, v11  }
0x78: {  	[tilespmem:s7+$0x20] =	vst v8;
	v7 =	vadd.f32 v7, v2;
	v8 =	vld [tilespmem:s0+$0xFFFFFF80];
	v4 =	vmul.f32 $8.000000000e+00, v4  }
0x79: {  	[tilespmem:s7+$0xFFFFFF20] =	vst v9;
	v9 =	vadd.f32 v11, v2;
	v11 =	vld [tilespmem:s0+$0x0];
	v5 =	vmul.f32 $8.000000000e+00, v5  }
0x7a: {  	[tilespmem:s6+$0xFFFFFF50] =	vst v7;
	v7 =	vld [tilespmem:s0+$0xFFFFFF00];
	v6 =	vmul.f32 $8.000000000e+00, v6;
	v4 =	vadd.f32 v4, v1  }
0x7b: {  	[tilespmem:s6+$0x50] =	vst v9;
	v9 =	vld [tilespmem:s10+$0xFFFFFF30];
	v10 =	vmul.f32 $8.000000000e+00, v10;
	v5 =	vadd.f32 v5, v1  }
0x7c: {  	v12 =	vmul.f32 $8.000000000e+00, v12;
	v13 =	vld [tilespmem:s10+$0x30];
	v6 =	vadd.f32 v6, v0;
	[tilespmem:s6+$0xE0] =	vst v4  }
0x7d: {  	v4 =	vmul.f32 $8.000000000e+00, v8;
	v8 =	vadd.f32 v10, v0;
	[tilespmem:s6+$0xFFFFFFE0] =	vst v5;
	v5 =	vld [tilespmem:s14+$0xF0]  }
0x7e: {  	v10 =	vmul.f32 $8.000000000e+00, v11;
	v11 =	vadd.f32 v12, v3;
	[tilespmem:s7+$0xB0] =	vst v6;
	v6 =	vld [tilespmem:s14+$0xFFFFFF60]  }
0x7f: {  	s12 =	simm.s32 $0xF000;
	v7 =	vmul.f32 $8.000000000e+00, v7;
	v4 =	vadd.f32 v4, v3;
	[tilespmem:s7+$0xFFFFFFB0] =	vst v8;
	v8 =	vld [tilespmem:s10+$0xC0]  }
0x80: {  	v10 =	vadd.f32 v10, v3;
	[tilespmem:s12+$0x80] =	vst v11;
	v9 =	vmul.f32 $8.000000000e+00, v9;
	v11 =	vld [tilespmem:s10+$0xFFFFFFC0]  }
0x81: {  	v12 =	vmul.f32 $8.000000000e+00, v13;
	v7 =	vadd.f32 v7, v3;
	[tilespmem:s12+$0xFFFFFF80] =	vst v4;
	v4 =	vld [tilespmem:s0+$0x90]  }
0x82: {  	[tilespmem:s12+$0x0] =	vst v10;
	v9 =	vadd.f32 v9, v0;
	v13 =	vld [tilespmem:s0+$0xFFFFFF90];
	v5 =	vmul.f32 $8.000000000e+00, v5  }
0x83: {  	v10 =	vadd.f32 v12, v0;
	[tilespmem:s12+$0xFFFFFF00] =	vst v7;
	v7 =	vld [tilespmem:s0+$0x10];
	v6 =	vmul.f32 $8.000000000e+00, v6  }
0x84: {  	[tilespmem:s7+$0xFFFFFF30] =	vst v9;
	v12 =	vld [tilespmem:s0+$0xFFFFFF10];
	v8 =	vmul.f32 $8.000000000e+00, v8;
	v5 =	vadd.f32 v5, v0  }
0x85: {  	[tilespmem:s7+$0x30] =	vst v10;
	v9 =	vld [tilespmem:s10+$0xFFFFFF40];
	v11 =	vmul.f32 $8.000000000e+00, v11;
	v6 =	vadd.f32 v6, v1  }
0x86: {  	v10 =	vld [tilespmem:s10+$0x40];
	v4 =	vmul.f32 $8.000000000e+00, v4;
	v8 =	vadd.f32 v8, v3;
	[tilespmem:s6+$0xF0] =	vst v5  }
0x87: {  	v5 =	vmul.f32 $8.000000000e+00, v13;
	v11 =	vadd.f32 v11, v3;
	[tilespmem:s6+$0xFFFFFF60] =	vst v6;
	v6 =	vld [tilespmem:s14+$0x60]  }
0x88: {  	v7 =	vmul.f32 $8.000000000e+00, v7;
	v4 =	vadd.f32 v4, v2;
	[tilespmem:s7+$0xC0] =	vst v8;
	v8 =	vld [tilespmem:s14+$0xFFFFFF70]  }
0x89: {  	v12 =	vmul.f32 $8.000000000e+00, v12;
	v5 =	vadd.f32 v5, v2;
	[tilespmem:s7+$0xFFFFFFC0] =	vst v11;
	v11 =	vld [tilespmem:s10+$0xD0]  }
0x8a: {  	v7 =	vadd.f32 v7, v2;
	[tilespmem:s12+$0x90] =	vst v4;
	v4 =	vmul.f32 $8.000000000e+00, v9;
	v9 =	vld [tilespmem:s10+$0xFFFFFFD0]  }
0x8b: {  	v10 =	vmul.f32 $8.000000000e+00, v10;
	v12 =	vadd.f32 v12, v2;
	[tilespmem:s12+$0xFFFFFF90] =	vst v5;
	v5 =	vld [tilespmem:s0+$0xA0]  }
0x8c: {  	v13 =	vld [tilespmem:s0+$0xFFFFFFA0];
	[tilespmem:s12+$0x10] =	vst v7;
	v4 =	vadd.f32 v4, v3;
	v6 =	vmul.f32 $8.000000000e+00, v6  }
0x8d: {  	v10 =	vadd.f32 v10, v3;
	[tilespmem:s12+$0xFFFFFF10] =	vst v12;
	v7 =	vld [tilespmem:s0+$0x20];
	v8 =	vmul.f32 $8.000000000e+00, v8  }
0x8e: {  	v12 =	vld [tilespmem:s0+$0xFFFFFF20];
	[tilespmem:s7+$0xFFFFFF40] =	vst v4;
	v4 =	vmul.f32 $8.000000000e+00, v11;
	v6 =	vadd.f32 v6, v1  }
0x8f: {  	[tilespmem:s7+$0x40] =	vst v10;
	v11 =	vld [tilespmem:s10+$0xFFFFFF50];
	v9 =	vmul.f32 $8.000000000e+00, v9;
	v8 =	vadd.f32 v8, v0  }
0x90: {  	v14 =	vld [tilespmem:s10+$0x50];
	v5 =	vmul.f32 $8.000000000e+00, v5;
	v4 =	vadd.f32 v4, v2;
	[tilespmem:s6+$0x60] =	vst v6  }
0x91: {  	v6 =	vmul.f32 $8.000000000e+00, v13;
	v9 =	vadd.f32 v9, v2;
	[tilespmem:s6+$0xFFFFFF70] =	vst v8;
	v13 =	vld [tilespmem:s14+$0xFFFFFFF0]  }
0x92: {  	v8 =	vmul.f32 $8.000000000e+00, v7;
	v5 =	vadd.f32 v5, v1;
	[tilespmem:s7+$0xD0] =	vst v4;
	v4 =	vld [tilespmem:s14+$0x70]  }
0x93: {  	v10 =	vmul.f32 $8.000000000e+00, v12;
	v15 =	vadd.f32 v6, v1;
	[tilespmem:s7+$0xFFFFFFD0] =	vst v9;
	v7 =	vld [tilespmem:s10+$0xE0]  }
0x94: {  	v9 =	vadd.f32 v8, v1;
	[tilespmem:s12+$0xA0] =	vst v5;
	v5 =	vmul.f32 $8.000000000e+00, v11;
	v6 =	vld [tilespmem:s10+$0xFFFFFFE0]  }
0x95: {  	v8 =	vmul.f32 $8.000000000e+00, v14;
	v12 =	vadd.f32 v10, v1;
	[tilespmem:s12+$0xFFFFFFA0] =	vst v15;
	v10 =	vld [tilespmem:s0+$0xB0]  }
0x96: {  	s19 =	smul.u32 $0x5, s18;
	s15 =	simm.s32 $0x5200;
	s14 =	simm.s32 $0x8;
	v11 =	vld [tilespmem:s0+$0xFFFFFFB0];
	[tilespmem:s12+$0x20] =	vst v9;
	v9 =	vadd.f32 v5, v2;
	v5 =	vmul.f32 $8.000000000e+00, v13  }
.LBB2_3:
0x97: {  	v13 =	vld [tilespmem:s15+$0x80];
	s14 =	sadd.s32 $0x4, s14;
	[tilespmem:s12+$0xFFFFFF20] =	vst v12;
	v8 =	vadd.f32 v8, v2;
	v4 =	vmul.f32 $8.000000000e+00, v4  }
0x98: {  	v12 =	vld [tilespmem:s15+$0xFFFFFF80];
	p1 =	slt.u32 s14, $0x3C;
	[tilespmem:s7+$0xFFFFFF50] =	vst v9;
	v7 =	vmul.f32 $8.000000000e+00, v7;
	v5 =	vadd.f32 v5, v0  }
0x99: {  	v9 =	vld [tilespmem:s15+$0x0];
	v6 =	vmul.f32 $8.000000000e+00, v6;
	[tilespmem:s7+$0x50] =	vst v8;
	v4 =	vadd.f32 v4, v0  }
0x9a: {  	v8 =	vld [tilespmem:s15+$0xFFFFFF00];
	v10 =	vmul.f32 $8.000000000e+00, v10;
	v7 =	vadd.f32 v7, v1;
	[tilespmem:s6+$0xFFFFFFF0] =	vst v5  }
0x9b: {  	v5 =	vld [tilespmem:s0+$0xFFFFFF30];
	v11 =	vmul.f32 $8.000000000e+00, v11;
	v6 =	vadd.f32 v6, v1;
	[tilespmem:s6+$0x70] =	vst v4;
	s6 =	smov.u32 s7;
	s7 =	smov.u32 s12  }
0x9c: {  	v4 =	vmul.f32 $8.000000000e+00, v13;
	v13 =	vld [tilespmem:s0+$0x30];
	v10 =	vadd.f32 v10, v0;
	[tilespmem:s6+$0xE0] =	vst v7  }
0x9d: {  	v7 =	vmul.f32 $8.000000000e+00, v12;
	v11 =	vadd.f32 v11, v0;
	[tilespmem:s6+$0xFFFFFFE0] =	vst v6;
	v6 =	vld [tilespmem:s10+$0xF0]  }
0x9e: {  	v9 =	vmul.f32 $8.000000000e+00, v9;
	v4 =	vadd.f32 v4, v3;
	[tilespmem:s12+$0xB0] =	vst v10;
	v10 =	vld [tilespmem:s10+$0xFFFFFF60]  }
0x9f: {  	s12 =	sadd.s32 $0x200, s12;
	v8 =	vmul.f32 $8.000000000e+00, v8;
	v7 =	vadd.f32 v7, v3;
	[tilespmem:s7+$0xFFFFFFB0] =	vst v11;
	v11 =	vld [tilespmem:s0+$0xC0]  }
0xa0: {  	v9 =	vadd.f32 v9, v3;
	[tilespmem:s12+$0x80] =	vst v4;
	v4 =	vmul.f32 $8.000000000e+00, v5;
	v5 =	vld [tilespmem:s0+$0xFFFFFFC0]  }
0xa1: {  	v8 =	vadd.f32 v8, v3;
	[tilespmem:s12+$0xFFFFFF80] =	vst v7;
	v7 =	vld [tilespmem:s15+$0x90];
	v12 =	vmul.f32 $8.000000000e+00, v13  }
0xa2: {  	v13 =	vld [tilespmem:s15+$0xFFFFFF90];
	[tilespmem:s12+$0x0] =	vst v9;
	v4 =	vadd.f32 v4, v0;
	v6 =	vmul.f32 $8.000000000e+00, v6  }
0xa3: {  	[tilespmem:s12+$0xFFFFFF00] =	vst v8;
	v8 =	vld [tilespmem:s15+$0x10];
	v9 =	vadd.f32 v12, v0;
	v10 =	vmul.f32 $8.000000000e+00, v10  }
0xa4: {  	v12 =	vld [tilespmem:s15+$0xFFFFFF10];
	[tilespmem:s7+$0xFFFFFF30] =	vst v4;
	v4 =	vmul.f32 $8.000000000e+00, v11;
	v6 =	vadd.f32 v6, v0  }
0xa5: {  	v11 =	vld [tilespmem:s0+$0xFFFFFF40];
	v5 =	vmul.f32 $8.000000000e+00, v5;
	[tilespmem:s7+$0x30] =	vst v9;
	v9 =	vadd.f32 v10, v1  }
0xa6: {  	v7 =	vmul.f32 $8.000000000e+00, v7;
	v10 =	vld [tilespmem:s0+$0x40];
	v4 =	vadd.f32 v4, v3;
	[tilespmem:s6+$0xF0] =	vst v6  }
0xa7: {  	v6 =	vmul.f32 $8.000000000e+00, v13;
	v5 =	vadd.f32 v5, v3;
	[tilespmem:s6+$0xFFFFFF60] =	vst v9;
	v9 =	vld [tilespmem:s10+$0x60]  }
0xa8: {  	v8 =	vmul.f32 $8.000000000e+00, v8;
	v7 =	vadd.f32 v7, v2;
	[tilespmem:s7+$0xC0] =	vst v4;
	v4 =	vld [tilespmem:s10+$0xFFFFFF70]  }
0xa9: {  	v12 =	vmul.f32 $8.000000000e+00, v12;
	v6 =	vadd.f32 v6, v2;
	[tilespmem:s7+$0xFFFFFFC0] =	vst v5;
	v5 =	vld [tilespmem:s0+$0xD0]  }
0xaa: {  	v8 =	vadd.f32 v8, v2;
	[tilespmem:s12+$0x90] =	vst v7;
	v7 =	vmul.f32 $8.000000000e+00, v11;
	v11 =	vld [tilespmem:s0+$0xFFFFFFD0]  }
0xab: {  	v12 =	vadd.f32 v12, v2;
	[tilespmem:s12+$0xFFFFFF90] =	vst v6;
	v6 =	vld [tilespmem:s15+$0xA0];
	v10 =	vmul.f32 $8.000000000e+00, v10  }
0xac: {  	v13 =	vld [tilespmem:s15+$0xFFFFFFA0];
	[tilespmem:s12+$0x10] =	vst v8;
	v7 =	vadd.f32 v7, v3;
	v8 =	vmul.f32 $8.000000000e+00, v9  }
0xad: {  	[tilespmem:s12+$0xFFFFFF10] =	vst v12;
	v9 =	vld [tilespmem:s15+$0x20];
	v10 =	vadd.f32 v10, v3;
	v4 =	vmul.f32 $8.000000000e+00, v4  }
0xae: {  	v12 =	vld [tilespmem:s15+$0xFFFFFF20];
	[tilespmem:s7+$0xFFFFFF40] =	vst v7;
	v5 =	vmul.f32 $8.000000000e+00, v5;
	v7 =	vadd.f32 v8, v1  }
0xaf: {  	v8 =	vld [tilespmem:s0+$0xFFFFFF50];
	v11 =	vmul.f32 $8.000000000e+00, v11;
	[tilespmem:s7+$0x40] =	vst v10;
	v4 =	vadd.f32 v4, v0  }
0xb0: {  	v6 =	vmul.f32 $8.000000000e+00, v6;
	v14 =	vld [tilespmem:s0+$0x50];
	v5 =	vadd.f32 v5, v2;
	[tilespmem:s6+$0x60] =	vst v7  }
0xb1: {  	v7 =	vmul.f32 $8.000000000e+00, v13;
	v10 =	vadd.f32 v11, v2;
	[tilespmem:s6+$0xFFFFFF70] =	vst v4;
	v13 =	vld [tilespmem:s10+$0xFFFFFFF0]  }
.Ltmp2:
0xb2: {  	v9 =	vmul.f32 $8.000000000e+00, v9;
	v6 =	vadd.f32 v6, v1;
	[tilespmem:s7+$0xD0] =	vst v5;
	v4 =	vld [tilespmem:s10+$0x70];
	s10 =	smov.u32 s0;
	s0 =	smov.u32 s15;
	(pc) =	sbr.rel @p1 .LBB2_3-.Ltmp2, $4  }
0xb3: {  	v5 =	vmul.f32 $8.000000000e+00, v12;
	v11 =	vadd.f32 v7, v1;
	[tilespmem:s7+$0xFFFFFFD0] =	vst v10;
	v7 =	vld [tilespmem:s10+$0xE0]  }
0xb4: {  	v9 =	vadd.f32 v9, v1;
	[tilespmem:s12+$0xA0] =	vst v6;
	v15 =	vmul.f32 $8.000000000e+00, v8;
	v6 =	vld [tilespmem:s10+$0xFFFFFFE0]  }
0xb5: {  	v12 =	vadd.f32 v5, v1;
	[tilespmem:s12+$0xFFFFFFA0] =	vst v11;
	v10 =	vld [tilespmem:s15+$0xB0];
	v8 =	vmul.f32 $8.000000000e+00, v14  }
0xb6: {  	s15 =	sadd.s32 $0x200, s15;
	v11 =	vld [tilespmem:s0+$0xFFFFFFB0];
	[tilespmem:s12+$0x20] =	vst v9;
	v9 =	vadd.f32 v15, v2;
	v5 =	vmul.f32 $8.000000000e+00, v13  }
0xb7: {  	[tilespmem:s12+$0xFFFFFF20] =	vst v12  }
0xb8: {  	v12 =	vld [tilespmem:s0+$0xFFFFFF30];
	_ =	sdelay $0x1  }
0xb9: {  	v13 =	vld [tilespmem:s0+$0x30];
	_ =	sdelay $0x1  }
0xba: {  	v10 =	vmul.f32 $8.000000000e+00, v10  }
0xbb: {  	v12 =	vmul.f32 $8.000000000e+00, v12  }
0xbc: {  	v11 =	vmul.f32 $8.000000000e+00, v11;
	v10 =	vadd.f32 v10, v0  }
0xbd: {  	v13 =	vmul.f32 $8.000000000e+00, v13;
	v12 =	vadd.f32 v12, v0  }
0xbe: {  	v11 =	vadd.f32 v11, v0;
	[tilespmem:s12+$0xB0] =	vst v10  }
0xbf: {  	v13 =	vadd.f32 v13, v0;
	v10 =	vld [tilespmem:s0+$0xC0];
	[tilespmem:s12+$0xFFFFFF30] =	vst v12  }
0xc0: {  	[tilespmem:s12+$0xFFFFFFB0] =	vst v11;
	v11 =	vld [tilespmem:s0+$0xFFFFFF40]  }
0xc1: {  	[tilespmem:s12+$0x30] =	vst v13;
	v12 =	vld [tilespmem:s0+$0xFFFFFFC0]  }
0xc2: {  	v13 =	vld [tilespmem:s0+$0x40];
	_ =	sdelay $0x1  }
0xc3: {  	v10 =	vmul.f32 $8.000000000e+00, v10  }
0xc4: {  	v11 =	vmul.f32 $8.000000000e+00, v11  }
0xc5: {  	v12 =	vmul.f32 $8.000000000e+00, v12;
	v10 =	vadd.f32 v10, v3  }
0xc6: {  	v13 =	vmul.f32 $8.000000000e+00, v13;
	v11 =	vadd.f32 v11, v3  }
0xc7: {  	v12 =	vadd.f32 v12, v3;
	[tilespmem:s12+$0xC0] =	vst v10  }
0xc8: {  	v10 =	vld [tilespmem:s0+$0xD0];
	v3 =	vadd.f32 v13, v3;
	[tilespmem:s12+$0xFFFFFF40] =	vst v11  }
0xc9: {  	[tilespmem:s12+$0xFFFFFFC0] =	vst v12;
	v11 =	vld [tilespmem:s0+$0xFFFFFF50]  }
0xca: {  	v12 =	vld [tilespmem:s0+$0xFFFFFFD0];
	[tilespmem:s12+$0x40] =	vst v3  }
0xcb: {  	v3 =	vld [tilespmem:s0+$0x50];
	_ =	sdelay $0x1  }
0xcc: {  	v10 =	vmul.f32 $8.000000000e+00, v10  }
0xcd: {  	v8 =	vadd.f32 v8, v2;
	[tilespmem:s7+$0xFFFFFF50] =	vst v9;
	v9 =	vmul.f32 $8.000000000e+00, v11  }
0xce: {  	v12 =	vmul.f32 $8.000000000e+00, v12;
	v10 =	vadd.f32 v10, v2;
	v11 =	vld [tilespmem:s10+$0xFFFFFF60]  }
0xcf: {  	[tilespmem:s7+$0x50] =	vst v8;
	v3 =	vmul.f32 $8.000000000e+00, v3;
	v8 =	vadd.f32 v9, v2  }
0xd0: {  	v12 =	vadd.f32 v12, v2;
	[tilespmem:s12+$0xD0] =	vst v10;
	v9 =	vld [tilespmem:s10+$0x60]  }
0xd1: {  	v10 =	vld [tilespmem:s0+$0xE0];
	v2 =	vadd.f32 v3, v2;
	[tilespmem:s12+$0xFFFFFF50] =	vst v8  }
0xd2: {  	v3 =	vmul.f32 $8.000000000e+00, v7;
	[tilespmem:s12+$0xFFFFFFD0] =	vst v12;
	v7 =	vld [tilespmem:s0+$0xFFFFFF60]  }
0xd3: {  	[tilespmem:s12+$0x50] =	vst v2;
	v8 =	vmul.f32 $8.000000000e+00, v11;
	v11 =	vld [tilespmem:s0+$0xFFFFFFE0]  }
0xd4: {  	v2 =	vmul.f32 $8.000000000e+00, v6;
	v3 =	vadd.f32 v3, v1;
	v6 =	vld [tilespmem:s0+$0x60]  }
0xd5: {  	v8 =	vadd.f32 v8, v1;
	v9 =	vmul.f32 $8.000000000e+00, v9  }
0xd6: {  	v2 =	vadd.f32 v2, v1;
	[tilespmem:s7+$0xE0] =	vst v3;
	v3 =	vmul.f32 $8.000000000e+00, v10  }
0xd7: {  	v10 =	vld [tilespmem:s10+$0xF0];
	[tilespmem:s7+$0xFFFFFF60] =	vst v8;
	v8 =	vadd.f32 v9, v1;
	v7 =	vmul.f32 $8.000000000e+00, v7  }
0xd8: {  	[tilespmem:s7+$0xFFFFFFE0] =	vst v2;
	v3 =	vadd.f32 v3, v1;
	v2 =	vld [tilespmem:s10+$0xFFFFFF70];
	v9 =	vmul.f32 $8.000000000e+00, v11  }
0xd9: {  	v6 =	vmul.f32 $8.000000000e+00, v6;
	[tilespmem:s7+$0x60] =	vst v8;
	v8 =	vld [tilespmem:s10+$0xFFFFFFF0];
	v7 =	vadd.f32 v7, v1  }
0xda: {  	[tilespmem:s12+$0xE0] =	vst v3;
	v11 =	vld [tilespmem:s10+$0x70];
	v9 =	vadd.f32 v9, v1  }
0xdb: {  	v3 =	vmul.f32 $8.000000000e+00, v4;
	v4 =	vld [tilespmem:s0+$0xF0];
	v1 =	vadd.f32 v6, v1;
	[tilespmem:s12+$0xFFFFFF60] =	vst v7  }
0xdc: {  	v5 =	vadd.f32 v5, v0;
	v6 =	vmul.f32 $8.000000000e+00, v10;
	[tilespmem:s12+$0xFFFFFFE0] =	vst v9;
	v7 =	vld [tilespmem:s0+$0xFFFFFF70]  }
0xdd: {  	v3 =	vadd.f32 v3, v0;
	[tilespmem:s12+$0x60] =	vst v1;
	v2 =	vmul.f32 $8.000000000e+00, v2;
	v1 =	vld [tilespmem:s0+$0xFFFFFFF0]  }
0xde: {  	[tilespmem:s6+$0xFFFFFFF0] =	vst v5;
	v5 =	vadd.f32 v6, v0;
	v6 =	vmul.f32 $8.000000000e+00, v8;
	v8 =	vld [tilespmem:s0+$0x70]  }
0xdf: {  	[tilespmem:s6+$0x70] =	vst v3;
	v2 =	vadd.f32 v2, v0;
	v3 =	vmul.f32 $8.000000000e+00, v11  }
0xe0: {  	[tilespmem:s7+$0xF0] =	vst v5;
	v4 =	vmul.f32 $8.000000000e+00, v4;
	v5 =	vadd.f32 v6, v0  }
0xe1: {  	[tilespmem:s7+$0xFFFFFF70] =	vst v2;
	v2 =	vadd.f32 v3, v0;
	v3 =	vmul.f32 $8.000000000e+00, v7  }
0xe2: {  	v4 =	vadd.f32 v4, v0;
	[tilespmem:s7+$0xFFFFFFF0] =	vst v5;
	v1 =	vmul.f32 $8.000000000e+00, v1  }
0xe3: {  	s14 =	smul.u32 $0x140, s18;
	[tilespmem:s7+$0x70] =	vst v2;
	v2 =	vadd.f32 v3, v0;
	v3 =	vmul.f32 $8.000000000e+00, v8  }
0xe4: {  	p1 =	seq.s32 s18, $0x9;
	[tilespmem:s12+$0xF0] =	vst v4;
	v1 =	vadd.f32 v1, v0  }
0xe5: {  	s6 =	smul.u32 @!p1 $0xA00, s18;
	s0 =	sadd.s32 s8, s14;
	[tilespmem:s12+$0xFFFFFF70] =	vst v2;
	v0 =	vadd.f32 v3, v0  }
0xe6: {  	s0 =	sshll.u32 s0, $0x4;
	[tilespmem:s12+$0xFFFFFFF0] =	vst v1  }
0xe7: {  	s20 =	sshra.s32 @!p1 s6, $0x2;
	s0 =	sadd.s32 s2, s0;
	[tilespmem:s12+$0x70] =	vst v0  }
0xe8: {  	[hbm4b:s0+s3] =	stream.linear.scatter [tilespmem:s23], [sflag:$0x6], $0x2000, $0x38;
	[tilespmem:$0x18B00] =	vst v63  }
0xe9: {  	s6 =	simm.s32 @!p1 $0x80;
	s7 =	simm.s32 @!p1 $0x4B00;
	s0 =	sadd.s32 @!p1 $0x280, s20  }
0xea: {  	[tilespmem:s7], [sflag:$0x1] =	stream.indirect.gather @!p1 [hbm4b:s5+s6], $0x40, s0, s6, $0xb8;
	[tilespmem:$0x18B00] =	vst v63  }
0xeb: {  	_ =	swait.ge [sflag:s24], $0x2000  }
0xec: {  	[sflag:s24] =	ssyncset.done $0x0  }
0xed: {  	s0 =	simm.s32 @!p0 $0x7;
	[sflag:s24] =	ssyncadd.s32 $0xFFFFE000  }
0xee: {  	s6 =	sadd.s32 $0x1, s19;
	_ =	swait.ge @!p0 [sflag:s0], $0x2000  }
0xef: {  	s15 =	sshll.u32 s6, $0x7;
	[sflag:s0] =	ssyncset.done @!p0 $0x0  }
0xf0: {  	s16 =	sadd.s32 s4, s15;
	s15 =	simm.s32 $0x6C00;
	[sflag:s0] =	ssyncadd.s32 @!p0 $0xFFFFE000  }
0xf1: {  	s0 =	sshrl.u32 s16, $0x4;
	v0 =	vld [tilespmem:s15+$0x80]  }
0xf2: {  	s0 =	sand.u32 $0x7FFFFC0, s0;
	v4 =	vld [tilespmem:s15+$0xFFFFFF80]  }
0xf3: {  	v3 =	vld [tilespmem:s0+$0x1900];
	_ =	sdelay $0x2  }
0xf4: {  	v6 =	vld [tilespmem:s15+$0xFFFFFF00];
	v5 =	vmul.f32 $8.000000000e+00, v0  }
0xf5: {  	v7 =	vld [tilespmem:s15+$0x0];
	v4 =	vmul.f32 $8.000000000e+00, v4  }
0xf6: {  	v2 =	vld [tilespmem:s0+$0x1910];
	v5 =	vadd.f32 v5, v3  }
0xf7: {  	s7 =	simm.s32 $0x10C00;
	v1 =	vld [tilespmem:s0+$0x1920];
	v4 =	vadd.f32 v4, v3  }
0xf8: {  	v0 =	vld [tilespmem:s0+$0x1930];
	[tilespmem:s7+$0x80] =	vst v5  }
0xf9: {  	[tilespmem:s7+$0xFFFFFF80] =	vst v4;
	v4 =	vld [tilespmem:s15+$0x90]  }
0xfa: {  	v5 =	vld [tilespmem:s15+$0xFFFFFF90];
	_ =	sdelay $0x1  }
0xfb: {  	v6 =	vmul.f32 $8.000000000e+00, v6  }
0xfc: {  	v7 =	vmul.f32 $8.000000000e+00, v7  }
0xfd: {  	v6 =	vadd.f32 v6, v3;
	v4 =	vmul.f32 $8.000000000e+00, v4  }
0xfe: {  	v7 =	vadd.f32 v7, v3;
	v5 =	vmul.f32 $8.000000000e+00, v5  }
0xff: {  	[tilespmem:s7+$0xFFFFFF00] =	vst v6;
	v4 =	vadd.f32 v4, v2  }
0x100: {  	[tilespmem:s7+$0x0] =	vst v7;
	v6 =	vld [tilespmem:s15+$0xFFFFFF10];
	v5 =	vadd.f32 v5, v2  }
0x101: {  	v7 =	vld [tilespmem:s15+$0x10];
	[tilespmem:s7+$0x90] =	vst v4  }
0x102: {  	[tilespmem:s7+$0xFFFFFF90] =	vst v5;
	v4 =	vld [tilespmem:s15+$0xA0]  }
0x103: {  	v5 =	vld [tilespmem:s15+$0xFFFFFFA0];
	_ =	sdelay $0x1  }
0x104: {  	v6 =	vmul.f32 $8.000000000e+00, v6  }
0x105: {  	v7 =	vmul.f32 $8.000000000e+00, v7  }
0x106: {  	v6 =	vadd.f32 v6, v2;
	v4 =	vmul.f32 $8.000000000e+00, v4  }
0x107: {  	v7 =	vadd.f32 v7, v2;
	v5 =	vmul.f32 $8.000000000e+00, v5  }
0x108: {  	[tilespmem:s7+$0xFFFFFF10] =	vst v6;
	v4 =	vadd.f32 v4, v1  }
0x109: {  	[tilespmem:s7+$0x10] =	vst v7;
	v6 =	vld [tilespmem:s15+$0xFFFFFF20];
	v5 =	vadd.f32 v5, v1  }
0x10a: {  	v7 =	vld [tilespmem:s15+$0x20];
	[tilespmem:s7+$0xA0] =	vst v4  }
0x10b: {  	[tilespmem:s7+$0xFFFFFFA0] =	vst v5;
	v4 =	vld [tilespmem:s15+$0xB0]  }
0x10c: {  	s0 =	simm.s32 $0x6E00;
	v5 =	vld [tilespmem:s15+$0xFFFFFFB0]  }
0x10d: {  	v8 =	vld [tilespmem:s0+$0x80]  }
0x10e: {  	v9 =	vld [tilespmem:s0+$0xFFFFFF80];
	v6 =	vmul.f32 $8.000000000e+00, v6  }
0x10f: {  	v7 =	vmul.f32 $8.000000000e+00, v7  }
0x110: {  	v6 =	vadd.f32 v6, v1;
	v4 =	vmul.f32 $8.000000000e+00, v4  }
0x111: {  	v10 =	vld [tilespmem:s0+$0x0];
	v7 =	vadd.f32 v7, v1;
	v5 =	vmul.f32 $8.000000000e+00, v5  }
0x112: {  	v8 =	vmul.f32 $8.000000000e+00, v8;
	[tilespmem:s7+$0xFFFFFF20] =	vst v6;
	v6 =	vld [tilespmem:s0+$0xFFFFFF00];
	v4 =	vadd.f32 v4, v0  }
0x113: {  	v9 =	vmul.f32 $8.000000000e+00, v9;
	[tilespmem:s7+$0x20] =	vst v7;
	v7 =	vld [tilespmem:s15+$0xFFFFFF30];
	v5 =	vadd.f32 v5, v0  }
0x114: {  	v8 =	vadd.f32 v8, v3;
	v11 =	vld [tilespmem:s15+$0x30];
	[tilespmem:s7+$0xB0] =	vst v4  }
0x115: {  	s10 =	simm.s32 $0x10E00;
	v4 =	vadd.f32 v9, v3;
	[tilespmem:s7+$0xFFFFFFB0] =	vst v5;
	v5 =	vld [tilespmem:s15+$0xC0]  }
0x116: {  	[tilespmem:s10+$0x80] =	vst v8;
	v9 =	vmul.f32 $8.000000000e+00, v10;
	v8 =	vld [tilespmem:s15+$0xFFFFFFC0]  }
0x117: {  	v6 =	vmul.f32 $8.000000000e+00, v6;
	[tilespmem:s10+$0xFFFFFF80] =	vst v4;
	v4 =	vld [tilespmem:s0+$0x90]  }
0x118: {  	v7 =	vmul.f32 $8.000000000e+00, v7;
	v9 =	vadd.f32 v9, v3;
	v10 =	vld [tilespmem:s0+$0xFFFFFF90]  }
0x119: {  	v11 =	vmul.f32 $8.000000000e+00, v11;
	v6 =	vadd.f32 v6, v3  }
0x11a: {  	v7 =	vadd.f32 v7, v0;
	[tilespmem:s10+$0x0] =	vst v9;
	v5 =	vmul.f32 $8.000000000e+00, v5  }
0x11b: {  	[tilespmem:s10+$0xFFFFFF00] =	vst v6;
	v9 =	vadd.f32 v11, v0;
	v6 =	vld [tilespmem:s0+$0x10];
	v8 =	vmul.f32 $8.000000000e+00, v8  }
0x11c: {  	[tilespmem:s7+$0xFFFFFF30] =	vst v7;
	v11 =	vld [tilespmem:s0+$0xFFFFFF10];
	v4 =	vmul.f32 $8.000000000e+00, v4;
	v5 =	vadd.f32 v5, v3  }
0x11d: {  	v7 =	vld [tilespmem:s15+$0xFFFFFF40];
	[tilespmem:s7+$0x30] =	vst v9;
	v9 =	vmul.f32 $8.000000000e+00, v10;
	v8 =	vadd.f32 v8, v3  }
0x11e: {  	v10 =	vld [tilespmem:s15+$0x40];
	v4 =	vadd.f32 v4, v2;
	[tilespmem:s7+$0xC0] =	vst v5  }
0x11f: {  	v5 =	vadd.f32 v9, v2;
	[tilespmem:s7+$0xFFFFFFC0] =	vst v8;
	v8 =	vld [tilespmem:s15+$0xD0]  }
0x120: {  	v6 =	vmul.f32 $8.000000000e+00, v6;
	[tilespmem:s10+$0x90] =	vst v4;
	v4 =	vld [tilespmem:s15+$0xFFFFFFD0]  }
0x121: {  	v9 =	vmul.f32 $8.000000000e+00, v11;
	[tilespmem:s10+$0xFFFFFF90] =	vst v5;
	v5 =	vld [tilespmem:s0+$0xA0]  }
0x122: {  	v7 =	vmul.f32 $8.000000000e+00, v7;
	v6 =	vadd.f32 v6, v2;
	v11 =	vld [tilespmem:s0+$0xFFFFFFA0]  }
0x123: {  	v9 =	vadd.f32 v9, v2;
	v10 =	vmul.f32 $8.000000000e+00, v10  }
0x124: {  	[tilespmem:s10+$0x10] =	vst v6;
	v6 =	vadd.f32 v7, v3;
	v7 =	vmul.f32 $8.000000000e+00, v8  }
0x125: {  	[tilespmem:s10+$0xFFFFFF10] =	vst v9;
	v9 =	vadd.f32 v10, v3;
	v8 =	vld [tilespmem:s0+$0x20];
	v4 =	vmul.f32 $8.000000000e+00, v4  }
0x126: {  	v10 =	vld [tilespmem:s0+$0xFFFFFF20];
	[tilespmem:s7+$0xFFFFFF40] =	vst v6;
	v5 =	vmul.f32 $8.000000000e+00, v5;
	v6 =	vadd.f32 v7, v2  }
0x127: {  	[tilespmem:s7+$0x40] =	vst v9;
	v7 =	vld [tilespmem:s15+$0xFFFFFF50];
	v9 =	vmul.f32 $8.000000000e+00, v11;
	v4 =	vadd.f32 v4, v2  }
0x128: {  	v11 =	vld [tilespmem:s15+$0x50];
	v5 =	vadd.f32 v5, v1;
	[tilespmem:s7+$0xD0] =	vst v6  }
0x129: {  	v6 =	vadd.f32 v9, v1;
	[tilespmem:s7+$0xFFFFFFD0] =	vst v4;
	v4 =	vld [tilespmem:s15+$0xE0]  }
0x12a: {  	v8 =	vmul.f32 $8.000000000e+00, v8;
	[tilespmem:s10+$0xA0] =	vst v5;
	v5 =	vld [tilespmem:s15+$0xFFFFFFE0]  }
0x12b: {  	v9 =	vmul.f32 $8.000000000e+00, v10;
	[tilespmem:s10+$0xFFFFFFA0] =	vst v6;
	v6 =	vld [tilespmem:s0+$0xB0]  }
0x12c: {  	s12 =	simm.s32 $0x7000;
	v8 =	vadd.f32 v8, v1;
	v7 =	vmul.f32 $8.000000000e+00, v7;
	v10 =	vld [tilespmem:s0+$0xFFFFFFB0]  }
0x12d: {  	v12 =	vld [tilespmem:s12+$0x80];
	v9 =	vadd.f32 v9, v1;
	v11 =	vmul.f32 $8.000000000e+00, v11  }
0x12e: {  	[tilespmem:s10+$0x20] =	vst v8;
	v7 =	vadd.f32 v7, v2;
	v8 =	vld [tilespmem:s12+$0xFFFFFF80];
	v4 =	vmul.f32 $8.000000000e+00, v4  }
0x12f: {  	[tilespmem:s10+$0xFFFFFF20] =	vst v9;
	v9 =	vadd.f32 v11, v2;
	v11 =	vld [tilespmem:s12+$0x0];
	v5 =	vmul.f32 $8.000000000e+00, v5  }
0x130: {  	[tilespmem:s7+$0xFFFFFF50] =	vst v7;
	v7 =	vld [tilespmem:s12+$0xFFFFFF00];
	v6 =	vmul.f32 $8.000000000e+00, v6;
	v4 =	vadd.f32 v4, v1  }
0x131: {  	[tilespmem:s7+$0x50] =	vst v9;
	v9 =	vld [tilespmem:s0+$0xFFFFFF30];
	v10 =	vmul.f32 $8.000000000e+00, v10;
	v5 =	vadd.f32 v5, v1  }
0x132: {  	v12 =	vmul.f32 $8.000000000e+00, v12;
	v13 =	vld [tilespmem:s0+$0x30];
	v6 =	vadd.f32 v6, v0;
	[tilespmem:s7+$0xE0] =	vst v4  }
0x133: {  	v4 =	vmul.f32 $8.000000000e+00, v8;
	v8 =	vadd.f32 v10, v0;
	[tilespmem:s7+$0xFFFFFFE0] =	vst v5;
	v5 =	vld [tilespmem:s15+$0xF0]  }
0x134: {  	v10 =	vmul.f32 $8.000000000e+00, v11;
	v11 =	vadd.f32 v12, v3;
	[tilespmem:s10+$0xB0] =	vst v6;
	v6 =	vld [tilespmem:s15+$0xFFFFFF60]  }
0x135: {  	s14 =	simm.s32 $0x11000;
	v7 =	vmul.f32 $8.000000000e+00, v7;
	v4 =	vadd.f32 v4, v3;
	[tilespmem:s10+$0xFFFFFFB0] =	vst v8;
	v8 =	vld [tilespmem:s0+$0xC0]  }
0x136: {  	v10 =	vadd.f32 v10, v3;
	[tilespmem:s14+$0x80] =	vst v11;
	v9 =	vmul.f32 $8.000000000e+00, v9;
	v11 =	vld [tilespmem:s0+$0xFFFFFFC0]  }
0x137: {  	v12 =	vmul.f32 $8.000000000e+00, v13;
	v7 =	vadd.f32 v7, v3;
	[tilespmem:s14+$0xFFFFFF80] =	vst v4;
	v4 =	vld [tilespmem:s12+$0x90]  }
0x138: {  	[tilespmem:s14+$0x0] =	vst v10;
	v9 =	vadd.f32 v9, v0;
	v13 =	vld [tilespmem:s12+$0xFFFFFF90];
	v5 =	vmul.f32 $8.000000000e+00, v5  }
0x139: {  	v10 =	vadd.f32 v12, v0;
	[tilespmem:s14+$0xFFFFFF00] =	vst v7;
	v7 =	vld [tilespmem:s12+$0x10];
	v6 =	vmul.f32 $8.000000000e+00, v6  }
0x13a: {  	[tilespmem:s10+$0xFFFFFF30] =	vst v9;
	v12 =	vld [tilespmem:s12+$0xFFFFFF10];
	v8 =	vmul.f32 $8.000000000e+00, v8;
	v5 =	vadd.f32 v5, v0  }
0x13b: {  	[tilespmem:s10+$0x30] =	vst v10;
	v9 =	vld [tilespmem:s0+$0xFFFFFF40];
	v11 =	vmul.f32 $8.000000000e+00, v11;
	v6 =	vadd.f32 v6, v1  }
0x13c: {  	v10 =	vld [tilespmem:s0+$0x40];
	v4 =	vmul.f32 $8.000000000e+00, v4;
	v8 =	vadd.f32 v8, v3;
	[tilespmem:s7+$0xF0] =	vst v5  }
0x13d: {  	v5 =	vmul.f32 $8.000000000e+00, v13;
	v11 =	vadd.f32 v11, v3;
	[tilespmem:s7+$0xFFFFFF60] =	vst v6;
	v6 =	vld [tilespmem:s15+$0x60]  }
0x13e: {  	v7 =	vmul.f32 $8.000000000e+00, v7;
	v4 =	vadd.f32 v4, v2;
	[tilespmem:s10+$0xC0] =	vst v8;
	v8 =	vld [tilespmem:s15+$0xFFFFFF70]  }
0x13f: {  	v12 =	vmul.f32 $8.000000000e+00, v12;
	v5 =	vadd.f32 v5, v2;
	[tilespmem:s10+$0xFFFFFFC0] =	vst v11;
	v11 =	vld [tilespmem:s0+$0xD0]  }
0x140: {  	v7 =	vadd.f32 v7, v2;
	[tilespmem:s14+$0x90] =	vst v4;
	v4 =	vmul.f32 $8.000000000e+00, v9;
	v9 =	vld [tilespmem:s0+$0xFFFFFFD0]  }
0x141: {  	v10 =	vmul.f32 $8.000000000e+00, v10;
	v12 =	vadd.f32 v12, v2;
	[tilespmem:s14+$0xFFFFFF90] =	vst v5;
	v5 =	vld [tilespmem:s12+$0xA0]  }
0x142: {  	v13 =	vld [tilespmem:s12+$0xFFFFFFA0];
	[tilespmem:s14+$0x10] =	vst v7;
	v4 =	vadd.f32 v4, v3;
	v6 =	vmul.f32 $8.000000000e+00, v6  }
0x143: {  	v10 =	vadd.f32 v10, v3;
	[tilespmem:s14+$0xFFFFFF10] =	vst v12;
	v7 =	vld [tilespmem:s12+$0x20];
	v8 =	vmul.f32 $8.000000000e+00, v8  }
0x144: {  	v12 =	vld [tilespmem:s12+$0xFFFFFF20];
	[tilespmem:s10+$0xFFFFFF40] =	vst v4;
	v4 =	vmul.f32 $8.000000000e+00, v11;
	v6 =	vadd.f32 v6, v1  }
0x145: {  	[tilespmem:s10+$0x40] =	vst v10;
	v11 =	vld [tilespmem:s0+$0xFFFFFF50];
	v9 =	vmul.f32 $8.000000000e+00, v9;
	v8 =	vadd.f32 v8, v0  }
0x146: {  	v10 =	vld [tilespmem:s0+$0x50];
	v5 =	vmul.f32 $8.000000000e+00, v5;
	v4 =	vadd.f32 v4, v2;
	[tilespmem:s7+$0x60] =	vst v6  }
0x147: {  	v6 =	vmul.f32 $8.000000000e+00, v13;
	v9 =	vadd.f32 v9, v2;
	[tilespmem:s7+$0xFFFFFF70] =	vst v8;
	v13 =	vld [tilespmem:s15+$0xFFFFFFF0]  }
0x148: {  	v8 =	vmul.f32 $8.000000000e+00, v7;
	v5 =	vadd.f32 v5, v1;
	[tilespmem:s10+$0xD0] =	vst v4;
	v4 =	vld [tilespmem:s15+$0x70]  }
0x149: {  	v12 =	vmul.f32 $8.000000000e+00, v12;
	v14 =	vadd.f32 v6, v1;
	[tilespmem:s10+$0xFFFFFFD0] =	vst v9;
	v7 =	vld [tilespmem:s0+$0xE0]  }
0x14a: {  	v9 =	vadd.f32 v8, v1;
	[tilespmem:s14+$0xA0] =	vst v5;
	v5 =	vmul.f32 $8.000000000e+00, v11;
	v6 =	vld [tilespmem:s0+$0xFFFFFFE0]  }
0x14b: {  	v8 =	vmul.f32 $8.000000000e+00, v10;
	v12 =	vadd.f32 v12, v1;
	[tilespmem:s14+$0xFFFFFFA0] =	vst v14;
	v11 =	vld [tilespmem:s12+$0xB0]  }
0x14c: {  	s16 =	simm.s32 $0x7200;
	s15 =	simm.s32 $0x8;
	v10 =	vld [tilespmem:s12+$0xFFFFFFB0];
	[tilespmem:s14+$0x20] =	vst v9;
	v9 =	vadd.f32 v5, v2;
	v5 =	vmul.f32 $8.000000000e+00, v13  }
.LBB2_5:
0x14d: {  	v13 =	vld [tilespmem:s16+$0x80];
	s15 =	sadd.s32 $0x4, s15;
	[tilespmem:s14+$0xFFFFFF20] =	vst v12;
	v8 =	vadd.f32 v8, v2;
	v4 =	vmul.f32 $8.000000000e+00, v4  }
0x14e: {  	v12 =	vld [tilespmem:s16+$0xFFFFFF80];
	p2 =	slt.u32 s15, $0x3C;
	[tilespmem:s10+$0xFFFFFF50] =	vst v9;
	v7 =	vmul.f32 $8.000000000e+00, v7;
	v5 =	vadd.f32 v5, v0  }
0x14f: {  	v9 =	vld [tilespmem:s16+$0x0];
	v6 =	vmul.f32 $8.000000000e+00, v6;
	[tilespmem:s10+$0x50] =	vst v8;
	v4 =	vadd.f32 v4, v0  }
0x150: {  	v8 =	vld [tilespmem:s16+$0xFFFFFF00];
	v11 =	vmul.f32 $8.000000000e+00, v11;
	v7 =	vadd.f32 v7, v1;
	[tilespmem:s7+$0xFFFFFFF0] =	vst v5  }
0x151: {  	v5 =	vld [tilespmem:s12+$0xFFFFFF30];
	v10 =	vmul.f32 $8.000000000e+00, v10;
	v6 =	vadd.f32 v6, v1;
	[tilespmem:s7+$0x70] =	vst v4;
	s7 =	smov.u32 s10;
	s10 =	smov.u32 s14  }
0x152: {  	v4 =	vmul.f32 $8.000000000e+00, v13;
	v13 =	vld [tilespmem:s12+$0x30];
	v11 =	vadd.f32 v11, v0;
	[tilespmem:s7+$0xE0] =	vst v7  }
0x153: {  	v7 =	vmul.f32 $8.000000000e+00, v12;
	v10 =	vadd.f32 v10, v0;
	[tilespmem:s7+$0xFFFFFFE0] =	vst v6;
	v6 =	vld [tilespmem:s0+$0xF0]  }
0x154: {  	v9 =	vmul.f32 $8.000000000e+00, v9;
	v4 =	vadd.f32 v4, v3;
	[tilespmem:s14+$0xB0] =	vst v11;
	v11 =	vld [tilespmem:s0+$0xFFFFFF60]  }
0x155: {  	s14 =	sadd.s32 $0x200, s14;
	v8 =	vmul.f32 $8.000000000e+00, v8;
	v7 =	vadd.f32 v7, v3;
	[tilespmem:s10+$0xFFFFFFB0] =	vst v10;
	v10 =	vld [tilespmem:s12+$0xC0]  }
0x156: {  	v9 =	vadd.f32 v9, v3;
	[tilespmem:s14+$0x80] =	vst v4;
	v4 =	vmul.f32 $8.000000000e+00, v5;
	v5 =	vld [tilespmem:s12+$0xFFFFFFC0]  }
0x157: {  	v8 =	vadd.f32 v8, v3;
	[tilespmem:s14+$0xFFFFFF80] =	vst v7;
	v7 =	vld [tilespmem:s16+$0x90];
	v12 =	vmul.f32 $8.000000000e+00, v13  }
0x158: {  	v13 =	vld [tilespmem:s16+$0xFFFFFF90];
	[tilespmem:s14+$0x0] =	vst v9;
	v4 =	vadd.f32 v4, v0;
	v6 =	vmul.f32 $8.000000000e+00, v6  }
0x159: {  	[tilespmem:s14+$0xFFFFFF00] =	vst v8;
	v8 =	vld [tilespmem:s16+$0x10];
	v9 =	vadd.f32 v12, v0;
	v11 =	vmul.f32 $8.000000000e+00, v11  }
0x15a: {  	v12 =	vld [tilespmem:s16+$0xFFFFFF10];
	[tilespmem:s10+$0xFFFFFF30] =	vst v4;
	v4 =	vmul.f32 $8.000000000e+00, v10;
	v6 =	vadd.f32 v6, v0  }
0x15b: {  	v10 =	vld [tilespmem:s12+$0xFFFFFF40];
	v5 =	vmul.f32 $8.000000000e+00, v5;
	[tilespmem:s10+$0x30] =	vst v9;
	v9 =	vadd.f32 v11, v1  }
0x15c: {  	v7 =	vmul.f32 $8.000000000e+00, v7;
	v11 =	vld [tilespmem:s12+$0x40];
	v4 =	vadd.f32 v4, v3;
	[tilespmem:s7+$0xF0] =	vst v6  }
0x15d: {  	v6 =	vmul.f32 $8.000000000e+00, v13;
	v5 =	vadd.f32 v5, v3;
	[tilespmem:s7+$0xFFFFFF60] =	vst v9;
	v9 =	vld [tilespmem:s0+$0x60]  }
0x15e: {  	v8 =	vmul.f32 $8.000000000e+00, v8;
	v7 =	vadd.f32 v7, v2;
	[tilespmem:s10+$0xC0] =	vst v4;
	v4 =	vld [tilespmem:s0+$0xFFFFFF70]  }
0x15f: {  	v12 =	vmul.f32 $8.000000000e+00, v12;
	v6 =	vadd.f32 v6, v2;
	[tilespmem:s10+$0xFFFFFFC0] =	vst v5;
	v5 =	vld [tilespmem:s12+$0xD0]  }
0x160: {  	v8 =	vadd.f32 v8, v2;
	[tilespmem:s14+$0x90] =	vst v7;
	v7 =	vmul.f32 $8.000000000e+00, v10;
	v10 =	vld [tilespmem:s12+$0xFFFFFFD0]  }
0x161: {  	v12 =	vadd.f32 v12, v2;
	[tilespmem:s14+$0xFFFFFF90] =	vst v6;
	v6 =	vld [tilespmem:s16+$0xA0];
	v11 =	vmul.f32 $8.000000000e+00, v11  }
0x162: {  	v13 =	vld [tilespmem:s16+$0xFFFFFFA0];
	[tilespmem:s14+$0x10] =	vst v8;
	v7 =	vadd.f32 v7, v3;
	v8 =	vmul.f32 $8.000000000e+00, v9  }
0x163: {  	[tilespmem:s14+$0xFFFFFF10] =	vst v12;
	v9 =	vld [tilespmem:s16+$0x20];
	v11 =	vadd.f32 v11, v3;
	v4 =	vmul.f32 $8.000000000e+00, v4  }
0x164: {  	v12 =	vld [tilespmem:s16+$0xFFFFFF20];
	[tilespmem:s10+$0xFFFFFF40] =	vst v7;
	v5 =	vmul.f32 $8.000000000e+00, v5;
	v7 =	vadd.f32 v8, v1  }
0x165: {  	v8 =	vld [tilespmem:s12+$0xFFFFFF50];
	v10 =	vmul.f32 $8.000000000e+00, v10;
	[tilespmem:s10+$0x40] =	vst v11;
	v4 =	vadd.f32 v4, v0  }
0x166: {  	v6 =	vmul.f32 $8.000000000e+00, v6;
	v14 =	vld [tilespmem:s12+$0x50];
	v5 =	vadd.f32 v5, v2;
	[tilespmem:s7+$0x60] =	vst v7  }
0x167: {  	v7 =	vmul.f32 $8.000000000e+00, v13;
	v10 =	vadd.f32 v10, v2;
	[tilespmem:s7+$0xFFFFFF70] =	vst v4;
	v13 =	vld [tilespmem:s0+$0xFFFFFFF0]  }
.Ltmp3:
0x168: {  	v9 =	vmul.f32 $8.000000000e+00, v9;
	v6 =	vadd.f32 v6, v1;
	[tilespmem:s10+$0xD0] =	vst v5;
	v4 =	vld [tilespmem:s0+$0x70];
	s0 =	smov.u32 s12;
	s12 =	smov.u32 s16;
	(pc) =	sbr.rel @p2 .LBB2_5-.Ltmp3, $4  }
0x169: {  	v5 =	vmul.f32 $8.000000000e+00, v12;
	v11 =	vadd.f32 v7, v1;
	[tilespmem:s10+$0xFFFFFFD0] =	vst v10;
	v7 =	vld [tilespmem:s0+$0xE0]  }
0x16a: {  	v9 =	vadd.f32 v9, v1;
	[tilespmem:s14+$0xA0] =	vst v6;
	v15 =	vmul.f32 $8.000000000e+00, v8;
	v6 =	vld [tilespmem:s0+$0xFFFFFFE0]  }
0x16b: {  	v12 =	vadd.f32 v5, v1;
	[tilespmem:s14+$0xFFFFFFA0] =	vst v11;
	v11 =	vld [tilespmem:s16+$0xB0];
	v8 =	vmul.f32 $8.000000000e+00, v14  }
0x16c: {  	s16 =	sadd.s32 $0x200, s16;
	v10 =	vld [tilespmem:s12+$0xFFFFFFB0];
	[tilespmem:s14+$0x20] =	vst v9;
	v9 =	vadd.f32 v15, v2;
	v5 =	vmul.f32 $8.000000000e+00, v13  }
0x16d: {  	[tilespmem:s14+$0xFFFFFF20] =	vst v12  }
0x16e: {  	v12 =	vld [tilespmem:s12+$0xFFFFFF30];
	_ =	sdelay $0x1  }
0x16f: {  	v13 =	vld [tilespmem:s12+$0x30];
	_ =	sdelay $0x1  }
0x170: {  	v11 =	vmul.f32 $8.000000000e+00, v11  }
0x171: {  	v12 =	vmul.f32 $8.000000000e+00, v12  }
0x172: {  	v10 =	vmul.f32 $8.000000000e+00, v10;
	v11 =	vadd.f32 v11, v0  }
0x173: {  	v13 =	vmul.f32 $8.000000000e+00, v13;
	v12 =	vadd.f32 v12, v0  }
0x174: {  	v10 =	vadd.f32 v10, v0;
	[tilespmem:s14+$0xB0] =	vst v11  }
0x175: {  	v13 =	vadd.f32 v13, v0;
	v11 =	vld [tilespmem:s12+$0xC0];
	[tilespmem:s14+$0xFFFFFF30] =	vst v12  }
0x176: {  	[tilespmem:s14+$0xFFFFFFB0] =	vst v10;
	v10 =	vld [tilespmem:s12+$0xFFFFFF40]  }
0x177: {  	[tilespmem:s14+$0x30] =	vst v13;
	v12 =	vld [tilespmem:s12+$0xFFFFFFC0]  }
0x178: {  	v13 =	vld [tilespmem:s12+$0x40];
	_ =	sdelay $0x1  }
0x179: {  	v11 =	vmul.f32 $8.000000000e+00, v11  }
0x17a: {  	v10 =	vmul.f32 $8.000000000e+00, v10  }
0x17b: {  	v12 =	vmul.f32 $8.000000000e+00, v12;
	v11 =	vadd.f32 v11, v3  }
0x17c: {  	v13 =	vmul.f32 $8.000000000e+00, v13;
	v10 =	vadd.f32 v10, v3  }
0x17d: {  	v12 =	vadd.f32 v12, v3;
	[tilespmem:s14+$0xC0] =	vst v11  }
0x17e: {  	v11 =	vld [tilespmem:s12+$0xD0];
	v3 =	vadd.f32 v13, v3;
	[tilespmem:s14+$0xFFFFFF40] =	vst v10  }
0x17f: {  	[tilespmem:s14+$0xFFFFFFC0] =	vst v12;
	v10 =	vld [tilespmem:s12+$0xFFFFFF50]  }
0x180: {  	v12 =	vld [tilespmem:s12+$0xFFFFFFD0];
	[tilespmem:s14+$0x40] =	vst v3  }
0x181: {  	v3 =	vld [tilespmem:s12+$0x50];
	_ =	sdelay $0x1  }
0x182: {  	v11 =	vmul.f32 $8.000000000e+00, v11  }
0x183: {  	v8 =	vadd.f32 v8, v2;
	[tilespmem:s10+$0xFFFFFF50] =	vst v9;
	v9 =	vmul.f32 $8.000000000e+00, v10  }
0x184: {  	v12 =	vmul.f32 $8.000000000e+00, v12;
	v11 =	vadd.f32 v11, v2;
	v10 =	vld [tilespmem:s0+$0xFFFFFF60]  }
0x185: {  	[tilespmem:s10+$0x50] =	vst v8;
	v3 =	vmul.f32 $8.000000000e+00, v3;
	v8 =	vadd.f32 v9, v2  }
0x186: {  	v12 =	vadd.f32 v12, v2;
	[tilespmem:s14+$0xD0] =	vst v11;
	v9 =	vld [tilespmem:s0+$0x60]  }
0x187: {  	v11 =	vld [tilespmem:s12+$0xE0];
	v2 =	vadd.f32 v3, v2;
	[tilespmem:s14+$0xFFFFFF50] =	vst v8  }
0x188: {  	v3 =	vmul.f32 $8.000000000e+00, v7;
	[tilespmem:s14+$0xFFFFFFD0] =	vst v12;
	v7 =	vld [tilespmem:s12+$0xFFFFFF60]  }
0x189: {  	[tilespmem:s14+$0x50] =	vst v2;
	v8 =	vmul.f32 $8.000000000e+00, v10;
	v10 =	vld [tilespmem:s12+$0xFFFFFFE0]  }
0x18a: {  	v2 =	vmul.f32 $8.000000000e+00, v6;
	v3 =	vadd.f32 v3, v1;
	v6 =	vld [tilespmem:s12+$0x60]  }
0x18b: {  	v8 =	vadd.f32 v8, v1;
	v9 =	vmul.f32 $8.000000000e+00, v9  }
0x18c: {  	v2 =	vadd.f32 v2, v1;
	[tilespmem:s10+$0xE0] =	vst v3;
	v3 =	vmul.f32 $8.000000000e+00, v11  }
0x18d: {  	v11 =	vld [tilespmem:s0+$0xF0];
	[tilespmem:s10+$0xFFFFFF60] =	vst v8;
	v8 =	vadd.f32 v9, v1;
	v7 =	vmul.f32 $8.000000000e+00, v7  }
0x18e: {  	[tilespmem:s10+$0xFFFFFFE0] =	vst v2;
	v3 =	vadd.f32 v3, v1;
	v2 =	vld [tilespmem:s0+$0xFFFFFF70];
	v9 =	vmul.f32 $8.000000000e+00, v10  }
0x18f: {  	v6 =	vmul.f32 $8.000000000e+00, v6;
	[tilespmem:s10+$0x60] =	vst v8;
	v8 =	vld [tilespmem:s0+$0xFFFFFFF0];
	v7 =	vadd.f32 v7, v1  }
0x190: {  	[tilespmem:s14+$0xE0] =	vst v3;
	v10 =	vld [tilespmem:s0+$0x70];
	v9 =	vadd.f32 v9, v1  }
0x191: {  	v3 =	vmul.f32 $8.000000000e+00, v4;
	v4 =	vld [tilespmem:s12+$0xF0];
	v1 =	vadd.f32 v6, v1;
	[tilespmem:s14+$0xFFFFFF60] =	vst v7  }
0x192: {  	v5 =	vadd.f32 v5, v0;
	v6 =	vmul.f32 $8.000000000e+00, v11;
	[tilespmem:s14+$0xFFFFFFE0] =	vst v9;
	v7 =	vld [tilespmem:s12+$0xFFFFFF70]  }
0x193: {  	v3 =	vadd.f32 v3, v0;
	[tilespmem:s14+$0x60] =	vst v1;
	v2 =	vmul.f32 $8.000000000e+00, v2;
	v1 =	vld [tilespmem:s12+$0xFFFFFFF0]  }
0x194: {  	[tilespmem:s7+$0xFFFFFFF0] =	vst v5;
	v5 =	vadd.f32 v6, v0;
	v6 =	vmul.f32 $8.000000000e+00, v8;
	v8 =	vld [tilespmem:s12+$0x70]  }
0x195: {  	[tilespmem:s7+$0x70] =	vst v3;
	v2 =	vadd.f32 v2, v0;
	v3 =	vmul.f32 $8.000000000e+00, v10  }
0x196: {  	[tilespmem:s10+$0xF0] =	vst v5;
	v4 =	vmul.f32 $8.000000000e+00, v4;
	v5 =	vadd.f32 v6, v0  }
0x197: {  	[tilespmem:s10+$0xFFFFFF70] =	vst v2;
	v2 =	vadd.f32 v3, v0;
	v3 =	vmul.f32 $8.000000000e+00, v7  }
0x198: {  	v4 =	vadd.f32 v4, v0;
	[tilespmem:s10+$0xFFFFFFF0] =	vst v5;
	v1 =	vmul.f32 $8.000000000e+00, v1  }
0x199: {  	[tilespmem:s10+$0x70] =	vst v2;
	v2 =	vadd.f32 v3, v0;
	v3 =	vmul.f32 $8.000000000e+00, v8  }
0x19a: {  	s12 =	sshll.u32 s6, $0xD;
	[tilespmem:s14+$0xF0] =	vst v4;
	v1 =	vadd.f32 v1, v0  }
0x19b: {  	s0 =	sadd.s32 s9, s12;
	[tilespmem:s14+$0xFFFFFF70] =	vst v2;
	v0 =	vadd.f32 v3, v0  }
0x19c: {  	s0 =	sshrl.u32 s0, $0x3;
	[tilespmem:s14+$0xFFFFFFF0] =	vst v1  }
0x19d: {  	s0 =	sadd.s32 s2, s0;
	[tilespmem:s14+$0x70] =	vst v0  }
0x19e: {  	[hbm4b:s0+s3] =	stream.linear.scatter [tilespmem:s25], [sflag:$0x7], $0x2000, $0x38;
	[tilespmem:$0x18B00] =	vst v63  }
0x19f: {  	s7 =	simm.s32 @!p1 $0x6B00;
	s6 =	simm.s32 @!p1 $0x80;
	s0 =	sadd.s32 @!p1 $0x300, s20  }
0x1a0: {  	[tilespmem:s7], [sflag:$0x2] =	stream.indirect.gather @!p1 [hbm4b:s5+s6], $0x40, s0, s6, $0xb8;
	[tilespmem:$0x18B00] =	vst v63  }
0x1a1: {  	_ =	swait.ge [sflag:s26], $0x2000  }
0x1a2: {  	[sflag:s26] =	ssyncset.done $0x0  }
0x1a3: {  	s0 =	simm.s32 @!p0 $0x8;
	[sflag:s26] =	ssyncadd.s32 $0xFFFFE000  }
0x1a4: {  	s6 =	sadd.s32 $0x2, s19;
	_ =	swait.ge @!p0 [sflag:s0], $0x2000  }
0x1a5: {  	s15 =	sshll.u32 s6, $0x7;
	[sflag:s0] =	ssyncset.done @!p0 $0x0  }
0x1a6: {  	s16 =	sadd.s32 s4, s15;
	s15 =	simm.s32 $0x8C00;
	[sflag:s0] =	ssyncadd.s32 @!p0 $0xFFFFE000  }
0x1a7: {  	s0 =	sshrl.u32 s16, $0x4;
	v0 =	vld [tilespmem:s15+$0x80]  }
0x1a8: {  	s0 =	sand.u32 $0x7FFFFC0, s0;
	v4 =	vld [tilespmem:s15+$0xFFFFFF80]  }
0x1a9: {  	v3 =	vld [tilespmem:s0+$0x1900];
	_ =	sdelay $0x2  }
0x1aa: {  	v6 =	vld [tilespmem:s15+$0xFFFFFF00];
	v5 =	vmul.f32 $8.000000000e+00, v0  }
0x1ab: {  	v7 =	vld [tilespmem:s15+$0x0];
	v4 =	vmul.f32 $8.000000000e+00, v4  }
0x1ac: {  	v2 =	vld [tilespmem:s0+$0x1910];
	v5 =	vadd.f32 v5, v3  }
0x1ad: {  	s7 =	simm.s32 $0x12C00;
	v1 =	vld [tilespmem:s0+$0x1920];
	v4 =	vadd.f32 v4, v3  }
0x1ae: {  	v0 =	vld [tilespmem:s0+$0x1930];
	[tilespmem:s7+$0x80] =	vst v5  }
0x1af: {  	[tilespmem:s7+$0xFFFFFF80] =	vst v4;
	v4 =	vld [tilespmem:s15+$0x90]  }
0x1b0: {  	v5 =	vld [tilespmem:s15+$0xFFFFFF90];
	_ =	sdelay $0x1  }
0x1b1: {  	v6 =	vmul.f32 $8.000000000e+00, v6  }
0x1b2: {  	v7 =	vmul.f32 $8.000000000e+00, v7  }
0x1b3: {  	v6 =	vadd.f32 v6, v3;
	v4 =	vmul.f32 $8.000000000e+00, v4  }
0x1b4: {  	v7 =	vadd.f32 v7, v3;
	v5 =	vmul.f32 $8.000000000e+00, v5  }
0x1b5: {  	[tilespmem:s7+$0xFFFFFF00] =	vst v6;
	v4 =	vadd.f32 v4, v2  }
0x1b6: {  	[tilespmem:s7+$0x0] =	vst v7;
	v6 =	vld [tilespmem:s15+$0xFFFFFF10];
	v5 =	vadd.f32 v5, v2  }
0x1b7: {  	v7 =	vld [tilespmem:s15+$0x10];
	[tilespmem:s7+$0x90] =	vst v4  }
0x1b8: {  	[tilespmem:s7+$0xFFFFFF90] =	vst v5;
	v4 =	vld [tilespmem:s15+$0xA0]  }
0x1b9: {  	v5 =	vld [tilespmem:s15+$0xFFFFFFA0];
	_ =	sdelay $0x1  }
0x1ba: {  	v6 =	vmul.f32 $8.000000000e+00, v6  }
0x1bb: {  	v7 =	vmul.f32 $8.000000000e+00, v7  }
0x1bc: {  	v6 =	vadd.f32 v6, v2;
	v4 =	vmul.f32 $8.000000000e+00, v4  }
0x1bd: {  	v7 =	vadd.f32 v7, v2;
	v5 =	vmul.f32 $8.000000000e+00, v5  }
0x1be: {  	[tilespmem:s7+$0xFFFFFF10] =	vst v6;
	v4 =	vadd.f32 v4, v1  }
0x1bf: {  	[tilespmem:s7+$0x10] =	vst v7;
	v6 =	vld [tilespmem:s15+$0xFFFFFF20];
	v5 =	vadd.f32 v5, v1  }
0x1c0: {  	v7 =	vld [tilespmem:s15+$0x20];
	[tilespmem:s7+$0xA0] =	vst v4  }
0x1c1: {  	[tilespmem:s7+$0xFFFFFFA0] =	vst v5;
	v4 =	vld [tilespmem:s15+$0xB0]  }
0x1c2: {  	s0 =	simm.s32 $0x8E00;
	v5 =	vld [tilespmem:s15+$0xFFFFFFB0]  }
0x1c3: {  	v8 =	vld [tilespmem:s0+$0x80]  }
0x1c4: {  	v9 =	vld [tilespmem:s0+$0xFFFFFF80];
	v6 =	vmul.f32 $8.000000000e+00, v6  }
0x1c5: {  	v7 =	vmul.f32 $8.000000000e+00, v7  }
0x1c6: {  	v6 =	vadd.f32 v6, v1;
	v4 =	vmul.f32 $8.000000000e+00, v4  }
0x1c7: {  	v10 =	vld [tilespmem:s0+$0x0];
	v7 =	vadd.f32 v7, v1;
	v5 =	vmul.f32 $8.000000000e+00, v5  }
0x1c8: {  	v8 =	vmul.f32 $8.000000000e+00, v8;
	[tilespmem:s7+$0xFFFFFF20] =	vst v6;
	v6 =	vld [tilespmem:s0+$0xFFFFFF00];
	v4 =	vadd.f32 v4, v0  }
0x1c9: {  	v9 =	vmul.f32 $8.000000000e+00, v9;
	[tilespmem:s7+$0x20] =	vst v7;
	v7 =	vld [tilespmem:s15+$0xFFFFFF30];
	v5 =	vadd.f32 v5, v0  }
0x1ca: {  	v8 =	vadd.f32 v8, v3;
	v11 =	vld [tilespmem:s15+$0x30];
	[tilespmem:s7+$0xB0] =	vst v4  }
0x1cb: {  	s10 =	simm.s32 $0x12E00;
	v4 =	vadd.f32 v9, v3;
	[tilespmem:s7+$0xFFFFFFB0] =	vst v5;
	v5 =	vld [tilespmem:s15+$0xC0]  }
0x1cc: {  	[tilespmem:s10+$0x80] =	vst v8;
	v9 =	vmul.f32 $8.000000000e+00, v10;
	v8 =	vld [tilespmem:s15+$0xFFFFFFC0]  }
0x1cd: {  	v6 =	vmul.f32 $8.000000000e+00, v6;
	[tilespmem:s10+$0xFFFFFF80] =	vst v4;
	v4 =	vld [tilespmem:s0+$0x90]  }
0x1ce: {  	v7 =	vmul.f32 $8.000000000e+00, v7;
	v9 =	vadd.f32 v9, v3;
	v10 =	vld [tilespmem:s0+$0xFFFFFF90]  }
0x1cf: {  	v11 =	vmul.f32 $8.000000000e+00, v11;
	v6 =	vadd.f32 v6, v3  }
0x1d0: {  	v7 =	vadd.f32 v7, v0;
	[tilespmem:s10+$0x0] =	vst v9;
	v5 =	vmul.f32 $8.000000000e+00, v5  }
0x1d1: {  	[tilespmem:s10+$0xFFFFFF00] =	vst v6;
	v9 =	vadd.f32 v11, v0;
	v6 =	vld [tilespmem:s0+$0x10];
	v8 =	vmul.f32 $8.000000000e+00, v8  }
0x1d2: {  	[tilespmem:s7+$0xFFFFFF30] =	vst v7;
	v11 =	vld [tilespmem:s0+$0xFFFFFF10];
	v4 =	vmul.f32 $8.000000000e+00, v4;
	v5 =	vadd.f32 v5, v3  }
0x1d3: {  	v7 =	vld [tilespmem:s15+$0xFFFFFF40];
	[tilespmem:s7+$0x30] =	vst v9;
	v9 =	vmul.f32 $8.000000000e+00, v10;
	v8 =	vadd.f32 v8, v3  }
0x1d4: {  	v10 =	vld [tilespmem:s15+$0x40];
	v4 =	vadd.f32 v4, v2;
	[tilespmem:s7+$0xC0] =	vst v5  }
0x1d5: {  	v5 =	vadd.f32 v9, v2;
	[tilespmem:s7+$0xFFFFFFC0] =	vst v8;
	v8 =	vld [tilespmem:s15+$0xD0]  }
0x1d6: {  	v6 =	vmul.f32 $8.000000000e+00, v6;
	[tilespmem:s10+$0x90] =	vst v4;
	v4 =	vld [tilespmem:s15+$0xFFFFFFD0]  }
0x1d7: {  	v9 =	vmul.f32 $8.000000000e+00, v11;
	[tilespmem:s10+$0xFFFFFF90] =	vst v5;
	v5 =	vld [tilespmem:s0+$0xA0]  }
0x1d8: {  	v7 =	vmul.f32 $8.000000000e+00, v7;
	v6 =	vadd.f32 v6, v2;
	v11 =	vld [tilespmem:s0+$0xFFFFFFA0]  }
0x1d9: {  	v9 =	vadd.f32 v9, v2;
	v10 =	vmul.f32 $8.000000000e+00, v10  }
0x1da: {  	[tilespmem:s10+$0x10] =	vst v6;
	v6 =	vadd.f32 v7, v3;
	v7 =	vmul.f32 $8.000000000e+00, v8  }
0x1db: {  	[tilespmem:s10+$0xFFFFFF10] =	vst v9;
	v9 =	vadd.f32 v10, v3;
	v8 =	vld [tilespmem:s0+$0x20];
	v4 =	vmul.f32 $8.000000000e+00, v4  }
0x1dc: {  	v10 =	vld [tilespmem:s0+$0xFFFFFF20];
	[tilespmem:s7+$0xFFFFFF40] =	vst v6;
	v5 =	vmul.f32 $8.000000000e+00, v5;
	v6 =	vadd.f32 v7, v2  }
0x1dd: {  	[tilespmem:s7+$0x40] =	vst v9;
	v7 =	vld [tilespmem:s15+$0xFFFFFF50];
	v9 =	vmul.f32 $8.000000000e+00, v11;
	v4 =	vadd.f32 v4, v2  }
0x1de: {  	v11 =	vld [tilespmem:s15+$0x50];
	v5 =	vadd.f32 v5, v1;
	[tilespmem:s7+$0xD0] =	vst v6  }
0x1df: {  	v6 =	vadd.f32 v9, v1;
	[tilespmem:s7+$0xFFFFFFD0] =	vst v4;
	v4 =	vld [tilespmem:s15+$0xE0]  }
0x1e0: {  	v8 =	vmul.f32 $8.000000000e+00, v8;
	[tilespmem:s10+$0xA0] =	vst v5;
	v5 =	vld [tilespmem:s15+$0xFFFFFFE0]  }
0x1e1: {  	v9 =	vmul.f32 $8.000000000e+00, v10;
	[tilespmem:s10+$0xFFFFFFA0] =	vst v6;
	v6 =	vld [tilespmem:s0+$0xB0]  }
0x1e2: {  	s12 =	simm.s32 $0x9000;
	v8 =	vadd.f32 v8, v1;
	v7 =	vmul.f32 $8.000000000e+00, v7;
	v10 =	vld [tilespmem:s0+$0xFFFFFFB0]  }
0x1e3: {  	v12 =	vld [tilespmem:s12+$0x80];
	v9 =	vadd.f32 v9, v1;
	v11 =	vmul.f32 $8.000000000e+00, v11  }
0x1e4: {  	[tilespmem:s10+$0x20] =	vst v8;
	v7 =	vadd.f32 v7, v2;
	v8 =	vld [tilespmem:s12+$0xFFFFFF80];
	v4 =	vmul.f32 $8.000000000e+00, v4  }
0x1e5: {  	[tilespmem:s10+$0xFFFFFF20] =	vst v9;
	v9 =	vadd.f32 v11, v2;
	v11 =	vld [tilespmem:s12+$0x0];
	v5 =	vmul.f32 $8.000000000e+00, v5  }
0x1e6: {  	[tilespmem:s7+$0xFFFFFF50] =	vst v7;
	v7 =	vld [tilespmem:s12+$0xFFFFFF00];
	v6 =	vmul.f32 $8.000000000e+00, v6;
	v4 =	vadd.f32 v4, v1  }
0x1e7: {  	[tilespmem:s7+$0x50] =	vst v9;
	v9 =	vld [tilespmem:s0+$0xFFFFFF30];
	v10 =	vmul.f32 $8.000000000e+00, v10;
	v5 =	vadd.f32 v5, v1  }
0x1e8: {  	v12 =	vmul.f32 $8.000000000e+00, v12;
	v13 =	vld [tilespmem:s0+$0x30];
	v6 =	vadd.f32 v6, v0;
	[tilespmem:s7+$0xE0] =	vst v4  }
0x1e9: {  	v4 =	vmul.f32 $8.000000000e+00, v8;
	v8 =	vadd.f32 v10, v0;
	[tilespmem:s7+$0xFFFFFFE0] =	vst v5;
	v5 =	vld [tilespmem:s15+$0xF0]  }
0x1ea: {  	v10 =	vmul.f32 $8.000000000e+00, v11;
	v11 =	vadd.f32 v12, v3;
	[tilespmem:s10+$0xB0] =	vst v6;
	v6 =	vld [tilespmem:s15+$0xFFFFFF60]  }
0x1eb: {  	s14 =	simm.s32 $0x13000;
	v7 =	vmul.f32 $8.000000000e+00, v7;
	v4 =	vadd.f32 v4, v3;
	[tilespmem:s10+$0xFFFFFFB0] =	vst v8;
	v8 =	vld [tilespmem:s0+$0xC0]  }
0x1ec: {  	v10 =	vadd.f32 v10, v3;
	[tilespmem:s14+$0x80] =	vst v11;
	v9 =	vmul.f32 $8.000000000e+00, v9;
	v11 =	vld [tilespmem:s0+$0xFFFFFFC0]  }
0x1ed: {  	v12 =	vmul.f32 $8.000000000e+00, v13;
	v7 =	vadd.f32 v7, v3;
	[tilespmem:s14+$0xFFFFFF80] =	vst v4;
	v4 =	vld [tilespmem:s12+$0x90]  }
0x1ee: {  	[tilespmem:s14+$0x0] =	vst v10;
	v9 =	vadd.f32 v9, v0;
	v13 =	vld [tilespmem:s12+$0xFFFFFF90];
	v5 =	vmul.f32 $8.000000000e+00, v5  }
0x1ef: {  	v10 =	vadd.f32 v12, v0;
	[tilespmem:s14+$0xFFFFFF00] =	vst v7;
	v7 =	vld [tilespmem:s12+$0x10];
	v6 =	vmul.f32 $8.000000000e+00, v6  }
0x1f0: {  	[tilespmem:s10+$0xFFFFFF30] =	vst v9;
	v12 =	vld [tilespmem:s12+$0xFFFFFF10];
	v8 =	vmul.f32 $8.000000000e+00, v8;
	v5 =	vadd.f32 v5, v0  }
0x1f1: {  	[tilespmem:s10+$0x30] =	vst v10;
	v9 =	vld [tilespmem:s0+$0xFFFFFF40];
	v11 =	vmul.f32 $8.000000000e+00, v11;
	v6 =	vadd.f32 v6, v1  }
0x1f2: {  	v10 =	vld [tilespmem:s0+$0x40];
	v4 =	vmul.f32 $8.000000000e+00, v4;
	v8 =	vadd.f32 v8, v3;
	[tilespmem:s7+$0xF0] =	vst v5  }
0x1f3: {  	v5 =	vmul.f32 $8.000000000e+00, v13;
	v11 =	vadd.f32 v11, v3;
	[tilespmem:s7+$0xFFFFFF60] =	vst v6;
	v6 =	vld [tilespmem:s15+$0x60]  }
0x1f4: {  	v7 =	vmul.f32 $8.000000000e+00, v7;
	v4 =	vadd.f32 v4, v2;
	[tilespmem:s10+$0xC0] =	vst v8;
	v8 =	vld [tilespmem:s15+$0xFFFFFF70]  }
0x1f5: {  	v12 =	vmul.f32 $8.000000000e+00, v12;
	v5 =	vadd.f32 v5, v2;
	[tilespmem:s10+$0xFFFFFFC0] =	vst v11;
	v11 =	vld [tilespmem:s0+$0xD0]  }
0x1f6: {  	v7 =	vadd.f32 v7, v2;
	[tilespmem:s14+$0x90] =	vst v4;
	v4 =	vmul.f32 $8.000000000e+00, v9;
	v9 =	vld [tilespmem:s0+$0xFFFFFFD0]  }
0x1f7: {  	v10 =	vmul.f32 $8.000000000e+00, v10;
	v12 =	vadd.f32 v12, v2;
	[tilespmem:s14+$0xFFFFFF90] =	vst v5;
	v5 =	vld [tilespmem:s12+$0xA0]  }
0x1f8: {  	v13 =	vld [tilespmem:s12+$0xFFFFFFA0];
	[tilespmem:s14+$0x10] =	vst v7;
	v4 =	vadd.f32 v4, v3;
	v6 =	vmul.f32 $8.000000000e+00, v6  }
0x1f9: {  	v10 =	vadd.f32 v10, v3;
	[tilespmem:s14+$0xFFFFFF10] =	vst v12;
	v7 =	vld [tilespmem:s12+$0x20];
	v8 =	vmul.f32 $8.000000000e+00, v8  }
0x1fa: {  	v12 =	vld [tilespmem:s12+$0xFFFFFF20];
	[tilespmem:s10+$0xFFFFFF40] =	vst v4;
	v4 =	vmul.f32 $8.000000000e+00, v11;
	v6 =	vadd.f32 v6, v1  }
0x1fb: {  	[tilespmem:s10+$0x40] =	vst v10;
	v11 =	vld [tilespmem:s0+$0xFFFFFF50];
	v9 =	vmul.f32 $8.000000000e+00, v9;
	v8 =	vadd.f32 v8, v0  }
0x1fc: {  	v10 =	vld [tilespmem:s0+$0x50];
	v5 =	vmul.f32 $8.000000000e+00, v5;
	v4 =	vadd.f32 v4, v2;
	[tilespmem:s7+$0x60] =	vst v6  }
0x1fd: {  	v6 =	vmul.f32 $8.000000000e+00, v13;
	v9 =	vadd.f32 v9, v2;
	[tilespmem:s7+$0xFFFFFF70] =	vst v8;
	v13 =	vld [tilespmem:s15+$0xFFFFFFF0]  }
0x1fe: {  	v8 =	vmul.f32 $8.000000000e+00, v7;
	v5 =	vadd.f32 v5, v1;
	[tilespmem:s10+$0xD0] =	vst v4;
	v4 =	vld [tilespmem:s15+$0x70]  }
0x1ff: {  	v12 =	vmul.f32 $8.000000000e+00, v12;
	v14 =	vadd.f32 v6, v1;
	[tilespmem:s10+$0xFFFFFFD0] =	vst v9;
	v7 =	vld [tilespmem:s0+$0xE0]  }
0x200: {  	v9 =	vadd.f32 v8, v1;
	[tilespmem:s14+$0xA0] =	vst v5;
	v5 =	vmul.f32 $8.000000000e+00, v11;
	v6 =	vld [tilespmem:s0+$0xFFFFFFE0]  }
0x201: {  	v8 =	vmul.f32 $8.000000000e+00, v10;
	v12 =	vadd.f32 v12, v1;
	[tilespmem:s14+$0xFFFFFFA0] =	vst v14;
	v11 =	vld [tilespmem:s12+$0xB0]  }
0x202: {  	s16 =	simm.s32 $0x9200;
	s15 =	simm.s32 $0x8;
	v10 =	vld [tilespmem:s12+$0xFFFFFFB0];
	[tilespmem:s14+$0x20] =	vst v9;
	v9 =	vadd.f32 v5, v2;
	v5 =	vmul.f32 $8.000000000e+00, v13  }
.LBB2_7:
0x203: {  	v13 =	vld [tilespmem:s16+$0x80];
	s15 =	sadd.s32 $0x4, s15;
	[tilespmem:s14+$0xFFFFFF20] =	vst v12;
	v8 =	vadd.f32 v8, v2;
	v4 =	vmul.f32 $8.000000000e+00, v4  }
0x204: {  	v12 =	vld [tilespmem:s16+$0xFFFFFF80];
	p2 =	slt.u32 s15, $0x3C;
	[tilespmem:s10+$0xFFFFFF50] =	vst v9;
	v7 =	vmul.f32 $8.000000000e+00, v7;
	v5 =	vadd.f32 v5, v0  }
0x205: {  	v9 =	vld [tilespmem:s16+$0x0];
	v6 =	vmul.f32 $8.000000000e+00, v6;
	[tilespmem:s10+$0x50] =	vst v8;
	v4 =	vadd.f32 v4, v0  }
0x206: {  	v8 =	vld [tilespmem:s16+$0xFFFFFF00];
	v11 =	vmul.f32 $8.000000000e+00, v11;
	v7 =	vadd.f32 v7, v1;
	[tilespmem:s7+$0xFFFFFFF0] =	vst v5  }
0x207: {  	v5 =	vld [tilespmem:s12+$0xFFFFFF30];
	v10 =	vmul.f32 $8.000000000e+00, v10;
	v6 =	vadd.f32 v6, v1;
	[tilespmem:s7+$0x70] =	vst v4;
	s7 =	smov.u32 s10;
	s10 =	smov.u32 s14  }
0x208: {  	v4 =	vmul.f32 $8.000000000e+00, v13;
	v13 =	vld [tilespmem:s12+$0x30];
	v11 =	vadd.f32 v11, v0;
	[tilespmem:s7+$0xE0] =	vst v7  }
0x209: {  	v7 =	vmul.f32 $8.000000000e+00, v12;
	v10 =	vadd.f32 v10, v0;
	[tilespmem:s7+$0xFFFFFFE0] =	vst v6;
	v6 =	vld [tilespmem:s0+$0xF0]  }
0x20a: {  	v9 =	vmul.f32 $8.000000000e+00, v9;
	v4 =	vadd.f32 v4, v3;
	[tilespmem:s14+$0xB0] =	vst v11;
	v11 =	vld [tilespmem:s0+$0xFFFFFF60]  }
0x20b: {  	s14 =	sadd.s32 $0x200, s14;
	v8 =	vmul.f32 $8.000000000e+00, v8;
	v7 =	vadd.f32 v7, v3;
	[tilespmem:s10+$0xFFFFFFB0] =	vst v10;
	v10 =	vld [tilespmem:s12+$0xC0]  }
0x20c: {  	v9 =	vadd.f32 v9, v3;
	[tilespmem:s14+$0x80] =	vst v4;
	v4 =	vmul.f32 $8.000000000e+00, v5;
	v5 =	vld [tilespmem:s12+$0xFFFFFFC0]  }
0x20d: {  	v8 =	vadd.f32 v8, v3;
	[tilespmem:s14+$0xFFFFFF80] =	vst v7;
	v7 =	vld [tilespmem:s16+$0x90];
	v12 =	vmul.f32 $8.000000000e+00, v13  }
0x20e: {  	v13 =	vld [tilespmem:s16+$0xFFFFFF90];
	[tilespmem:s14+$0x0] =	vst v9;
	v4 =	vadd.f32 v4, v0;
	v6 =	vmul.f32 $8.000000000e+00, v6  }
0x20f: {  	[tilespmem:s14+$0xFFFFFF00] =	vst v8;
	v8 =	vld [tilespmem:s16+$0x10];
	v9 =	vadd.f32 v12, v0;
	v11 =	vmul.f32 $8.000000000e+00, v11  }
0x210: {  	v12 =	vld [tilespmem:s16+$0xFFFFFF10];
	[tilespmem:s10+$0xFFFFFF30] =	vst v4;
	v4 =	vmul.f32 $8.000000000e+00, v10;
	v6 =	vadd.f32 v6, v0  }
0x211: {  	v10 =	vld [tilespmem:s12+$0xFFFFFF40];
	v5 =	vmul.f32 $8.000000000e+00, v5;
	[tilespmem:s10+$0x30] =	vst v9;
	v9 =	vadd.f32 v11, v1  }
0x212: {  	v7 =	vmul.f32 $8.000000000e+00, v7;
	v11 =	vld [tilespmem:s12+$0x40];
	v4 =	vadd.f32 v4, v3;
	[tilespmem:s7+$0xF0] =	vst v6  }
0x213: {  	v6 =	vmul.f32 $8.000000000e+00, v13;
	v5 =	vadd.f32 v5, v3;
	[tilespmem:s7+$0xFFFFFF60] =	vst v9;
	v9 =	vld [tilespmem:s0+$0x60]  }
0x214: {  	v8 =	vmul.f32 $8.000000000e+00, v8;
	v7 =	vadd.f32 v7, v2;
	[tilespmem:s10+$0xC0] =	vst v4;
	v4 =	vld [tilespmem:s0+$0xFFFFFF70]  }
0x215: {  	v12 =	vmul.f32 $8.000000000e+00, v12;
	v6 =	vadd.f32 v6, v2;
	[tilespmem:s10+$0xFFFFFFC0] =	vst v5;
	v5 =	vld [tilespmem:s12+$0xD0]  }
0x216: {  	v8 =	vadd.f32 v8, v2;
	[tilespmem:s14+$0x90] =	vst v7;
	v7 =	vmul.f32 $8.000000000e+00, v10;
	v10 =	vld [tilespmem:s12+$0xFFFFFFD0]  }
0x217: {  	v12 =	vadd.f32 v12, v2;
	[tilespmem:s14+$0xFFFFFF90] =	vst v6;
	v6 =	vld [tilespmem:s16+$0xA0];
	v11 =	vmul.f32 $8.000000000e+00, v11  }
0x218: {  	v13 =	vld [tilespmem:s16+$0xFFFFFFA0];
	[tilespmem:s14+$0x10] =	vst v8;
	v7 =	vadd.f32 v7, v3;
	v8 =	vmul.f32 $8.000000000e+00, v9  }
0x219: {  	[tilespmem:s14+$0xFFFFFF10] =	vst v12;
	v9 =	vld [tilespmem:s16+$0x20];
	v11 =	vadd.f32 v11, v3;
	v4 =	vmul.f32 $8.000000000e+00, v4  }
0x21a: {  	v12 =	vld [tilespmem:s16+$0xFFFFFF20];
	[tilespmem:s10+$0xFFFFFF40] =	vst v7;
	v5 =	vmul.f32 $8.000000000e+00, v5;
	v7 =	vadd.f32 v8, v1  }
0x21b: {  	v8 =	vld [tilespmem:s12+$0xFFFFFF50];
	v10 =	vmul.f32 $8.000000000e+00, v10;
	[tilespmem:s10+$0x40] =	vst v11;
	v4 =	vadd.f32 v4, v0  }
0x21c: {  	v6 =	vmul.f32 $8.000000000e+00, v6;
	v14 =	vld [tilespmem:s12+$0x50];
	v5 =	vadd.f32 v5, v2;
	[tilespmem:s7+$0x60] =	vst v7  }
0x21d: {  	v7 =	vmul.f32 $8.000000000e+00, v13;
	v10 =	vadd.f32 v10, v2;
	[tilespmem:s7+$0xFFFFFF70] =	vst v4;
	v13 =	vld [tilespmem:s0+$0xFFFFFFF0]  }
.Ltmp4:
0x21e: {  	v9 =	vmul.f32 $8.000000000e+00, v9;
	v6 =	vadd.f32 v6, v1;
	[tilespmem:s10+$0xD0] =	vst v5;
	v4 =	vld [tilespmem:s0+$0x70];
	s0 =	smov.u32 s12;
	s12 =	smov.u32 s16;
	(pc) =	sbr.rel @p2 .LBB2_7-.Ltmp4, $4  }
0x21f: {  	v5 =	vmul.f32 $8.000000000e+00, v12;
	v11 =	vadd.f32 v7, v1;
	[tilespmem:s10+$0xFFFFFFD0] =	vst v10;
	v7 =	vld [tilespmem:s0+$0xE0]  }
0x220: {  	v9 =	vadd.f32 v9, v1;
	[tilespmem:s14+$0xA0] =	vst v6;
	v15 =	vmul.f32 $8.000000000e+00, v8;
	v6 =	vld [tilespmem:s0+$0xFFFFFFE0]  }
0x221: {  	v12 =	vadd.f32 v5, v1;
	[tilespmem:s14+$0xFFFFFFA0] =	vst v11;
	v11 =	vld [tilespmem:s16+$0xB0];
	v8 =	vmul.f32 $8.000000000e+00, v14  }
0x222: {  	s16 =	sadd.s32 $0x200, s16;
	v10 =	vld [tilespmem:s12+$0xFFFFFFB0];
	[tilespmem:s14+$0x20] =	vst v9;
	v9 =	vadd.f32 v15, v2;
	v5 =	vmul.f32 $8.000000000e+00, v13  }
0x223: {  	[tilespmem:s14+$0xFFFFFF20] =	vst v12  }
0x224: {  	v12 =	vld [tilespmem:s12+$0xFFFFFF30];
	_ =	sdelay $0x1  }
0x225: {  	v13 =	vld [tilespmem:s12+$0x30];
	_ =	sdelay $0x1  }
0x226: {  	v11 =	vmul.f32 $8.000000000e+00, v11  }
0x227: {  	v12 =	vmul.f32 $8.000000000e+00, v12  }
0x228: {  	v10 =	vmul.f32 $8.000000000e+00, v10;
	v11 =	vadd.f32 v11, v0  }
0x229: {  	v13 =	vmul.f32 $8.000000000e+00, v13;
	v12 =	vadd.f32 v12, v0  }
0x22a: {  	v10 =	vadd.f32 v10, v0;
	[tilespmem:s14+$0xB0] =	vst v11  }
0x22b: {  	v13 =	vadd.f32 v13, v0;
	v11 =	vld [tilespmem:s12+$0xC0];
	[tilespmem:s14+$0xFFFFFF30] =	vst v12  }
0x22c: {  	[tilespmem:s14+$0xFFFFFFB0] =	vst v10;
	v10 =	vld [tilespmem:s12+$0xFFFFFF40]  }
0x22d: {  	[tilespmem:s14+$0x30] =	vst v13;
	v12 =	vld [tilespmem:s12+$0xFFFFFFC0]  }
0x22e: {  	v13 =	vld [tilespmem:s12+$0x40];
	_ =	sdelay $0x1  }
0x22f: {  	v11 =	vmul.f32 $8.000000000e+00, v11  }
0x230: {  	v10 =	vmul.f32 $8.000000000e+00, v10  }
0x231: {  	v12 =	vmul.f32 $8.000000000e+00, v12;
	v11 =	vadd.f32 v11, v3  }
0x232: {  	v13 =	vmul.f32 $8.000000000e+00, v13;
	v10 =	vadd.f32 v10, v3  }
0x233: {  	v12 =	vadd.f32 v12, v3;
	[tilespmem:s14+$0xC0] =	vst v11  }
0x234: {  	v11 =	vld [tilespmem:s12+$0xD0];
	v3 =	vadd.f32 v13, v3;
	[tilespmem:s14+$0xFFFFFF40] =	vst v10  }
0x235: {  	[tilespmem:s14+$0xFFFFFFC0] =	vst v12;
	v10 =	vld [tilespmem:s12+$0xFFFFFF50]  }
0x236: {  	v12 =	vld [tilespmem:s12+$0xFFFFFFD0];
	[tilespmem:s14+$0x40] =	vst v3  }
0x237: {  	v3 =	vld [tilespmem:s12+$0x50];
	_ =	sdelay $0x1  }
0x238: {  	v11 =	vmul.f32 $8.000000000e+00, v11  }
0x239: {  	v8 =	vadd.f32 v8, v2;
	[tilespmem:s10+$0xFFFFFF50] =	vst v9;
	v9 =	vmul.f32 $8.000000000e+00, v10  }
0x23a: {  	v12 =	vmul.f32 $8.000000000e+00, v12;
	v11 =	vadd.f32 v11, v2;
	v10 =	vld [tilespmem:s0+$0xFFFFFF60]  }
0x23b: {  	[tilespmem:s10+$0x50] =	vst v8;
	v3 =	vmul.f32 $8.000000000e+00, v3;
	v8 =	vadd.f32 v9, v2  }
0x23c: {  	v12 =	vadd.f32 v12, v2;
	[tilespmem:s14+$0xD0] =	vst v11;
	v9 =	vld [tilespmem:s0+$0x60]  }
0x23d: {  	v11 =	vld [tilespmem:s12+$0xE0];
	v2 =	vadd.f32 v3, v2;
	[tilespmem:s14+$0xFFFFFF50] =	vst v8  }
0x23e: {  	v3 =	vmul.f32 $8.000000000e+00, v7;
	[tilespmem:s14+$0xFFFFFFD0] =	vst v12;
	v7 =	vld [tilespmem:s12+$0xFFFFFF60]  }
0x23f: {  	[tilespmem:s14+$0x50] =	vst v2;
	v8 =	vmul.f32 $8.000000000e+00, v10;
	v10 =	vld [tilespmem:s12+$0xFFFFFFE0]  }
0x240: {  	v2 =	vmul.f32 $8.000000000e+00, v6;
	v3 =	vadd.f32 v3, v1;
	v6 =	vld [tilespmem:s12+$0x60]  }
0x241: {  	v8 =	vadd.f32 v8, v1;
	v9 =	vmul.f32 $8.000000000e+00, v9  }
0x242: {  	v2 =	vadd.f32 v2, v1;
	[tilespmem:s10+$0xE0] =	vst v3;
	v3 =	vmul.f32 $8.000000000e+00, v11  }
0x243: {  	v11 =	vld [tilespmem:s0+$0xF0];
	[tilespmem:s10+$0xFFFFFF60] =	vst v8;
	v8 =	vadd.f32 v9, v1;
	v7 =	vmul.f32 $8.000000000e+00, v7  }
0x244: {  	[tilespmem:s10+$0xFFFFFFE0] =	vst v2;
	v3 =	vadd.f32 v3, v1;
	v2 =	vld [tilespmem:s0+$0xFFFFFF70];
	v9 =	vmul.f32 $8.000000000e+00, v10  }
0x245: {  	v6 =	vmul.f32 $8.000000000e+00, v6;
	[tilespmem:s10+$0x60] =	vst v8;
	v8 =	vld [tilespmem:s0+$0xFFFFFFF0];
	v7 =	vadd.f32 v7, v1  }
0x246: {  	[tilespmem:s14+$0xE0] =	vst v3;
	v10 =	vld [tilespmem:s0+$0x70];
	v9 =	vadd.f32 v9, v1  }
0x247: {  	v3 =	vmul.f32 $8.000000000e+00, v4;
	v4 =	vld [tilespmem:s12+$0xF0];
	v1 =	vadd.f32 v6, v1;
	[tilespmem:s14+$0xFFFFFF60] =	vst v7  }
0x248: {  	v5 =	vadd.f32 v5, v0;
	v6 =	vmul.f32 $8.000000000e+00, v11;
	[tilespmem:s14+$0xFFFFFFE0] =	vst v9;
	v7 =	vld [tilespmem:s12+$0xFFFFFF70]  }
0x249: {  	v3 =	vadd.f32 v3, v0;
	[tilespmem:s14+$0x60] =	vst v1;
	v2 =	vmul.f32 $8.000000000e+00, v2;
	v1 =	vld [tilespmem:s12+$0xFFFFFFF0]  }
0x24a: {  	[tilespmem:s7+$0xFFFFFFF0] =	vst v5;
	v5 =	vadd.f32 v6, v0;
	v6 =	vmul.f32 $8.000000000e+00, v8;
	v8 =	vld [tilespmem:s12+$0x70]  }
0x24b: {  	[tilespmem:s7+$0x70] =	vst v3;
	v2 =	vadd.f32 v2, v0;
	v3 =	vmul.f32 $8.000000000e+00, v10  }
0x24c: {  	[tilespmem:s10+$0xF0] =	vst v5;
	v4 =	vmul.f32 $8.000000000e+00, v4;
	v5 =	vadd.f32 v6, v0  }
0x24d: {  	[tilespmem:s10+$0xFFFFFF70] =	vst v2;
	v2 =	vadd.f32 v3, v0;
	v3 =	vmul.f32 $8.000000000e+00, v7  }
0x24e: {  	v4 =	vadd.f32 v4, v0;
	[tilespmem:s10+$0xFFFFFFF0] =	vst v5;
	v1 =	vmul.f32 $8.000000000e+00, v1  }
0x24f: {  	[tilespmem:s10+$0x70] =	vst v2;
	v2 =	vadd.f32 v3, v0;
	v3 =	vmul.f32 $8.000000000e+00, v8  }
0x250: {  	s12 =	sshll.u32 s6, $0xD;
	[tilespmem:s14+$0xF0] =	vst v4;
	v1 =	vadd.f32 v1, v0  }
0x251: {  	s0 =	sadd.s32 s9, s12;
	[tilespmem:s14+$0xFFFFFF70] =	vst v2;
	v0 =	vadd.f32 v3, v0  }
0x252: {  	s0 =	sshrl.u32 s0, $0x3;
	[tilespmem:s14+$0xFFFFFFF0] =	vst v1  }
0x253: {  	s0 =	sadd.s32 s2, s0;
	[tilespmem:s14+$0x70] =	vst v0  }
0x254: {  	[hbm4b:s0+s3] =	stream.linear.scatter [tilespmem:s28], [sflag:$0x8], $0x2000, $0x38;
	[tilespmem:$0x18B00] =	vst v63  }
0x255: {  	s7 =	simm.s32 @!p1 $0x8B00;
	s6 =	simm.s32 @!p1 $0x80;
	s0 =	sadd.s32 @!p1 $0x380, s20  }
0x256: {  	[tilespmem:s7], [sflag:$0x3] =	stream.indirect.gather @!p1 [hbm4b:s5+s6], $0x40, s0, s6, $0xb8;
	[tilespmem:$0x18B00] =	vst v63  }
0x257: {  	_ =	swait.ge [sflag:s29], $0x2000  }
0x258: {  	[sflag:s29] =	ssyncset.done $0x0  }
0x259: {  	s0 =	simm.s32 @!p0 $0x9;
	[sflag:s29] =	ssyncadd.s32 $0xFFFFE000  }
0x25a: {  	s6 =	sadd.s32 $0x3, s19;
	_ =	swait.ge @!p0 [sflag:s0], $0x2000  }
0x25b: {  	s15 =	sshll.u32 s6, $0x7;
	[sflag:s0] =	ssyncset.done @!p0 $0x0  }
0x25c: {  	s16 =	sadd.s32 s4, s15;
	s15 =	simm.s32 $0xAC00;
	[sflag:s0] =	ssyncadd.s32 @!p0 $0xFFFFE000  }
0x25d: {  	s0 =	sshrl.u32 s16, $0x4;
	v0 =	vld [tilespmem:s15+$0x80]  }
0x25e: {  	s0 =	sand.u32 $0x7FFFFC0, s0;
	v4 =	vld [tilespmem:s15+$0xFFFFFF80]  }
0x25f: {  	v3 =	vld [tilespmem:s0+$0x1900];
	_ =	sdelay $0x2  }
0x260: {  	v6 =	vld [tilespmem:s15+$0xFFFFFF00];
	v5 =	vmul.f32 $8.000000000e+00, v0  }
0x261: {  	v7 =	vld [tilespmem:s15+$0x0];
	v4 =	vmul.f32 $8.000000000e+00, v4  }
0x262: {  	v2 =	vld [tilespmem:s0+$0x1910];
	v5 =	vadd.f32 v5, v3  }
0x263: {  	s7 =	simm.s32 $0x14C00;
	v1 =	vld [tilespmem:s0+$0x1920];
	v4 =	vadd.f32 v4, v3  }
0x264: {  	v0 =	vld [tilespmem:s0+$0x1930];
	[tilespmem:s7+$0x80] =	vst v5  }
0x265: {  	[tilespmem:s7+$0xFFFFFF80] =	vst v4;
	v4 =	vld [tilespmem:s15+$0x90]  }
0x266: {  	v5 =	vld [tilespmem:s15+$0xFFFFFF90];
	_ =	sdelay $0x1  }
0x267: {  	v6 =	vmul.f32 $8.000000000e+00, v6  }
0x268: {  	v7 =	vmul.f32 $8.000000000e+00, v7  }
0x269: {  	v6 =	vadd.f32 v6, v3;
	v4 =	vmul.f32 $8.000000000e+00, v4  }
0x26a: {  	v7 =	vadd.f32 v7, v3;
	v5 =	vmul.f32 $8.000000000e+00, v5  }
0x26b: {  	[tilespmem:s7+$0xFFFFFF00] =	vst v6;
	v4 =	vadd.f32 v4, v2  }
0x26c: {  	[tilespmem:s7+$0x0] =	vst v7;
	v6 =	vld [tilespmem:s15+$0xFFFFFF10];
	v5 =	vadd.f32 v5, v2  }
0x26d: {  	v7 =	vld [tilespmem:s15+$0x10];
	[tilespmem:s7+$0x90] =	vst v4  }
0x26e: {  	[tilespmem:s7+$0xFFFFFF90] =	vst v5;
	v4 =	vld [tilespmem:s15+$0xA0]  }
0x26f: {  	v5 =	vld [tilespmem:s15+$0xFFFFFFA0];
	_ =	sdelay $0x1  }
0x270: {  	v6 =	vmul.f32 $8.000000000e+00, v6  }
0x271: {  	v7 =	vmul.f32 $8.000000000e+00, v7  }
0x272: {  	v6 =	vadd.f32 v6, v2;
	v4 =	vmul.f32 $8.000000000e+00, v4  }
0x273: {  	v7 =	vadd.f32 v7, v2;
	v5 =	vmul.f32 $8.000000000e+00, v5  }
0x274: {  	[tilespmem:s7+$0xFFFFFF10] =	vst v6;
	v4 =	vadd.f32 v4, v1  }
0x275: {  	[tilespmem:s7+$0x10] =	vst v7;
	v6 =	vld [tilespmem:s15+$0xFFFFFF20];
	v5 =	vadd.f32 v5, v1  }
0x276: {  	v7 =	vld [tilespmem:s15+$0x20];
	[tilespmem:s7+$0xA0] =	vst v4  }
0x277: {  	[tilespmem:s7+$0xFFFFFFA0] =	vst v5;
	v4 =	vld [tilespmem:s15+$0xB0]  }
0x278: {  	s0 =	simm.s32 $0xAE00;
	v5 =	vld [tilespmem:s15+$0xFFFFFFB0]  }
0x279: {  	v8 =	vld [tilespmem:s0+$0x80]  }
0x27a: {  	v9 =	vld [tilespmem:s0+$0xFFFFFF80];
	v6 =	vmul.f32 $8.000000000e+00, v6  }
0x27b: {  	v7 =	vmul.f32 $8.000000000e+00, v7  }
0x27c: {  	v6 =	vadd.f32 v6, v1;
	v4 =	vmul.f32 $8.000000000e+00, v4  }
0x27d: {  	v10 =	vld [tilespmem:s0+$0x0];
	v7 =	vadd.f32 v7, v1;
	v5 =	vmul.f32 $8.000000000e+00, v5  }
0x27e: {  	v8 =	vmul.f32 $8.000000000e+00, v8;
	[tilespmem:s7+$0xFFFFFF20] =	vst v6;
	v6 =	vld [tilespmem:s0+$0xFFFFFF00];
	v4 =	vadd.f32 v4, v0  }
0x27f: {  	v9 =	vmul.f32 $8.000000000e+00, v9;
	[tilespmem:s7+$0x20] =	vst v7;
	v7 =	vld [tilespmem:s15+$0xFFFFFF30];
	v5 =	vadd.f32 v5, v0  }
0x280: {  	v8 =	vadd.f32 v8, v3;
	v11 =	vld [tilespmem:s15+$0x30];
	[tilespmem:s7+$0xB0] =	vst v4  }
0x281: {  	s10 =	simm.s32 $0x14E00;
	v4 =	vadd.f32 v9, v3;
	[tilespmem:s7+$0xFFFFFFB0] =	vst v5;
	v5 =	vld [tilespmem:s15+$0xC0]  }
0x282: {  	[tilespmem:s10+$0x80] =	vst v8;
	v9 =	vmul.f32 $8.000000000e+00, v10;
	v8 =	vld [tilespmem:s15+$0xFFFFFFC0]  }
0x283: {  	v6 =	vmul.f32 $8.000000000e+00, v6;
	[tilespmem:s10+$0xFFFFFF80] =	vst v4;
	v4 =	vld [tilespmem:s0+$0x90]  }
0x284: {  	v7 =	vmul.f32 $8.000000000e+00, v7;
	v9 =	vadd.f32 v9, v3;
	v10 =	vld [tilespmem:s0+$0xFFFFFF90]  }
0x285: {  	v11 =	vmul.f32 $8.000000000e+00, v11;
	v6 =	vadd.f32 v6, v3  }
0x286: {  	v7 =	vadd.f32 v7, v0;
	[tilespmem:s10+$0x0] =	vst v9;
	v5 =	vmul.f32 $8.000000000e+00, v5  }
0x287: {  	[tilespmem:s10+$0xFFFFFF00] =	vst v6;
	v9 =	vadd.f32 v11, v0;
	v6 =	vld [tilespmem:s0+$0x10];
	v8 =	vmul.f32 $8.000000000e+00, v8  }
0x288: {  	[tilespmem:s7+$0xFFFFFF30] =	vst v7;
	v11 =	vld [tilespmem:s0+$0xFFFFFF10];
	v4 =	vmul.f32 $8.000000000e+00, v4;
	v5 =	vadd.f32 v5, v3  }
0x289: {  	v7 =	vld [tilespmem:s15+$0xFFFFFF40];
	[tilespmem:s7+$0x30] =	vst v9;
	v9 =	vmul.f32 $8.000000000e+00, v10;
	v8 =	vadd.f32 v8, v3  }
0x28a: {  	v10 =	vld [tilespmem:s15+$0x40];
	v4 =	vadd.f32 v4, v2;
	[tilespmem:s7+$0xC0] =	vst v5  }
0x28b: {  	v5 =	vadd.f32 v9, v2;
	[tilespmem:s7+$0xFFFFFFC0] =	vst v8;
	v8 =	vld [tilespmem:s15+$0xD0]  }
0x28c: {  	v6 =	vmul.f32 $8.000000000e+00, v6;
	[tilespmem:s10+$0x90] =	vst v4;
	v4 =	vld [tilespmem:s15+$0xFFFFFFD0]  }
0x28d: {  	v9 =	vmul.f32 $8.000000000e+00, v11;
	[tilespmem:s10+$0xFFFFFF90] =	vst v5;
	v5 =	vld [tilespmem:s0+$0xA0]  }
0x28e: {  	v7 =	vmul.f32 $8.000000000e+00, v7;
	v6 =	vadd.f32 v6, v2;
	v11 =	vld [tilespmem:s0+$0xFFFFFFA0]  }
0x28f: {  	v9 =	vadd.f32 v9, v2;
	v10 =	vmul.f32 $8.000000000e+00, v10  }
0x290: {  	[tilespmem:s10+$0x10] =	vst v6;
	v6 =	vadd.f32 v7, v3;
	v7 =	vmul.f32 $8.000000000e+00, v8  }
0x291: {  	[tilespmem:s10+$0xFFFFFF10] =	vst v9;
	v9 =	vadd.f32 v10, v3;
	v8 =	vld [tilespmem:s0+$0x20];
	v4 =	vmul.f32 $8.000000000e+00, v4  }
0x292: {  	v10 =	vld [tilespmem:s0+$0xFFFFFF20];
	[tilespmem:s7+$0xFFFFFF40] =	vst v6;
	v5 =	vmul.f32 $8.000000000e+00, v5;
	v6 =	vadd.f32 v7, v2  }
0x293: {  	[tilespmem:s7+$0x40] =	vst v9;
	v7 =	vld [tilespmem:s15+$0xFFFFFF50];
	v9 =	vmul.f32 $8.000000000e+00, v11;
	v4 =	vadd.f32 v4, v2  }
0x294: {  	v11 =	vld [tilespmem:s15+$0x50];
	v5 =	vadd.f32 v5, v1;
	[tilespmem:s7+$0xD0] =	vst v6  }
0x295: {  	v6 =	vadd.f32 v9, v1;
	[tilespmem:s7+$0xFFFFFFD0] =	vst v4;
	v4 =	vld [tilespmem:s15+$0xE0]  }
0x296: {  	v8 =	vmul.f32 $8.000000000e+00, v8;
	[tilespmem:s10+$0xA0] =	vst v5;
	v5 =	vld [tilespmem:s15+$0xFFFFFFE0]  }
0x297: {  	v9 =	vmul.f32 $8.000000000e+00, v10;
	[tilespmem:s10+$0xFFFFFFA0] =	vst v6;
	v6 =	vld [tilespmem:s0+$0xB0]  }
0x298: {  	s12 =	simm.s32 $0xB000;
	v8 =	vadd.f32 v8, v1;
	v7 =	vmul.f32 $8.000000000e+00, v7;
	v10 =	vld [tilespmem:s0+$0xFFFFFFB0]  }
0x299: {  	v12 =	vld [tilespmem:s12+$0x80];
	v9 =	vadd.f32 v9, v1;
	v11 =	vmul.f32 $8.000000000e+00, v11  }
0x29a: {  	[tilespmem:s10+$0x20] =	vst v8;
	v7 =	vadd.f32 v7, v2;
	v8 =	vld [tilespmem:s12+$0xFFFFFF80];
	v4 =	vmul.f32 $8.000000000e+00, v4  }
0x29b: {  	[tilespmem:s10+$0xFFFFFF20] =	vst v9;
	v9 =	vadd.f32 v11, v2;
	v11 =	vld [tilespmem:s12+$0x0];
	v5 =	vmul.f32 $8.000000000e+00, v5  }
0x29c: {  	[tilespmem:s7+$0xFFFFFF50] =	vst v7;
	v7 =	vld [tilespmem:s12+$0xFFFFFF00];
	v6 =	vmul.f32 $8.000000000e+00, v6;
	v4 =	vadd.f32 v4, v1  }
0x29d: {  	[tilespmem:s7+$0x50] =	vst v9;
	v9 =	vld [tilespmem:s0+$0xFFFFFF30];
	v10 =	vmul.f32 $8.000000000e+00, v10;
	v5 =	vadd.f32 v5, v1  }
0x29e: {  	v12 =	vmul.f32 $8.000000000e+00, v12;
	v13 =	vld [tilespmem:s0+$0x30];
	v6 =	vadd.f32 v6, v0;
	[tilespmem:s7+$0xE0] =	vst v4  }
0x29f: {  	v4 =	vmul.f32 $8.000000000e+00, v8;
	v8 =	vadd.f32 v10, v0;
	[tilespmem:s7+$0xFFFFFFE0] =	vst v5;
	v5 =	vld [tilespmem:s15+$0xF0]  }
0x2a0: {  	v10 =	vmul.f32 $8.000000000e+00, v11;
	v11 =	vadd.f32 v12, v3;
	[tilespmem:s10+$0xB0] =	vst v6;
	v6 =	vld [tilespmem:s15+$0xFFFFFF60]  }
0x2a1: {  	s14 =	simm.s32 $0x15000;
	v7 =	vmul.f32 $8.000000000e+00, v7;
	v4 =	vadd.f32 v4, v3;
	[tilespmem:s10+$0xFFFFFFB0] =	vst v8;
	v8 =	vld [tilespmem:s0+$0xC0]  }
0x2a2: {  	v10 =	vadd.f32 v10, v3;
	[tilespmem:s14+$0x80] =	vst v11;
	v9 =	vmul.f32 $8.000000000e+00, v9;
	v11 =	vld [tilespmem:s0+$0xFFFFFFC0]  }
0x2a3: {  	v12 =	vmul.f32 $8.000000000e+00, v13;
	v7 =	vadd.f32 v7, v3;
	[tilespmem:s14+$0xFFFFFF80] =	vst v4;
	v4 =	vld [tilespmem:s12+$0x90]  }
0x2a4: {  	[tilespmem:s14+$0x0] =	vst v10;
	v9 =	vadd.f32 v9, v0;
	v13 =	vld [tilespmem:s12+$0xFFFFFF90];
	v5 =	vmul.f32 $8.000000000e+00, v5  }
0x2a5: {  	v10 =	vadd.f32 v12, v0;
	[tilespmem:s14+$0xFFFFFF00] =	vst v7;
	v7 =	vld [tilespmem:s12+$0x10];
	v6 =	vmul.f32 $8.000000000e+00, v6  }
0x2a6: {  	[tilespmem:s10+$0xFFFFFF30] =	vst v9;
	v12 =	vld [tilespmem:s12+$0xFFFFFF10];
	v8 =	vmul.f32 $8.000000000e+00, v8;
	v5 =	vadd.f32 v5, v0  }
0x2a7: {  	[tilespmem:s10+$0x30] =	vst v10;
	v9 =	vld [tilespmem:s0+$0xFFFFFF40];
	v11 =	vmul.f32 $8.000000000e+00, v11;
	v6 =	vadd.f32 v6, v1  }
0x2a8: {  	v10 =	vld [tilespmem:s0+$0x40];
	v4 =	vmul.f32 $8.000000000e+00, v4;
	v8 =	vadd.f32 v8, v3;
	[tilespmem:s7+$0xF0] =	vst v5  }
0x2a9: {  	v5 =	vmul.f32 $8.000000000e+00, v13;
	v11 =	vadd.f32 v11, v3;
	[tilespmem:s7+$0xFFFFFF60] =	vst v6;
	v6 =	vld [tilespmem:s15+$0x60]  }
0x2aa: {  	v7 =	vmul.f32 $8.000000000e+00, v7;
	v4 =	vadd.f32 v4, v2;
	[tilespmem:s10+$0xC0] =	vst v8;
	v8 =	vld [tilespmem:s15+$0xFFFFFF70]  }
0x2ab: {  	v12 =	vmul.f32 $8.000000000e+00, v12;
	v5 =	vadd.f32 v5, v2;
	[tilespmem:s10+$0xFFFFFFC0] =	vst v11;
	v11 =	vld [tilespmem:s0+$0xD0]  }
0x2ac: {  	v7 =	vadd.f32 v7, v2;
	[tilespmem:s14+$0x90] =	vst v4;
	v4 =	vmul.f32 $8.000000000e+00, v9;
	v9 =	vld [tilespmem:s0+$0xFFFFFFD0]  }
0x2ad: {  	v10 =	vmul.f32 $8.000000000e+00, v10;
	v12 =	vadd.f32 v12, v2;
	[tilespmem:s14+$0xFFFFFF90] =	vst v5;
	v5 =	vld [tilespmem:s12+$0xA0]  }
0x2ae: {  	v13 =	vld [tilespmem:s12+$0xFFFFFFA0];
	[tilespmem:s14+$0x10] =	vst v7;
	v4 =	vadd.f32 v4, v3;
	v6 =	vmul.f32 $8.000000000e+00, v6  }
0x2af: {  	v10 =	vadd.f32 v10, v3;
	[tilespmem:s14+$0xFFFFFF10] =	vst v12;
	v7 =	vld [tilespmem:s12+$0x20];
	v8 =	vmul.f32 $8.000000000e+00, v8  }
0x2b0: {  	v12 =	vld [tilespmem:s12+$0xFFFFFF20];
	[tilespmem:s10+$0xFFFFFF40] =	vst v4;
	v4 =	vmul.f32 $8.000000000e+00, v11;
	v6 =	vadd.f32 v6, v1  }
0x2b1: {  	[tilespmem:s10+$0x40] =	vst v10;
	v11 =	vld [tilespmem:s0+$0xFFFFFF50];
	v9 =	vmul.f32 $8.000000000e+00, v9;
	v8 =	vadd.f32 v8, v0  }
0x2b2: {  	v10 =	vld [tilespmem:s0+$0x50];
	v5 =	vmul.f32 $8.000000000e+00, v5;
	v4 =	vadd.f32 v4, v2;
	[tilespmem:s7+$0x60] =	vst v6  }
0x2b3: {  	v6 =	vmul.f32 $8.000000000e+00, v13;
	v9 =	vadd.f32 v9, v2;
	[tilespmem:s7+$0xFFFFFF70] =	vst v8;
	v13 =	vld [tilespmem:s15+$0xFFFFFFF0]  }
0x2b4: {  	v8 =	vmul.f32 $8.000000000e+00, v7;
	v5 =	vadd.f32 v5, v1;
	[tilespmem:s10+$0xD0] =	vst v4;
	v4 =	vld [tilespmem:s15+$0x70]  }
0x2b5: {  	v12 =	vmul.f32 $8.000000000e+00, v12;
	v14 =	vadd.f32 v6, v1;
	[tilespmem:s10+$0xFFFFFFD0] =	vst v9;
	v7 =	vld [tilespmem:s0+$0xE0]  }
0x2b6: {  	v9 =	vadd.f32 v8, v1;
	[tilespmem:s14+$0xA0] =	vst v5;
	v5 =	vmul.f32 $8.000000000e+00, v11;
	v6 =	vld [tilespmem:s0+$0xFFFFFFE0]  }
0x2b7: {  	v8 =	vmul.f32 $8.000000000e+00, v10;
	v12 =	vadd.f32 v12, v1;
	[tilespmem:s14+$0xFFFFFFA0] =	vst v14;
	v11 =	vld [tilespmem:s12+$0xB0]  }
0x2b8: {  	s16 =	simm.s32 $0xB200;
	s15 =	simm.s32 $0x8;
	v10 =	vld [tilespmem:s12+$0xFFFFFFB0];
	[tilespmem:s14+$0x20] =	vst v9;
	v9 =	vadd.f32 v5, v2;
	v5 =	vmul.f32 $8.000000000e+00, v13  }
.LBB2_9:
0x2b9: {  	v13 =	vld [tilespmem:s16+$0x80];
	s15 =	sadd.s32 $0x4, s15;
	[tilespmem:s14+$0xFFFFFF20] =	vst v12;
	v8 =	vadd.f32 v8, v2;
	v4 =	vmul.f32 $8.000000000e+00, v4  }
0x2ba: {  	v12 =	vld [tilespmem:s16+$0xFFFFFF80];
	p2 =	slt.u32 s15, $0x3C;
	[tilespmem:s10+$0xFFFFFF50] =	vst v9;
	v7 =	vmul.f32 $8.000000000e+00, v7;
	v5 =	vadd.f32 v5, v0  }
0x2bb: {  	v9 =	vld [tilespmem:s16+$0x0];
	v6 =	vmul.f32 $8.000000000e+00, v6;
	[tilespmem:s10+$0x50] =	vst v8;
	v4 =	vadd.f32 v4, v0  }
0x2bc: {  	v8 =	vld [tilespmem:s16+$0xFFFFFF00];
	v11 =	vmul.f32 $8.000000000e+00, v11;
	v7 =	vadd.f32 v7, v1;
	[tilespmem:s7+$0xFFFFFFF0] =	vst v5  }
0x2bd: {  	v5 =	vld [tilespmem:s12+$0xFFFFFF30];
	v10 =	vmul.f32 $8.000000000e+00, v10;
	v6 =	vadd.f32 v6, v1;
	[tilespmem:s7+$0x70] =	vst v4;
	s7 =	smov.u32 s10;
	s10 =	smov.u32 s14  }
0x2be: {  	v4 =	vmul.f32 $8.000000000e+00, v13;
	v13 =	vld [tilespmem:s12+$0x30];
	v11 =	vadd.f32 v11, v0;
	[tilespmem:s7+$0xE0] =	vst v7  }
0x2bf: {  	v7 =	vmul.f32 $8.000000000e+00, v12;
	v10 =	vadd.f32 v10, v0;
	[tilespmem:s7+$0xFFFFFFE0] =	vst v6;
	v6 =	vld [tilespmem:s0+$0xF0]  }
0x2c0: {  	v9 =	vmul.f32 $8.000000000e+00, v9;
	v4 =	vadd.f32 v4, v3;
	[tilespmem:s14+$0xB0] =	vst v11;
	v11 =	vld [tilespmem:s0+$0xFFFFFF60]  }
0x2c1: {  	s14 =	sadd.s32 $0x200, s14;
	v8 =	vmul.f32 $8.000000000e+00, v8;
	v7 =	vadd.f32 v7, v3;
	[tilespmem:s10+$0xFFFFFFB0] =	vst v10;
	v10 =	vld [tilespmem:s12+$0xC0]  }
0x2c2: {  	v9 =	vadd.f32 v9, v3;
	[tilespmem:s14+$0x80] =	vst v4;
	v4 =	vmul.f32 $8.000000000e+00, v5;
	v5 =	vld [tilespmem:s12+$0xFFFFFFC0]  }
0x2c3: {  	v8 =	vadd.f32 v8, v3;
	[tilespmem:s14+$0xFFFFFF80] =	vst v7;
	v7 =	vld [tilespmem:s16+$0x90];
	v12 =	vmul.f32 $8.000000000e+00, v13  }
0x2c4: {  	v13 =	vld [tilespmem:s16+$0xFFFFFF90];
	[tilespmem:s14+$0x0] =	vst v9;
	v4 =	vadd.f32 v4, v0;
	v6 =	vmul.f32 $8.000000000e+00, v6  }
0x2c5: {  	[tilespmem:s14+$0xFFFFFF00] =	vst v8;
	v8 =	vld [tilespmem:s16+$0x10];
	v9 =	vadd.f32 v12, v0;
	v11 =	vmul.f32 $8.000000000e+00, v11  }
0x2c6: {  	v12 =	vld [tilespmem:s16+$0xFFFFFF10];
	[tilespmem:s10+$0xFFFFFF30] =	vst v4;
	v4 =	vmul.f32 $8.000000000e+00, v10;
	v6 =	vadd.f32 v6, v0  }
0x2c7: {  	v10 =	vld [tilespmem:s12+$0xFFFFFF40];
	v5 =	vmul.f32 $8.000000000e+00, v5;
	[tilespmem:s10+$0x30] =	vst v9;
	v9 =	vadd.f32 v11, v1  }
0x2c8: {  	v7 =	vmul.f32 $8.000000000e+00, v7;
	v11 =	vld [tilespmem:s12+$0x40];
	v4 =	vadd.f32 v4, v3;
	[tilespmem:s7+$0xF0] =	vst v6  }
0x2c9: {  	v6 =	vmul.f32 $8.000000000e+00, v13;
	v5 =	vadd.f32 v5, v3;
	[tilespmem:s7+$0xFFFFFF60] =	vst v9;
	v9 =	vld [tilespmem:s0+$0x60]  }
0x2ca: {  	v8 =	vmul.f32 $8.000000000e+00, v8;
	v7 =	vadd.f32 v7, v2;
	[tilespmem:s10+$0xC0] =	vst v4;
	v4 =	vld [tilespmem:s0+$0xFFFFFF70]  }
0x2cb: {  	v12 =	vmul.f32 $8.000000000e+00, v12;
	v6 =	vadd.f32 v6, v2;
	[tilespmem:s10+$0xFFFFFFC0] =	vst v5;
	v5 =	vld [tilespmem:s12+$0xD0]  }
0x2cc: {  	v8 =	vadd.f32 v8, v2;
	[tilespmem:s14+$0x90] =	vst v7;
	v7 =	vmul.f32 $8.000000000e+00, v10;
	v10 =	vld [tilespmem:s12+$0xFFFFFFD0]  }
0x2cd: {  	v12 =	vadd.f32 v12, v2;
	[tilespmem:s14+$0xFFFFFF90] =	vst v6;
	v6 =	vld [tilespmem:s16+$0xA0];
	v11 =	vmul.f32 $8.000000000e+00, v11  }
0x2ce: {  	v13 =	vld [tilespmem:s16+$0xFFFFFFA0];
	[tilespmem:s14+$0x10] =	vst v8;
	v7 =	vadd.f32 v7, v3;
	v8 =	vmul.f32 $8.000000000e+00, v9  }
0x2cf: {  	[tilespmem:s14+$0xFFFFFF10] =	vst v12;
	v9 =	vld [tilespmem:s16+$0x20];
	v11 =	vadd.f32 v11, v3;
	v4 =	vmul.f32 $8.000000000e+00, v4  }
0x2d0: {  	v12 =	vld [tilespmem:s16+$0xFFFFFF20];
	[tilespmem:s10+$0xFFFFFF40] =	vst v7;
	v5 =	vmul.f32 $8.000000000e+00, v5;
	v7 =	vadd.f32 v8, v1  }
0x2d1: {  	v8 =	vld [tilespmem:s12+$0xFFFFFF50];
	v10 =	vmul.f32 $8.000000000e+00, v10;
	[tilespmem:s10+$0x40] =	vst v11;
	v4 =	vadd.f32 v4, v0  }
0x2d2: {  	v6 =	vmul.f32 $8.000000000e+00, v6;
	v14 =	vld [tilespmem:s12+$0x50];
	v5 =	vadd.f32 v5, v2;
	[tilespmem:s7+$0x60] =	vst v7  }
0x2d3: {  	v7 =	vmul.f32 $8.000000000e+00, v13;
	v10 =	vadd.f32 v10, v2;
	[tilespmem:s7+$0xFFFFFF70] =	vst v4;
	v13 =	vld [tilespmem:s0+$0xFFFFFFF0]  }
.Ltmp5:
0x2d4: {  	v9 =	vmul.f32 $8.000000000e+00, v9;
	v6 =	vadd.f32 v6, v1;
	[tilespmem:s10+$0xD0] =	vst v5;
	v4 =	vld [tilespmem:s0+$0x70];
	s0 =	smov.u32 s12;
	s12 =	smov.u32 s16;
	(pc) =	sbr.rel @p2 .LBB2_9-.Ltmp5, $4  }
0x2d5: {  	v5 =	vmul.f32 $8.000000000e+00, v12;
	v11 =	vadd.f32 v7, v1;
	[tilespmem:s10+$0xFFFFFFD0] =	vst v10;
	v7 =	vld [tilespmem:s0+$0xE0]  }
0x2d6: {  	v9 =	vadd.f32 v9, v1;
	[tilespmem:s14+$0xA0] =	vst v6;
	v15 =	vmul.f32 $8.000000000e+00, v8;
	v6 =	vld [tilespmem:s0+$0xFFFFFFE0]  }
0x2d7: {  	v12 =	vadd.f32 v5, v1;
	[tilespmem:s14+$0xFFFFFFA0] =	vst v11;
	v11 =	vld [tilespmem:s16+$0xB0];
	v8 =	vmul.f32 $8.000000000e+00, v14  }
0x2d8: {  	s16 =	sadd.s32 $0x200, s16;
	v10 =	vld [tilespmem:s12+$0xFFFFFFB0];
	[tilespmem:s14+$0x20] =	vst v9;
	v9 =	vadd.f32 v15, v2;
	v5 =	vmul.f32 $8.000000000e+00, v13  }
0x2d9: {  	[tilespmem:s14+$0xFFFFFF20] =	vst v12  }
0x2da: {  	v12 =	vld [tilespmem:s12+$0xFFFFFF30];
	_ =	sdelay $0x1  }
0x2db: {  	v13 =	vld [tilespmem:s12+$0x30];
	_ =	sdelay $0x1  }
0x2dc: {  	v11 =	vmul.f32 $8.000000000e+00, v11  }
0x2dd: {  	v12 =	vmul.f32 $8.000000000e+00, v12  }
0x2de: {  	v10 =	vmul.f32 $8.000000000e+00, v10;
	v11 =	vadd.f32 v11, v0  }
0x2df: {  	v13 =	vmul.f32 $8.000000000e+00, v13;
	v12 =	vadd.f32 v12, v0  }
0x2e0: {  	v10 =	vadd.f32 v10, v0;
	[tilespmem:s14+$0xB0] =	vst v11  }
0x2e1: {  	v13 =	vadd.f32 v13, v0;
	v11 =	vld [tilespmem:s12+$0xC0];
	[tilespmem:s14+$0xFFFFFF30] =	vst v12  }
0x2e2: {  	[tilespmem:s14+$0xFFFFFFB0] =	vst v10;
	v10 =	vld [tilespmem:s12+$0xFFFFFF40]  }
0x2e3: {  	[tilespmem:s14+$0x30] =	vst v13;
	v12 =	vld [tilespmem:s12+$0xFFFFFFC0]  }
0x2e4: {  	v13 =	vld [tilespmem:s12+$0x40];
	_ =	sdelay $0x1  }
0x2e5: {  	v11 =	vmul.f32 $8.000000000e+00, v11  }
0x2e6: {  	v10 =	vmul.f32 $8.000000000e+00, v10  }
0x2e7: {  	v12 =	vmul.f32 $8.000000000e+00, v12;
	v11 =	vadd.f32 v11, v3  }
0x2e8: {  	v13 =	vmul.f32 $8.000000000e+00, v13;
	v10 =	vadd.f32 v10, v3  }
0x2e9: {  	v12 =	vadd.f32 v12, v3;
	[tilespmem:s14+$0xC0] =	vst v11  }
0x2ea: {  	v11 =	vld [tilespmem:s12+$0xD0];
	v3 =	vadd.f32 v13, v3;
	[tilespmem:s14+$0xFFFFFF40] =	vst v10  }
0x2eb: {  	[tilespmem:s14+$0xFFFFFFC0] =	vst v12;
	v10 =	vld [tilespmem:s12+$0xFFFFFF50]  }
0x2ec: {  	v12 =	vld [tilespmem:s12+$0xFFFFFFD0];
	[tilespmem:s14+$0x40] =	vst v3  }
0x2ed: {  	v3 =	vld [tilespmem:s12+$0x50];
	_ =	sdelay $0x1  }
0x2ee: {  	v11 =	vmul.f32 $8.000000000e+00, v11  }
0x2ef: {  	v8 =	vadd.f32 v8, v2;
	[tilespmem:s10+$0xFFFFFF50] =	vst v9;
	v9 =	vmul.f32 $8.000000000e+00, v10  }
0x2f0: {  	v12 =	vmul.f32 $8.000000000e+00, v12;
	v11 =	vadd.f32 v11, v2;
	v10 =	vld [tilespmem:s0+$0xFFFFFF60]  }
0x2f1: {  	[tilespmem:s10+$0x50] =	vst v8;
	v3 =	vmul.f32 $8.000000000e+00, v3;
	v8 =	vadd.f32 v9, v2  }
0x2f2: {  	v12 =	vadd.f32 v12, v2;
	[tilespmem:s14+$0xD0] =	vst v11;
	v9 =	vld [tilespmem:s0+$0x60]  }
0x2f3: {  	v11 =	vld [tilespmem:s12+$0xE0];
	v2 =	vadd.f32 v3, v2;
	[tilespmem:s14+$0xFFFFFF50] =	vst v8  }
0x2f4: {  	v3 =	vmul.f32 $8.000000000e+00, v7;
	[tilespmem:s14+$0xFFFFFFD0] =	vst v12;
	v7 =	vld [tilespmem:s12+$0xFFFFFF60]  }
0x2f5: {  	[tilespmem:s14+$0x50] =	vst v2;
	v8 =	vmul.f32 $8.000000000e+00, v10;
	v10 =	vld [tilespmem:s12+$0xFFFFFFE0]  }
0x2f6: {  	v2 =	vmul.f32 $8.000000000e+00, v6;
	v3 =	vadd.f32 v3, v1;
	v6 =	vld [tilespmem:s12+$0x60]  }
0x2f7: {  	v8 =	vadd.f32 v8, v1;
	v9 =	vmul.f32 $8.000000000e+00, v9  }
0x2f8: {  	v2 =	vadd.f32 v2, v1;
	[tilespmem:s10+$0xE0] =	vst v3;
	v3 =	vmul.f32 $8.000000000e+00, v11  }
0x2f9: {  	v11 =	vld [tilespmem:s0+$0xF0];
	[tilespmem:s10+$0xFFFFFF60] =	vst v8;
	v8 =	vadd.f32 v9, v1;
	v7 =	vmul.f32 $8.000000000e+00, v7  }
0x2fa: {  	[tilespmem:s10+$0xFFFFFFE0] =	vst v2;
	v3 =	vadd.f32 v3, v1;
	v2 =	vld [tilespmem:s0+$0xFFFFFF70];
	v9 =	vmul.f32 $8.000000000e+00, v10  }
0x2fb: {  	v6 =	vmul.f32 $8.000000000e+00, v6;
	[tilespmem:s10+$0x60] =	vst v8;
	v8 =	vld [tilespmem:s0+$0xFFFFFFF0];
	v7 =	vadd.f32 v7, v1  }
0x2fc: {  	[tilespmem:s14+$0xE0] =	vst v3;
	v10 =	vld [tilespmem:s0+$0x70];
	v9 =	vadd.f32 v9, v1  }
0x2fd: {  	v3 =	vmul.f32 $8.000000000e+00, v4;
	v4 =	vld [tilespmem:s12+$0xF0];
	v1 =	vadd.f32 v6, v1;
	[tilespmem:s14+$0xFFFFFF60] =	vst v7  }
0x2fe: {  	v5 =	vadd.f32 v5, v0;
	v6 =	vmul.f32 $8.000000000e+00, v11;
	[tilespmem:s14+$0xFFFFFFE0] =	vst v9;
	v7 =	vld [tilespmem:s12+$0xFFFFFF70]  }
0x2ff: {  	v3 =	vadd.f32 v3, v0;
	[tilespmem:s14+$0x60] =	vst v1;
	v2 =	vmul.f32 $8.000000000e+00, v2;
	v1 =	vld [tilespmem:s12+$0xFFFFFFF0]  }
0x300: {  	[tilespmem:s7+$0xFFFFFFF0] =	vst v5;
	v5 =	vadd.f32 v6, v0;
	v6 =	vmul.f32 $8.000000000e+00, v8;
	v8 =	vld [tilespmem:s12+$0x70]  }
0x301: {  	[tilespmem:s7+$0x70] =	vst v3;
	v2 =	vadd.f32 v2, v0;
	v3 =	vmul.f32 $8.000000000e+00, v10  }
0x302: {  	[tilespmem:s10+$0xF0] =	vst v5;
	v4 =	vmul.f32 $8.000000000e+00, v4;
	v5 =	vadd.f32 v6, v0  }
0x303: {  	[tilespmem:s10+$0xFFFFFF70] =	vst v2;
	v2 =	vadd.f32 v3, v0;
	v3 =	vmul.f32 $8.000000000e+00, v7  }
0x304: {  	v4 =	vadd.f32 v4, v0;
	[tilespmem:s10+$0xFFFFFFF0] =	vst v5;
	v1 =	vmul.f32 $8.000000000e+00, v1  }
0x305: {  	[tilespmem:s10+$0x70] =	vst v2;
	v2 =	vadd.f32 v3, v0;
	v3 =	vmul.f32 $8.000000000e+00, v8  }
0x306: {  	s16 =	sshll.u32 s6, $0xD;
	[tilespmem:s14+$0xF0] =	vst v4;
	v1 =	vadd.f32 v1, v0  }
0x307: {  	s0 =	sadd.s32 s9, s16;
	[tilespmem:s14+$0xFFFFFF70] =	vst v2;
	v0 =	vadd.f32 v3, v0  }
0x308: {  	s0 =	sshrl.u32 s0, $0x3;
	[tilespmem:s14+$0xFFFFFFF0] =	vst v1  }
0x309: {  	s0 =	sadd.s32 s2, s0;
	[tilespmem:s14+$0x70] =	vst v0  }
0x30a: {  	[hbm4b:s0+s3] =	stream.linear.scatter [tilespmem:s30], [sflag:$0x9], $0x2000, $0x38;
	[tilespmem:$0x18B00] =	vst v63  }
0x30b: {  	s6 =	simm.s32 @!p1 $0x80;
	s7 =	simm.s32 @!p1 $0xAB00;
	s0 =	sadd.s32 @!p1 $0x400, s20  }
0x30c: {  	[tilespmem:s7], [sflag:$0x4] =	stream.indirect.gather @!p1 [hbm4b:s5+s6], $0x40, s0, s6, $0xb8;
	[tilespmem:$0x18B00] =	vst v63  }
0x30d: {  	_ =	swait.ge [sflag:s31], $0x2000  }
0x30e: {  	[sflag:s31] =	ssyncset.done $0x0  }
0x30f: {  	s0 =	simm.s32 @!p0 $0xA;
	[sflag:s31] =	ssyncadd.s32 $0xFFFFE000  }
0x310: {  	s6 =	sadd.s32 $0x4, s19;
	_ =	swait.ge @!p0 [sflag:s0], $0x2000  }
0x311: {  	s19 =	sshll.u32 s6, $0x7;
	[sflag:s0] =	ssyncset.done @!p0 $0x0  }
0x312: {  	s15 =	simm.s32 $0xCC00;
	s20 =	sadd.s32 s4, s19;
	[sflag:s0] =	ssyncadd.s32 @!p0 $0xFFFFE000  }
0x313: {  	s0 =	sshrl.u32 s20, $0x4;
	v0 =	vld [tilespmem:s15+$0x80]  }
0x314: {  	s0 =	sand.u32 $0x7FFFFC0, s0;
	v4 =	vld [tilespmem:s15+$0xFFFFFF80]  }
0x315: {  	v3 =	vld [tilespmem:s0+$0x1900];
	_ =	sdelay $0x2  }
0x316: {  	v6 =	vld [tilespmem:s15+$0xFFFFFF00];
	v5 =	vmul.f32 $8.000000000e+00, v0  }
0x317: {  	v7 =	vld [tilespmem:s15+$0x0];
	v4 =	vmul.f32 $8.000000000e+00, v4  }
0x318: {  	v2 =	vld [tilespmem:s0+$0x1910];
	v5 =	vadd.f32 v5, v3  }
0x319: {  	s7 =	simm.s32 $0x16C00;
	v1 =	vld [tilespmem:s0+$0x1920];
	v4 =	vadd.f32 v4, v3  }
0x31a: {  	v0 =	vld [tilespmem:s0+$0x1930];
	[tilespmem:s7+$0x80] =	vst v5  }
0x31b: {  	[tilespmem:s7+$0xFFFFFF80] =	vst v4;
	v4 =	vld [tilespmem:s15+$0x90]  }
0x31c: {  	v5 =	vld [tilespmem:s15+$0xFFFFFF90];
	_ =	sdelay $0x1  }
0x31d: {  	v6 =	vmul.f32 $8.000000000e+00, v6  }
0x31e: {  	v7 =	vmul.f32 $8.000000000e+00, v7  }
0x31f: {  	v6 =	vadd.f32 v6, v3;
	v4 =	vmul.f32 $8.000000000e+00, v4  }
0x320: {  	v7 =	vadd.f32 v7, v3;
	v5 =	vmul.f32 $8.000000000e+00, v5  }
0x321: {  	[tilespmem:s7+$0xFFFFFF00] =	vst v6;
	v4 =	vadd.f32 v4, v2  }
0x322: {  	[tilespmem:s7+$0x0] =	vst v7;
	v6 =	vld [tilespmem:s15+$0xFFFFFF10];
	v5 =	vadd.f32 v5, v2  }
0x323: {  	v7 =	vld [tilespmem:s15+$0x10];
	[tilespmem:s7+$0x90] =	vst v4  }
0x324: {  	[tilespmem:s7+$0xFFFFFF90] =	vst v5;
	v4 =	vld [tilespmem:s15+$0xA0]  }
0x325: {  	v5 =	vld [tilespmem:s15+$0xFFFFFFA0];
	_ =	sdelay $0x1  }
0x326: {  	v6 =	vmul.f32 $8.000000000e+00, v6  }
0x327: {  	v7 =	vmul.f32 $8.000000000e+00, v7  }
0x328: {  	v6 =	vadd.f32 v6, v2;
	v4 =	vmul.f32 $8.000000000e+00, v4  }
0x329: {  	v7 =	vadd.f32 v7, v2;
	v5 =	vmul.f32 $8.000000000e+00, v5  }
0x32a: {  	[tilespmem:s7+$0xFFFFFF10] =	vst v6;
	v4 =	vadd.f32 v4, v1  }
0x32b: {  	[tilespmem:s7+$0x10] =	vst v7;
	v6 =	vld [tilespmem:s15+$0xFFFFFF20];
	v5 =	vadd.f32 v5, v1  }
0x32c: {  	v7 =	vld [tilespmem:s15+$0x20];
	[tilespmem:s7+$0xA0] =	vst v4  }
0x32d: {  	[tilespmem:s7+$0xFFFFFFA0] =	vst v5;
	v4 =	vld [tilespmem:s15+$0xB0]  }
0x32e: {  	s0 =	simm.s32 $0xCE00;
	v5 =	vld [tilespmem:s15+$0xFFFFFFB0]  }
0x32f: {  	v8 =	vld [tilespmem:s0+$0x80]  }
0x330: {  	v9 =	vld [tilespmem:s0+$0xFFFFFF80];
	v6 =	vmul.f32 $8.000000000e+00, v6  }
0x331: {  	v7 =	vmul.f32 $8.000000000e+00, v7  }
0x332: {  	v6 =	vadd.f32 v6, v1;
	v4 =	vmul.f32 $8.000000000e+00, v4  }
0x333: {  	v10 =	vld [tilespmem:s0+$0x0];
	v7 =	vadd.f32 v7, v1;
	v5 =	vmul.f32 $8.000000000e+00, v5  }
0x334: {  	v8 =	vmul.f32 $8.000000000e+00, v8;
	[tilespmem:s7+$0xFFFFFF20] =	vst v6;
	v6 =	vld [tilespmem:s0+$0xFFFFFF00];
	v4 =	vadd.f32 v4, v0  }
0x335: {  	v9 =	vmul.f32 $8.000000000e+00, v9;
	[tilespmem:s7+$0x20] =	vst v7;
	v7 =	vld [tilespmem:s15+$0xFFFFFF30];
	v5 =	vadd.f32 v5, v0  }
0x336: {  	v8 =	vadd.f32 v8, v3;
	v11 =	vld [tilespmem:s15+$0x30];
	[tilespmem:s7+$0xB0] =	vst v4  }
0x337: {  	s10 =	simm.s32 $0x16E00;
	v4 =	vadd.f32 v9, v3;
	[tilespmem:s7+$0xFFFFFFB0] =	vst v5;
	v5 =	vld [tilespmem:s15+$0xC0]  }
0x338: {  	[tilespmem:s10+$0x80] =	vst v8;
	v9 =	vmul.f32 $8.000000000e+00, v10;
	v8 =	vld [tilespmem:s15+$0xFFFFFFC0]  }
0x339: {  	v6 =	vmul.f32 $8.000000000e+00, v6;
	[tilespmem:s10+$0xFFFFFF80] =	vst v4;
	v4 =	vld [tilespmem:s0+$0x90]  }
0x33a: {  	v7 =	vmul.f32 $8.000000000e+00, v7;
	v9 =	vadd.f32 v9, v3;
	v10 =	vld [tilespmem:s0+$0xFFFFFF90]  }
0x33b: {  	v11 =	vmul.f32 $8.000000000e+00, v11;
	v6 =	vadd.f32 v6, v3  }
0x33c: {  	v7 =	vadd.f32 v7, v0;
	[tilespmem:s10+$0x0] =	vst v9;
	v5 =	vmul.f32 $8.000000000e+00, v5  }
0x33d: {  	[tilespmem:s10+$0xFFFFFF00] =	vst v6;
	v9 =	vadd.f32 v11, v0;
	v6 =	vld [tilespmem:s0+$0x10];
	v8 =	vmul.f32 $8.000000000e+00, v8  }
0x33e: {  	[tilespmem:s7+$0xFFFFFF30] =	vst v7;
	v11 =	vld [tilespmem:s0+$0xFFFFFF10];
	v4 =	vmul.f32 $8.000000000e+00, v4;
	v5 =	vadd.f32 v5, v3  }
0x33f: {  	v7 =	vld [tilespmem:s15+$0xFFFFFF40];
	[tilespmem:s7+$0x30] =	vst v9;
	v9 =	vmul.f32 $8.000000000e+00, v10;
	v8 =	vadd.f32 v8, v3  }
0x340: {  	v10 =	vld [tilespmem:s15+$0x40];
	v4 =	vadd.f32 v4, v2;
	[tilespmem:s7+$0xC0] =	vst v5  }
0x341: {  	v5 =	vadd.f32 v9, v2;
	[tilespmem:s7+$0xFFFFFFC0] =	vst v8;
	v8 =	vld [tilespmem:s15+$0xD0]  }
0x342: {  	v6 =	vmul.f32 $8.000000000e+00, v6;
	[tilespmem:s10+$0x90] =	vst v4;
	v4 =	vld [tilespmem:s15+$0xFFFFFFD0]  }
0x343: {  	v9 =	vmul.f32 $8.000000000e+00, v11;
	[tilespmem:s10+$0xFFFFFF90] =	vst v5;
	v5 =	vld [tilespmem:s0+$0xA0]  }
0x344: {  	v7 =	vmul.f32 $8.000000000e+00, v7;
	v6 =	vadd.f32 v6, v2;
	v11 =	vld [tilespmem:s0+$0xFFFFFFA0]  }
0x345: {  	v9 =	vadd.f32 v9, v2;
	v10 =	vmul.f32 $8.000000000e+00, v10  }
0x346: {  	[tilespmem:s10+$0x10] =	vst v6;
	v6 =	vadd.f32 v7, v3;
	v7 =	vmul.f32 $8.000000000e+00, v8  }
0x347: {  	[tilespmem:s10+$0xFFFFFF10] =	vst v9;
	v9 =	vadd.f32 v10, v3;
	v8 =	vld [tilespmem:s0+$0x20];
	v4 =	vmul.f32 $8.000000000e+00, v4  }
0x348: {  	v10 =	vld [tilespmem:s0+$0xFFFFFF20];
	[tilespmem:s7+$0xFFFFFF40] =	vst v6;
	v5 =	vmul.f32 $8.000000000e+00, v5;
	v6 =	vadd.f32 v7, v2  }
0x349: {  	[tilespmem:s7+$0x40] =	vst v9;
	v7 =	vld [tilespmem:s15+$0xFFFFFF50];
	v9 =	vmul.f32 $8.000000000e+00, v11;
	v4 =	vadd.f32 v4, v2  }
0x34a: {  	v11 =	vld [tilespmem:s15+$0x50];
	v5 =	vadd.f32 v5, v1;
	[tilespmem:s7+$0xD0] =	vst v6  }
0x34b: {  	v6 =	vadd.f32 v9, v1;
	[tilespmem:s7+$0xFFFFFFD0] =	vst v4;
	v4 =	vld [tilespmem:s15+$0xE0]  }
0x34c: {  	v8 =	vmul.f32 $8.000000000e+00, v8;
	[tilespmem:s10+$0xA0] =	vst v5;
	v5 =	vld [tilespmem:s15+$0xFFFFFFE0]  }
0x34d: {  	v9 =	vmul.f32 $8.000000000e+00, v10;
	[tilespmem:s10+$0xFFFFFFA0] =	vst v6;
	v6 =	vld [tilespmem:s0+$0xB0]  }
0x34e: {  	s12 =	simm.s32 $0xD000;
	v8 =	vadd.f32 v8, v1;
	v7 =	vmul.f32 $8.000000000e+00, v7;
	v10 =	vld [tilespmem:s0+$0xFFFFFFB0]  }
0x34f: {  	v12 =	vld [tilespmem:s12+$0x80];
	v9 =	vadd.f32 v9, v1;
	v11 =	vmul.f32 $8.000000000e+00, v11  }
0x350: {  	[tilespmem:s10+$0x20] =	vst v8;
	v7 =	vadd.f32 v7, v2;
	v8 =	vld [tilespmem:s12+$0xFFFFFF80];
	v4 =	vmul.f32 $8.000000000e+00, v4  }
0x351: {  	[tilespmem:s10+$0xFFFFFF20] =	vst v9;
	v9 =	vadd.f32 v11, v2;
	v11 =	vld [tilespmem:s12+$0x0];
	v5 =	vmul.f32 $8.000000000e+00, v5  }
0x352: {  	[tilespmem:s7+$0xFFFFFF50] =	vst v7;
	v7 =	vld [tilespmem:s12+$0xFFFFFF00];
	v6 =	vmul.f32 $8.000000000e+00, v6;
	v4 =	vadd.f32 v4, v1  }
0x353: {  	[tilespmem:s7+$0x50] =	vst v9;
	v9 =	vld [tilespmem:s0+$0xFFFFFF30];
	v10 =	vmul.f32 $8.000000000e+00, v10;
	v5 =	vadd.f32 v5, v1  }
0x354: {  	v12 =	vmul.f32 $8.000000000e+00, v12;
	v13 =	vld [tilespmem:s0+$0x30];
	v6 =	vadd.f32 v6, v0;
	[tilespmem:s7+$0xE0] =	vst v4  }
0x355: {  	v4 =	vmul.f32 $8.000000000e+00, v8;
	v8 =	vadd.f32 v10, v0;
	[tilespmem:s7+$0xFFFFFFE0] =	vst v5;
	v5 =	vld [tilespmem:s15+$0xF0]  }
0x356: {  	v10 =	vmul.f32 $8.000000000e+00, v11;
	v11 =	vadd.f32 v12, v3;
	[tilespmem:s10+$0xB0] =	vst v6;
	v6 =	vld [tilespmem:s15+$0xFFFFFF60]  }
0x357: {  	s14 =	simm.s32 $0x17000;
	v7 =	vmul.f32 $8.000000000e+00, v7;
	v4 =	vadd.f32 v4, v3;
	[tilespmem:s10+$0xFFFFFFB0] =	vst v8;
	v8 =	vld [tilespmem:s0+$0xC0]  }
0x358: {  	v10 =	vadd.f32 v10, v3;
	[tilespmem:s14+$0x80] =	vst v11;
	v9 =	vmul.f32 $8.000000000e+00, v9;
	v11 =	vld [tilespmem:s0+$0xFFFFFFC0]  }
0x359: {  	v12 =	vmul.f32 $8.000000000e+00, v13;
	v7 =	vadd.f32 v7, v3;
	[tilespmem:s14+$0xFFFFFF80] =	vst v4;
	v4 =	vld [tilespmem:s12+$0x90]  }
0x35a: {  	[tilespmem:s14+$0x0] =	vst v10;
	v9 =	vadd.f32 v9, v0;
	v13 =	vld [tilespmem:s12+$0xFFFFFF90];
	v5 =	vmul.f32 $8.000000000e+00, v5  }
0x35b: {  	v10 =	vadd.f32 v12, v0;
	[tilespmem:s14+$0xFFFFFF00] =	vst v7;
	v7 =	vld [tilespmem:s12+$0x10];
	v6 =	vmul.f32 $8.000000000e+00, v6  }
0x35c: {  	[tilespmem:s10+$0xFFFFFF30] =	vst v9;
	v12 =	vld [tilespmem:s12+$0xFFFFFF10];
	v8 =	vmul.f32 $8.000000000e+00, v8;
	v5 =	vadd.f32 v5, v0  }
0x35d: {  	[tilespmem:s10+$0x30] =	vst v10;
	v9 =	vld [tilespmem:s0+$0xFFFFFF40];
	v11 =	vmul.f32 $8.000000000e+00, v11;
	v6 =	vadd.f32 v6, v1  }
0x35e: {  	v10 =	vld [tilespmem:s0+$0x40];
	v4 =	vmul.f32 $8.000000000e+00, v4;
	v8 =	vadd.f32 v8, v3;
	[tilespmem:s7+$0xF0] =	vst v5  }
0x35f: {  	v5 =	vmul.f32 $8.000000000e+00, v13;
	v11 =	vadd.f32 v11, v3;
	[tilespmem:s7+$0xFFFFFF60] =	vst v6;
	v6 =	vld [tilespmem:s15+$0x60]  }
0x360: {  	v7 =	vmul.f32 $8.000000000e+00, v7;
	v4 =	vadd.f32 v4, v2;
	[tilespmem:s10+$0xC0] =	vst v8;
	v8 =	vld [tilespmem:s15+$0xFFFFFF70]  }
0x361: {  	v12 =	vmul.f32 $8.000000000e+00, v12;
	v5 =	vadd.f32 v5, v2;
	[tilespmem:s10+$0xFFFFFFC0] =	vst v11;
	v11 =	vld [tilespmem:s0+$0xD0]  }
0x362: {  	v7 =	vadd.f32 v7, v2;
	[tilespmem:s14+$0x90] =	vst v4;
	v4 =	vmul.f32 $8.000000000e+00, v9;
	v9 =	vld [tilespmem:s0+$0xFFFFFFD0]  }
0x363: {  	v10 =	vmul.f32 $8.000000000e+00, v10;
	v12 =	vadd.f32 v12, v2;
	[tilespmem:s14+$0xFFFFFF90] =	vst v5;
	v5 =	vld [tilespmem:s12+$0xA0]  }
0x364: {  	v13 =	vld [tilespmem:s12+$0xFFFFFFA0];
	[tilespmem:s14+$0x10] =	vst v7;
	v4 =	vadd.f32 v4, v3;
	v6 =	vmul.f32 $8.000000000e+00, v6  }
0x365: {  	v10 =	vadd.f32 v10, v3;
	[tilespmem:s14+$0xFFFFFF10] =	vst v12;
	v7 =	vld [tilespmem:s12+$0x20];
	v8 =	vmul.f32 $8.000000000e+00, v8  }
0x366: {  	v12 =	vld [tilespmem:s12+$0xFFFFFF20];
	[tilespmem:s10+$0xFFFFFF40] =	vst v4;
	v4 =	vmul.f32 $8.000000000e+00, v11;
	v6 =	vadd.f32 v6, v1  }
0x367: {  	[tilespmem:s10+$0x40] =	vst v10;
	v11 =	vld [tilespmem:s0+$0xFFFFFF50];
	v9 =	vmul.f32 $8.000000000e+00, v9;
	v8 =	vadd.f32 v8, v0  }
0x368: {  	v10 =	vld [tilespmem:s0+$0x50];
	v5 =	vmul.f32 $8.000000000e+00, v5;
	v4 =	vadd.f32 v4, v2;
	[tilespmem:s7+$0x60] =	vst v6  }
0x369: {  	v6 =	vmul.f32 $8.000000000e+00, v13;
	v9 =	vadd.f32 v9, v2;
	[tilespmem:s7+$0xFFFFFF70] =	vst v8;
	v13 =	vld [tilespmem:s15+$0xFFFFFFF0]  }
0x36a: {  	v8 =	vmul.f32 $8.000000000e+00, v7;
	v5 =	vadd.f32 v5, v1;
	[tilespmem:s10+$0xD0] =	vst v4;
	v4 =	vld [tilespmem:s15+$0x70]  }
0x36b: {  	v12 =	vmul.f32 $8.000000000e+00, v12;
	v14 =	vadd.f32 v6, v1;
	[tilespmem:s10+$0xFFFFFFD0] =	vst v9;
	v7 =	vld [tilespmem:s0+$0xE0]  }
0x36c: {  	v9 =	vadd.f32 v8, v1;
	[tilespmem:s14+$0xA0] =	vst v5;
	v5 =	vmul.f32 $8.000000000e+00, v11;
	v6 =	vld [tilespmem:s0+$0xFFFFFFE0]  }
0x36d: {  	v8 =	vmul.f32 $8.000000000e+00, v10;
	v12 =	vadd.f32 v12, v1;
	[tilespmem:s14+$0xFFFFFFA0] =	vst v14;
	v11 =	vld [tilespmem:s12+$0xB0]  }
0x36e: {  	s16 =	simm.s32 $0xD200;
	s15 =	simm.s32 $0x8;
	v10 =	vld [tilespmem:s12+$0xFFFFFFB0];
	[tilespmem:s14+$0x20] =	vst v9;
	v9 =	vadd.f32 v5, v2;
	v5 =	vmul.f32 $8.000000000e+00, v13  }
.LBB2_11:
0x36f: {  	v13 =	vld [tilespmem:s16+$0x80];
	s15 =	sadd.s32 $0x4, s15;
	[tilespmem:s14+$0xFFFFFF20] =	vst v12;
	v8 =	vadd.f32 v8, v2;
	v4 =	vmul.f32 $8.000000000e+00, v4  }
0x370: {  	v12 =	vld [tilespmem:s16+$0xFFFFFF80];
	p0 =	slt.u32 s15, $0x3C;
	[tilespmem:s10+$0xFFFFFF50] =	vst v9;
	v7 =	vmul.f32 $8.000000000e+00, v7;
	v5 =	vadd.f32 v5, v0  }
0x371: {  	v9 =	vld [tilespmem:s16+$0x0];
	v6 =	vmul.f32 $8.000000000e+00, v6;
	[tilespmem:s10+$0x50] =	vst v8;
	v4 =	vadd.f32 v4, v0  }
0x372: {  	v8 =	vld [tilespmem:s16+$0xFFFFFF00];
	v11 =	vmul.f32 $8.000000000e+00, v11;
	v7 =	vadd.f32 v7, v1;
	[tilespmem:s7+$0xFFFFFFF0] =	vst v5  }
0x373: {  	v5 =	vld [tilespmem:s12+$0xFFFFFF30];
	v10 =	vmul.f32 $8.000000000e+00, v10;
	v6 =	vadd.f32 v6, v1;
	[tilespmem:s7+$0x70] =	vst v4;
	s7 =	smov.u32 s10;
	s10 =	smov.u32 s14  }
0x374: {  	v4 =	vmul.f32 $8.000000000e+00, v13;
	v13 =	vld [tilespmem:s12+$0x30];
	v11 =	vadd.f32 v11, v0;
	[tilespmem:s7+$0xE0] =	vst v7  }
0x375: {  	v7 =	vmul.f32 $8.000000000e+00, v12;
	v10 =	vadd.f32 v10, v0;
	[tilespmem:s7+$0xFFFFFFE0] =	vst v6;
	v6 =	vld [tilespmem:s0+$0xF0]  }
0x376: {  	v9 =	vmul.f32 $8.000000000e+00, v9;
	v4 =	vadd.f32 v4, v3;
	[tilespmem:s14+$0xB0] =	vst v11;
	v11 =	vld [tilespmem:s0+$0xFFFFFF60]  }
0x377: {  	s14 =	sadd.s32 $0x200, s14;
	v8 =	vmul.f32 $8.000000000e+00, v8;
	v7 =	vadd.f32 v7, v3;
	[tilespmem:s10+$0xFFFFFFB0] =	vst v10;
	v10 =	vld [tilespmem:s12+$0xC0]  }
0x378: {  	v9 =	vadd.f32 v9, v3;
	[tilespmem:s14+$0x80] =	vst v4;
	v4 =	vmul.f32 $8.000000000e+00, v5;
	v5 =	vld [tilespmem:s12+$0xFFFFFFC0]  }
0x379: {  	v8 =	vadd.f32 v8, v3;
	[tilespmem:s14+$0xFFFFFF80] =	vst v7;
	v7 =	vld [tilespmem:s16+$0x90];
	v12 =	vmul.f32 $8.000000000e+00, v13  }
0x37a: {  	v13 =	vld [tilespmem:s16+$0xFFFFFF90];
	[tilespmem:s14+$0x0] =	vst v9;
	v4 =	vadd.f32 v4, v0;
	v6 =	vmul.f32 $8.000000000e+00, v6  }
0x37b: {  	[tilespmem:s14+$0xFFFFFF00] =	vst v8;
	v8 =	vld [tilespmem:s16+$0x10];
	v9 =	vadd.f32 v12, v0;
	v11 =	vmul.f32 $8.000000000e+00, v11  }
0x37c: {  	v12 =	vld [tilespmem:s16+$0xFFFFFF10];
	[tilespmem:s10+$0xFFFFFF30] =	vst v4;
	v4 =	vmul.f32 $8.000000000e+00, v10;
	v6 =	vadd.f32 v6, v0  }
0x37d: {  	v10 =	vld [tilespmem:s12+$0xFFFFFF40];
	v5 =	vmul.f32 $8.000000000e+00, v5;
	[tilespmem:s10+$0x30] =	vst v9;
	v9 =	vadd.f32 v11, v1  }
0x37e: {  	v7 =	vmul.f32 $8.000000000e+00, v7;
	v11 =	vld [tilespmem:s12+$0x40];
	v4 =	vadd.f32 v4, v3;
	[tilespmem:s7+$0xF0] =	vst v6  }
0x37f: {  	v6 =	vmul.f32 $8.000000000e+00, v13;
	v5 =	vadd.f32 v5, v3;
	[tilespmem:s7+$0xFFFFFF60] =	vst v9;
	v9 =	vld [tilespmem:s0+$0x60]  }
0x380: {  	v8 =	vmul.f32 $8.000000000e+00, v8;
	v7 =	vadd.f32 v7, v2;
	[tilespmem:s10+$0xC0] =	vst v4;
	v4 =	vld [tilespmem:s0+$0xFFFFFF70]  }
0x381: {  	v12 =	vmul.f32 $8.000000000e+00, v12;
	v6 =	vadd.f32 v6, v2;
	[tilespmem:s10+$0xFFFFFFC0] =	vst v5;
	v5 =	vld [tilespmem:s12+$0xD0]  }
0x382: {  	v8 =	vadd.f32 v8, v2;
	[tilespmem:s14+$0x90] =	vst v7;
	v7 =	vmul.f32 $8.000000000e+00, v10;
	v10 =	vld [tilespmem:s12+$0xFFFFFFD0]  }
0x383: {  	v12 =	vadd.f32 v12, v2;
	[tilespmem:s14+$0xFFFFFF90] =	vst v6;
	v6 =	vld [tilespmem:s16+$0xA0];
	v11 =	vmul.f32 $8.000000000e+00, v11  }
0x384: {  	v13 =	vld [tilespmem:s16+$0xFFFFFFA0];
	[tilespmem:s14+$0x10] =	vst v8;
	v7 =	vadd.f32 v7, v3;
	v8 =	vmul.f32 $8.000000000e+00, v9  }
0x385: {  	[tilespmem:s14+$0xFFFFFF10] =	vst v12;
	v9 =	vld [tilespmem:s16+$0x20];
	v11 =	vadd.f32 v11, v3;
	v4 =	vmul.f32 $8.000000000e+00, v4  }
0x386: {  	v12 =	vld [tilespmem:s16+$0xFFFFFF20];
	[tilespmem:s10+$0xFFFFFF40] =	vst v7;
	v5 =	vmul.f32 $8.000000000e+00, v5;
	v7 =	vadd.f32 v8, v1  }
0x387: {  	v8 =	vld [tilespmem:s12+$0xFFFFFF50];
	v10 =	vmul.f32 $8.000000000e+00, v10;
	[tilespmem:s10+$0x40] =	vst v11;
	v4 =	vadd.f32 v4, v0  }
0x388: {  	v6 =	vmul.f32 $8.000000000e+00, v6;
	v14 =	vld [tilespmem:s12+$0x50];
	v5 =	vadd.f32 v5, v2;
	[tilespmem:s7+$0x60] =	vst v7  }
0x389: {  	v7 =	vmul.f32 $8.000000000e+00, v13;
	v10 =	vadd.f32 v10, v2;
	[tilespmem:s7+$0xFFFFFF70] =	vst v4;
	v13 =	vld [tilespmem:s0+$0xFFFFFFF0]  }
.Ltmp6:
0x38a: {  	v9 =	vmul.f32 $8.000000000e+00, v9;
	v6 =	vadd.f32 v6, v1;
	[tilespmem:s10+$0xD0] =	vst v5;
	v4 =	vld [tilespmem:s0+$0x70];
	s0 =	smov.u32 s12;
	s12 =	smov.u32 s16;
	(pc) =	sbr.rel @p0 .LBB2_11-.Ltmp6, $4  }
0x38b: {  	v5 =	vmul.f32 $8.000000000e+00, v12;
	v11 =	vadd.f32 v7, v1;
	[tilespmem:s10+$0xFFFFFFD0] =	vst v10;
	v7 =	vld [tilespmem:s0+$0xE0]  }
0x38c: {  	v9 =	vadd.f32 v9, v1;
	[tilespmem:s14+$0xA0] =	vst v6;
	v15 =	vmul.f32 $8.000000000e+00, v8;
	v6 =	vld [tilespmem:s0+$0xFFFFFFE0]  }
0x38d: {  	v12 =	vadd.f32 v5, v1;
	[tilespmem:s14+$0xFFFFFFA0] =	vst v11;
	v11 =	vld [tilespmem:s16+$0xB0];
	v8 =	vmul.f32 $8.000000000e+00, v14  }
0x38e: {  	s16 =	sadd.s32 $0x200, s16;
	v10 =	vld [tilespmem:s12+$0xFFFFFFB0];
	[tilespmem:s14+$0x20] =	vst v9;
	v9 =	vadd.f32 v15, v2;
	v5 =	vmul.f32 $8.000000000e+00, v13  }
0x38f: {  	[tilespmem:s14+$0xFFFFFF20] =	vst v12;
	v13 =	vld [tilespmem:s12+$0x30]  }
0x390: {  	v12 =	vld [tilespmem:s12+$0xFFFFFF30];
	_ =	sdelay $0x1  }
0x391: {  	v11 =	vmul.f32 $8.000000000e+00, v11  }
0x392: {  	v10 =	vmul.f32 $8.000000000e+00, v10  }
0x393: {  	v11 =	vadd.f32 v11, v0;
	v13 =	vmul.f32 $8.000000000e+00, v13  }
0x394: {  	v12 =	vmul.f32 $8.000000000e+00, v12;
	v10 =	vadd.f32 v10, v0  }
0x395: {  	[tilespmem:s14+$0xB0] =	vst v11;
	v13 =	vadd.f32 v13, v0  }
0x396: {  	v12 =	vadd.f32 v12, v0;
	v11 =	vld [tilespmem:s12+$0xC0];
	[tilespmem:s14+$0xFFFFFFB0] =	vst v10  }
0x397: {  	v27 =	vld [tilespmem:s12+$0xFFFFFFC0];
	[tilespmem:s14+$0x30] =	vst v13  }
0x398: {  	[tilespmem:s14+$0xFFFFFF30] =	vst v12;
	v13 =	vld [tilespmem:s12+$0x40]  }
0x399: {  	v26 =	vld [tilespmem:s12+$0xFFFFFF40];
	_ =	sdelay $0x1  }
0x39a: {  	v11 =	vmul.f32 $8.000000000e+00, v11  }
0x39b: {  	v12 =	vmul.f32 $8.000000000e+00, v27  }
0x39c: {  	v11 =	vadd.f32 v11, v3;
	v13 =	vmul.f32 $8.000000000e+00, v13  }
0x39d: {  	v10 =	vmul.f32 $8.000000000e+00, v26;
	v28 =	vadd.f32 v12, v3  }
0x39e: {  	[tilespmem:s14+$0xC0] =	vst v11;
	v29 =	vadd.f32 v13, v3  }
0x39f: {  	v10 =	vadd.f32 v10, v3;
	v30 =	vld [tilespmem:s12+$0xD0];
	[tilespmem:s14+$0xFFFFFFC0] =	vst v28  }
0x3a0: {  	v11 =	vld [tilespmem:s12+$0xFFFFFFD0];
	[tilespmem:s14+$0x40] =	vst v29  }
0x3a1: {  	v8 =	vadd.f32 v8, v2;
	[tilespmem:s14+$0xFFFFFF40] =	vst v10;
	v3 =	vld [tilespmem:s12+$0x50]  }
0x3a2: {  	v10 =	vld [tilespmem:s12+$0xFFFFFF50]  }
0x3a3: {  	[tilespmem:s10+$0x50] =	vst v8  }
0x3a4: {  	[tilespmem:s10+$0xFFFFFF50] =	vst v9;
	v34 =	vld [tilespmem:s0+$0x60];
	v12 =	vmul.f32 $8.000000000e+00, v30  }
0x3a5: {  	v32 =	vld [tilespmem:s0+$0xFFFFFF60];
	v11 =	vmul.f32 $8.000000000e+00, v11  }
0x3a6: {  	v12 =	vadd.f32 v12, v2;
	v3 =	vmul.f32 $8.000000000e+00, v3  }
0x3a7: {  	v31 =	vmul.f32 $8.000000000e+00, v10;
	v11 =	vadd.f32 v11, v2  }
0x3a8: {  	[tilespmem:s14+$0xD0] =	vst v12;
	v35 =	vadd.f32 v3, v2  }
0x3a9: {  	v9 =	vmul.f32 $8.000000000e+00, v34;
	v33 =	vadd.f32 v31, v2;
	v12 =	vld [tilespmem:s12+$0xE0];
	[tilespmem:s14+$0xFFFFFFD0] =	vst v11  }
0x3aa: {  	v38 =	vmul.f32 $8.000000000e+00, v32;
	v39 =	vld [tilespmem:s12+$0xFFFFFFE0];
	[tilespmem:s14+$0x50] =	vst v35  }
0x3ab: {  	v44 =	vadd.f32 v9, v1;
	[tilespmem:s14+$0xFFFFFF50] =	vst v33;
	v41 =	vld [tilespmem:s12+$0x60]  }
0x3ac: {  	v36 =	vmul.f32 $8.000000000e+00, v7;
	v8 =	vadd.f32 v38, v1;
	v37 =	vld [tilespmem:s12+$0xFFFFFF60]  }
0x3ad: {  	v40 =	vmul.f32 $8.000000000e+00, v6;
	[tilespmem:s10+$0x60] =	vst v44  }
0x3ae: {  	[tilespmem:s10+$0xFFFFFF60] =	vst v8;
	v48 =	vld [tilespmem:s0+$0x70];
	v3 =	vadd.f32 v36, v1;
	v42 =	vmul.f32 $8.000000000e+00, v12  }
0x3af: {  	v45 =	vld [tilespmem:s0+$0xFFFFFF70];
	v2 =	vadd.f32 v40, v1;
	v46 =	vmul.f32 $8.000000000e+00, v39  }
0x3b0: {  	[tilespmem:s10+$0xE0] =	vst v3;
	v3 =	vadd.f32 v42, v1;
	v6 =	vmul.f32 $8.000000000e+00, v41  }
0x3b1: {  	v43 =	vld [tilespmem:s0+$0xF0];
	[tilespmem:s10+$0xFFFFFFE0] =	vst v2;
	v7 =	vmul.f32 $8.000000000e+00, v37;
	v9 =	vadd.f32 v46, v1  }
0x3b2: {  	v47 =	vld [tilespmem:s0+$0xFFFFFFF0];
	[tilespmem:s14+$0xE0] =	vst v3;
	v51 =	vadd.f32 v6, v1  }
0x3b3: {  	v57 =	vmul.f32 $8.000000000e+00, v48;
	v7 =	vadd.f32 v7, v1;
	v50 =	vld [tilespmem:s12+$0xF0];
	[tilespmem:s14+$0xFFFFFFE0] =	vst v9  }
0x3b4: {  	v5 =	vadd.f32 v5, v0;
	v2 =	vmul.f32 $8.000000000e+00, v45;
	[tilespmem:s14+$0x60] =	vst v51;
	v53 =	vld [tilespmem:s12+$0xFFFFFFF0]  }
0x3b5: {  	v49 =	vmul.f32 $8.000000000e+00, v4;
	v59 =	vadd.f32 v57, v0;
	[tilespmem:s14+$0xFFFFFF60] =	vst v7;
	v56 =	vld [tilespmem:s12+$0x70]  }
0x3b6: {  	[tilespmem:s7+$0xFFFFFFF0] =	vst v5;
	v2 =	vadd.f32 v2, v0;
	v52 =	vmul.f32 $8.000000000e+00, v43;
	v7 =	vld [tilespmem:s12+$0xFFFFFF70]  }
0x3b7: {  	[tilespmem:s10+$0x70] =	vst v59;
	v55 =	vmul.f32 $8.000000000e+00, v47;
	v3 =	vadd.f32 v49, v0  }
0x3b8: {  	[tilespmem:s10+$0xFFFFFF70] =	vst v2;
	v54 =	vadd.f32 v52, v0;
	v4 =	vmul.f32 $8.000000000e+00, v50  }
0x3b9: {  	v58 =	vadd.f32 v55, v0;
	[tilespmem:s7+$0x70] =	vst v3;
	v1 =	vmul.f32 $8.000000000e+00, v53  }
0x3ba: {  	[tilespmem:s10+$0xF0] =	vst v54;
	v4 =	vadd.f32 v4, v0;
	v62 =	vmul.f32 $8.000000000e+00, v56  }
0x3bb: {  	[tilespmem:s10+$0xFFFFFFF0] =	vst v58;
	v60 =	vmul.f32 $8.000000000e+00, v7;
	v1 =	vadd.f32 v1, v0  }
.Ltmp7:
0x3bc: {  	s20 =	sshll.u32 s6, $0xD;
	[tilespmem:s14+$0xF0] =	vst v4;
	v63 =	vadd.f32 v62, v0;
	(pc) =	sbr.rel @p1 .LBB2_14-.Ltmp7, $4  }
0x3bd: {  	s0 =	sadd.s32 s9, s20;
	v61 =	vadd.f32 v60, v0;
	[tilespmem:s14+$0xFFFFFFF0] =	vst v1  }
0x3be: {  	s0 =	sshrl.u32 s0, $0x3;
	[tilespmem:s14+$0x70] =	vst v63  }
0x3bf: {  	s0 =	sadd.s32 s2, s0;
	[tilespmem:s14+$0xFFFFFF70] =	vst v61  }
0x3c0: {  	[hbm4b:s0+s3] =	stream.linear.scatter [tilespmem:s1], [sflag:$0xA], $0x2000, $0x38;
	[tilespmem:$0x18B00] =	vst v63  }
0x3c1: {  	s0 =	smul.u32 $0xA00, s18  }
.Ltmp8:
0x3c2: {  	_ = 	snop;
	(pc) =	sbr.rel .LBB2_2-.Ltmp8, $4  }
0x3c3: {  	_ = 	snop  }
0x3c4: {  	s0 =	sshra.s32 s0, $0x2  }
0x3c5: {  	s18 =	sadd.s32 $0x1, s18;
	s0 =	sadd.s32 $0x480, s0  }
0x3c6: {  	[tilespmem:s21], [sflag:$0x5] =	stream.indirect.gather [hbm4b:s5+s13], $0x40, s0, s13, $0xb8;
	[tilespmem:$0x18B00] =	vst v63  }
.LBB2_15:
0x3c7: {  	_ =	sfence.sel $0x180000  }
0x3c8: {  	[bflag:$0x0] =	sbarrier.arrive $0xFFFF  }
0x3c9: {  	_ =	strace $0x90000047  }
0x3ca: {  	s0 =	stileid.u32;
	[bflag:$0x2] =	sbarrier.arrive $0xFFFF  }
0x3cb: {  	p0 =	sne.s32 s0, $0x0;
	s0 =	rddreg [dreg:$0x2]  }
0x3cc: {  	s0 =	sadd.s32 @!p0 $0x100000, s0  }
0x3cd: {  	[sflag:s0] =	ssyncadd.tile.s32 @!p0 $0x1;
	_ =	shalt  }
.Lfunc_end2:
_tile_overlayer_lowered:
.L_overlay_start_2:
0x3ce: {  	(tag) =	ssettag $0x2  }
0x3cf: {  	s0 =	rddreg [dreg:$0x0];
	s2 =	stileid.u32  }
0x3d0: {  	s1 =	rddreg [dreg:$0x1];
	p0 =	sne.s32 s2, $0x0  }
0x3d1: {  	s3 =	rddreg [dreg:$0x2];
	[bflag:$0x3] =	sbarrier.arrive $0xFFFF;
	s2 =	simm.s32 @!p0 $0x1C0B  }
0x3d2: {  	[timem:s3], [sflag:s2] =	dma.local @!p0 [hbm:s0], s1  }
0x3d3: {  	s0 =	simm.s32 @!p0 $0xB  }
0x3d4: {  	_ =	swait.ge @!p0 [sflag:s0], s1  }
0x3d5: {  	s1 =	ssub.s32 @!p0 $0x0, s1;
	[sflag:s0] =	ssyncset.done @!p0 $0x0  }
0x3d6: {  	[sflag:s0] =	ssyncadd.s32 @!p0 s1  }
0x3d7: {  	[bflag:$0x3] =	sbarrier.arrive $0xFFFF  }
0x3d8: {  	_ =	shalt  }

// kernel: sparse-core-data-format-call.cloned.1.call-start
scs
called_computation_lowered:
.L_overlay_start_0:
0x0: {  	s2 =	sld [smem:$0x3FD9]  }
0x1: {  	s3 =	sld [smem:$0x3FFE];
	_ =	sdelay $0x1  }
0x2: {  	s1 =	srdreg.scid  }
0x3: {  	s0 =	sand.u32 $0x1, s1  }
0x4: {  	s18 =	sshll.u32 s0, $0xA;
	s2 =	sadd.s32 s3, s2  }
0x5: {  	s2 =	sadd.s32 s2, s18  }
0x6: {  	[smem:$0x3FC6] =	sst s2  }
0x7: {  	_ = 	snop  }
0x8: {  	s2 =	sld [smem:$0x3FD0];
	(tm) =	ssettm $0x1  }
0x9: {  	s19 =	sld [smem:$0x3FFB];
	_ =	sdelay $0x3  }
0xa: {  	_ =	strace s19  }
0xb: {  	s3 =	sld [smem:$0x3FFC];
	_ =	sdelay $0x3  }
0xc: {  	_ =	strace s3  }
0xd: {  	s3 =	sld [smem:$0x3FFD];
	_ =	sdelay $0x3  }
0xe: {  	_ =	strace s3  }
0xf: {  	_ =	strace $0x8FFFFFFF  }
0x10: {  	s20 =	sld [smem:$0x3FDB];
	_ =	sdelay $0x1  }
0x11: {  	s4 =	simm.s32 $_scs_section_size  }
0x12: {  	s5 =	simm.s32 $_size__tile_overlayer_lowered;
	s6 =	simm.s32 $_tile_overlayer_lowered  }
0x13: {  	s23 =	simm.s32 $0x1BFF;
	s22 =	sshll.u32 s6, $0x1;
	s3 =	sadd.s32 s4, s20  }
0x14: {  	s7 =	simm.s32 $0x0;
	s21 =	sshll.u32 s5, $0x1;
	s5 =	sadd.s32 s22, s3  }
0x15: {  	[timem:s7], [sflag:s23] =	dma.local [hbm:s5], s21  }
0x16: {  	_ =	swait.ge [sflag:s23], s21  }
0x17: {  	s4 =	ssub.s32 $0x0, s21;
	[sflag:s23] =	ssyncset.done $0x0  }
0x18: {  	[sflag:s23] =	ssyncadd.s32 s4;
	_ =	sdelay $0x1  }
0x19: {  	s24 =	simm.s32 $0x1B8B  }
0x1a: {  	_ =	swait.ge [sflag:s24], $0x1  }
0x1b: {  	[sflag:s24] =	ssyncset.done $0x0  }
0x1c: {  	s26 =	simm.s32 $0x1B8E;
	s25 =	sld [smem:$0x3FFE];
	[sflag:s24] =	ssyncadd.s32 $0xFFFFFFFF  }
0x1d: {  	s27 =	simm.s32 $execute0_lowered;
	[smem:$0x3FD2] =	sst s26  }
0x1e: {  	s5 =	sshll.u32 s27, $0x1;
	_ =	strace $0x80000049;
	[dreg:$0x1] =	wrdreg $0xFFFFFFFF  }
0x1f: {  	s28 =	simm.s32 $_size_execute0_lowered;
	s3 =	sadd.s32 s3, s5;
	[dreg:$0x0] =	wrdreg $0x0  }
0x20: {  	s5 =	sshll.u32 s28, $0x1;
	[dreg:$0x2] =	wrdreg s3  }
0x21: {  	[dreg:$0x3] =	wrdreg s5  }
0x22: {  	[dreg:$0x4] =	wrdreg $0xC0  }
0x23: {  	_ =	task [dreg:s7], $0x5FFFF  }
0x24: {  	[dreg:$0x1] =	wrdreg $0xFFFFFFFF  }
0x25: {  	[dreg:$0x0] =	wrdreg $0x60  }
0x26: {  	[dreg:$0x2] =	wrdreg s25  }
0x27: {  	[dreg:$0x3] =	wrdreg s2  }
0x28: {  	[dreg:$0x4] =	wrdreg $0x9  }
0x29: {  	_ =	task.clear_ibuf [dreg:s7], $0x5FFFF;
	_ =	strace $0x90000049  }
0x2a: {  	s29 =	simm.s32 $0x9;
	_ =	strace $0x8000004B  }
0x2b: {  	_ =	swait.ge [sflag:s29], $0x1  }
0x2c: {  	[sflag:s29] =	ssyncadd.s32 $0xFFFFFFFF  }
0x2d: {  	_ =	strace $0x9000004B  }
0x2e: {  	_ =	sfence  }
0x2f: {  	s30 =	sld [smem:$0x0];
	_ =	sdelay $0x2  }
0x30: {  	s31 =	sshll.u32 s1, $0xD;
	s1 =	sshrl.u32 s1, $0x2  }
0x31: {  	s3 =	sand.u32 $0x4000, s31;
	s1 =	sadd.s32 s1, s30  }
0x32: {  	s0 =	sor.u32 s3, s0;
	s1 =	sshll.u32 s1, $0x11  }
0x33: {  	s0 =	sor.u32 s1, s0  }
0x34: {  	s0 =	sadd.s32 $0x8F2B, s0  }
0x35: {  	[sflag:s0] =	ssyncadd.remote.s32 $0x1  }
0x36: {  	_ =	sfence.sel $0xFFFF  }
0x37: {  	[dreg:$0x0] =	wrdreg $0xFFFFFFFF;
	(pc) =	sbr.abs _section_cstart, $3  }
0x38: {  	[dreg:$0x1] =	wrdreg $0xFFFFFFFF  }
0x39: {  	_ =	task.clear_ibuf [dreg:s7], $0x2FFFF;
	_ =	strace $0x9FFFFFFF  }
0x3a: {  	(tm) =	ssettm $0x7FFFFFFF  }
0x3b: {  	_ =	shalt  }
tec
execute0_lowered:
.L_overlay_start_1:
0x0: {  	(tag) =	ssettag $0x1  }
0x1: {  	s7 =	rddreg [dreg:$0x0]  }
0x2: {  	s2 =	rddreg [dreg:$0x1]  }
0x3: {  	s0 =	stileid.u32;
	s1 =	srdreg.scid;
	s31 =	simm.s32 $0x2  }
0x4: {  	s14 =	simm.s32 $0x0;
	s15 =	simm.s32 $0x0;
	s13 =	simm.s32 $0x0  }
0x5: {  	s3 =	sshll.u32 s0, $0x5;
	s4 =	sshll.u32 s1, $0x9;
	s5 =	sshll.u32 s0, $0x1  }
0x6: {  	s1 =	rddreg [dreg:$0x2];
	s4 =	sor.u32 s3, s4;
	s3 =	sand.u32 $0x6, s5  }
0x7: {  	_ =	strace $0x8000004A;
	s4 =	sand.u32 $0x380, s4;
	s5 =	ssub.s32 $0xC8, s3  }
0x8: {  	s12 =	smov.u32 s3;
	s8 =	sshll.u32 s4, $0x4;
	s6 =	sand.u32 $0x6, s5  }
0x9: {  	s9 =	ssub.s32 $0x400, s4;
	s11 =	sshrl.u32 s5, $0x3;
	s5 =	simm.s32 $0x1  }
0xa: {  	p0 =	sne.s32 s6, $0x0;
	s6 =	simm.s32 $0x1;
	s10 =	sand.u32 $0x380, s9  }
0xb: {  	s6 =	simm.s32 @!p0 $0x0;
	p0 =	sne.s32 s10, $0x0;
	s10 =	simm.s32 $0x1  }
.Ltmp0:
0xc: {  	s9 =	sshrl.u32 s9, $0xA;
	s10 =	simm.s32 @!p0 $0x0;
	(pc) =	sbr.rel .LBB1_1-.Ltmp0, $4  }
0xd: {  	[sflag:s5] =	ssyncpa.u1 $0x0;
	s6 =	sadd.s32 s6, s11;
	s9 =	sadd.s32 s10, s9  }
0xe: {  	s8 =	sadd.s32 s8, s7;
	[sflag:s31] =	ssyncpa.u1 $0x0;
	s6 =	smul.u32 s6, s9  }
0xf: {  	s7 =	sadd.s32 $0x600, s8;
	s8 =	sadd.s32 $0x4600, s8;
	p0 =	por $0x0, $0x0  }
0x10: {  	s11 =	simm.s32 $0x2000;
	s10 =	simm.s32 $0x400;
	s9 =	sadd.s32 $0x1, s6  }
.LBB1_7:
0x11: {  	s16 =	sadd.s32 $0x8, s12  }
0x12: {  	p2 =	sgt.s32 s16, $0xC7  }
0x13: {  	s16 =	smov.u32 @p2 s3;
	p2 =	sne.s32 s13, s9  }
.Ltmp1:
0x14: {  	p1 =	slt.u32 s13, $0x2;
	(pc) =	sbr.rel @!p2 .LBB1_8-.Ltmp1, $4  }
0x15: {  	s14 =	simm.s32 @!p1 $0x2  }
0x16: {  	s17 =	sadd.s32 $0x1, s13;
	s15 =	smov.u32 s12;
	_ =	swait.ge @!p1 [sflag:s14], $0x4000  }
0x17: {  	p0 =	por !p0, !p0;
	s13 =	smov.u32 s17;
	[sflag:s14] =	ssyncset.done @!p1 $0x0  }
0x18: {  	s12 =	smov.u32 s16;
	[sflag:s14] =	ssyncadd.s32 @!p1 $0xFFFFC000;
	s14 =	smov.u32 s4  }
.LBB1_1:
0x19: {  	p1 =	sge.u32 s13, s6  }
0x1a: {  	s16 =	sxor.u32 @!p1 $0xFFFFFFFF, s13  }
0x1b: {  	s17 =	sshll.u32 @!p1 s12, $0xE;
	s19 =	simm.s32 @!p1 $0x40;
	s16 =	sshll.u32 @!p1 s16, $0xE  }
0x1c: {  	s20 =	simm.s32 @!p1 $0x80;
	s18 =	sadd.s32 @!p1 s17, s7;
	s16 =	sand.u32 @!p1 $0x4000, s16  }
0x1d: {  	[tilespmem:s16], [sflag:$0x1] =	stream.strided.gather @!p1 [hbm4b:s18+s19], $0x2000, s20, s19, $0x38;
	[tilespmem:$0x10100] =	vst v63  }
0x1e: {  	s31 =	sadd.s32 $0xFFFFFFFF, s13;
	s17 =	sadd.s32 @!p1 s17, s8;
	s16 =	sor.u32 @!p1 $0x2000, s16  }
0x1f: {  	[tilespmem:s16], [sflag:$0x1] =	stream.strided.gather @!p1 [hbm4b:s17+s19], $0x2000, s20, s19, $0x38;
	[tilespmem:$0x10100] =	vst v63  }
0x20: {  	p1 =	sge.u32 s31, s6  }
.Ltmp2:
0x21: {  	_ = 	snop;
	(pc) =	sbr.rel @p1 .LBB1_7-.Ltmp2, $1  }
0x22: {  	_ =	sdelay $0x3  }
0x23: {  	s16 =	simm.s32 $0x1;
	s18 =	sand.u32 $0x1, s13  }
0x24: {  	_ =	swait.ge [sflag:s5], $0x4000;
	s16 =	simm.s32 @!p0 $0x0;
	s18 =	smul.u32 $0x10200, s18  }
0x25: {  	p2 =	por $0x1, $0x1;
	[sflag:s5] =	ssyncset.done $0x0;
	s17 =	smul.u32 $0x10200, s16  }
0x26: {  	s19 =	sshll.u32 s16, $0x10;
	[sflag:s5] =	ssyncadd.s32 $0xFFFFC000;
	s30 =	sshrl.u32 s18, $0x2  }
0x27: {  	s31 =	sshrl.u32 s19, $0x2;
	s19 =	simm.s32 $0x0;
	s17 =	sshrl.u32 s17, $0x2  }
0x28: {  	s16 =	sor.u32 $0x8000, s30;
	s18 =	sadd.s32 $0x20, s31;
	s17 =	sor.u32 $0x8000, s17  }
.LBB1_3:
0x29: {  	s20 =	sshll.u32 s19, $0xD  }
0x2a: {  	s20 =	sand.u32 $0x3FFFE000, s20  }
0x2b: {  	s22 =	sadd.s32 s20, s18  }
0x2c: {  	s31 =	smul.u32 $0x8100, s19;
	v3 =	vld [tilespmem:s22+$0x10]  }
0x2d: {  	v1 =	vld [tilespmem:s22+$0xFFFFFFF0]  }
0x2e: {  	s19 =	sshra.s32 s31, $0x2;
	v0 =	vld [tilespmem:s22+$0x0]  }
0x2f: {  	s19 =	sadd.s32 s19, s17;
	v2 =	vld [tilespmem:s22+$0xFFFFFFE0]  }
0x30: {  	s20 =	sadd.s32 $0x0, s19  }
0x31: {  	p1 =	por p2, p2;
	s21 =	simm.s32 $0x4;
	s22 =	sadd.s32 $0x40, s22;
	[tilespmem:s20+$0x1830 ss:$0x81] =	vst.msk $0xffff, v3  }
.LBB1_4:
0x32: {  	v3 =	vld [tilespmem:s22+$0x10];
	p2 =	sne.s32 s21, $0x1FC;
	[tilespmem:s20+$0x810 ss:$0x81] =	vst.msk $0xffff, v1;
	s23 =	smov.u32 s21;
	s21 =	sadd.s32 $0x4, s21  }
.Ltmp3:
0x33: {  	v1 =	vld [tilespmem:s22+$0xFFFFFFF0];
	[tilespmem:s20+$0x1020 ss:$0x81] =	vst.msk $0xffff, v0;
	(pc) =	sbr.rel @p2 .LBB1_4-.Ltmp3, $4  }
0x34: {  	v0 =	vld [tilespmem:s22+$0x0];
	[tilespmem:s20+$0x0 ss:$0x81] =	vst.msk $0xffff, v2  }
0x35: {  	s20 =	sshra.s32 s23, $0x2;
	v2 =	vld [tilespmem:s22+$0xFFFFFFE0]  }
0x36: {  	s20 =	sadd.s32 s20, s19  }
0x37: {  	s22 =	sadd.s32 $0x40, s22;
	[tilespmem:s20+$0x1830 ss:$0x81] =	vst.msk $0xffff, v3  }
.Ltmp4:
0x38: {  	(pc) =	sbr.rel @p1 .LBB1_3-.Ltmp4, $4  }
0x39: {  	_ = 	snop  }
0x3a: {  	[tilespmem:s20+$0x810 ss:$0x81] =	vst.msk $0xffff, v1  }
0x3b: {  	[tilespmem:s20+$0x1020 ss:$0x81] =	vst.msk $0xffff, v0  }
0x3c: {  	s19 =	simm.s32 $0x1;
	p2 =	por $0x0, $0x0;
	[tilespmem:s20+$0x0 ss:$0x81] =	vst.msk $0xffff, v2  }
.Ltmp5:
0x3d: {  	(pc) =	sbr.rel .LBB1_7-.Ltmp5, $4  }
0x3e: {  	_ = 	snop  }
0x3f: {  	s15 =	sshll.u32 s15, $0xD;
	s14 =	sadd.s32 s2, s14  }
0x40: {  	s14 =	sadd.s32 s15, s14  }
0x41: {  	[hbm4b:s14+s10] =	stream.strided.scatter [tilespmem:s16], [sflag:$0x2], $0x4000, s11, s10, $0x20;
	[tilespmem:$0x10100] =	vst v63  }
.LBB1_8:
0x42: {  	_ =	sfence.sel $0x180000  }
0x43: {  	s2 =	simm.s32 $0x1;
	[bflag:$0x0] =	sbarrier.arrive $0xFFFF  }
0x44: {  	s31 =	simm.s32 $0x2;
	[sflag:s2] =	ssyncpa.u1 $0x1  }
0x45: {  	[sflag:s31] =	ssyncpa.u1 $0x1  }
0x46: {  	p0 =	sne.s32 s0, $0x0;
	_ =	strace $0x9000004A  }
0x47: {  	s0 =	sadd.s32 @!p0 $0x100000, s1;
	[bflag:$0x2] =	sbarrier.arrive $0xFFFF  }
0x48: {  	[sflag:s0] =	ssyncadd.tile.s32 @!p0 $0x1;
	_ =	shalt  }
.Lfunc_end1:
_tile_overlayer_lowered:
.L_overlay_start_2:
0x49: {  	(tag) =	ssettag $0x2  }
0x4a: {  	s0 =	rddreg [dreg:$0x0];
	s2 =	stileid.u32  }
0x4b: {  	s1 =	rddreg [dreg:$0x1];
	p0 =	sne.s32 s2, $0x0  }
0x4c: {  	s3 =	rddreg [dreg:$0x2];
	[bflag:$0x3] =	sbarrier.arrive $0xFFFF;
	s2 =	simm.s32 @!p0 $0x1C01  }
0x4d: {  	[timem:s3], [sflag:s2] =	dma.local @!p0 [hbm:s0], s1  }
0x4e: {  	s0 =	simm.s32 @!p0 $0x1  }
0x4f: {  	_ =	swait.ge @!p0 [sflag:s0], s1  }
0x50: {  	s1 =	ssub.s32 @!p0 $0x0, s1;
	[sflag:s0] =	ssyncset.done @!p0 $0x0  }
0x51: {  	[sflag:s0] =	ssyncadd.s32 @!p0 s1  }
0x52: {  	[bflag:$0x3] =	sbarrier.arrive $0xFFFF  }
0x53: {  	_ =	shalt  }

</sc_bundles>
